<compile_context>
chip_gen: v7x
topology: tpu7x:2x2x1
jax: 0.10.2.dev20260603
libtpu: 0.0.44.dev20260713+nightly
codegen_flags: <defaults>
</compile_context>

<pallas_src>
import functools

import jax
import jax.numpy as jnp
from jax import lax
from jax.experimental import pallas as pl
from jax.experimental.pallas import tpu as pltpu
from jax.experimental.pallas import tpu_sc as plsc

NV = 6890
NVP = 6912
THR = 0.3
B = 32
NC = 2
NS = 16
LANES = 16
NPIX = 4 * 256 * 256
PIX_PER_TILE = NPIX // NS
C_PX = 512
C_PC = 3 * C_PX
N_CHUNKS = PIX_PER_TILE // C_PX
GRP = 16
NVS = 6913
ACC_N = 110720


_GATHER_DNUMS = lax.GatherDimensionNumbers(
    offset_dims=(), collapsed_slice_dims=(0,), start_index_map=(0,))


def _take(vec, lane):
    idx = jnp.full((LANES, 1), lane, jnp.int32)
    return lax.gather(vec, idx, _GATHER_DNUMS, (1,),
                      mode=lax.GatherScatterMode.PROMISE_IN_BOUNDS)


def _sc_body(msk_hbm, vtx_hbm, bary_hbm, part_hbm,
             msk_b0, vtx_b0, bc_b0, sem0, msk_b1, vtx_b1, bc_b1, sem1,
             acc, stage):
    c = lax.axis_index("c")
    s = lax.axis_index("s")
    iota = lax.iota(jnp.int32, LANES)
    iota_acc = iota * NVS
    lanebit = jnp.int32(1) << (c * LANES + iota)
    zeros = jnp.zeros((LANES,), jnp.float32)
    zero = jnp.int32(0)

    def zero_cols(j, carry):
        for r in range(8):
            acc[pl.ds((j * 8 + r) * LANES, LANES)] = zeros
        return carry

    lax.fori_loop(0, ACC_N // (8 * LANES), zero_cols, 0)

    pc0 = s * (3 * PIX_PER_TILE)
    px0 = s * PIX_PER_TILE
    bufs = ((msk_b0, vtx_b0, bc_b0, sem0), (msk_b1, vtx_b1, bc_b1, sem1))

    def issue(k, bf):
        msk_b, vtx_b, bc_b, sem = bf
        pltpu.async_copy(msk_hbm.at[pl.ds(px0 + k * C_PX, C_PX)], msk_b, sem)
        pltpu.async_copy(vtx_hbm.at[pl.ds(pc0 + k * C_PC, C_PC)], vtx_b, sem)
        pltpu.async_copy(bary_hbm.at[pl.ds(pc0 + k * C_PC, C_PC)], bc_b, sem)

    def drain(bf):
        msk_b, vtx_b, bc_b, sem = bf
        pltpu.make_async_copy(msk_hbm.at[pl.ds(0, C_PX)], msk_b, sem).wait()
        pltpu.make_async_copy(vtx_hbm.at[pl.ds(0, C_PC)], vtx_b, sem).wait()
        pltpu.make_async_copy(bary_hbm.at[pl.ds(0, C_PC)], bc_b, sem).wait()

    issue(0, bufs[0])
    issue(1, bufs[1])

    def chunk(k, carry):
        for t in range(2):
            kk = k + t
            msk_b, vtx_b, bc_b, sem = bufs[t]
            drain(bufs[t])

            @plsc.parallel_loop(0, C_PX // GRP, unroll=2)
            def grp(g):
                p0 = g * GRP
                words = msk_b[pl.ds(p0, LANES)]
                vt = [vtx_b[pl.ds(p0 * 3 + 16 * u, 16)] for u in range(3)]
                bc = [bc_b[pl.ds(p0 * 3 + 16 * u, 16)] for u in range(3)]
                for i in range(GRP):
                    w = _take(words, i)
                    msk = (w & lanebit) != zero
                    for j in range(3):
                        q = 3 * i + j
                        v_s = _take(vt[q // 16], q % 16)
                        b_s = _take(bc[q // 16], q % 16)
                        plsc.addupdate_scatter(
                            acc, [iota_acc + v_s], b_s, mask=msk)

            @pl.when(kk + 2 < N_CHUNKS)
            def _():
                issue(kk + 2, bufs[t])
        return carry

    lax.fori_loop(0, N_CHUNKS // 2, lambda k, cr: chunk(k * 2, cr), 0)

    for l in range(LANES):
        @pl.loop(0, NVP // LANES)
        def destride(kq):
            stage[pl.ds(kq * LANES, LANES)] = acc[pl.ds(l * NVS + kq * LANES, LANES)]

        pltpu.sync_copy(stage, part_hbm.at[s, c * LANES + l])


_sc_scatter = functools.partial(
    pl.kernel,
    out_type=jax.ShapeDtypeStruct((NS, B, NVP), jnp.float32),
    mesh=plsc.VectorSubcoreMesh(
        core_axis_name="c", subcore_axis_name="s", num_cores=NC, num_subcores=NS
    ),
    scratch_types=[
        pltpu.VMEM((C_PX,), jnp.int32),
        pltpu.VMEM((C_PC,), jnp.int32),
        pltpu.VMEM((C_PC,), jnp.float32),
        pltpu.SemaphoreType.DMA,
        pltpu.VMEM((C_PX,), jnp.int32),
        pltpu.VMEM((C_PC,), jnp.int32),
        pltpu.VMEM((C_PC,), jnp.float32),
        pltpu.SemaphoreType.DMA,
        pltpu.VMEM((ACC_N,), jnp.float32),
        pltpu.VMEM((NVP,), jnp.float32),
    ],
    compiler_params=pltpu.CompilerParams(
        needs_layout_passes=False,
        disable_bounds_checks=True,
    ),
)(_sc_body)


def _tc_body(part_ref, out_ref):
    ssum = jnp.sum(part_ref[...], axis=0)
    out_ref[...] = (ssum > 0.0).astype(jnp.float32)


_TC_BLK = 1152


def _tc_reduce(part):
    return pl.pallas_call(
        _tc_body,
        grid=(NVP // _TC_BLK,),
        in_specs=[pl.BlockSpec((NS, B, _TC_BLK), lambda i: (0, 0, i))],
        out_specs=pl.BlockSpec((B, _TC_BLK), lambda i: (0, i)),
        out_shape=jax.ShapeDtypeStruct((B, NVP), jnp.float32),
    )(part)


def kernel(seg_maps, pixel_to_vertex_map, bary_coord_map):
    bits = jnp.left_shift(
        (seg_maps > THR).astype(jnp.int32),
        jnp.arange(B, dtype=jnp.int32).reshape(B, 1, 1, 1),
    )
    mask_words = jnp.sum(bits, axis=0, dtype=jnp.int32).reshape(-1)
    vtx = pixel_to_vertex_map.reshape(-1)
    bc = bary_coord_map.reshape(-1) - THR
    part = _sc_scatter(mask_words, vtx, bc)
    out = _tc_reduce(part)
    return out[:, :NV]

# --- scband reference (transcript-rebuilt; emitter-appended) ---
"""Pipeline reference for scband-human-contact3-dpredictor-51737176048098 (READ-ONLY COPY).

The authoritative reference and input builder live on the scoring server;
editing this copy changes nothing except your own understanding.
"""

import jax, jax.numpy as jnp
import numpy as np

B = 32
V = 4
H = 256
W = 256
NUM_VERTICES = 6890
THRESHOLD = 0.3


def setup_inputs(seed: int = 0) -> dict:
    key = jax.random.key(seed)
    k1, k2, k3 = jax.random.split(key, 3)
    seg_maps = jax.random.uniform(k1, (B, V, H, W), dtype=jnp.float32)
    # pixel -> triangle vertex-index map (metadata buffer loaded from disk in the torch module)
    pixel_to_vertex_map = jax.random.randint(k2, (V, H, W, 3), 0, NUM_VERTICES, dtype=jnp.int32)
    # barycentric coordinate map (metadata buffer)
    bary_coord_map = jax.random.uniform(k3, (V, H, W, 3), dtype=jnp.float32)
    return {
        "seg_maps": seg_maps,
        "pixel_to_vertex_map": pixel_to_vertex_map,
        "bary_coord_map": bary_coord_map,
    }


def reference(seg_maps, pixel_to_vertex_map, bary_coord_map):
    dtype = seg_maps.dtype
    nv = NUM_VERTICES
    thr = THRESHOLD
    b = seg_maps.shape[0]

    # mask = (view_seg_map > threshold), applied per batch per view
    mask = (seg_maps > thr).astype(dtype)  # [B, V, H, W]

    # valid_mask = (vertices >= 0) & (vertices < num_vertices), all over triangle corners
    verts = pixel_to_vertex_map  # [V, H, W, 3]
    valid = jnp.all((verts >= 0) & (verts < nv), axis=-1).astype(dtype)  # [V, H, W]

    # effective selection weight per pixel (mask-select expressed as multiplicative weight)
    eff = mask * valid[None, :, :, :]  # [B, V, H, W]

    weights = bary_coord_map[None, :, :, :, :] * eff[..., None]  # [B, V, H, W, 3]
    ones_w = jnp.ones_like(bary_coord_map)[None, :, :, :, :] * eff[..., None]  # [B, V, H, W, 3]

    idx = verts.reshape(-1)  # [V*H*W*3], shared across batch
    wf = weights.reshape(b, -1)
    of = ones_w.reshape(b, -1)

    def scatter_one(wb, ob):
        pred = jnp.zeros((nv,), dtype=dtype).at[idx].add(wb)
        cnt = jnp.zeros((nv,), dtype=dtype).at[idx].add(ob)
        return pred, cnt

    pred_3d_contacts, view_count = jax.vmap(scatter_one)(wf, of)  # [B, nv] each

    # pred_3d_contacts[valid_vertices] /= view_count[valid_vertices]
    safe_cnt = jnp.where(view_count > 0, view_count, jnp.ones_like(view_count))
    pred_3d_contacts = jnp.where(view_count > 0, pred_3d_contacts / safe_cnt, pred_3d_contacts)

    # binarize
    pred_3d_contacts = (pred_3d_contacts > thr).astype(dtype)
    return pred_3d_contacts

if __name__ == "__main__":
    import jax
    _d = setup_inputs()
    print(jax.jit(kernel)(*tuple(_d.values())))

</pallas_src>

<mosaic_0001>
#map = affine_map<(d0, d1) -> (0)>
#map1 = affine_map<(d0, d1) -> (0, 0, 0)>
module attributes {stable_mosaic.version = 14 : i64} {
  func.func @_sc_body(%arg0: i32, %arg1: i32, %arg2: memref<262144xi32, #tpu.memory_space<hbm>>, %arg3: memref<786432xi32, #tpu.memory_space<hbm>>, %arg4: memref<786432xf32, #tpu.memory_space<hbm>>, %arg5: memref<16x32x6912xf32, #tpu.memory_space<hbm>>, %arg6: memref<512xi32, #tpu.memory_space<vmem>>, %arg7: memref<1536xi32, #tpu.memory_space<vmem>>, %arg8: memref<1536xf32, #tpu.memory_space<vmem>>, %arg9: memref<!tpu.dma_semaphore, #tpu.memory_space<semaphore_mem>>, %arg10: memref<512xi32, #tpu.memory_space<vmem>>, %arg11: memref<1536xi32, #tpu.memory_space<vmem>>, %arg12: memref<1536xf32, #tpu.memory_space<vmem>>, %arg13: memref<!tpu.dma_semaphore, #tpu.memory_space<semaphore_mem>>, %arg14: memref<110720xf32, #tpu.memory_space<vmem>>, %arg15: memref<6912xf32, #tpu.memory_space<vmem>>) attributes {dimension_semantics = [#tpu.dimension_semantics<core_parallel>, #tpu.dimension_semantics<subcore_parallel>], iteration_bounds = array<i64: 2, 16>, scalar_prefetch = 0 : i64, scratch_operands = 10 : i64, tpu.core_type = #tpu.core_type<sc_vector_subcore>, window_params = [{transform_indices = #map}, {transform_indices = #map}, {transform_indices = #map}, {transform_indices = #map1}]} {
    %iota3A = tpu.iota {dimensions = array<i32: 0>} : vector<16xi32>
    %mul3A = arith.constant 6913 : i32
    %mul3A_0 = vector.broadcast %mul3A : i32 to vector<16xi32>
    %mul3A_1 = arith.muli %iota3A, %mul3A_0 : vector<16xi32>
    %mul3A_2 = arith.constant 16 : i32
    %mul3A_3 = arith.muli %arg0, %mul3A_2 : i32
    %add3A = vector.broadcast %mul3A_3 : i32 to vector<16xi32>
    %add3A_4 = arith.addi %add3A, %iota3A : vector<16xi32>
    %shift_left3A = arith.constant 1 : i32
    %shift_left3A_5 = vector.broadcast %shift_left3A : i32 to vector<16xi32>
    %shift_left3A_6 = arith.shli %shift_left3A_5, %add3A_4 : vector<16xi32>
    %broadcast_in_dim3A = arith.constant 0.000000e+00 : f32
    %broadcast_in_dim3A_7 = vector.broadcast %broadcast_in_dim3A : f32 to vector<16xf32>
    %scan3A = arith.constant 0 : i32
    %scan3A_8 = arith.constant 0 : i32
    %scan3A_9 = arith.constant 865 : i32
    %scan3A_10 = arith.addi %scan3A_8, %scan3A_9 : i32
    %scan3A_11 = arith.constant 1 : i32
    scf.for %scan3A_191 = %scan3A_8 to %scan3A_10 step %scan3A_11  : i32 {
      %mul3A_192 = arith.constant 8 : i32
      %mul3A_193 = arith.muli %scan3A_191, %mul3A_192 : i32
      %add3A_194 = arith.constant 0 : i32
      %add3A_195 = arith.addi %mul3A_193, %add3A_194 : i32
      %mul3A_196 = arith.constant 16 : i32
      %mul3A_197 = arith.muli %add3A_195, %mul3A_196 : i32
      %swap3A = arith.index_cast %mul3A_197 : i32 to index
      %swap3A_198 = tpu.vector_load %arg14[%swap3A] {strides = array<i32>} : memref<110720xf32, #tpu.memory_space<vmem>>, vector<16xf32>,
      tpu.vector_store %arg14[%swap3A], %broadcast_in_dim3A_7 {strides = array<i32>} : memref<110720xf32, #tpu.memory_space<vmem>>, vector<16xf32>,
      %mul3A_199 = arith.constant 8 : i32
      %mul3A_200 = arith.muli %scan3A_191, %mul3A_199 : i32
      %add3A_201 = arith.constant 1 : i32
      %add3A_202 = arith.addi %mul3A_200, %add3A_201 : i32
      %mul3A_203 = arith.constant 16 : i32
      %mul3A_204 = arith.muli %add3A_202, %mul3A_203 : i32
      %swap3A_205 = arith.index_cast %mul3A_204 : i32 to index
      %swap3A_206 = tpu.vector_load %arg14[%swap3A_205] {strides = array<i32>} : memref<110720xf32, #tpu.memory_space<vmem>>, vector<16xf32>,
      tpu.vector_store %arg14[%swap3A_205], %broadcast_in_dim3A_7 {strides = array<i32>} : memref<110720xf32, #tpu.memory_space<vmem>>, vector<16xf32>,
      %mul3A_207 = arith.constant 8 : i32
      %mul3A_208 = arith.muli %scan3A_191, %mul3A_207 : i32
      %add3A_209 = arith.constant 2 : i32
      %add3A_210 = arith.addi %mul3A_208, %add3A_209 : i32
      %mul3A_211 = arith.constant 16 : i32
      %mul3A_212 = arith.muli %add3A_210, %mul3A_211 : i32
      %swap3A_213 = arith.index_cast %mul3A_212 : i32 to index
      %swap3A_214 = tpu.vector_load %arg14[%swap3A_213] {strides = array<i32>} : memref<110720xf32, #tpu.memory_space<vmem>>, vector<16xf32>,
      tpu.vector_store %arg14[%swap3A_213], %broadcast_in_dim3A_7 {strides = array<i32>} : memref<110720xf32, #tpu.memory_space<vmem>>, vector<16xf32>,
      %mul3A_215 = arith.constant 8 : i32
      %mul3A_216 = arith.muli %scan3A_191, %mul3A_215 : i32
      %add3A_217 = arith.constant 3 : i32
      %add3A_218 = arith.addi %mul3A_216, %add3A_217 : i32
      %mul3A_219 = arith.constant 16 : i32
      %mul3A_220 = arith.muli %add3A_218, %mul3A_219 : i32
      %swap3A_221 = arith.index_cast %mul3A_220 : i32 to index
      %swap3A_222 = tpu.vector_load %arg14[%swap3A_221] {strides = array<i32>} : memref<110720xf32, #tpu.memory_space<vmem>>, vector<16xf32>,
      tpu.vector_store %arg14[%swap3A_221], %broadcast_in_dim3A_7 {strides = array<i32>} : memref<110720xf32, #tpu.memory_space<vmem>>, vector<16xf32>,
      %mul3A_223 = arith.constant 8 : i32
      %mul3A_224 = arith.muli %scan3A_191, %mul3A_223 : i32
      %add3A_225 = arith.constant 4 : i32
      %add3A_226 = arith.addi %mul3A_224, %add3A_225 : i32
      %mul3A_227 = arith.constant 16 : i32
      %mul3A_228 = arith.muli %add3A_226, %mul3A_227 : i32
      %swap3A_229 = arith.index_cast %mul3A_228 : i32 to index
      %swap3A_230 = tpu.vector_load %arg14[%swap3A_229] {strides = array<i32>} : memref<110720xf32, #tpu.memory_space<vmem>>, vector<16xf32>,
      tpu.vector_store %arg14[%swap3A_229], %broadcast_in_dim3A_7 {strides = array<i32>} : memref<110720xf32, #tpu.memory_space<vmem>>, vector<16xf32>,
      %mul3A_231 = arith.constant 8 : i32
      %mul3A_232 = arith.muli %scan3A_191, %mul3A_231 : i32
      %add3A_233 = arith.constant 5 : i32
      %add3A_234 = arith.addi %mul3A_232, %add3A_233 : i32
      %mul3A_235 = arith.constant 16 : i32
      %mul3A_236 = arith.muli %add3A_234, %mul3A_235 : i32
      %swap3A_237 = arith.index_cast %mul3A_236 : i32 to index
      %swap3A_238 = tpu.vector_load %arg14[%swap3A_237] {strides = array<i32>} : memref<110720xf32, #tpu.memory_space<vmem>>, vector<16xf32>,
      tpu.vector_store %arg14[%swap3A_237], %broadcast_in_dim3A_7 {strides = array<i32>} : memref<110720xf32, #tpu.memory_space<vmem>>, vector<16xf32>,
      %mul3A_239 = arith.constant 8 : i32
      %mul3A_240 = arith.muli %scan3A_191, %mul3A_239 : i32
      %add3A_241 = arith.constant 6 : i32
      %add3A_242 = arith.addi %mul3A_240, %add3A_241 : i32
      %mul3A_243 = arith.constant 16 : i32
      %mul3A_244 = arith.muli %add3A_242, %mul3A_243 : i32
      %swap3A_245 = arith.index_cast %mul3A_244 : i32 to index
      %swap3A_246 = tpu.vector_load %arg14[%swap3A_245] {strides = array<i32>} : memref<110720xf32, #tpu.memory_space<vmem>>, vector<16xf32>,
      tpu.vector_store %arg14[%swap3A_245], %broadcast_in_dim3A_7 {strides = array<i32>} : memref<110720xf32, #tpu.memory_space<vmem>>, vector<16xf32>,
      %mul3A_247 = arith.constant 8 : i32
      %mul3A_248 = arith.muli %scan3A_191, %mul3A_247 : i32
      %add3A_249 = arith.constant 7 : i32
      %add3A_250 = arith.addi %mul3A_248, %add3A_249 : i32
      %mul3A_251 = arith.constant 16 : i32
      %mul3A_252 = arith.muli %add3A_250, %mul3A_251 : i32
      %swap3A_253 = arith.index_cast %mul3A_252 : i32 to index
      %swap3A_254 = tpu.vector_load %arg14[%swap3A_253] {strides = array<i32>} : memref<110720xf32, #tpu.memory_space<vmem>>, vector<16xf32>,
      tpu.vector_store %arg14[%swap3A_253], %broadcast_in_dim3A_7 {strides = array<i32>} : memref<110720xf32, #tpu.memory_space<vmem>>, vector<16xf32>,
    }
    %scan3A_12 = arith.constant 865 : i32
    %mul3A_13 = arith.constant 49152 : i32
    %mul3A_14 = arith.muli %arg1, %mul3A_13 : i32
    %mul3A_15 = arith.constant 16384 : i32
    %mul3A_16 = arith.muli %arg1, %mul3A_15 : i32
    %add3A_17 = arith.constant 0 : i32
    %add3A_18 = arith.addi %mul3A_16, %add3A_17 : i32
    %dma_start3A = tpu.memref_slice %arg2[%add3A_18] : memref<262144xi32, #tpu.memory_space<hbm>> -> memref<512xi32, #tpu.memory_space<hbm>>
    %dma_start3A_19 = tpu.memref_slice %arg2[%add3A_18] : memref<262144xi32, #tpu.memory_space<hbm>> -> memref<512xi32, #tpu.memory_space<hbm>>
    tpu.enqueue_dma source(%dma_start3A_19 : memref<512xi32, #tpu.memory_space<hbm>>) target(%arg6 : memref<512xi32, #tpu.memory_space<vmem>>) target_semaphore(%arg9 : memref<!tpu.dma_semaphore, #tpu.memory_space<semaphore_mem>>)
    %add3A_20 = arith.constant 0 : i32
    %add3A_21 = arith.addi %mul3A_14, %add3A_20 : i32
    %dma_start3A_22 = tpu.memref_slice %arg3[%add3A_21] : memref<786432xi32, #tpu.memory_space<hbm>> -> memref<1536xi32, #tpu.memory_space<hbm>>
    %dma_start3A_23 = tpu.memref_slice %arg3[%add3A_21] : memref<786432xi32, #tpu.memory_space<hbm>> -> memref<1536xi32, #tpu.memory_space<hbm>>
    tpu.enqueue_dma source(%dma_start3A_23 : memref<1536xi32, #tpu.memory_space<hbm>>) target(%arg7 : memref<1536xi32, #tpu.memory_space<vmem>>) target_semaphore(%arg9 : memref<!tpu.dma_semaphore, #tpu.memory_space<semaphore_mem>>)
    %add3A_24 = arith.constant 0 : i32
    %add3A_25 = arith.addi %mul3A_14, %add3A_24 : i32
    %dma_start3A_26 = tpu.memref_slice %arg4[%add3A_25] : memref<786432xf32, #tpu.memory_space<hbm>> -> memref<1536xf32, #tpu.memory_space<hbm>>
    %dma_start3A_27 = tpu.memref_slice %arg4[%add3A_25] : memref<786432xf32, #tpu.memory_space<hbm>> -> memref<1536xf32, #tpu.memory_space<hbm>>
    tpu.enqueue_dma source(%dma_start3A_27 : memref<1536xf32, #tpu.memory_space<hbm>>) target(%arg8 : memref<1536xf32, #tpu.memory_space<vmem>>) target_semaphore(%arg9 : memref<!tpu.dma_semaphore, #tpu.memory_space<semaphore_mem>>)
    %add3A_28 = arith.constant 512 : i32
    %add3A_29 = arith.addi %mul3A_16, %add3A_28 : i32
    %dma_start3A_30 = tpu.memref_slice %arg2[%add3A_29] : memref<262144xi32, #tpu.memory_space<hbm>> -> memref<512xi32, #tpu.memory_space<hbm>>
    %dma_start3A_31 = tpu.memref_slice %arg2[%add3A_29] : memref<262144xi32, #tpu.memory_space<hbm>> -> memref<512xi32, #tpu.memory_space<hbm>>
    tpu.enqueue_dma source(%dma_start3A_31 : memref<512xi32, #tpu.memory_space<hbm>>) target(%arg10 : memref<512xi32, #tpu.memory_space<vmem>>) target_semaphore(%arg13 : memref<!tpu.dma_semaphore, #tpu.memory_space<semaphore_mem>>)
    %add3A_32 = arith.constant 1536 : i32
    %add3A_33 = arith.addi %mul3A_14, %add3A_32 : i32
    %dma_start3A_34 = tpu.memref_slice %arg3[%add3A_33] : memref<786432xi32, #tpu.memory_space<hbm>> -> memref<1536xi32, #tpu.memory_space<hbm>>
    %dma_start3A_35 = tpu.memref_slice %arg3[%add3A_33] : memref<786432xi32, #tpu.memory_space<hbm>> -> memref<1536xi32, #tpu.memory_space<hbm>>
    tpu.enqueue_dma source(%dma_start3A_35 : memref<1536xi32, #tpu.memory_space<hbm>>) target(%arg11 : memref<1536xi32, #tpu.memory_space<vmem>>) target_semaphore(%arg13 : memref<!tpu.dma_semaphore, #tpu.memory_space<semaphore_mem>>)
    %add3A_36 = arith.constant 1536 : i32
    %add3A_37 = arith.addi %mul3A_14, %add3A_36 : i32
    %dma_start3A_38 = tpu.memref_slice %arg4[%add3A_37] : memref<786432xf32, #tpu.memory_space<hbm>> -> memref<1536xf32, #tpu.memory_space<hbm>>
    %dma_start3A_39 = tpu.memref_slice %arg4[%add3A_37] : memref<786432xf32, #tpu.memory_space<hbm>> -> memref<1536xf32, #tpu.memory_space<hbm>>
    tpu.enqueue_dma source(%dma_start3A_39 : memref<1536xf32, #tpu.memory_space<hbm>>) target(%arg12 : memref<1536xf32, #tpu.memory_space<vmem>>) target_semaphore(%arg13 : memref<!tpu.dma_semaphore, #tpu.memory_space<semaphore_mem>>)
    %scan3A_40 = arith.constant 0 : i32
    %scan3A_41 = arith.constant 0 : i32
    %scan3A_42 = arith.constant 0 : i32
    %scan3A_43 = arith.constant 16 : i32
    %scan3A_44 = arith.addi %scan3A_42, %scan3A_43 : i32
    %scan3A_45 = arith.constant 1 : i32
    scf.for %scan3A_191 = %scan3A_42 to %scan3A_44 step %scan3A_45  : i32 {
      %mul3A_192 = arith.constant 2 : i32
      %mul3A_193 = arith.muli %scan3A_191, %mul3A_192 : i32
      %add3A_194 = arith.constant 0 : i32
      %add3A_195 = arith.addi %mul3A_193, %add3A_194 : i32
      %dma_wait3A = arith.constant 0 : i32
      %dma_wait3A_196 = tpu.memref_slice %arg2[%dma_wait3A] : memref<262144xi32, #tpu.memory_space<hbm>> -> memref<512xi32, #tpu.memory_space<hbm>>
      %dma_wait3A_197 = arith.constant 0 : i32
      %dma_wait3A_198 = tpu.memref_slice %arg2[%dma_wait3A_197] : memref<262144xi32, #tpu.memory_space<hbm>> -> memref<512xi32, #tpu.memory_space<hbm>>
      tpu.wait_dma2 semaphore(%arg9 : memref<!tpu.dma_semaphore, #tpu.memory_space<semaphore_mem>>) src(%dma_wait3A_198 : memref<512xi32, #tpu.memory_space<hbm>>) dst(%arg6 : memref<512xi32, #tpu.memory_space<vmem>>)
      %dma_wait3A_199 = arith.constant 0 : i32
      %dma_wait3A_200 = tpu.memref_slice %arg3[%dma_wait3A_199] : memref<786432xi32, #tpu.memory_space<hbm>> -> memref<1536xi32, #tpu.memory_space<hbm>>
      %dma_wait3A_201 = arith.constant 0 : i32
      %dma_wait3A_202 = tpu.memref_slice %arg3[%dma_wait3A_201] : memref<786432xi32, #tpu.memory_space<hbm>> -> memref<1536xi32, #tpu.memory_space<hbm>>
      tpu.wait_dma2 semaphore(%arg9 : memref<!tpu.dma_semaphore, #tpu.memory_space<semaphore_mem>>) src(%dma_wait3A_202 : memref<1536xi32, #tpu.memory_space<hbm>>) dst(%arg7 : memref<1536xi32, #tpu.memory_space<vmem>>)
      %dma_wait3A_203 = arith.constant 0 : i32
      %dma_wait3A_204 = tpu.memref_slice %arg4[%dma_wait3A_203] : memref<786432xf32, #tpu.memory_space<hbm>> -> memref<1536xf32, #tpu.memory_space<hbm>>
      %dma_wait3A_205 = arith.constant 0 : i32
      %dma_wait3A_206 = tpu.memref_slice %arg4[%dma_wait3A_205] : memref<786432xf32, #tpu.memory_space<hbm>> -> memref<1536xf32, #tpu.memory_space<hbm>>
      tpu.wait_dma2 semaphore(%arg9 : memref<!tpu.dma_semaphore, #tpu.memory_space<semaphore_mem>>) src(%dma_wait3A_206 : memref<1536xf32, #tpu.memory_space<hbm>>) dst(%arg8 : memref<1536xf32, #tpu.memory_space<vmem>>)
      %parallel_loop3A = arith.constant 0 : i32
      %parallel_loop3A_207 = arith.constant 32 : i32
      %parallel_loop3A_208 = arith.constant 1 : i32
      scf.for %parallel_loop3A_237 = %parallel_loop3A to %parallel_loop3A_207 step %parallel_loop3A_208  : i32 {
        %parallel_loop3A_238 = arith.constant 16 : i32
        %parallel_loop3A_239 = arith.muli %parallel_loop3A_237, %parallel_loop3A_238 : i32
        %parallel_loop3A_240 = arith.index_cast %parallel_loop3A_239 : i32 to index
        %parallel_loop3A_241 = tpu.vector_load %arg6[%parallel_loop3A_240] {strides = array<i32>} : memref<512xi32, #tpu.memory_space<vmem>>, vector<16xi32>,
        %parallel_loop3A_242 = arith.constant 3 : i32
        %parallel_loop3A_243 = arith.muli %parallel_loop3A_239, %parallel_loop3A_242 : i32
        %parallel_loop3A_244 = arith.constant 0 : i32
        %parallel_loop3A_245 = arith.addi %parallel_loop3A_243, %parallel_loop3A_244 : i32
        %parallel_loop3A_246 = arith.index_cast %parallel_loop3A_245 : i32 to index
        %parallel_loop3A_247 = tpu.vector_load %arg7[%parallel_loop3A_246] {strides = array<i32>} : memref<1536xi32, #tpu.memory_space<vmem>>, vector<16xi32>,
        %parallel_loop3A_248 = arith.constant 3 : i32
        %parallel_loop3A_249 = arith.muli %parallel_loop3A_239, %parallel_loop3A_248 : i32
        %parallel_loop3A_250 = arith.constant 16 : i32
        %parallel_loop3A_251 = arith.addi %parallel_loop3A_249, %parallel_loop3A_250 : i32
        %parallel_loop3A_252 = arith.index_cast %parallel_loop3A_251 : i32 to index
        %parallel_loop3A_253 = tpu.vector_load %arg7[%parallel_loop3A_252] {strides = array<i32>} : memref<1536xi32, #tpu.memory_space<vmem>>, vector<16xi32>,
        %parallel_loop3A_254 = arith.constant 3 : i32
        %parallel_loop3A_255 = arith.muli %parallel_loop3A_239, %parallel_loop3A_254 : i32
        %parallel_loop3A_256 = arith.constant 32 : i32
        %parallel_loop3A_257 = arith.addi %parallel_loop3A_255, %parallel_loop3A_256 : i32
        %parallel_loop3A_258 = arith.index_cast %parallel_loop3A_257 : i32 to index
        %parallel_loop3A_259 = tpu.vector_load %arg7[%parallel_loop3A_258] {strides = array<i32>} : memref<1536xi32, #tpu.memory_space<vmem>>, vector<16xi32>,
        %parallel_loop3A_260 = arith.constant 3 : i32
        %parallel_loop3A_261 = arith.muli %parallel_loop3A_239, %parallel_loop3A_260 : i32
        %parallel_loop3A_262 = arith.constant 0 : i32
        %parallel_loop3A_263 = arith.addi %parallel_loop3A_261, %parallel_loop3A_262 : i32
        %parallel_loop3A_264 = arith.index_cast %parallel_loop3A_263 : i32 to index
        %parallel_loop3A_265 = tpu.vector_load %arg8[%parallel_loop3A_264] {strides = array<i32>} : memref<1536xf32, #tpu.memory_space<vmem>>, vector<16xf32>,
        %parallel_loop3A_266 = arith.constant 3 : i32
        %parallel_loop3A_267 = arith.muli %parallel_loop3A_239, %parallel_loop3A_266 : i32
        %parallel_loop3A_268 = arith.constant 16 : i32
        %parallel_loop3A_269 = arith.addi %parallel_loop3A_267, %parallel_loop3A_268 : i32
        %parallel_loop3A_270 = arith.index_cast %parallel_loop3A_269 : i32 to index
        %parallel_loop3A_271 = tpu.vector_load %arg8[%parallel_loop3A_270] {strides = array<i32>} : memref<1536xf32, #tpu.memory_space<vmem>>, vector<16xf32>,
        %parallel_loop3A_272 = arith.constant 3 : i32
        %parallel_loop3A_273 = arith.muli %parallel_loop3A_239, %parallel_loop3A_272 : i32
        %parallel_loop3A_274 = arith.constant 32 : i32
        %parallel_loop3A_275 = arith.addi %parallel_loop3A_273, %parallel_loop3A_274 : i32
        %parallel_loop3A_276 = arith.index_cast %parallel_loop3A_275 : i32 to index
        %parallel_loop3A_277 = tpu.vector_load %arg8[%parallel_loop3A_276] {strides = array<i32>} : memref<1536xf32, #tpu.memory_space<vmem>>, vector<16xf32>,
        %parallel_loop3A_278 = arith.constant 0 : i32
        %parallel_loop3A_279 = vector.broadcast %parallel_loop3A_278 : i32 to vector<16x1xi32>
        %parallel_loop3A_280 = vector.shape_cast %parallel_loop3A_279 : vector<16x1xi32> to vector<16xi32>
        %parallel_loop3A_281 = tpu.dynamic_gather %parallel_loop3A_241[%parallel_loop3A_280] in [0] : vector<16xi32>, vector<16xi32> -> vector<16xi32>
        %parallel_loop3A_282 = arith.andi %parallel_loop3A_281, %shift_left3A_6 : vector<16xi32>
        %parallel_loop3A_283 = vector.broadcast %scan3A_41 : i32 to vector<16xi32>
        %parallel_loop3A_284 = arith.cmpi ne, %parallel_loop3A_282, %parallel_loop3A_283 : vector<16xi32>
        %parallel_loop3A_285 = arith.constant 0 : i32
        %parallel_loop3A_286 = vector.broadcast %parallel_loop3A_285 : i32 to vector<16x1xi32>
        %parallel_loop3A_287 = vector.shape_cast %parallel_loop3A_286 : vector<16x1xi32> to vector<16xi32>
        %parallel_loop3A_288 = tpu.dynamic_gather %parallel_loop3A_247[%parallel_loop3A_287] in [0] : vector<16xi32>, vector<16xi32> -> vector<16xi32>
        %parallel_loop3A_289 = arith.constant 0 : i32
        %parallel_loop3A_290 = vector.broadcast %parallel_loop3A_289 : i32 to vector<16x1xi32>
        %parallel_loop3A_291 = vector.shape_cast %parallel_loop3A_290 : vector<16x1xi32> to vector<16xi32>
        %parallel_loop3A_292 = tpu.dynamic_gather %parallel_loop3A_265[%parallel_loop3A_291] in [0] : vector<16xf32>, vector<16xi32> -> vector<16xf32>
        %parallel_loop3A_293 = arith.addi %mul3A_1, %parallel_loop3A_288 : vector<16xi32>
        tpu.vector_store_idx %arg14[%parallel_loop3A_293], %parallel_loop3A_292 masked %parallel_loop3A_284 {add = true} : memref<110720xf32, #tpu.memory_space<vmem>>[vector<16xi32>], vector<16xf32>, vector<16xi1>
        %parallel_loop3A_294 = arith.constant 1 : i32
        %parallel_loop3A_295 = vector.broadcast %parallel_loop3A_294 : i32 to vector<16x1xi32>
        %parallel_loop3A_296 = vector.shape_cast %parallel_loop3A_295 : vector<16x1xi32> to vector<16xi32>
        %parallel_loop3A_297 = tpu.dynamic_gather %parallel_loop3A_247[%parallel_loop3A_296] in [0] : vector<16xi32>, vector<16xi32> -> vector<16xi32>
        %parallel_loop3A_298 = arith.constant 1 : i32
        %parallel_loop3A_299 = vector.broadcast %parallel_loop3A_298 : i32 to vector<16x1xi32>
        %parallel_loop3A_300 = vector.shape_cast %parallel_loop3A_299 : vector<16x1xi32> to vector<16xi32>
        %parallel_loop3A_301 = tpu.dynamic_gather %parallel_loop3A_265[%parallel_loop3A_300] in [0] : vector<16xf32>, vector<16xi32> -> vector<16xf32>
        %parallel_loop3A_302 = arith.addi %mul3A_1, %parallel_loop3A_297 : vector<16xi32>
        tpu.vector_store_idx %arg14[%parallel_loop3A_302], %parallel_loop3A_301 masked %parallel_loop3A_284 {add = true} : memref<110720xf32, #tpu.memory_space<vmem>>[vector<16xi32>], vector<16xf32>, vector<16xi1>
        %parallel_loop3A_303 = arith.constant 2 : i32
        %parallel_loop3A_304 = vector.broadcast %parallel_loop3A_303 : i32 to vector<16x1xi32>
        %parallel_loop3A_305 = vector.shape_cast %parallel_loop3A_304 : vector<16x1xi32> to vector<16xi32>
        %parallel_loop3A_306 = tpu.dynamic_gather %parallel_loop3A_247[%parallel_loop3A_305] in [0] : vector<16xi32>, vector<16xi32> -> vector<16xi32>
        %parallel_loop3A_307 = arith.constant 2 : i32
        %parallel_loop3A_308 = vector.broadcast %parallel_loop3A_307 : i32 to vector<16x1xi32>
        %parallel_loop3A_309 = vector.shape_cast %parallel_loop3A_308 : vector<16x1xi32> to vector<16xi32>
        %parallel_loop3A_310 = tpu.dynamic_gather %parallel_loop3A_265[%parallel_loop3A_309] in [0] : vector<16xf32>, vector<16xi32> -> vector<16xf32>
        %parallel_loop3A_311 = arith.addi %mul3A_1, %parallel_loop3A_306 : vector<16xi32>
        tpu.vector_store_idx %arg14[%parallel_loop3A_311], %parallel_loop3A_310 masked %parallel_loop3A_284 {add = true} : memref<110720xf32, #tpu.memory_space<vmem>>[vector<16xi32>], vector<16xf32>, vector<16xi1>
        %parallel_loop3A_312 = arith.constant 1 : i32
        %parallel_loop3A_313 = vector.broadcast %parallel_loop3A_312 : i32 to vector<16x1xi32>
        %parallel_loop3A_314 = vector.shape_cast %parallel_loop3A_313 : vector<16x1xi32> to vector<16xi32>
        %parallel_loop3A_315 = tpu.dynamic_gather %parallel_loop3A_241[%parallel_loop3A_314] in [0] : vector<16xi32>, vector<16xi32> -> vector<16xi32>
        %parallel_loop3A_316 = arith.andi %parallel_loop3A_315, %shift_left3A_6 : vector<16xi32>
        %parallel_loop3A_317 = vector.broadcast %scan3A_41 : i32 to vector<16xi32>
        %parallel_loop3A_318 = arith.cmpi ne, %parallel_loop3A_316, %parallel_loop3A_317 : vector<16xi32>
        %parallel_loop3A_319 = arith.constant 3 : i32
        %parallel_loop3A_320 = vector.broadcast %parallel_loop3A_319 : i32 to vector<16x1xi32>
        %parallel_loop3A_321 = vector.shape_cast %parallel_loop3A_320 : vector<16x1xi32> to vector<16xi32>
        %parallel_loop3A_322 = tpu.dynamic_gather %parallel_loop3A_247[%parallel_loop3A_321] in [0] : vector<16xi32>, vector<16xi32> -> vector<16xi32>
        %parallel_loop3A_323 = arith.constant 3 : i32
        %parallel_loop3A_324 = vector.broadcast %parallel_loop3A_323 : i32 to vector<16x1xi32>
        %parallel_loop3A_325 = vector.shape_cast %parallel_loop3A_324 : vector<16x1xi32> to vector<16xi32>
        %parallel_loop3A_326 = tpu.dynamic_gather %parallel_loop3A_265[%parallel_loop3A_325] in [0] : vector<16xf32>, vector<16xi32> -> vector<16xf32>
        %parallel_loop3A_327 = arith.addi %mul3A_1, %parallel_loop3A_322 : vector<16xi32>
        tpu.vector_store_idx %arg14[%parallel_loop3A_327], %parallel_loop3A_326 masked %parallel_loop3A_318 {add = true} : memref<110720xf32, #tpu.memory_space<vmem>>[vector<16xi32>], vector<16xf32>, vector<16xi1>
        %parallel_loop3A_328 = arith.constant 4 : i32
        %parallel_loop3A_329 = vector.broadcast %parallel_loop3A_328 : i32 to vector<16x1xi32>
        %parallel_loop3A_330 = vector.shape_cast %parallel_loop3A_329 : vector<16x1xi32> to vector<16xi32>
        %parallel_loop3A_331 = tpu.dynamic_gather %parallel_loop3A_247[%parallel_loop3A_330] in [0] : vector<16xi32>, vector<16xi32> -> vector<16xi32>
        %parallel_loop3A_332 = arith.constant 4 : i32
        %parallel_loop3A_333 = vector.broadcast %parallel_loop3A_332 : i32 to vector<16x1xi32>
        %parallel_loop3A_334 = vector.shape_cast %parallel_loop3A_333 : vector<16x1xi32> to vector<16xi32>
        %parallel_loop3A_335 = tpu.dynamic_gather %parallel_loop3A_265[%parallel_loop3A_334] in [0] : vector<16xf32>, vector<16xi32> -> vector<16xf32>
        %parallel_loop3A_336 = arith.addi %mul3A_1, %parallel_loop3A_331 : vector<16xi32>
        tpu.vector_store_idx %arg14[%parallel_loop3A_336], %parallel_loop3A_335 masked %parallel_loop3A_318 {add = true} : memref<110720xf32, #tpu.memory_space<vmem>>[vector<16xi32>], vector<16xf32>, vector<16xi1>
        %parallel_loop3A_337 = arith.constant 5 : i32
        %parallel_loop3A_338 = vector.broadcast %parallel_loop3A_337 : i32 to vector<16x1xi32>
        %parallel_loop3A_339 = vector.shape_cast %parallel_loop3A_338 : vector<16x1xi32> to vector<16xi32>
        %parallel_loop3A_340 = tpu.dynamic_gather %parallel_loop3A_247[%parallel_loop3A_339] in [0] : vector<16xi32>, vector<16xi32> -> vector<16xi32>
        %parallel_loop3A_341 = arith.constant 5 : i32
        %parallel_loop3A_342 = vector.broadcast %parallel_loop3A_341 : i32 to vector<16x1xi32>
        %parallel_loop3A_343 = vector.shape_cast %parallel_loop3A_342 : vector<16x1xi32> to vector<16xi32>
        %parallel_loop3A_344 = tpu.dynamic_gather %parallel_loop3A_265[%parallel_loop3A_343] in [0] : vector<16xf32>, vector<16xi32> -> vector<16xf32>
        %parallel_loop3A_345 = arith.addi %mul3A_1, %parallel_loop3A_340 : vector<16xi32>
        tpu.vector_store_idx %arg14[%parallel_loop3A_345], %parallel_loop3A_344 masked %parallel_loop3A_318 {add = true} : memref<110720xf32, #tpu.memory_space<vmem>>[vector<16xi32>], vector<16xf32>, vector<16xi1>
        %parallel_loop3A_346 = arith.constant 2 : i32
        %parallel_loop3A_347 = vector.broadcast %parallel_loop3A_346 : i32 to vector<16x1xi32>
        %parallel_loop3A_348 = vector.shape_cast %parallel_loop3A_347 : vector<16x1xi32> to vector<16xi32>
        %parallel_loop3A_349 = tpu.dynamic_gather %parallel_loop3A_241[%parallel_loop3A_348] in [0] : vector<16xi32>, vector<16xi32> -> vector<16xi32>
        %parallel_loop3A_350 = arith.andi %parallel_loop3A_349, %shift_left3A_6 : vector<16xi32>
        %parallel_loop3A_351 = vector.broadcast %scan3A_41 : i32 to vector<16xi32>
        %parallel_loop3A_352 = arith.cmpi ne, %parallel_loop3A_350, %parallel_loop3A_351 : vector<16xi32>
        %parallel_loop3A_353 = arith.constant 6 : i32
        %parallel_loop3A_354 = vector.broadcast %parallel_loop3A_353 : i32 to vector<16x1xi32>
        %parallel_loop3A_355 = vector.shape_cast %parallel_loop3A_354 : vector<16x1xi32> to vector<16xi32>
        %parallel_loop3A_356 = tpu.dynamic_gather %parallel_loop3A_247[%parallel_loop3A_355] in [0] : vector<16xi32>, vector<16xi32> -> vector<16xi32>
        %parallel_loop3A_357 = arith.constant 6 : i32
        %parallel_loop3A_358 = vector.broadcast %parallel_loop3A_357 : i32 to vector<16x1xi32>
        %parallel_loop3A_359 = vector.shape_cast %parallel_loop3A_358 : vector<16x1xi32> to vector<16xi32>
        %parallel_loop3A_360 = tpu.dynamic_gather %parallel_loop3A_265[%parallel_loop3A_359] in [0] : vector<16xf32>, vector<16xi32> -> vector<16xf32>
        %parallel_loop3A_361 = arith.addi %mul3A_1, %parallel_loop3A_356 : vector<16xi32>
        tpu.vector_store_idx %arg14[%parallel_loop3A_361], %parallel_loop3A_360 masked %parallel_loop3A_352 {add = true} : memref<110720xf32, #tpu.memory_space<vmem>>[vector<16xi32>], vector<16xf32>, vector<16xi1>
        %parallel_loop3A_362 = arith.constant 7 : i32
        %parallel_loop3A_363 = vector.broadcast %parallel_loop3A_362 : i32 to vector<16x1xi32>
        %parallel_loop3A_364 = vector.shape_cast %parallel_loop3A_363 : vector<16x1xi32> to vector<16xi32>
        %parallel_loop3A_365 = tpu.dynamic_gather %parallel_loop3A_247[%parallel_loop3A_364] in [0] : vector<16xi32>, vector<16xi32> -> vector<16xi32>
        %parallel_loop3A_366 = arith.constant 7 : i32
        %parallel_loop3A_367 = vector.broadcast %parallel_loop3A_366 : i32 to vector<16x1xi32>
        %parallel_loop3A_368 = vector.shape_cast %parallel_loop3A_367 : vector<16x1xi32> to vector<16xi32>
        %parallel_loop3A_369 = tpu.dynamic_gather %parallel_loop3A_265[%parallel_loop3A_368] in [0] : vector<16xf32>, vector<16xi32> -> vector<16xf32>
        %parallel_loop3A_370 = arith.addi %mul3A_1, %parallel_loop3A_365 : vector<16xi32>
        tpu.vector_store_idx %arg14[%parallel_loop3A_370], %parallel_loop3A_369 masked %parallel_loop3A_352 {add = true} : memref<110720xf32, #tpu.memory_space<vmem>>[vector<16xi32>], vector<16xf32>, vector<16xi1>
        %parallel_loop3A_371 = arith.constant 8 : i32
        %parallel_loop3A_372 = vector.broadcast %parallel_loop3A_371 : i32 to vector<16x1xi32>
        %parallel_loop3A_373 = vector.shape_cast %parallel_loop3A_372 : vector<16x1xi32> to vector<16xi32>
        %parallel_loop3A_374 = tpu.dynamic_gather %parallel_loop3A_247[%parallel_loop3A_373] in [0] : vector<16xi32>, vector<16xi32> -> vector<16xi32>
        %parallel_loop3A_375 = arith.constant 8 : i32
        %parallel_loop3A_376 = vector.broadcast %parallel_loop3A_375 : i32 to vector<16x1xi32>
        %parallel_loop3A_377 = vector.shape_cast %parallel_loop3A_376 : vector<16x1xi32> to vector<16xi32>
        %parallel_loop3A_378 = tpu.dynamic_gather %parallel_loop3A_265[%parallel_loop3A_377] in [0] : vector<16xf32>, vector<16xi32> -> vector<16xf32>
        %parallel_loop3A_379 = arith.addi %mul3A_1, %parallel_loop3A_374 : vector<16xi32>
        tpu.vector_store_idx %arg14[%parallel_loop3A_379], %parallel_loop3A_378 masked %parallel_loop3A_352 {add = true} : memref<110720xf32, #tpu.memory_space<vmem>>[vector<16xi32>], vector<16xf32>, vector<16xi1>
        %parallel_loop3A_380 = arith.constant 3 : i32
        %parallel_loop3A_381 = vector.broadcast %parallel_loop3A_380 : i32 to vector<16x1xi32>
        %parallel_loop3A_382 = vector.shape_cast %parallel_loop3A_381 : vector<16x1xi32> to vector<16xi32>
        %parallel_loop3A_383 = tpu.dynamic_gather %parallel_loop3A_241[%parallel_loop3A_382] in [0] : vector<16xi32>, vector<16xi32> -> vector<16xi32>
        %parallel_loop3A_384 = arith.andi %parallel_loop3A_383, %shift_left3A_6 : vector<16xi32>
        %parallel_loop3A_385 = vector.broadcast %scan3A_41 : i32 to vector<16xi32>
        %parallel_loop3A_386 = arith.cmpi ne, %parallel_loop3A_384, %parallel_loop3A_385 : vector<16xi32>
        %parallel_loop3A_387 = arith.constant 9 : i32
        %parallel_loop3A_388 = vector.broadcast %parallel_loop3A_387 : i32 to vector<16x1xi32>
        %parallel_loop3A_389 = vector.shape_cast %parallel_loop3A_388 : vector<16x1xi32> to vector<16xi32>
        %parallel_loop3A_390 = tpu.dynamic_gather %parallel_loop3A_247[%parallel_loop3A_389] in [0] : vector<16xi32>, vector<16xi32> -> vector<16xi32>
        %parallel_loop3A_391 = arith.constant 9 : i32
        %parallel_loop3A_392 = vector.broadcast %parallel_loop3A_391 : i32 to vector<16x1xi32>
        %parallel_loop3A_393 = vector.shape_cast %parallel_loop3A_392 : vector<16x1xi32> to vector<16xi32>
        %parallel_loop3A_394 = tpu.dynamic_gather %parallel_loop3A_265[%parallel_loop3A_393] in [0] : vector<16xf32>, vector<16xi32> -> vector<16xf32>
        %parallel_loop3A_395 = arith.addi %mul3A_1, %parallel_loop3A_390 : vector<16xi32>
        tpu.vector_store_idx %arg14[%parallel_loop3A_395], %parallel_loop3A_394 masked %parallel_loop3A_386 {add = true} : memref<110720xf32, #tpu.memory_space<vmem>>[vector<16xi32>], vector<16xf32>, vector<16xi1>
        %parallel_loop3A_396 = arith.constant 10 : i32
        %parallel_loop3A_397 = vector.broadcast %parallel_loop3A_396 : i32 to vector<16x1xi32>
        %parallel_loop3A_398 = vector.shape_cast %parallel_loop3A_397 : vector<16x1xi32> to vector<16xi32>
        %parallel_loop3A_399 = tpu.dynamic_gather %parallel_loop3A_247[%parallel_loop3A_398] in [0] : vector<16xi32>, vector<16xi32> -> vector<16xi32>
        %parallel_loop3A_400 = arith.constant 10 : i32
        %parallel_loop3A_401 = vector.broadcast %parallel_loop3A_400 : i32 to vector<16x1xi32>
        %parallel_loop3A_402 = vector.shape_cast %parallel_loop3A_401 : vector<16x1xi32> to vector<16xi32>
        %parallel_loop3A_403 = tpu.dynamic_gather %parallel_loop3A_265[%parallel_loop3A_402] in [0] : vector<16xf32>, vector<16xi32> -> vector<16xf32>
        %parallel_loop3A_404 = arith.addi %mul3A_1, %parallel_loop3A_399 : vector<16xi32>
        tpu.vector_store_idx %arg14[%parallel_loop3A_404], %parallel_loop3A_403 masked %parallel_loop3A_386 {add = true} : memref<110720xf32, #tpu.memory_space<vmem>>[vector<16xi32>], vector<16xf32>, vector<16xi1>
        %parallel_loop3A_405 = arith.constant 11 : i32
        %parallel_loop3A_406 = vector.broadcast %parallel_loop3A_405 : i32 to vector<16x1xi32>
        %parallel_loop3A_407 = vector.shape_cast %parallel_loop3A_406 : vector<16x1xi32> to vector<16xi32>
        %parallel_loop3A_408 = tpu.dynamic_gather %parallel_loop3A_247[%parallel_loop3A_407] in [0] : vector<16xi32>, vector<16xi32> -> vector<16xi32>
        %parallel_loop3A_409 = arith.constant 11 : i32
        %parallel_loop3A_410 = vector.broadcast %parallel_loop3A_409 : i32 to vector<16x1xi32>
        %parallel_loop3A_411 = vector.shape_cast %parallel_loop3A_410 : vector<16x1xi32> to vector<16xi32>
        %parallel_loop3A_412 = tpu.dynamic_gather %parallel_loop3A_265[%parallel_loop3A_411] in [0] : vector<16xf32>, vector<16xi32> -> vector<16xf32>
        %parallel_loop3A_413 = arith.addi %mul3A_1, %parallel_loop3A_408 : vector<16xi32>
        tpu.vector_store_idx %arg14[%parallel_loop3A_413], %parallel_loop3A_412 masked %parallel_loop3A_386 {add = true} : memref<110720xf32, #tpu.memory_space<vmem>>[vector<16xi32>], vector<16xf32>, vector<16xi1>
        %parallel_loop3A_414 = arith.constant 4 : i32
        %parallel_loop3A_415 = vector.broadcast %parallel_loop3A_414 : i32 to vector<16x1xi32>
        %parallel_loop3A_416 = vector.shape_cast %parallel_loop3A_415 : vector<16x1xi32> to vector<16xi32>
        %parallel_loop3A_417 = tpu.dynamic_gather %parallel_loop3A_241[%parallel_loop3A_416] in [0] : vector<16xi32>, vector<16xi32> -> vector<16xi32>
        %parallel_loop3A_418 = arith.andi %parallel_loop3A_417, %shift_left3A_6 : vector<16xi32>
        %parallel_loop3A_419 = vector.broadcast %scan3A_41 : i32 to vector<16xi32>
        %parallel_loop3A_420 = arith.cmpi ne, %parallel_loop3A_418, %parallel_loop3A_419 : vector<16xi32>
        %parallel_loop3A_421 = arith.constant 12 : i32
        %parallel_loop3A_422 = vector.broadcast %parallel_loop3A_421 : i32 to vector<16x1xi32>
        %parallel_loop3A_423 = vector.shape_cast %parallel_loop3A_422 : vector<16x1xi32> to vector<16xi32>
        %parallel_loop3A_424 = tpu.dynamic_gather %parallel_loop3A_247[%parallel_loop3A_423] in [0] : vector<16xi32>, vector<16xi32> -> vector<16xi32>
        %parallel_loop3A_425 = arith.constant 12 : i32
        %parallel_loop3A_426 = vector.broadcast %parallel_loop3A_425 : i32 to vector<16x1xi32>
        %parallel_loop3A_427 = vector.shape_cast %parallel_loop3A_426 : vector<16x1xi32> to vector<16xi32>
        %parallel_loop3A_428 = tpu.dynamic_gather %parallel_loop3A_265[%parallel_loop3A_427] in [0] : vector<16xf32>, vector<16xi32> -> vector<16xf32>
        %parallel_loop3A_429 = arith.addi %mul3A_1, %parallel_loop3A_424 : vector<16xi32>
        tpu.vector_store_idx %arg14[%parallel_loop3A_429], %parallel_loop3A_428 masked %parallel_loop3A_420 {add = true} : memref<110720xf32, #tpu.memory_space<vmem>>[vector<16xi32>], vector<16xf32>, vector<16xi1>
        %parallel_loop3A_430 = arith.constant 13 : i32
        %parallel_loop3A_431 = vector.broadcast %parallel_loop3A_430 : i32 to vector<16x1xi32>
        %parallel_loop3A_432 = vector.shape_cast %parallel_loop3A_431 : vector<16x1xi32> to vector<16xi32>
        %parallel_loop3A_433 = tpu.dynamic_gather %parallel_loop3A_247[%parallel_loop3A_432] in [0] : vector<16xi32>, vector<16xi32> -> vector<16xi32>
        %parallel_loop3A_434 = arith.constant 13 : i32
        %parallel_loop3A_435 = vector.broadcast %parallel_loop3A_434 : i32 to vector<16x1xi32>
        %parallel_loop3A_436 = vector.shape_cast %parallel_loop3A_435 : vector<16x1xi32> to vector<16xi32>
        %parallel_loop3A_437 = tpu.dynamic_gather %parallel_loop3A_265[%parallel_loop3A_436] in [0] : vector<16xf32>, vector<16xi32> -> vector<16xf32>
        %parallel_loop3A_438 = arith.addi %mul3A_1, %parallel_loop3A_433 : vector<16xi32>
        tpu.vector_store_idx %arg14[%parallel_loop3A_438], %parallel_loop3A_437 masked %parallel_loop3A_420 {add = true} : memref<110720xf32, #tpu.memory_space<vmem>>[vector<16xi32>], vector<16xf32>, vector<16xi1>
        %parallel_loop3A_439 = arith.constant 14 : i32
        %parallel_loop3A_440 = vector.broadcast %parallel_loop3A_439 : i32 to vector<16x1xi32>
        %parallel_loop3A_441 = vector.shape_cast %parallel_loop3A_440 : vector<16x1xi32> to vector<16xi32>
        %parallel_loop3A_442 = tpu.dynamic_gather %parallel_loop3A_247[%parallel_loop3A_441] in [0] : vector<16xi32>, vector<16xi32> -> vector<16xi32>
        %parallel_loop3A_443 = arith.constant 14 : i32
        %parallel_loop3A_444 = vector.broadcast %parallel_loop3A_443 : i32 to vector<16x1xi32>
        %parallel_loop3A_445 = vector.shape_cast %parallel_loop3A_444 : vector<16x1xi32> to vector<16xi32>
        %parallel_loop3A_446 = tpu.dynamic_gather %parallel_loop3A_265[%parallel_loop3A_445] in [0] : vector<16xf32>, vector<16xi32> -> vector<16xf32>
        %parallel_loop3A_447 = arith.addi %mul3A_1, %parallel_loop3A_442 : vector<16xi32>
        tpu.vector_store_idx %arg14[%parallel_loop3A_447], %parallel_loop3A_446 masked %parallel_loop3A_420 {add = true} : memref<110720xf32, #tpu.memory_space<vmem>>[vector<16xi32>], vector<16xf32>, vector<16xi1>
        %parallel_loop3A_448 = arith.constant 5 : i32
        %parallel_loop3A_449 = vector.broadcast %parallel_loop3A_448 : i32 to vector<16x1xi32>
        %parallel_loop3A_450 = vector.shape_cast %parallel_loop3A_449 : vector<16x1xi32> to vector<16xi32>
        %parallel_loop3A_451 = tpu.dynamic_gather %parallel_loop3A_241[%parallel_loop3A_450] in [0] : vector<16xi32>, vector<16xi32> -> vector<16xi32>
        %parallel_loop3A_452 = arith.andi %parallel_loop3A_451, %shift_left3A_6 : vector<16xi32>
        %parallel_loop3A_453 = vector.broadcast %scan3A_41 : i32 to vector<16xi32>
        %parallel_loop3A_454 = arith.cmpi ne, %parallel_loop3A_452, %parallel_loop3A_453 : vector<16xi32>
        %parallel_loop3A_455 = arith.constant 15 : i32
        %parallel_loop3A_456 = vector.broadcast %parallel_loop3A_455 : i32 to vector<16x1xi32>
        %parallel_loop3A_457 = vector.shape_cast %parallel_loop3A_456 : vector<16x1xi32> to vector<16xi32>
        %parallel_loop3A_458 = tpu.dynamic_gather %parallel_loop3A_247[%parallel_loop3A_457] in [0] : vector<16xi32>, vector<16xi32> -> vector<16xi32>
        %parallel_loop3A_459 = arith.constant 15 : i32
        %parallel_loop3A_460 = vector.broadcast %parallel_loop3A_459 : i32 to vector<16x1xi32>
        %parallel_loop3A_461 = vector.shape_cast %parallel_loop3A_460 : vector<16x1xi32> to vector<16xi32>
        %parallel_loop3A_462 = tpu.dynamic_gather %parallel_loop3A_265[%parallel_loop3A_461] in [0] : vector<16xf32>, vector<16xi32> -> vector<16xf32>
        %parallel_loop3A_463 = arith.addi %mul3A_1, %parallel_loop3A_458 : vector<16xi32>
        tpu.vector_store_idx %arg14[%parallel_loop3A_463], %parallel_loop3A_462 masked %parallel_loop3A_454 {add = true} : memref<110720xf32, #tpu.memory_space<vmem>>[vector<16xi32>], vector<16xf32>, vector<16xi1>
        %parallel_loop3A_464 = arith.constant 0 : i32
        %parallel_loop3A_465 = vector.broadcast %parallel_loop3A_464 : i32 to vector<16x1xi32>
        %parallel_loop3A_466 = vector.shape_cast %parallel_loop3A_465 : vector<16x1xi32> to vector<16xi32>
        %parallel_loop3A_467 = tpu.dynamic_gather %parallel_loop3A_253[%parallel_loop3A_466] in [0] : vector<16xi32>, vector<16xi32> -> vector<16xi32>
        %parallel_loop3A_468 = arith.constant 0 : i32
        %parallel_loop3A_469 = vector.broadcast %parallel_loop3A_468 : i32 to vector<16x1xi32>
        %parallel_loop3A_470 = vector.shape_cast %parallel_loop3A_469 : vector<16x1xi32> to vector<16xi32>
        %parallel_loop3A_471 = tpu.dynamic_gather %parallel_loop3A_271[%parallel_loop3A_470] in [0] : vector<16xf32>, vector<16xi32> -> vector<16xf32>
        %parallel_loop3A_472 = arith.addi %mul3A_1, %parallel_loop3A_467 : vector<16xi32>
        tpu.vector_store_idx %arg14[%parallel_loop3A_472], %parallel_loop3A_471 masked %parallel_loop3A_454 {add = true} : memref<110720xf32, #tpu.memory_space<vmem>>[vector<16xi32>], vector<16xf32>, vector<16xi1>
        %parallel_loop3A_473 = arith.constant 1 : i32
        %parallel_loop3A_474 = vector.broadcast %parallel_loop3A_473 : i32 to vector<16x1xi32>
        %parallel_loop3A_475 = vector.shape_cast %parallel_loop3A_474 : vector<16x1xi32> to vector<16xi32>
        %parallel_loop3A_476 = tpu.dynamic_gather %parallel_loop3A_253[%parallel_loop3A_475] in [0] : vector<16xi32>, vector<16xi32> -> vector<16xi32>
        %parallel_loop3A_477 = arith.constant 1 : i32
        %parallel_loop3A_478 = vector.broadcast %parallel_loop3A_477 : i32 to vector<16x1xi32>
        %parallel_loop3A_479 = vector.shape_cast %parallel_loop3A_478 : vector<16x1xi32> to vector<16xi32>
        %parallel_loop3A_480 = tpu.dynamic_gather %parallel_loop3A_271[%parallel_loop3A_479] in [0] : vector<16xf32>, vector<16xi32> -> vector<16xf32>
        %parallel_loop3A_481 = arith.addi %mul3A_1, %parallel_loop3A_476 : vector<16xi32>
        tpu.vector_store_idx %arg14[%parallel_loop3A_481], %parallel_loop3A_480 masked %parallel_loop3A_454 {add = true} : memref<110720xf32, #tpu.memory_space<vmem>>[vector<16xi32>], vector<16xf32>, vector<16xi1>
        %parallel_loop3A_482 = arith.constant 6 : i32
        %parallel_loop3A_483 = vector.broadcast %parallel_loop3A_482 : i32 to vector<16x1xi32>
        %parallel_loop3A_484 = vector.shape_cast %parallel_loop3A_483 : vector<16x1xi32> to vector<16xi32>
        %parallel_loop3A_485 = tpu.dynamic_gather %parallel_loop3A_241[%parallel_loop3A_484] in [0] : vector<16xi32>, vector<16xi32> -> vector<16xi32>
        %parallel_loop3A_486 = arith.andi %parallel_loop3A_485, %shift_left3A_6 : vector<16xi32>
        %parallel_loop3A_487 = vector.broadcast %scan3A_41 : i32 to vector<16xi32>
        %parallel_loop3A_488 = arith.cmpi ne, %parallel_loop3A_486, %parallel_loop3A_487 : vector<16xi32>
        %parallel_loop3A_489 = arith.constant 2 : i32
        %parallel_loop3A_490 = vector.broadcast %parallel_loop3A_489 : i32 to vector<16x1xi32>
        %parallel_loop3A_491 = vector.shape_cast %parallel_loop3A_490 : vector<16x1xi32> to vector<16xi32>
        %parallel_loop3A_492 = tpu.dynamic_gather %parallel_loop3A_253[%parallel_loop3A_491] in [0] : vector<16xi32>, vector<16xi32> -> vector<16xi32>
        %parallel_loop3A_493 = arith.constant 2 : i32
        %parallel_loop3A_494 = vector.broadcast %parallel_loop3A_493 : i32 to vector<16x1xi32>
        %parallel_loop3A_495 = vector.shape_cast %parallel_loop3A_494 : vector<16x1xi32> to vector<16xi32>
        %parallel_loop3A_496 = tpu.dynamic_gather %parallel_loop3A_271[%parallel_loop3A_495] in [0] : vector<16xf32>, vector<16xi32> -> vector<16xf32>
        %parallel_loop3A_497 = arith.addi %mul3A_1, %parallel_loop3A_492 : vector<16xi32>
        tpu.vector_store_idx %arg14[%parallel_loop3A_497], %parallel_loop3A_496 masked %parallel_loop3A_488 {add = true} : memref<110720xf32, #tpu.memory_space<vmem>>[vector<16xi32>], vector<16xf32>, vector<16xi1>
        %parallel_loop3A_498 = arith.constant 3 : i32
        %parallel_loop3A_499 = vector.broadcast %parallel_loop3A_498 : i32 to vector<16x1xi32>
        %parallel_loop3A_500 = vector.shape_cast %parallel_loop3A_499 : vector<16x1xi32> to vector<16xi32>
        %parallel_loop3A_501 = tpu.dynamic_gather %parallel_loop3A_253[%parallel_loop3A_500] in [0] : vector<16xi32>, vector<16xi32> -> vector<16xi32>
        %parallel_loop3A_502 = arith.constant 3 : i32
        %parallel_loop3A_503 = vector.broadcast %parallel_loop3A_502 : i32 to vector<16x1xi32>
        %parallel_loop3A_504 = vector.shape_cast %parallel_loop3A_503 : vector<16x1xi32> to vector<16xi32>
        %parallel_loop3A_505 = tpu.dynamic_gather %parallel_loop3A_271[%parallel_loop3A_504] in [0] : vector<16xf32>, vector<16xi32> -> vector<16xf32>
        %parallel_loop3A_506 = arith.addi %mul3A_1, %parallel_loop3A_501 : vector<16xi32>
        tpu.vector_store_idx %arg14[%parallel_loop3A_506], %parallel_loop3A_505 masked %parallel_loop3A_488 {add = true} : memref<110720xf32, #tpu.memory_space<vmem>>[vector<16xi32>], vector<16xf32>, vector<16xi1>
        %parallel_loop3A_507 = arith.constant 4 : i32
        %parallel_loop3A_508 = vector.broadcast %parallel_loop3A_507 : i32 to vector<16x1xi32>
        %parallel_loop3A_509 = vector.shape_cast %parallel_loop3A_508 : vector<16x1xi32> to vector<16xi32>
        %parallel_loop3A_510 = tpu.dynamic_gather %parallel_loop3A_253[%parallel_loop3A_509] in [0] : vector<16xi32>, vector<16xi32> -> vector<16xi32>
        %parallel_loop3A_511 = arith.constant 4 : i32
        %parallel_loop3A_512 = vector.broadcast %parallel_loop3A_511 : i32 to vector<16x1xi32>
        %parallel_loop3A_513 = vector.shape_cast %parallel_loop3A_512 : vector<16x1xi32> to vector<16xi32>
        %parallel_loop3A_514 = tpu.dynamic_gather %parallel_loop3A_271[%parallel_loop3A_513] in [0] : vector<16xf32>, vector<16xi32> -> vector<16xf32>
        %parallel_loop3A_515 = arith.addi %mul3A_1, %parallel_loop3A_510 : vector<16xi32>
        tpu.vector_store_idx %arg14[%parallel_loop3A_515], %parallel_loop3A_514 masked %parallel_loop3A_488 {add = true} : memref<110720xf32, #tpu.memory_space<vmem>>[vector<16xi32>], vector<16xf32>, vector<16xi1>
        %parallel_loop3A_516 = arith.constant 7 : i32
        %parallel_loop3A_517 = vector.broadcast %parallel_loop3A_516 : i32 to vector<16x1xi32>
        %parallel_loop3A_518 = vector.shape_cast %parallel_loop3A_517 : vector<16x1xi32> to vector<16xi32>
        %parallel_loop3A_519 = tpu.dynamic_gather %parallel_loop3A_241[%parallel_loop3A_518] in [0] : vector<16xi32>, vector<16xi32> -> vector<16xi32>
        %parallel_loop3A_520 = arith.andi %parallel_loop3A_519, %shift_left3A_6 : vector<16xi32>
        %parallel_loop3A_521 = vector.broadcast %scan3A_41 : i32 to vector<16xi32>
        %parallel_loop3A_522 = arith.cmpi ne, %parallel_loop3A_520, %parallel_loop3A_521 : vector<16xi32>
        %parallel_loop3A_523 = arith.constant 5 : i32
        %parallel_loop3A_524 = vector.broadcast %parallel_loop3A_523 : i32 to vector<16x1xi32>
        %parallel_loop3A_525 = vector.shape_cast %parallel_loop3A_524 : vector<16x1xi32> to vector<16xi32>
        %parallel_loop3A_526 = tpu.dynamic_gather %parallel_loop3A_253[%parallel_loop3A_525] in [0] : vector<16xi32>, vector<16xi32> -> vector<16xi32>
        %parallel_loop3A_527 = arith.constant 5 : i32
        %parallel_loop3A_528 = vector.broadcast %parallel_loop3A_527 : i32 to vector<16x1xi32>
        %parallel_loop3A_529 = vector.shape_cast %parallel_loop3A_528 : vector<16x1xi32> to vector<16xi32>
        %parallel_loop3A_530 = tpu.dynamic_gather %parallel_loop3A_271[%parallel_loop3A_529] in [0] : vector<16xf32>, vector<16xi32> -> vector<16xf32>
        %parallel_loop3A_531 = arith.addi %mul3A_1, %parallel_loop3A_526 : vector<16xi32>
        tpu.vector_store_idx %arg14[%parallel_loop3A_531], %parallel_loop3A_530 masked %parallel_loop3A_522 {add = true} : memref<110720xf32, #tpu.memory_space<vmem>>[vector<16xi32>], vector<16xf32>, vector<16xi1>
        %parallel_loop3A_532 = arith.constant 6 : i32
        %parallel_loop3A_533 = vector.broadcast %parallel_loop3A_532 : i32 to vector<16x1xi32>
        %parallel_loop3A_534 = vector.shape_cast %parallel_loop3A_533 : vector<16x1xi32> to vector<16xi32>
        %parallel_loop3A_535 = tpu.dynamic_gather %parallel_loop3A_253[%parallel_loop3A_534] in [0] : vector<16xi32>, vector<16xi32> -> vector<16xi32>
        %parallel_loop3A_536 = arith.constant 6 : i32
        %parallel_loop3A_537 = vector.broadcast %parallel_loop3A_536 : i32 to vector<16x1xi32>
        %parallel_loop3A_538 = vector.shape_cast %parallel_loop3A_537 : vector<16x1xi32> to vector<16xi32>
        %parallel_loop3A_539 = tpu.dynamic_gather %parallel_loop3A_271[%parallel_loop3A_538] in [0] : vector<16xf32>, vector<16xi32> -> vector<16xf32>
        %parallel_loop3A_540 = arith.addi %mul3A_1, %parallel_loop3A_535 : vector<16xi32>
        tpu.vector_store_idx %arg14[%parallel_loop3A_540], %parallel_loop3A_539 masked %parallel_loop3A_522 {add = true} : memref<110720xf32, #tpu.memory_space<vmem>>[vector<16xi32>], vector<16xf32>, vector<16xi1>
        %parallel_loop3A_541 = arith.constant 7 : i32
        %parallel_loop3A_542 = vector.broadcast %parallel_loop3A_541 : i32 to vector<16x1xi32>
        %parallel_loop3A_543 = vector.shape_cast %parallel_loop3A_542 : vector<16x1xi32> to vector<16xi32>
        %parallel_loop3A_544 = tpu.dynamic_gather %parallel_loop3A_253[%parallel_loop3A_543] in [0] : vector<16xi32>, vector<16xi32> -> vector<16xi32>
        %parallel_loop3A_545 = arith.constant 7 : i32
        %parallel_loop3A_546 = vector.broadcast %parallel_loop3A_545 : i32 to vector<16x1xi32>
        %parallel_loop3A_547 = vector.shape_cast %parallel_loop3A_546 : vector<16x1xi32> to vector<16xi32>
        %parallel_loop3A_548 = tpu.dynamic_gather %parallel_loop3A_271[%parallel_loop3A_547] in [0] : vector<16xf32>, vector<16xi32> -> vector<16xf32>
        %parallel_loop3A_549 = arith.addi %mul3A_1, %parallel_loop3A_544 : vector<16xi32>
        tpu.vector_store_idx %arg14[%parallel_loop3A_549], %parallel_loop3A_548 masked %parallel_loop3A_522 {add = true} : memref<110720xf32, #tpu.memory_space<vmem>>[vector<16xi32>], vector<16xf32>, vector<16xi1>
        %parallel_loop3A_550 = arith.constant 8 : i32
        %parallel_loop3A_551 = vector.broadcast %parallel_loop3A_550 : i32 to vector<16x1xi32>
        %parallel_loop3A_552 = vector.shape_cast %parallel_loop3A_551 : vector<16x1xi32> to vector<16xi32>
        %parallel_loop3A_553 = tpu.dynamic_gather %parallel_loop3A_241[%parallel_loop3A_552] in [0] : vector<16xi32>, vector<16xi32> -> vector<16xi32>
        %parallel_loop3A_554 = arith.andi %parallel_loop3A_553, %shift_left3A_6 : vector<16xi32>
        %parallel_loop3A_555 = vector.broadcast %scan3A_41 : i32 to vector<16xi32>
        %parallel_loop3A_556 = arith.cmpi ne, %parallel_loop3A_554, %parallel_loop3A_555 : vector<16xi32>
        %parallel_loop3A_557 = arith.constant 8 : i32
        %parallel_loop3A_558 = vector.broadcast %parallel_loop3A_557 : i32 to vector<16x1xi32>
        %parallel_loop3A_559 = vector.shape_cast %parallel_loop3A_558 : vector<16x1xi32> to vector<16xi32>
        %parallel_loop3A_560 = tpu.dynamic_gather %parallel_loop3A_253[%parallel_loop3A_559] in [0] : vector<16xi32>, vector<16xi32> -> vector<16xi32>
        %parallel_loop3A_561 = arith.constant 8 : i32
        %parallel_loop3A_562 = vector.broadcast %parallel_loop3A_561 : i32 to vector<16x1xi32>
        %parallel_loop3A_563 = vector.shape_cast %parallel_loop3A_562 : vector<16x1xi32> to vector<16xi32>
        %parallel_loop3A_564 = tpu.dynamic_gather %parallel_loop3A_271[%parallel_loop3A_563] in [0] : vector<16xf32>, vector<16xi32> -> vector<16xf32>
        %parallel_loop3A_565 = arith.addi %mul3A_1, %parallel_loop3A_560 : vector<16xi32>
        tpu.vector_store_idx %arg14[%parallel_loop3A_565], %parallel_loop3A_564 masked %parallel_loop3A_556 {add = true} : memref<110720xf32, #tpu.memory_space<vmem>>[vector<16xi32>], vector<16xf32>, vector<16xi1>
        %parallel_loop3A_566 = arith.constant 9 : i32
        %parallel_loop3A_567 = vector.broadcast %parallel_loop3A_566 : i32 to vector<16x1xi32>
        %parallel_loop3A_568 = vector.shape_cast %parallel_loop3A_567 : vector<16x1xi32> to vector<16xi32>
        %parallel_loop3A_569 = tpu.dynamic_gather %parallel_loop3A_253[%parallel_loop3A_568] in [0] : vector<16xi32>, vector<16xi32> -> vector<16xi32>
        %parallel_loop3A_570 = arith.constant 9 : i32
        %parallel_loop3A_571 = vector.broadcast %parallel_loop3A_570 : i32 to vector<16x1xi32>
        %parallel_loop3A_572 = vector.shape_cast %parallel_loop3A_571 : vector<16x1xi32> to vector<16xi32>
        %parallel_loop3A_573 = tpu.dynamic_gather %parallel_loop3A_271[%parallel_loop3A_572] in [0] : vector<16xf32>, vector<16xi32> -> vector<16xf32>
        %parallel_loop3A_574 = arith.addi %mul3A_1, %parallel_loop3A_569 : vector<16xi32>
        tpu.vector_store_idx %arg14[%parallel_loop3A_574], %parallel_loop3A_573 masked %parallel_loop3A_556 {add = true} : memref<110720xf32, #tpu.memory_space<vmem>>[vector<16xi32>], vector<16xf32>, vector<16xi1>
        %parallel_loop3A_575 = arith.constant 10 : i32
        %parallel_loop3A_576 = vector.broadcast %parallel_loop3A_575 : i32 to vector<16x1xi32>
        %parallel_loop3A_577 = vector.shape_cast %parallel_loop3A_576 : vector<16x1xi32> to vector<16xi32>
        %parallel_loop3A_578 = tpu.dynamic_gather %parallel_loop3A_253[%parallel_loop3A_577] in [0] : vector<16xi32>, vector<16xi32> -> vector<16xi32>
        %parallel_loop3A_579 = arith.constant 10 : i32
        %parallel_loop3A_580 = vector.broadcast %parallel_loop3A_579 : i32 to vector<16x1xi32>
        %parallel_loop3A_581 = vector.shape_cast %parallel_loop3A_580 : vector<16x1xi32> to vector<16xi32>
        %parallel_loop3A_582 = tpu.dynamic_gather %parallel_loop3A_271[%parallel_loop3A_581] in [0] : vector<16xf32>, vector<16xi32> -> vector<16xf32>
        %parallel_loop3A_583 = arith.addi %mul3A_1, %parallel_loop3A_578 : vector<16xi32>
        tpu.vector_store_idx %arg14[%parallel_loop3A_583], %parallel_loop3A_582 masked %parallel_loop3A_556 {add = true} : memref<110720xf32, #tpu.memory_space<vmem>>[vector<16xi32>], vector<16xf32>, vector<16xi1>
        %parallel_loop3A_584 = arith.constant 9 : i32
        %parallel_loop3A_585 = vector.broadcast %parallel_loop3A_584 : i32 to vector<16x1xi32>
        %parallel_loop3A_586 = vector.shape_cast %parallel_loop3A_585 : vector<16x1xi32> to vector<16xi32>
        %parallel_loop3A_587 = tpu.dynamic_gather %parallel_loop3A_241[%parallel_loop3A_586] in [0] : vector<16xi32>, vector<16xi32> -> vector<16xi32>
        %parallel_loop3A_588 = arith.andi %parallel_loop3A_587, %shift_left3A_6 : vector<16xi32>
        %parallel_loop3A_589 = vector.broadcast %scan3A_41 : i32 to vector<16xi32>
        %parallel_loop3A_590 = arith.cmpi ne, %parallel_loop3A_588, %parallel_loop3A_589 : vector<16xi32>
        %parallel_loop3A_591 = arith.constant 11 : i32
        %parallel_loop3A_592 = vector.broadcast %parallel_loop3A_591 : i32 to vector<16x1xi32>
        %parallel_loop3A_593 = vector.shape_cast %parallel_loop3A_592 : vector<16x1xi32> to vector<16xi32>
        %parallel_loop3A_594 = tpu.dynamic_gather %parallel_loop3A_253[%parallel_loop3A_593] in [0] : vector<16xi32>, vector<16xi32> -> vector<16xi32>
        %parallel_loop3A_595 = arith.constant 11 : i32
        %parallel_loop3A_596 = vector.broadcast %parallel_loop3A_595 : i32 to vector<16x1xi32>
        %parallel_loop3A_597 = vector.shape_cast %parallel_loop3A_596 : vector<16x1xi32> to vector<16xi32>
        %parallel_loop3A_598 = tpu.dynamic_gather %parallel_loop3A_271[%parallel_loop3A_597] in [0] : vector<16xf32>, vector<16xi32> -> vector<16xf32>
        %parallel_loop3A_599 = arith.addi %mul3A_1, %parallel_loop3A_594 : vector<16xi32>
        tpu.vector_store_idx %arg14[%parallel_loop3A_599], %parallel_loop3A_598 masked %parallel_loop3A_590 {add = true} : memref<110720xf32, #tpu.memory_space<vmem>>[vector<16xi32>], vector<16xf32>, vector<16xi1>
        %parallel_loop3A_600 = arith.constant 12 : i32
        %parallel_loop3A_601 = vector.broadcast %parallel_loop3A_600 : i32 to vector<16x1xi32>
        %parallel_loop3A_602 = vector.shape_cast %parallel_loop3A_601 : vector<16x1xi32> to vector<16xi32>
        %parallel_loop3A_603 = tpu.dynamic_gather %parallel_loop3A_253[%parallel_loop3A_602] in [0] : vector<16xi32>, vector<16xi32> -> vector<16xi32>
        %parallel_loop3A_604 = arith.constant 12 : i32
        %parallel_loop3A_605 = vector.broadcast %parallel_loop3A_604 : i32 to vector<16x1xi32>
        %parallel_loop3A_606 = vector.shape_cast %parallel_loop3A_605 : vector<16x1xi32> to vector<16xi32>
        %parallel_loop3A_607 = tpu.dynamic_gather %parallel_loop3A_271[%parallel_loop3A_606] in [0] : vector<16xf32>, vector<16xi32> -> vector<16xf32>
        %parallel_loop3A_608 = arith.addi %mul3A_1, %parallel_loop3A_603 : vector<16xi32>
        tpu.vector_store_idx %arg14[%parallel_loop3A_608], %parallel_loop3A_607 masked %parallel_loop3A_590 {add = true} : memref<110720xf32, #tpu.memory_space<vmem>>[vector<16xi32>], vector<16xf32>, vector<16xi1>
        %parallel_loop3A_609 = arith.constant 13 : i32
        %parallel_loop3A_610 = vector.broadcast %parallel_loop3A_609 : i32 to vector<16x1xi32>
        %parallel_loop3A_611 = vector.shape_cast %parallel_loop3A_610 : vector<16x1xi32> to vector<16xi32>
        %parallel_loop3A_612 = tpu.dynamic_gather %parallel_loop3A_253[%parallel_loop3A_611] in [0] : vector<16xi32>, vector<16xi32> -> vector<16xi32>
        %parallel_loop3A_613 = arith.constant 13 : i32
        %parallel_loop3A_614 = vector.broadcast %parallel_loop3A_613 : i32 to vector<16x1xi32>
        %parallel_loop3A_615 = vector.shape_cast %parallel_loop3A_614 : vector<16x1xi32> to vector<16xi32>
        %parallel_loop3A_616 = tpu.dynamic_gather %parallel_loop3A_271[%parallel_loop3A_615] in [0] : vector<16xf32>, vector<16xi32> -> vector<16xf32>
        %parallel_loop3A_617 = arith.addi %mul3A_1, %parallel_loop3A_612 : vector<16xi32>
        tpu.vector_store_idx %arg14[%parallel_loop3A_617], %parallel_loop3A_616 masked %parallel_loop3A_590 {add = true} : memref<110720xf32, #tpu.memory_space<vmem>>[vector<16xi32>], vector<16xf32>, vector<16xi1>
        %parallel_loop3A_618 = arith.constant 10 : i32
        %parallel_loop3A_619 = vector.broadcast %parallel_loop3A_618 : i32 to vector<16x1xi32>
        %parallel_loop3A_620 = vector.shape_cast %parallel_loop3A_619 : vector<16x1xi32> to vector<16xi32>
        %parallel_loop3A_621 = tpu.dynamic_gather %parallel_loop3A_241[%parallel_loop3A_620] in [0] : vector<16xi32>, vector<16xi32> -> vector<16xi32>
        %parallel_loop3A_622 = arith.andi %parallel_loop3A_621, %shift_left3A_6 : vector<16xi32>
        %parallel_loop3A_623 = vector.broadcast %scan3A_41 : i32 to vector<16xi32>
        %parallel_loop3A_624 = arith.cmpi ne, %parallel_loop3A_622, %parallel_loop3A_623 : vector<16xi32>
        %parallel_loop3A_625 = arith.constant 14 : i32
        %parallel_loop3A_626 = vector.broadcast %parallel_loop3A_625 : i32 to vector<16x1xi32>
        %parallel_loop3A_627 = vector.shape_cast %parallel_loop3A_626 : vector<16x1xi32> to vector<16xi32>
        %parallel_loop3A_628 = tpu.dynamic_gather %parallel_loop3A_253[%parallel_loop3A_627] in [0] : vector<16xi32>, vector<16xi32> -> vector<16xi32>
        %parallel_loop3A_629 = arith.constant 14 : i32
        %parallel_loop3A_630 = vector.broadcast %parallel_loop3A_629 : i32 to vector<16x1xi32>
        %parallel_loop3A_631 = vector.shape_cast %parallel_loop3A_630 : vector<16x1xi32> to vector<16xi32>
        %parallel_loop3A_632 = tpu.dynamic_gather %parallel_loop3A_271[%parallel_loop3A_631] in [0] : vector<16xf32>, vector<16xi32> -> vector<16xf32>
        %parallel_loop3A_633 = arith.addi %mul3A_1, %parallel_loop3A_628 : vector<16xi32>
        tpu.vector_store_idx %arg14[%parallel_loop3A_633], %parallel_loop3A_632 masked %parallel_loop3A_624 {add = true} : memref<110720xf32, #tpu.memory_space<vmem>>[vector<16xi32>], vector<16xf32>, vector<16xi1>
        %parallel_loop3A_634 = arith.constant 15 : i32
        %parallel_loop3A_635 = vector.broadcast %parallel_loop3A_634 : i32 to vector<16x1xi32>
        %parallel_loop3A_636 = vector.shape_cast %parallel_loop3A_635 : vector<16x1xi32> to vector<16xi32>
        %parallel_loop3A_637 = tpu.dynamic_gather %parallel_loop3A_253[%parallel_loop3A_636] in [0] : vector<16xi32>, vector<16xi32> -> vector<16xi32>
        %parallel_loop3A_638 = arith.constant 15 : i32
        %parallel_loop3A_639 = vector.broadcast %parallel_loop3A_638 : i32 to vector<16x1xi32>
        %parallel_loop3A_640 = vector.shape_cast %parallel_loop3A_639 : vector<16x1xi32> to vector<16xi32>
        %parallel_loop3A_641 = tpu.dynamic_gather %parallel_loop3A_271[%parallel_loop3A_640] in [0] : vector<16xf32>, vector<16xi32> -> vector<16xf32>
        %parallel_loop3A_642 = arith.addi %mul3A_1, %parallel_loop3A_637 : vector<16xi32>
        tpu.vector_store_idx %arg14[%parallel_loop3A_642], %parallel_loop3A_641 masked %parallel_loop3A_624 {add = true} : memref<110720xf32, #tpu.memory_space<vmem>>[vector<16xi32>], vector<16xf32>, vector<16xi1>
        %parallel_loop3A_643 = arith.constant 0 : i32
        %parallel_loop3A_644 = vector.broadcast %parallel_loop3A_643 : i32 to vector<16x1xi32>
        %parallel_loop3A_645 = vector.shape_cast %parallel_loop3A_644 : vector<16x1xi32> to vector<16xi32>
        %parallel_loop3A_646 = tpu.dynamic_gather %parallel_loop3A_259[%parallel_loop3A_645] in [0] : vector<16xi32>, vector<16xi32> -> vector<16xi32>
        %parallel_loop3A_647 = arith.constant 0 : i32
        %parallel_loop3A_648 = vector.broadcast %parallel_loop3A_647 : i32 to vector<16x1xi32>
        %parallel_loop3A_649 = vector.shape_cast %parallel_loop3A_648 : vector<16x1xi32> to vector<16xi32>
        %parallel_loop3A_650 = tpu.dynamic_gather %parallel_loop3A_277[%parallel_loop3A_649] in [0] : vector<16xf32>, vector<16xi32> -> vector<16xf32>
        %parallel_loop3A_651 = arith.addi %mul3A_1, %parallel_loop3A_646 : vector<16xi32>
        tpu.vector_store_idx %arg14[%parallel_loop3A_651], %parallel_loop3A_650 masked %parallel_loop3A_624 {add = true} : memref<110720xf32, #tpu.memory_space<vmem>>[vector<16xi32>], vector<16xf32>, vector<16xi1>
        %parallel_loop3A_652 = arith.constant 11 : i32
        %parallel_loop3A_653 = vector.broadcast %parallel_loop3A_652 : i32 to vector<16x1xi32>
        %parallel_loop3A_654 = vector.shape_cast %parallel_loop3A_653 : vector<16x1xi32> to vector<16xi32>
        %parallel_loop3A_655 = tpu.dynamic_gather %parallel_loop3A_241[%parallel_loop3A_654] in [0] : vector<16xi32>, vector<16xi32> -> vector<16xi32>
        %parallel_loop3A_656 = arith.andi %parallel_loop3A_655, %shift_left3A_6 : vector<16xi32>
        %parallel_loop3A_657 = vector.broadcast %scan3A_41 : i32 to vector<16xi32>
        %parallel_loop3A_658 = arith.cmpi ne, %parallel_loop3A_656, %parallel_loop3A_657 : vector<16xi32>
        %parallel_loop3A_659 = arith.constant 1 : i32
        %parallel_loop3A_660 = vector.broadcast %parallel_loop3A_659 : i32 to vector<16x1xi32>
        %parallel_loop3A_661 = vector.shape_cast %parallel_loop3A_660 : vector<16x1xi32> to vector<16xi32>
        %parallel_loop3A_662 = tpu.dynamic_gather %parallel_loop3A_259[%parallel_loop3A_661] in [0] : vector<16xi32>, vector<16xi32> -> vector<16xi32>
        %parallel_loop3A_663 = arith.constant 1 : i32
        %parallel_loop3A_664 = vector.broadcast %parallel_loop3A_663 : i32 to vector<16x1xi32>
        %parallel_loop3A_665 = vector.shape_cast %parallel_loop3A_664 : vector<16x1xi32> to vector<16xi32>
        %parallel_loop3A_666 = tpu.dynamic_gather %parallel_loop3A_277[%parallel_loop3A_665] in [0] : vector<16xf32>, vector<16xi32> -> vector<16xf32>
        %parallel_loop3A_667 = arith.addi %mul3A_1, %parallel_loop3A_662 : vector<16xi32>
        tpu.vector_store_idx %arg14[%parallel_loop3A_667], %parallel_loop3A_666 masked %parallel_loop3A_658 {add = true} : memref<110720xf32, #tpu.memory_space<vmem>>[vector<16xi32>], vector<16xf32>, vector<16xi1>
        %parallel_loop3A_668 = arith.constant 2 : i32
        %parallel_loop3A_669 = vector.broadcast %parallel_loop3A_668 : i32 to vector<16x1xi32>
        %parallel_loop3A_670 = vector.shape_cast %parallel_loop3A_669 : vector<16x1xi32> to vector<16xi32>
        %parallel_loop3A_671 = tpu.dynamic_gather %parallel_loop3A_259[%parallel_loop3A_670] in [0] : vector<16xi32>, vector<16xi32> -> vector<16xi32>
        %parallel_loop3A_672 = arith.constant 2 : i32
        %parallel_loop3A_673 = vector.broadcast %parallel_loop3A_672 : i32 to vector<16x1xi32>
        %parallel_loop3A_674 = vector.shape_cast %parallel_loop3A_673 : vector<16x1xi32> to vector<16xi32>
        %parallel_loop3A_675 = tpu.dynamic_gather %parallel_loop3A_277[%parallel_loop3A_674] in [0] : vector<16xf32>, vector<16xi32> -> vector<16xf32>
        %parallel_loop3A_676 = arith.addi %mul3A_1, %parallel_loop3A_671 : vector<16xi32>
        tpu.vector_store_idx %arg14[%parallel_loop3A_676], %parallel_loop3A_675 masked %parallel_loop3A_658 {add = true} : memref<110720xf32, #tpu.memory_space<vmem>>[vector<16xi32>], vector<16xf32>, vector<16xi1>
        %parallel_loop3A_677 = arith.constant 3 : i32
        %parallel_loop3A_678 = vector.broadcast %parallel_loop3A_677 : i32 to vector<16x1xi32>
        %parallel_loop3A_679 = vector.shape_cast %parallel_loop3A_678 : vector<16x1xi32> to vector<16xi32>
        %parallel_loop3A_680 = tpu.dynamic_gather %parallel_loop3A_259[%parallel_loop3A_679] in [0] : vector<16xi32>, vector<16xi32> -> vector<16xi32>
        %parallel_loop3A_681 = arith.constant 3 : i32
        %parallel_loop3A_682 = vector.broadcast %parallel_loop3A_681 : i32 to vector<16x1xi32>
        %parallel_loop3A_683 = vector.shape_cast %parallel_loop3A_682 : vector<16x1xi32> to vector<16xi32>
        %parallel_loop3A_684 = tpu.dynamic_gather %parallel_loop3A_277[%parallel_loop3A_683] in [0] : vector<16xf32>, vector<16xi32> -> vector<16xf32>
        %parallel_loop3A_685 = arith.addi %mul3A_1, %parallel_loop3A_680 : vector<16xi32>
        tpu.vector_store_idx %arg14[%parallel_loop3A_685], %parallel_loop3A_684 masked %parallel_loop3A_658 {add = true} : memref<110720xf32, #tpu.memory_space<vmem>>[vector<16xi32>], vector<16xf32>, vector<16xi1>
        %parallel_loop3A_686 = arith.constant 12 : i32
        %parallel_loop3A_687 = vector.broadcast %parallel_loop3A_686 : i32 to vector<16x1xi32>
        %parallel_loop3A_688 = vector.shape_cast %parallel_loop3A_687 : vector<16x1xi32> to vector<16xi32>
        %parallel_loop3A_689 = tpu.dynamic_gather %parallel_loop3A_241[%parallel_loop3A_688] in [0] : vector<16xi32>, vector<16xi32> -> vector<16xi32>
        %parallel_loop3A_690 = arith.andi %parallel_loop3A_689, %shift_left3A_6 : vector<16xi32>
        %parallel_loop3A_691 = vector.broadcast %scan3A_41 : i32 to vector<16xi32>
        %parallel_loop3A_692 = arith.cmpi ne, %parallel_loop3A_690, %parallel_loop3A_691 : vector<16xi32>
        %parallel_loop3A_693 = arith.constant 4 : i32
        %parallel_loop3A_694 = vector.broadcast %parallel_loop3A_693 : i32 to vector<16x1xi32>
        %parallel_loop3A_695 = vector.shape_cast %parallel_loop3A_694 : vector<16x1xi32> to vector<16xi32>
        %parallel_loop3A_696 = tpu.dynamic_gather %parallel_loop3A_259[%parallel_loop3A_695] in [0] : vector<16xi32>, vector<16xi32> -> vector<16xi32>
        %parallel_loop3A_697 = arith.constant 4 : i32
        %parallel_loop3A_698 = vector.broadcast %parallel_loop3A_697 : i32 to vector<16x1xi32>
        %parallel_loop3A_699 = vector.shape_cast %parallel_loop3A_698 : vector<16x1xi32> to vector<16xi32>
        %parallel_loop3A_700 = tpu.dynamic_gather %parallel_loop3A_277[%parallel_loop3A_699] in [0] : vector<16xf32>, vector<16xi32> -> vector<16xf32>
        %parallel_loop3A_701 = arith.addi %mul3A_1, %parallel_loop3A_696 : vector<16xi32>
        tpu.vector_store_idx %arg14[%parallel_loop3A_701], %parallel_loop3A_700 masked %parallel_loop3A_692 {add = true} : memref<110720xf32, #tpu.memory_space<vmem>>[vector<16xi32>], vector<16xf32>, vector<16xi1>
        %parallel_loop3A_702 = arith.constant 5 : i32
        %parallel_loop3A_703 = vector.broadcast %parallel_loop3A_702 : i32 to vector<16x1xi32>
        %parallel_loop3A_704 = vector.shape_cast %parallel_loop3A_703 : vector<16x1xi32> to vector<16xi32>
        %parallel_loop3A_705 = tpu.dynamic_gather %parallel_loop3A_259[%parallel_loop3A_704] in [0] : vector<16xi32>, vector<16xi32> -> vector<16xi32>
        %parallel_loop3A_706 = arith.constant 5 : i32
        %parallel_loop3A_707 = vector.broadcast %parallel_loop3A_706 : i32 to vector<16x1xi32>
        %parallel_loop3A_708 = vector.shape_cast %parallel_loop3A_707 : vector<16x1xi32> to vector<16xi32>
        %parallel_loop3A_709 = tpu.dynamic_gather %parallel_loop3A_277[%parallel_loop3A_708] in [0] : vector<16xf32>, vector<16xi32> -> vector<16xf32>
        %parallel_loop3A_710 = arith.addi %mul3A_1, %parallel_loop3A_705 : vector<16xi32>
        tpu.vector_store_idx %arg14[%parallel_loop3A_710], %parallel_loop3A_709 masked %parallel_loop3A_692 {add = true} : memref<110720xf32, #tpu.memory_space<vmem>>[vector<16xi32>], vector<16xf32>, vector<16xi1>
        %parallel_loop3A_711 = arith.constant 6 : i32
        %parallel_loop3A_712 = vector.broadcast %parallel_loop3A_711 : i32 to vector<16x1xi32>
        %parallel_loop3A_713 = vector.shape_cast %parallel_loop3A_712 : vector<16x1xi32> to vector<16xi32>
        %parallel_loop3A_714 = tpu.dynamic_gather %parallel_loop3A_259[%parallel_loop3A_713] in [0] : vector<16xi32>, vector<16xi32> -> vector<16xi32>
        %parallel_loop3A_715 = arith.constant 6 : i32
        %parallel_loop3A_716 = vector.broadcast %parallel_loop3A_715 : i32 to vector<16x1xi32>
        %parallel_loop3A_717 = vector.shape_cast %parallel_loop3A_716 : vector<16x1xi32> to vector<16xi32>
        %parallel_loop3A_718 = tpu.dynamic_gather %parallel_loop3A_277[%parallel_loop3A_717] in [0] : vector<16xf32>, vector<16xi32> -> vector<16xf32>
        %parallel_loop3A_719 = arith.addi %mul3A_1, %parallel_loop3A_714 : vector<16xi32>
        tpu.vector_store_idx %arg14[%parallel_loop3A_719], %parallel_loop3A_718 masked %parallel_loop3A_692 {add = true} : memref<110720xf32, #tpu.memory_space<vmem>>[vector<16xi32>], vector<16xf32>, vector<16xi1>
        %parallel_loop3A_720 = arith.constant 13 : i32
        %parallel_loop3A_721 = vector.broadcast %parallel_loop3A_720 : i32 to vector<16x1xi32>
        %parallel_loop3A_722 = vector.shape_cast %parallel_loop3A_721 : vector<16x1xi32> to vector<16xi32>
        %parallel_loop3A_723 = tpu.dynamic_gather %parallel_loop3A_241[%parallel_loop3A_722] in [0] : vector<16xi32>, vector<16xi32> -> vector<16xi32>
        %parallel_loop3A_724 = arith.andi %parallel_loop3A_723, %shift_left3A_6 : vector<16xi32>
        %parallel_loop3A_725 = vector.broadcast %scan3A_41 : i32 to vector<16xi32>
        %parallel_loop3A_726 = arith.cmpi ne, %parallel_loop3A_724, %parallel_loop3A_725 : vector<16xi32>
        %parallel_loop3A_727 = arith.constant 7 : i32
        %parallel_loop3A_728 = vector.broadcast %parallel_loop3A_727 : i32 to vector<16x1xi32>
        %parallel_loop3A_729 = vector.shape_cast %parallel_loop3A_728 : vector<16x1xi32> to vector<16xi32>
        %parallel_loop3A_730 = tpu.dynamic_gather %parallel_loop3A_259[%parallel_loop3A_729] in [0] : vector<16xi32>, vector<16xi32> -> vector<16xi32>
        %parallel_loop3A_731 = arith.constant 7 : i32
        %parallel_loop3A_732 = vector.broadcast %parallel_loop3A_731 : i32 to vector<16x1xi32>
        %parallel_loop3A_733 = vector.shape_cast %parallel_loop3A_732 : vector<16x1xi32> to vector<16xi32>
        %parallel_loop3A_734 = tpu.dynamic_gather %parallel_loop3A_277[%parallel_loop3A_733] in [0] : vector<16xf32>, vector<16xi32> -> vector<16xf32>
        %parallel_loop3A_735 = arith.addi %mul3A_1, %parallel_loop3A_730 : vector<16xi32>
        tpu.vector_store_idx %arg14[%parallel_loop3A_735], %parallel_loop3A_734 masked %parallel_loop3A_726 {add = true} : memref<110720xf32, #tpu.memory_space<vmem>>[vector<16xi32>], vector<16xf32>, vector<16xi1>
        %parallel_loop3A_736 = arith.constant 8 : i32
        %parallel_loop3A_737 = vector.broadcast %parallel_loop3A_736 : i32 to vector<16x1xi32>
        %parallel_loop3A_738 = vector.shape_cast %parallel_loop3A_737 : vector<16x1xi32> to vector<16xi32>
        %parallel_loop3A_739 = tpu.dynamic_gather %parallel_loop3A_259[%parallel_loop3A_738] in [0] : vector<16xi32>, vector<16xi32> -> vector<16xi32>
        %parallel_loop3A_740 = arith.constant 8 : i32
        %parallel_loop3A_741 = vector.broadcast %parallel_loop3A_740 : i32 to vector<16x1xi32>
        %parallel_loop3A_742 = vector.shape_cast %parallel_loop3A_741 : vector<16x1xi32> to vector<16xi32>
        %parallel_loop3A_743 = tpu.dynamic_gather %parallel_loop3A_277[%parallel_loop3A_742] in [0] : vector<16xf32>, vector<16xi32> -> vector<16xf32>
        %parallel_loop3A_744 = arith.addi %mul3A_1, %parallel_loop3A_739 : vector<16xi32>
        tpu.vector_store_idx %arg14[%parallel_loop3A_744], %parallel_loop3A_743 masked %parallel_loop3A_726 {add = true} : memref<110720xf32, #tpu.memory_space<vmem>>[vector<16xi32>], vector<16xf32>, vector<16xi1>
        %parallel_loop3A_745 = arith.constant 9 : i32
        %parallel_loop3A_746 = vector.broadcast %parallel_loop3A_745 : i32 to vector<16x1xi32>
        %parallel_loop3A_747 = vector.shape_cast %parallel_loop3A_746 : vector<16x1xi32> to vector<16xi32>
        %parallel_loop3A_748 = tpu.dynamic_gather %parallel_loop3A_259[%parallel_loop3A_747] in [0] : vector<16xi32>, vector<16xi32> -> vector<16xi32>
        %parallel_loop3A_749 = arith.constant 9 : i32
        %parallel_loop3A_750 = vector.broadcast %parallel_loop3A_749 : i32 to vector<16x1xi32>
        %parallel_loop3A_751 = vector.shape_cast %parallel_loop3A_750 : vector<16x1xi32> to vector<16xi32>
        %parallel_loop3A_752 = tpu.dynamic_gather %parallel_loop3A_277[%parallel_loop3A_751] in [0] : vector<16xf32>, vector<16xi32> -> vector<16xf32>
        %parallel_loop3A_753 = arith.addi %mul3A_1, %parallel_loop3A_748 : vector<16xi32>
        tpu.vector_store_idx %arg14[%parallel_loop3A_753], %parallel_loop3A_752 masked %parallel_loop3A_726 {add = true} : memref<110720xf32, #tpu.memory_space<vmem>>[vector<16xi32>], vector<16xf32>, vector<16xi1>
        %parallel_loop3A_754 = arith.constant 14 : i32
        %parallel_loop3A_755 = vector.broadcast %parallel_loop3A_754 : i32 to vector<16x1xi32>
        %parallel_loop3A_756 = vector.shape_cast %parallel_loop3A_755 : vector<16x1xi32> to vector<16xi32>
        %parallel_loop3A_757 = tpu.dynamic_gather %parallel_loop3A_241[%parallel_loop3A_756] in [0] : vector<16xi32>, vector<16xi32> -> vector<16xi32>
        %parallel_loop3A_758 = arith.andi %parallel_loop3A_757, %shift_left3A_6 : vector<16xi32>
        %parallel_loop3A_759 = vector.broadcast %scan3A_41 : i32 to vector<16xi32>
        %parallel_loop3A_760 = arith.cmpi ne, %parallel_loop3A_758, %parallel_loop3A_759 : vector<16xi32>
        %parallel_loop3A_761 = arith.constant 10 : i32
        %parallel_loop3A_762 = vector.broadcast %parallel_loop3A_761 : i32 to vector<16x1xi32>
        %parallel_loop3A_763 = vector.shape_cast %parallel_loop3A_762 : vector<16x1xi32> to vector<16xi32>
        %parallel_loop3A_764 = tpu.dynamic_gather %parallel_loop3A_259[%parallel_loop3A_763] in [0] : vector<16xi32>, vector<16xi32> -> vector<16xi32>
        %parallel_loop3A_765 = arith.constant 10 : i32
        %parallel_loop3A_766 = vector.broadcast %parallel_loop3A_765 : i32 to vector<16x1xi32>
        %parallel_loop3A_767 = vector.shape_cast %parallel_loop3A_766 : vector<16x1xi32> to vector<16xi32>
        %parallel_loop3A_768 = tpu.dynamic_gather %parallel_loop3A_277[%parallel_loop3A_767] in [0] : vector<16xf32>, vector<16xi32> -> vector<16xf32>
        %parallel_loop3A_769 = arith.addi %mul3A_1, %parallel_loop3A_764 : vector<16xi32>
        tpu.vector_store_idx %arg14[%parallel_loop3A_769], %parallel_loop3A_768 masked %parallel_loop3A_760 {add = true} : memref<110720xf32, #tpu.memory_space<vmem>>[vector<16xi32>], vector<16xf32>, vector<16xi1>
        %parallel_loop3A_770 = arith.constant 11 : i32
        %parallel_loop3A_771 = vector.broadcast %parallel_loop3A_770 : i32 to vector<16x1xi32>
        %parallel_loop3A_772 = vector.shape_cast %parallel_loop3A_771 : vector<16x1xi32> to vector<16xi32>
        %parallel_loop3A_773 = tpu.dynamic_gather %parallel_loop3A_259[%parallel_loop3A_772] in [0] : vector<16xi32>, vector<16xi32> -> vector<16xi32>
        %parallel_loop3A_774 = arith.constant 11 : i32
        %parallel_loop3A_775 = vector.broadcast %parallel_loop3A_774 : i32 to vector<16x1xi32>
        %parallel_loop3A_776 = vector.shape_cast %parallel_loop3A_775 : vector<16x1xi32> to vector<16xi32>
        %parallel_loop3A_777 = tpu.dynamic_gather %parallel_loop3A_277[%parallel_loop3A_776] in [0] : vector<16xf32>, vector<16xi32> -> vector<16xf32>
        %parallel_loop3A_778 = arith.addi %mul3A_1, %parallel_loop3A_773 : vector<16xi32>
        tpu.vector_store_idx %arg14[%parallel_loop3A_778], %parallel_loop3A_777 masked %parallel_loop3A_760 {add = true} : memref<110720xf32, #tpu.memory_space<vmem>>[vector<16xi32>], vector<16xf32>, vector<16xi1>
        %parallel_loop3A_779 = arith.constant 12 : i32
        %parallel_loop3A_780 = vector.broadcast %parallel_loop3A_779 : i32 to vector<16x1xi32>
        %parallel_loop3A_781 = vector.shape_cast %parallel_loop3A_780 : vector<16x1xi32> to vector<16xi32>
        %parallel_loop3A_782 = tpu.dynamic_gather %parallel_loop3A_259[%parallel_loop3A_781] in [0] : vector<16xi32>, vector<16xi32> -> vector<16xi32>
        %parallel_loop3A_783 = arith.constant 12 : i32
        %parallel_loop3A_784 = vector.broadcast %parallel_loop3A_783 : i32 to vector<16x1xi32>
        %parallel_loop3A_785 = vector.shape_cast %parallel_loop3A_784 : vector<16x1xi32> to vector<16xi32>
        %parallel_loop3A_786 = tpu.dynamic_gather %parallel_loop3A_277[%parallel_loop3A_785] in [0] : vector<16xf32>, vector<16xi32> -> vector<16xf32>
        %parallel_loop3A_787 = arith.addi %mul3A_1, %parallel_loop3A_782 : vector<16xi32>
        tpu.vector_store_idx %arg14[%parallel_loop3A_787], %parallel_loop3A_786 masked %parallel_loop3A_760 {add = true} : memref<110720xf32, #tpu.memory_space<vmem>>[vector<16xi32>], vector<16xf32>, vector<16xi1>
        %parallel_loop3A_788 = arith.constant 15 : i32
        %parallel_loop3A_789 = vector.broadcast %parallel_loop3A_788 : i32 to vector<16x1xi32>
        %parallel_loop3A_790 = vector.shape_cast %parallel_loop3A_789 : vector<16x1xi32> to vector<16xi32>
        %parallel_loop3A_791 = tpu.dynamic_gather %parallel_loop3A_241[%parallel_loop3A_790] in [0] : vector<16xi32>, vector<16xi32> -> vector<16xi32>
        %parallel_loop3A_792 = arith.andi %parallel_loop3A_791, %shift_left3A_6 : vector<16xi32>
        %parallel_loop3A_793 = vector.broadcast %scan3A_41 : i32 to vector<16xi32>
        %parallel_loop3A_794 = arith.cmpi ne, %parallel_loop3A_792, %parallel_loop3A_793 : vector<16xi32>
        %parallel_loop3A_795 = arith.constant 13 : i32
        %parallel_loop3A_796 = vector.broadcast %parallel_loop3A_795 : i32 to vector<16x1xi32>
        %parallel_loop3A_797 = vector.shape_cast %parallel_loop3A_796 : vector<16x1xi32> to vector<16xi32>
        %parallel_loop3A_798 = tpu.dynamic_gather %parallel_loop3A_259[%parallel_loop3A_797] in [0] : vector<16xi32>, vector<16xi32> -> vector<16xi32>
        %parallel_loop3A_799 = arith.constant 13 : i32
        %parallel_loop3A_800 = vector.broadcast %parallel_loop3A_799 : i32 to vector<16x1xi32>
        %parallel_loop3A_801 = vector.shape_cast %parallel_loop3A_800 : vector<16x1xi32> to vector<16xi32>
        %parallel_loop3A_802 = tpu.dynamic_gather %parallel_loop3A_277[%parallel_loop3A_801] in [0] : vector<16xf32>, vector<16xi32> -> vector<16xf32>
        %parallel_loop3A_803 = arith.addi %mul3A_1, %parallel_loop3A_798 : vector<16xi32>
        tpu.vector_store_idx %arg14[%parallel_loop3A_803], %parallel_loop3A_802 masked %parallel_loop3A_794 {add = true} : memref<110720xf32, #tpu.memory_space<vmem>>[vector<16xi32>], vector<16xf32>, vector<16xi1>
        %parallel_loop3A_804 = arith.constant 14 : i32
        %parallel_loop3A_805 = vector.broadcast %parallel_loop3A_804 : i32 to vector<16x1xi32>
        %parallel_loop3A_806 = vector.shape_cast %parallel_loop3A_805 : vector<16x1xi32> to vector<16xi32>
        %parallel_loop3A_807 = tpu.dynamic_gather %parallel_loop3A_259[%parallel_loop3A_806] in [0] : vector<16xi32>, vector<16xi32> -> vector<16xi32>
        %parallel_loop3A_808 = arith.constant 14 : i32
        %parallel_loop3A_809 = vector.broadcast %parallel_loop3A_808 : i32 to vector<16x1xi32>
        %parallel_loop3A_810 = vector.shape_cast %parallel_loop3A_809 : vector<16x1xi32> to vector<16xi32>
        %parallel_loop3A_811 = tpu.dynamic_gather %parallel_loop3A_277[%parallel_loop3A_810] in [0] : vector<16xf32>, vector<16xi32> -> vector<16xf32>
        %parallel_loop3A_812 = arith.addi %mul3A_1, %parallel_loop3A_807 : vector<16xi32>
        tpu.vector_store_idx %arg14[%parallel_loop3A_812], %parallel_loop3A_811 masked %parallel_loop3A_794 {add = true} : memref<110720xf32, #tpu.memory_space<vmem>>[vector<16xi32>], vector<16xf32>, vector<16xi1>
        %parallel_loop3A_813 = arith.constant 15 : i32
        %parallel_loop3A_814 = vector.broadcast %parallel_loop3A_813 : i32 to vector<16x1xi32>
        %parallel_loop3A_815 = vector.shape_cast %parallel_loop3A_814 : vector<16x1xi32> to vector<16xi32>
        %parallel_loop3A_816 = tpu.dynamic_gather %parallel_loop3A_259[%parallel_loop3A_815] in [0] : vector<16xi32>, vector<16xi32> -> vector<16xi32>
        %parallel_loop3A_817 = arith.constant 15 : i32
        %parallel_loop3A_818 = vector.broadcast %parallel_loop3A_817 : i32 to vector<16x1xi32>
        %parallel_loop3A_819 = vector.shape_cast %parallel_loop3A_818 : vector<16x1xi32> to vector<16xi32>
        %parallel_loop3A_820 = tpu.dynamic_gather %parallel_loop3A_277[%parallel_loop3A_819] in [0] : vector<16xf32>, vector<16xi32> -> vector<16xf32>
        %parallel_loop3A_821 = arith.addi %mul3A_1, %parallel_loop3A_816 : vector<16xi32>
        tpu.vector_store_idx %arg14[%parallel_loop3A_821], %parallel_loop3A_820 masked %parallel_loop3A_794 {add = true} : memref<110720xf32, #tpu.memory_space<vmem>>[vector<16xi32>], vector<16xf32>, vector<16xi1>
      } {sc.loop_unroll_factor = 2 : i64, sc.parallel_access}
      %add3A_209 = arith.constant 2 : i32
      %add3A_210 = arith.addi %add3A_195, %add3A_209 : i32
      %lt3A = arith.constant 32 : i32
      %lt3A_211 = arith.cmpi slt, %add3A_210, %lt3A : i32
      %convert_element_type3A = arith.extui %lt3A_211 : i1 to i32
      %cond3A = arith.constant 0 : i32
      %cond3A_212 = arith.cmpi ne, %convert_element_type3A, %cond3A : i32
      scf.if %cond3A_212 {
        %add3A_237 = arith.constant 2 : i32
        %add3A_238 = arith.addi %add3A_195, %add3A_237 : i32
        %mul3A_239 = arith.constant 512 : i32
        %mul3A_240 = arith.muli %add3A_238, %mul3A_239 : i32
        %add3A_241 = arith.addi %mul3A_16, %mul3A_240 : i32
        %dma_start3A_242 = tpu.memref_slice %arg2[%add3A_241] : memref<262144xi32, #tpu.memory_space<hbm>> -> memref<512xi32, #tpu.memory_space<hbm>>
        %dma_start3A_243 = tpu.memref_slice %arg2[%add3A_241] : memref<262144xi32, #tpu.memory_space<hbm>> -> memref<512xi32, #tpu.memory_space<hbm>>
        tpu.enqueue_dma source(%dma_start3A_243 : memref<512xi32, #tpu.memory_space<hbm>>) target(%arg6 : memref<512xi32, #tpu.memory_space<vmem>>) target_semaphore(%arg9 : memref<!tpu.dma_semaphore, #tpu.memory_space<semaphore_mem>>)
        %mul3A_244 = arith.constant 1536 : i32
        %mul3A_245 = arith.muli %add3A_238, %mul3A_244 : i32
        %add3A_246 = arith.addi %mul3A_14, %mul3A_245 : i32
        %dma_start3A_247 = tpu.memref_slice %arg3[%add3A_246] : memref<786432xi32, #tpu.memory_space<hbm>> -> memref<1536xi32, #tpu.memory_space<hbm>>
        %dma_start3A_248 = tpu.memref_slice %arg3[%add3A_246] : memref<786432xi32, #tpu.memory_space<hbm>> -> memref<1536xi32, #tpu.memory_space<hbm>>
        tpu.enqueue_dma source(%dma_start3A_248 : memref<1536xi32, #tpu.memory_space<hbm>>) target(%arg7 : memref<1536xi32, #tpu.memory_space<vmem>>) target_semaphore(%arg9 : memref<!tpu.dma_semaphore, #tpu.memory_space<semaphore_mem>>)
        %mul3A_249 = arith.constant 1536 : i32
        %mul3A_250 = arith.muli %add3A_238, %mul3A_249 : i32
        %add3A_251 = arith.addi %mul3A_14, %mul3A_250 : i32
        %dma_start3A_252 = tpu.memref_slice %arg4[%add3A_251] : memref<786432xf32, #tpu.memory_space<hbm>> -> memref<1536xf32, #tpu.memory_space<hbm>>
        %dma_start3A_253 = tpu.memref_slice %arg4[%add3A_251] : memref<786432xf32, #tpu.memory_space<hbm>> -> memref<1536xf32, #tpu.memory_space<hbm>>
        tpu.enqueue_dma source(%dma_start3A_253 : memref<1536xf32, #tpu.memory_space<hbm>>) target(%arg8 : memref<1536xf32, #tpu.memory_space<vmem>>) target_semaphore(%arg9 : memref<!tpu.dma_semaphore, #tpu.memory_space<semaphore_mem>>)
      } else {
      }
      %add3A_213 = arith.constant 1 : i32
      %add3A_214 = arith.addi %mul3A_193, %add3A_213 : i32
      %dma_wait3A_215 = arith.constant 0 : i32
      %dma_wait3A_216 = tpu.memref_slice %arg2[%dma_wait3A_215] : memref<262144xi32, #tpu.memory_space<hbm>> -> memref<512xi32, #tpu.memory_space<hbm>>
      %dma_wait3A_217 = arith.constant 0 : i32
      %dma_wait3A_218 = tpu.memref_slice %arg2[%dma_wait3A_217] : memref<262144xi32, #tpu.memory_space<hbm>> -> memref<512xi32, #tpu.memory_space<hbm>>
      tpu.wait_dma2 semaphore(%arg13 : memref<!tpu.dma_semaphore, #tpu.memory_space<semaphore_mem>>) src(%dma_wait3A_218 : memref<512xi32, #tpu.memory_space<hbm>>) dst(%arg10 : memref<512xi32, #tpu.memory_space<vmem>>)
      %dma_wait3A_219 = arith.constant 0 : i32
      %dma_wait3A_220 = tpu.memref_slice %arg3[%dma_wait3A_219] : memref<786432xi32, #tpu.memory_space<hbm>> -> memref<1536xi32, #tpu.memory_space<hbm>>
      %dma_wait3A_221 = arith.constant 0 : i32
      %dma_wait3A_222 = tpu.memref_slice %arg3[%dma_wait3A_221] : memref<786432xi32, #tpu.memory_space<hbm>> -> memref<1536xi32, #tpu.memory_space<hbm>>
      tpu.wait_dma2 semaphore(%arg13 : memref<!tpu.dma_semaphore, #tpu.memory_space<semaphore_mem>>) src(%dma_wait3A_222 : memref<1536xi32, #tpu.memory_space<hbm>>) dst(%arg11 : memref<1536xi32, #tpu.memory_space<vmem>>)
      %dma_wait3A_223 = arith.constant 0 : i32
      %dma_wait3A_224 = tpu.memref_slice %arg4[%dma_wait3A_223] : memref<786432xf32, #tpu.memory_space<hbm>> -> memref<1536xf32, #tpu.memory_space<hbm>>
      %dma_wait3A_225 = arith.constant 0 : i32
      %dma_wait3A_226 = tpu.memref_slice %arg4[%dma_wait3A_225] : memref<786432xf32, #tpu.memory_space<hbm>> -> memref<1536xf32, #tpu.memory_space<hbm>>
      tpu.wait_dma2 semaphore(%arg13 : memref<!tpu.dma_semaphore, #tpu.memory_space<semaphore_mem>>) src(%dma_wait3A_226 : memref<1536xf32, #tpu.memory_space<hbm>>) dst(%arg12 : memref<1536xf32, #tpu.memory_space<vmem>>)
      %parallel_loop3A_227 = arith.constant 0 : i32
      %parallel_loop3A_228 = arith.constant 32 : i32
      %parallel_loop3A_229 = arith.constant 1 : i32
      scf.for %parallel_loop3A_237 = %parallel_loop3A_227 to %parallel_loop3A_228 step %parallel_loop3A_229  : i32 {
        %parallel_loop3A_238 = arith.constant 16 : i32
        %parallel_loop3A_239 = arith.muli %parallel_loop3A_237, %parallel_loop3A_238 : i32
        %parallel_loop3A_240 = arith.index_cast %parallel_loop3A_239 : i32 to index
        %parallel_loop3A_241 = tpu.vector_load %arg10[%parallel_loop3A_240] {strides = array<i32>} : memref<512xi32, #tpu.memory_space<vmem>>, vector<16xi32>,
        %parallel_loop3A_242 = arith.constant 3 : i32
        %parallel_loop3A_243 = arith.muli %parallel_loop3A_239, %parallel_loop3A_242 : i32
        %parallel_loop3A_244 = arith.constant 0 : i32
        %parallel_loop3A_245 = arith.addi %parallel_loop3A_243, %parallel_loop3A_244 : i32
        %parallel_loop3A_246 = arith.index_cast %parallel_loop3A_245 : i32 to index
        %parallel_loop3A_247 = tpu.vector_load %arg11[%parallel_loop3A_246] {strides = array<i32>} : memref<1536xi32, #tpu.memory_space<vmem>>, vector<16xi32>,
        %parallel_loop3A_248 = arith.constant 3 : i32
        %parallel_loop3A_249 = arith.muli %parallel_loop3A_239, %parallel_loop3A_248 : i32
        %parallel_loop3A_250 = arith.constant 16 : i32
        %parallel_loop3A_251 = arith.addi %parallel_loop3A_249, %parallel_loop3A_250 : i32
        %parallel_loop3A_252 = arith.index_cast %parallel_loop3A_251 : i32 to index
        %parallel_loop3A_253 = tpu.vector_load %arg11[%parallel_loop3A_252] {strides = array<i32>} : memref<1536xi32, #tpu.memory_space<vmem>>, vector<16xi32>,
        %parallel_loop3A_254 = arith.constant 3 : i32
        %parallel_loop3A_255 = arith.muli %parallel_loop3A_239, %parallel_loop3A_254 : i32
        %parallel_loop3A_256 = arith.constant 32 : i32
        %parallel_loop3A_257 = arith.addi %parallel_loop3A_255, %parallel_loop3A_256 : i32
        %parallel_loop3A_258 = arith.index_cast %parallel_loop3A_257 : i32 to index
        %parallel_loop3A_259 = tpu.vector_load %arg11[%parallel_loop3A_258] {strides = array<i32>} : memref<1536xi32, #tpu.memory_space<vmem>>, vector<16xi32>,
        %parallel_loop3A_260 = arith.constant 3 : i32
        %parallel_loop3A_261 = arith.muli %parallel_loop3A_239, %parallel_loop3A_260 : i32
        %parallel_loop3A_262 = arith.constant 0 : i32
        %parallel_loop3A_263 = arith.addi %parallel_loop3A_261, %parallel_loop3A_262 : i32
        %parallel_loop3A_264 = arith.index_cast %parallel_loop3A_263 : i32 to index
        %parallel_loop3A_265 = tpu.vector_load %arg12[%parallel_loop3A_264] {strides = array<i32>} : memref<1536xf32, #tpu.memory_space<vmem>>, vector<16xf32>,
        %parallel_loop3A_266 = arith.constant 3 : i32
        %parallel_loop3A_267 = arith.muli %parallel_loop3A_239, %parallel_loop3A_266 : i32
        %parallel_loop3A_268 = arith.constant 16 : i32
        %parallel_loop3A_269 = arith.addi %parallel_loop3A_267, %parallel_loop3A_268 : i32
        %parallel_loop3A_270 = arith.index_cast %parallel_loop3A_269 : i32 to index
        %parallel_loop3A_271 = tpu.vector_load %arg12[%parallel_loop3A_270] {strides = array<i32>} : memref<1536xf32, #tpu.memory_space<vmem>>, vector<16xf32>,
        %parallel_loop3A_272 = arith.constant 3 : i32
        %parallel_loop3A_273 = arith.muli %parallel_loop3A_239, %parallel_loop3A_272 : i32
        %parallel_loop3A_274 = arith.constant 32 : i32
        %parallel_loop3A_275 = arith.addi %parallel_loop3A_273, %parallel_loop3A_274 : i32
        %parallel_loop3A_276 = arith.index_cast %parallel_loop3A_275 : i32 to index
        %parallel_loop3A_277 = tpu.vector_load %arg12[%parallel_loop3A_276] {strides = array<i32>} : memref<1536xf32, #tpu.memory_space<vmem>>, vector<16xf32>,
        %parallel_loop3A_278 = arith.constant 0 : i32
        %parallel_loop3A_279 = vector.broadcast %parallel_loop3A_278 : i32 to vector<16x1xi32>
        %parallel_loop3A_280 = vector.shape_cast %parallel_loop3A_279 : vector<16x1xi32> to vector<16xi32>
        %parallel_loop3A_281 = tpu.dynamic_gather %parallel_loop3A_241[%parallel_loop3A_280] in [0] : vector<16xi32>, vector<16xi32> -> vector<16xi32>
        %parallel_loop3A_282 = arith.andi %parallel_loop3A_281, %shift_left3A_6 : vector<16xi32>
        %parallel_loop3A_283 = vector.broadcast %scan3A_41 : i32 to vector<16xi32>
        %parallel_loop3A_284 = arith.cmpi ne, %parallel_loop3A_282, %parallel_loop3A_283 : vector<16xi32>
        %parallel_loop3A_285 = arith.constant 0 : i32
        %parallel_loop3A_286 = vector.broadcast %parallel_loop3A_285 : i32 to vector<16x1xi32>
        %parallel_loop3A_287 = vector.shape_cast %parallel_loop3A_286 : vector<16x1xi32> to vector<16xi32>
        %parallel_loop3A_288 = tpu.dynamic_gather %parallel_loop3A_247[%parallel_loop3A_287] in [0] : vector<16xi32>, vector<16xi32> -> vector<16xi32>
        %parallel_loop3A_289 = arith.constant 0 : i32
        %parallel_loop3A_290 = vector.broadcast %parallel_loop3A_289 : i32 to vector<16x1xi32>
        %parallel_loop3A_291 = vector.shape_cast %parallel_loop3A_290 : vector<16x1xi32> to vector<16xi32>
        %parallel_loop3A_292 = tpu.dynamic_gather %parallel_loop3A_265[%parallel_loop3A_291] in [0] : vector<16xf32>, vector<16xi32> -> vector<16xf32>
        %parallel_loop3A_293 = arith.addi %mul3A_1, %parallel_loop3A_288 : vector<16xi32>
        tpu.vector_store_idx %arg14[%parallel_loop3A_293], %parallel_loop3A_292 masked %parallel_loop3A_284 {add = true} : memref<110720xf32, #tpu.memory_space<vmem>>[vector<16xi32>], vector<16xf32>, vector<16xi1>
        %parallel_loop3A_294 = arith.constant 1 : i32
        %parallel_loop3A_295 = vector.broadcast %parallel_loop3A_294 : i32 to vector<16x1xi32>
        %parallel_loop3A_296 = vector.shape_cast %parallel_loop3A_295 : vector<16x1xi32> to vector<16xi32>
        %parallel_loop3A_297 = tpu.dynamic_gather %parallel_loop3A_247[%parallel_loop3A_296] in [0] : vector<16xi32>, vector<16xi32> -> vector<16xi32>
        %parallel_loop3A_298 = arith.constant 1 : i32
        %parallel_loop3A_299 = vector.broadcast %parallel_loop3A_298 : i32 to vector<16x1xi32>
        %parallel_loop3A_300 = vector.shape_cast %parallel_loop3A_299 : vector<16x1xi32> to vector<16xi32>
        %parallel_loop3A_301 = tpu.dynamic_gather %parallel_loop3A_265[%parallel_loop3A_300] in [0] : vector<16xf32>, vector<16xi32> -> vector<16xf32>
        %parallel_loop3A_302 = arith.addi %mul3A_1, %parallel_loop3A_297 : vector<16xi32>
        tpu.vector_store_idx %arg14[%parallel_loop3A_302], %parallel_loop3A_301 masked %parallel_loop3A_284 {add = true} : memref<110720xf32, #tpu.memory_space<vmem>>[vector<16xi32>], vector<16xf32>, vector<16xi1>
        %parallel_loop3A_303 = arith.constant 2 : i32
        %parallel_loop3A_304 = vector.broadcast %parallel_loop3A_303 : i32 to vector<16x1xi32>
        %parallel_loop3A_305 = vector.shape_cast %parallel_loop3A_304 : vector<16x1xi32> to vector<16xi32>
        %parallel_loop3A_306 = tpu.dynamic_gather %parallel_loop3A_247[%parallel_loop3A_305] in [0] : vector<16xi32>, vector<16xi32> -> vector<16xi32>
        %parallel_loop3A_307 = arith.constant 2 : i32
        %parallel_loop3A_308 = vector.broadcast %parallel_loop3A_307 : i32 to vector<16x1xi32>
        %parallel_loop3A_309 = vector.shape_cast %parallel_loop3A_308 : vector<16x1xi32> to vector<16xi32>
        %parallel_loop3A_310 = tpu.dynamic_gather %parallel_loop3A_265[%parallel_loop3A_309] in [0] : vector<16xf32>, vector<16xi32> -> vector<16xf32>
        %parallel_loop3A_311 = arith.addi %mul3A_1, %parallel_loop3A_306 : vector<16xi32>
        tpu.vector_store_idx %arg14[%parallel_loop3A_311], %parallel_loop3A_310 masked %parallel_loop3A_284 {add = true} : memref<110720xf32, #tpu.memory_space<vmem>>[vector<16xi32>], vector<16xf32>, vector<16xi1>
        %parallel_loop3A_312 = arith.constant 1 : i32
        %parallel_loop3A_313 = vector.broadcast %parallel_loop3A_312 : i32 to vector<16x1xi32>
        %parallel_loop3A_314 = vector.shape_cast %parallel_loop3A_313 : vector<16x1xi32> to vector<16xi32>
        %parallel_loop3A_315 = tpu.dynamic_gather %parallel_loop3A_241[%parallel_loop3A_314] in [0] : vector<16xi32>, vector<16xi32> -> vector<16xi32>
        %parallel_loop3A_316 = arith.andi %parallel_loop3A_315, %shift_left3A_6 : vector<16xi32>
        %parallel_loop3A_317 = vector.broadcast %scan3A_41 : i32 to vector<16xi32>
        %parallel_loop3A_318 = arith.cmpi ne, %parallel_loop3A_316, %parallel_loop3A_317 : vector<16xi32>
        %parallel_loop3A_319 = arith.constant 3 : i32
        %parallel_loop3A_320 = vector.broadcast %parallel_loop3A_319 : i32 to vector<16x1xi32>
        %parallel_loop3A_321 = vector.shape_cast %parallel_loop3A_320 : vector<16x1xi32> to vector<16xi32>
        %parallel_loop3A_322 = tpu.dynamic_gather %parallel_loop3A_247[%parallel_loop3A_321] in [0] : vector<16xi32>, vector<16xi32> -> vector<16xi32>
        %parallel_loop3A_323 = arith.constant 3 : i32
        %parallel_loop3A_324 = vector.broadcast %parallel_loop3A_323 : i32 to vector<16x1xi32>
        %parallel_loop3A_325 = vector.shape_cast %parallel_loop3A_324 : vector<16x1xi32> to vector<16xi32>
        %parallel_loop3A_326 = tpu.dynamic_gather %parallel_loop3A_265[%parallel_loop3A_325] in [0] : vector<16xf32>, vector<16xi32> -> vector<16xf32>
        %parallel_loop3A_327 = arith.addi %mul3A_1, %parallel_loop3A_322 : vector<16xi32>
        tpu.vector_store_idx %arg14[%parallel_loop3A_327], %parallel_loop3A_326 masked %parallel_loop3A_318 {add = true} : memref<110720xf32, #tpu.memory_space<vmem>>[vector<16xi32>], vector<16xf32>, vector<16xi1>
        %parallel_loop3A_328 = arith.constant 4 : i32
        %parallel_loop3A_329 = vector.broadcast %parallel_loop3A_328 : i32 to vector<16x1xi32>
        %parallel_loop3A_330 = vector.shape_cast %parallel_loop3A_329 : vector<16x1xi32> to vector<16xi32>
        %parallel_loop3A_331 = tpu.dynamic_gather %parallel_loop3A_247[%parallel_loop3A_330] in [0] : vector<16xi32>, vector<16xi32> -> vector<16xi32>
        %parallel_loop3A_332 = arith.constant 4 : i32
        %parallel_loop3A_333 = vector.broadcast %parallel_loop3A_332 : i32 to vector<16x1xi32>
        %parallel_loop3A_334 = vector.shape_cast %parallel_loop3A_333 : vector<16x1xi32> to vector<16xi32>
        %parallel_loop3A_335 = tpu.dynamic_gather %parallel_loop3A_265[%parallel_loop3A_334] in [0] : vector<16xf32>, vector<16xi32> -> vector<16xf32>
        %parallel_loop3A_336 = arith.addi %mul3A_1, %parallel_loop3A_331 : vector<16xi32>
        tpu.vector_store_idx %arg14[%parallel_loop3A_336], %parallel_loop3A_335 masked %parallel_loop3A_318 {add = true} : memref<110720xf32, #tpu.memory_space<vmem>>[vector<16xi32>], vector<16xf32>, vector<16xi1>
        %parallel_loop3A_337 = arith.constant 5 : i32
        %parallel_loop3A_338 = vector.broadcast %parallel_loop3A_337 : i32 to vector<16x1xi32>
        %parallel_loop3A_339 = vector.shape_cast %parallel_loop3A_338 : vector<16x1xi32> to vector<16xi32>
        %parallel_loop3A_340 = tpu.dynamic_gather %parallel_loop3A_247[%parallel_loop3A_339] in [0] : vector<16xi32>, vector<16xi32> -> vector<16xi32>
        %parallel_loop3A_341 = arith.constant 5 : i32
        %parallel_loop3A_342 = vector.broadcast %parallel_loop3A_341 : i32 to vector<16x1xi32>
        %parallel_loop3A_343 = vector.shape_cast %parallel_loop3A_342 : vector<16x1xi32> to vector<16xi32>
        %parallel_loop3A_344 = tpu.dynamic_gather %parallel_loop3A_265[%parallel_loop3A_343] in [0] : vector<16xf32>, vector<16xi32> -> vector<16xf32>
        %parallel_loop3A_345 = arith.addi %mul3A_1, %parallel_loop3A_340 : vector<16xi32>
        tpu.vector_store_idx %arg14[%parallel_loop3A_345], %parallel_loop3A_344 masked %parallel_loop3A_318 {add = true} : memref<110720xf32, #tpu.memory_space<vmem>>[vector<16xi32>], vector<16xf32>, vector<16xi1>
        %parallel_loop3A_346 = arith.constant 2 : i32
        %parallel_loop3A_347 = vector.broadcast %parallel_loop3A_346 : i32 to vector<16x1xi32>
        %parallel_loop3A_348 = vector.shape_cast %parallel_loop3A_347 : vector<16x1xi32> to vector<16xi32>
        %parallel_loop3A_349 = tpu.dynamic_gather %parallel_loop3A_241[%parallel_loop3A_348] in [0] : vector<16xi32>, vector<16xi32> -> vector<16xi32>
        %parallel_loop3A_350 = arith.andi %parallel_loop3A_349, %shift_left3A_6 : vector<16xi32>
        %parallel_loop3A_351 = vector.broadcast %scan3A_41 : i32 to vector<16xi32>
        %parallel_loop3A_352 = arith.cmpi ne, %parallel_loop3A_350, %parallel_loop3A_351 : vector<16xi32>
        %parallel_loop3A_353 = arith.constant 6 : i32
        %parallel_loop3A_354 = vector.broadcast %parallel_loop3A_353 : i32 to vector<16x1xi32>
        %parallel_loop3A_355 = vector.shape_cast %parallel_loop3A_354 : vector<16x1xi32> to vector<16xi32>
        %parallel_loop3A_356 = tpu.dynamic_gather %parallel_loop3A_247[%parallel_loop3A_355] in [0] : vector<16xi32>, vector<16xi32> -> vector<16xi32>
        %parallel_loop3A_357 = arith.constant 6 : i32
        %parallel_loop3A_358 = vector.broadcast %parallel_loop3A_357 : i32 to vector<16x1xi32>
        %parallel_loop3A_359 = vector.shape_cast %parallel_loop3A_358 : vector<16x1xi32> to vector<16xi32>
        %parallel_loop3A_360 = tpu.dynamic_gather %parallel_loop3A_265[%parallel_loop3A_359] in [0] : vector<16xf32>, vector<16xi32> -> vector<16xf32>
        %parallel_loop3A_361 = arith.addi %mul3A_1, %parallel_loop3A_356 : vector<16xi32>
        tpu.vector_store_idx %arg14[%parallel_loop3A_361], %parallel_loop3A_360 masked %parallel_loop3A_352 {add = true} : memref<110720xf32, #tpu.memory_space<vmem>>[vector<16xi32>], vector<16xf32>, vector<16xi1>
        %parallel_loop3A_362 = arith.constant 7 : i32
        %parallel_loop3A_363 = vector.broadcast %parallel_loop3A_362 : i32 to vector<16x1xi32>
        %parallel_loop3A_364 = vector.shape_cast %parallel_loop3A_363 : vector<16x1xi32> to vector<16xi32>
        %parallel_loop3A_365 = tpu.dynamic_gather %parallel_loop3A_247[%parallel_loop3A_364] in [0] : vector<16xi32>, vector<16xi32> -> vector<16xi32>
        %parallel_loop3A_366 = arith.constant 7 : i32
        %parallel_loop3A_367 = vector.broadcast %parallel_loop3A_366 : i32 to vector<16x1xi32>
        %parallel_loop3A_368 = vector.shape_cast %parallel_loop3A_367 : vector<16x1xi32> to vector<16xi32>
        %parallel_loop3A_369 = tpu.dynamic_gather %parallel_loop3A_265[%parallel_loop3A_368] in [0] : vector<16xf32>, vector<16xi32> -> vector<16xf32>
        %parallel_loop3A_370 = arith.addi %mul3A_1, %parallel_loop3A_365 : vector<16xi32>
        tpu.vector_store_idx %arg14[%parallel_loop3A_370], %parallel_loop3A_369 masked %parallel_loop3A_352 {add = true} : memref<110720xf32, #tpu.memory_space<vmem>>[vector<16xi32>], vector<16xf32>, vector<16xi1>
        %parallel_loop3A_371 = arith.constant 8 : i32
        %parallel_loop3A_372 = vector.broadcast %parallel_loop3A_371 : i32 to vector<16x1xi32>
        %parallel_loop3A_373 = vector.shape_cast %parallel_loop3A_372 : vector<16x1xi32> to vector<16xi32>
        %parallel_loop3A_374 = tpu.dynamic_gather %parallel_loop3A_247[%parallel_loop3A_373] in [0] : vector<16xi32>, vector<16xi32> -> vector<16xi32>
        %parallel_loop3A_375 = arith.constant 8 : i32
        %parallel_loop3A_376 = vector.broadcast %parallel_loop3A_375 : i32 to vector<16x1xi32>
        %parallel_loop3A_377 = vector.shape_cast %parallel_loop3A_376 : vector<16x1xi32> to vector<16xi32>
        %parallel_loop3A_378 = tpu.dynamic_gather %parallel_loop3A_265[%parallel_loop3A_377] in [0] : vector<16xf32>, vector<16xi32> -> vector<16xf32>
        %parallel_loop3A_379 = arith.addi %mul3A_1, %parallel_loop3A_374 : vector<16xi32>
        tpu.vector_store_idx %arg14[%parallel_loop3A_379], %parallel_loop3A_378 masked %parallel_loop3A_352 {add = true} : memref<110720xf32, #tpu.memory_space<vmem>>[vector<16xi32>], vector<16xf32>, vector<16xi1>
        %parallel_loop3A_380 = arith.constant 3 : i32
        %parallel_loop3A_381 = vector.broadcast %parallel_loop3A_380 : i32 to vector<16x1xi32>
        %parallel_loop3A_382 = vector.shape_cast %parallel_loop3A_381 : vector<16x1xi32> to vector<16xi32>
        %parallel_loop3A_383 = tpu.dynamic_gather %parallel_loop3A_241[%parallel_loop3A_382] in [0] : vector<16xi32>, vector<16xi32> -> vector<16xi32>
        %parallel_loop3A_384 = arith.andi %parallel_loop3A_383, %shift_left3A_6 : vector<16xi32>
        %parallel_loop3A_385 = vector.broadcast %scan3A_41 : i32 to vector<16xi32>
        %parallel_loop3A_386 = arith.cmpi ne, %parallel_loop3A_384, %parallel_loop3A_385 : vector<16xi32>
        %parallel_loop3A_387 = arith.constant 9 : i32
        %parallel_loop3A_388 = vector.broadcast %parallel_loop3A_387 : i32 to vector<16x1xi32>
        %parallel_loop3A_389 = vector.shape_cast %parallel_loop3A_388 : vector<16x1xi32> to vector<16xi32>
        %parallel_loop3A_390 = tpu.dynamic_gather %parallel_loop3A_247[%parallel_loop3A_389] in [0] : vector<16xi32>, vector<16xi32> -> vector<16xi32>
        %parallel_loop3A_391 = arith.constant 9 : i32
        %parallel_loop3A_392 = vector.broadcast %parallel_loop3A_391 : i32 to vector<16x1xi32>
        %parallel_loop3A_393 = vector.shape_cast %parallel_loop3A_392 : vector<16x1xi32> to vector<16xi32>
        %parallel_loop3A_394 = tpu.dynamic_gather %parallel_loop3A_265[%parallel_loop3A_393] in [0] : vector<16xf32>, vector<16xi32> -> vector<16xf32>
        %parallel_loop3A_395 = arith.addi %mul3A_1, %parallel_loop3A_390 : vector<16xi32>
        tpu.vector_store_idx %arg14[%parallel_loop3A_395], %parallel_loop3A_394 masked %parallel_loop3A_386 {add = true} : memref<110720xf32, #tpu.memory_space<vmem>>[vector<16xi32>], vector<16xf32>, vector<16xi1>
        %parallel_loop3A_396 = arith.constant 10 : i32
        %parallel_loop3A_397 = vector.broadcast %parallel_loop3A_396 : i32 to vector<16x1xi32>
        %parallel_loop3A_398 = vector.shape_cast %parallel_loop3A_397 : vector<16x1xi32> to vector<16xi32>
        %parallel_loop3A_399 = tpu.dynamic_gather %parallel_loop3A_247[%parallel_loop3A_398] in [0] : vector<16xi32>, vector<16xi32> -> vector<16xi32>
        %parallel_loop3A_400 = arith.constant 10 : i32
        %parallel_loop3A_401 = vector.broadcast %parallel_loop3A_400 : i32 to vector<16x1xi32>
        %parallel_loop3A_402 = vector.shape_cast %parallel_loop3A_401 : vector<16x1xi32> to vector<16xi32>
        %parallel_loop3A_403 = tpu.dynamic_gather %parallel_loop3A_265[%parallel_loop3A_402] in [0] : vector<16xf32>, vector<16xi32> -> vector<16xf32>
        %parallel_loop3A_404 = arith.addi %mul3A_1, %parallel_loop3A_399 : vector<16xi32>
        tpu.vector_store_idx %arg14[%parallel_loop3A_404], %parallel_loop3A_403 masked %parallel_loop3A_386 {add = true} : memref<110720xf32, #tpu.memory_space<vmem>>[vector<16xi32>], vector<16xf32>, vector<16xi1>
        %parallel_loop3A_405 = arith.constant 11 : i32
        %parallel_loop3A_406 = vector.broadcast %parallel_loop3A_405 : i32 to vector<16x1xi32>
        %parallel_loop3A_407 = vector.shape_cast %parallel_loop3A_406 : vector<16x1xi32> to vector<16xi32>
        %parallel_loop3A_408 = tpu.dynamic_gather %parallel_loop3A_247[%parallel_loop3A_407] in [0] : vector<16xi32>, vector<16xi32> -> vector<16xi32>
        %parallel_loop3A_409 = arith.constant 11 : i32
        %parallel_loop3A_410 = vector.broadcast %parallel_loop3A_409 : i32 to vector<16x1xi32>
        %parallel_loop3A_411 = vector.shape_cast %parallel_loop3A_410 : vector<16x1xi32> to vector<16xi32>
        %parallel_loop3A_412 = tpu.dynamic_gather %parallel_loop3A_265[%parallel_loop3A_411] in [0] : vector<16xf32>, vector<16xi32> -> vector<16xf32>
        %parallel_loop3A_413 = arith.addi %mul3A_1, %parallel_loop3A_408 : vector<16xi32>
        tpu.vector_store_idx %arg14[%parallel_loop3A_413], %parallel_loop3A_412 masked %parallel_loop3A_386 {add = true} : memref<110720xf32, #tpu.memory_space<vmem>>[vector<16xi32>], vector<16xf32>, vector<16xi1>
        %parallel_loop3A_414 = arith.constant 4 : i32
        %parallel_loop3A_415 = vector.broadcast %parallel_loop3A_414 : i32 to vector<16x1xi32>
        %parallel_loop3A_416 = vector.shape_cast %parallel_loop3A_415 : vector<16x1xi32> to vector<16xi32>
        %parallel_loop3A_417 = tpu.dynamic_gather %parallel_loop3A_241[%parallel_loop3A_416] in [0] : vector<16xi32>, vector<16xi32> -> vector<16xi32>
        %parallel_loop3A_418 = arith.andi %parallel_loop3A_417, %shift_left3A_6 : vector<16xi32>
        %parallel_loop3A_419 = vector.broadcast %scan3A_41 : i32 to vector<16xi32>
        %parallel_loop3A_420 = arith.cmpi ne, %parallel_loop3A_418, %parallel_loop3A_419 : vector<16xi32>
        %parallel_loop3A_421 = arith.constant 12 : i32
        %parallel_loop3A_422 = vector.broadcast %parallel_loop3A_421 : i32 to vector<16x1xi32>
        %parallel_loop3A_423 = vector.shape_cast %parallel_loop3A_422 : vector<16x1xi32> to vector<16xi32>
        %parallel_loop3A_424 = tpu.dynamic_gather %parallel_loop3A_247[%parallel_loop3A_423] in [0] : vector<16xi32>, vector<16xi32> -> vector<16xi32>
        %parallel_loop3A_425 = arith.constant 12 : i32
        %parallel_loop3A_426 = vector.broadcast %parallel_loop3A_425 : i32 to vector<16x1xi32>
        %parallel_loop3A_427 = vector.shape_cast %parallel_loop3A_426 : vector<16x1xi32> to vector<16xi32>
        %parallel_loop3A_428 = tpu.dynamic_gather %parallel_loop3A_265[%parallel_loop3A_427] in [0] : vector<16xf32>, vector<16xi32> -> vector<16xf32>
        %parallel_loop3A_429 = arith.addi %mul3A_1, %parallel_loop3A_424 : vector<16xi32>
        tpu.vector_store_idx %arg14[%parallel_loop3A_429], %parallel_loop3A_428 masked %parallel_loop3A_420 {add = true} : memref<110720xf32, #tpu.memory_space<vmem>>[vector<16xi32>], vector<16xf32>, vector<16xi1>
        %parallel_loop3A_430 = arith.constant 13 : i32
        %parallel_loop3A_431 = vector.broadcast %parallel_loop3A_430 : i32 to vector<16x1xi32>
        %parallel_loop3A_432 = vector.shape_cast %parallel_loop3A_431 : vector<16x1xi32> to vector<16xi32>
        %parallel_loop3A_433 = tpu.dynamic_gather %parallel_loop3A_247[%parallel_loop3A_432] in [0] : vector<16xi32>, vector<16xi32> -> vector<16xi32>
        %parallel_loop3A_434 = arith.constant 13 : i32
        %parallel_loop3A_435 = vector.broadcast %parallel_loop3A_434 : i32 to vector<16x1xi32>
        %parallel_loop3A_436 = vector.shape_cast %parallel_loop3A_435 : vector<16x1xi32> to vector<16xi32>
        %parallel_loop3A_437 = tpu.dynamic_gather %parallel_loop3A_265[%parallel_loop3A_436] in [0] : vector<16xf32>, vector<16xi32> -> vector<16xf32>
        %parallel_loop3A_438 = arith.addi %mul3A_1, %parallel_loop3A_433 : vector<16xi32>
        tpu.vector_store_idx %arg14[%parallel_loop3A_438], %parallel_loop3A_437 masked %parallel_loop3A_420 {add = true} : memref<110720xf32, #tpu.memory_space<vmem>>[vector<16xi32>], vector<16xf32>, vector<16xi1>
        %parallel_loop3A_439 = arith.constant 14 : i32
        %parallel_loop3A_440 = vector.broadcast %parallel_loop3A_439 : i32 to vector<16x1xi32>
        %parallel_loop3A_441 = vector.shape_cast %parallel_loop3A_440 : vector<16x1xi32> to vector<16xi32>
        %parallel_loop3A_442 = tpu.dynamic_gather %parallel_loop3A_247[%parallel_loop3A_441] in [0] : vector<16xi32>, vector<16xi32> -> vector<16xi32>
        %parallel_loop3A_443 = arith.constant 14 : i32
        %parallel_loop3A_444 = vector.broadcast %parallel_loop3A_443 : i32 to vector<16x1xi32>
        %parallel_loop3A_445 = vector.shape_cast %parallel_loop3A_444 : vector<16x1xi32> to vector<16xi32>
        %parallel_loop3A_446 = tpu.dynamic_gather %parallel_loop3A_265[%parallel_loop3A_445] in [0] : vector<16xf32>, vector<16xi32> -> vector<16xf32>
        %parallel_loop3A_447 = arith.addi %mul3A_1, %parallel_loop3A_442 : vector<16xi32>
        tpu.vector_store_idx %arg14[%parallel_loop3A_447], %parallel_loop3A_446 masked %parallel_loop3A_420 {add = true} : memref<110720xf32, #tpu.memory_space<vmem>>[vector<16xi32>], vector<16xf32>, vector<16xi1>
        %parallel_loop3A_448 = arith.constant 5 : i32
        %parallel_loop3A_449 = vector.broadcast %parallel_loop3A_448 : i32 to vector<16x1xi32>
        %parallel_loop3A_450 = vector.shape_cast %parallel_loop3A_449 : vector<16x1xi32> to vector<16xi32>
        %parallel_loop3A_451 = tpu.dynamic_gather %parallel_loop3A_241[%parallel_loop3A_450] in [0] : vector<16xi32>, vector<16xi32> -> vector<16xi32>
        %parallel_loop3A_452 = arith.andi %parallel_loop3A_451, %shift_left3A_6 : vector<16xi32>
        %parallel_loop3A_453 = vector.broadcast %scan3A_41 : i32 to vector<16xi32>
        %parallel_loop3A_454 = arith.cmpi ne, %parallel_loop3A_452, %parallel_loop3A_453 : vector<16xi32>
        %parallel_loop3A_455 = arith.constant 15 : i32
        %parallel_loop3A_456 = vector.broadcast %parallel_loop3A_455 : i32 to vector<16x1xi32>
        %parallel_loop3A_457 = vector.shape_cast %parallel_loop3A_456 : vector<16x1xi32> to vector<16xi32>
        %parallel_loop3A_458 = tpu.dynamic_gather %parallel_loop3A_247[%parallel_loop3A_457] in [0] : vector<16xi32>, vector<16xi32> -> vector<16xi32>
        %parallel_loop3A_459 = arith.constant 15 : i32
        %parallel_loop3A_460 = vector.broadcast %parallel_loop3A_459 : i32 to vector<16x1xi32>
        %parallel_loop3A_461 = vector.shape_cast %parallel_loop3A_460 : vector<16x1xi32> to vector<16xi32>
        %parallel_loop3A_462 = tpu.dynamic_gather %parallel_loop3A_265[%parallel_loop3A_461] in [0] : vector<16xf32>, vector<16xi32> -> vector<16xf32>
        %parallel_loop3A_463 = arith.addi %mul3A_1, %parallel_loop3A_458 : vector<16xi32>
        tpu.vector_store_idx %arg14[%parallel_loop3A_463], %parallel_loop3A_462 masked %parallel_loop3A_454 {add = true} : memref<110720xf32, #tpu.memory_space<vmem>>[vector<16xi32>], vector<16xf32>, vector<16xi1>
        %parallel_loop3A_464 = arith.constant 0 : i32
        %parallel_loop3A_465 = vector.broadcast %parallel_loop3A_464 : i32 to vector<16x1xi32>
        %parallel_loop3A_466 = vector.shape_cast %parallel_loop3A_465 : vector<16x1xi32> to vector<16xi32>
        %parallel_loop3A_467 = tpu.dynamic_gather %parallel_loop3A_253[%parallel_loop3A_466] in [0] : vector<16xi32>, vector<16xi32> -> vector<16xi32>
        %parallel_loop3A_468 = arith.constant 0 : i32
        %parallel_loop3A_469 = vector.broadcast %parallel_loop3A_468 : i32 to vector<16x1xi32>
        %parallel_loop3A_470 = vector.shape_cast %parallel_loop3A_469 : vector<16x1xi32> to vector<16xi32>
        %parallel_loop3A_471 = tpu.dynamic_gather %parallel_loop3A_271[%parallel_loop3A_470] in [0] : vector<16xf32>, vector<16xi32> -> vector<16xf32>
        %parallel_loop3A_472 = arith.addi %mul3A_1, %parallel_loop3A_467 : vector<16xi32>
        tpu.vector_store_idx %arg14[%parallel_loop3A_472], %parallel_loop3A_471 masked %parallel_loop3A_454 {add = true} : memref<110720xf32, #tpu.memory_space<vmem>>[vector<16xi32>], vector<16xf32>, vector<16xi1>
        %parallel_loop3A_473 = arith.constant 1 : i32
        %parallel_loop3A_474 = vector.broadcast %parallel_loop3A_473 : i32 to vector<16x1xi32>
        %parallel_loop3A_475 = vector.shape_cast %parallel_loop3A_474 : vector<16x1xi32> to vector<16xi32>
        %parallel_loop3A_476 = tpu.dynamic_gather %parallel_loop3A_253[%parallel_loop3A_475] in [0] : vector<16xi32>, vector<16xi32> -> vector<16xi32>
        %parallel_loop3A_477 = arith.constant 1 : i32
        %parallel_loop3A_478 = vector.broadcast %parallel_loop3A_477 : i32 to vector<16x1xi32>
        %parallel_loop3A_479 = vector.shape_cast %parallel_loop3A_478 : vector<16x1xi32> to vector<16xi32>
        %parallel_loop3A_480 = tpu.dynamic_gather %parallel_loop3A_271[%parallel_loop3A_479] in [0] : vector<16xf32>, vector<16xi32> -> vector<16xf32>
        %parallel_loop3A_481 = arith.addi %mul3A_1, %parallel_loop3A_476 : vector<16xi32>
        tpu.vector_store_idx %arg14[%parallel_loop3A_481], %parallel_loop3A_480 masked %parallel_loop3A_454 {add = true} : memref<110720xf32, #tpu.memory_space<vmem>>[vector<16xi32>], vector<16xf32>, vector<16xi1>
        %parallel_loop3A_482 = arith.constant 6 : i32
        %parallel_loop3A_483 = vector.broadcast %parallel_loop3A_482 : i32 to vector<16x1xi32>
        %parallel_loop3A_484 = vector.shape_cast %parallel_loop3A_483 : vector<16x1xi32> to vector<16xi32>
        %parallel_loop3A_485 = tpu.dynamic_gather %parallel_loop3A_241[%parallel_loop3A_484] in [0] : vector<16xi32>, vector<16xi32> -> vector<16xi32>
        %parallel_loop3A_486 = arith.andi %parallel_loop3A_485, %shift_left3A_6 : vector<16xi32>
        %parallel_loop3A_487 = vector.broadcast %scan3A_41 : i32 to vector<16xi32>
        %parallel_loop3A_488 = arith.cmpi ne, %parallel_loop3A_486, %parallel_loop3A_487 : vector<16xi32>
        %parallel_loop3A_489 = arith.constant 2 : i32
        %parallel_loop3A_490 = vector.broadcast %parallel_loop3A_489 : i32 to vector<16x1xi32>
        %parallel_loop3A_491 = vector.shape_cast %parallel_loop3A_490 : vector<16x1xi32> to vector<16xi32>
        %parallel_loop3A_492 = tpu.dynamic_gather %parallel_loop3A_253[%parallel_loop3A_491] in [0] : vector<16xi32>, vector<16xi32> -> vector<16xi32>
        %parallel_loop3A_493 = arith.constant 2 : i32
        %parallel_loop3A_494 = vector.broadcast %parallel_loop3A_493 : i32 to vector<16x1xi32>
        %parallel_loop3A_495 = vector.shape_cast %parallel_loop3A_494 : vector<16x1xi32> to vector<16xi32>
        %parallel_loop3A_496 = tpu.dynamic_gather %parallel_loop3A_271[%parallel_loop3A_495] in [0] : vector<16xf32>, vector<16xi32> -> vector<16xf32>
        %parallel_loop3A_497 = arith.addi %mul3A_1, %parallel_loop3A_492 : vector<16xi32>
        tpu.vector_store_idx %arg14[%parallel_loop3A_497], %parallel_loop3A_496 masked %parallel_loop3A_488 {add = true} : memref<110720xf32, #tpu.memory_space<vmem>>[vector<16xi32>], vector<16xf32>, vector<16xi1>
        %parallel_loop3A_498 = arith.constant 3 : i32
        %parallel_loop3A_499 = vector.broadcast %parallel_loop3A_498 : i32 to vector<16x1xi32>
        %parallel_loop3A_500 = vector.shape_cast %parallel_loop3A_499 : vector<16x1xi32> to vector<16xi32>
        %parallel_loop3A_501 = tpu.dynamic_gather %parallel_loop3A_253[%parallel_loop3A_500] in [0] : vector<16xi32>, vector<16xi32> -> vector<16xi32>
        %parallel_loop3A_502 = arith.constant 3 : i32
        %parallel_loop3A_503 = vector.broadcast %parallel_loop3A_502 : i32 to vector<16x1xi32>
        %parallel_loop3A_504 = vector.shape_cast %parallel_loop3A_503 : vector<16x1xi32> to vector<16xi32>
        %parallel_loop3A_505 = tpu.dynamic_gather %parallel_loop3A_271[%parallel_loop3A_504] in [0] : vector<16xf32>, vector<16xi32> -> vector<16xf32>
        %parallel_loop3A_506 = arith.addi %mul3A_1, %parallel_loop3A_501 : vector<16xi32>
        tpu.vector_store_idx %arg14[%parallel_loop3A_506], %parallel_loop3A_505 masked %parallel_loop3A_488 {add = true} : memref<110720xf32, #tpu.memory_space<vmem>>[vector<16xi32>], vector<16xf32>, vector<16xi1>
        %parallel_loop3A_507 = arith.constant 4 : i32
        %parallel_loop3A_508 = vector.broadcast %parallel_loop3A_507 : i32 to vector<16x1xi32>
        %parallel_loop3A_509 = vector.shape_cast %parallel_loop3A_508 : vector<16x1xi32> to vector<16xi32>
        %parallel_loop3A_510 = tpu.dynamic_gather %parallel_loop3A_253[%parallel_loop3A_509] in [0] : vector<16xi32>, vector<16xi32> -> vector<16xi32>
        %parallel_loop3A_511 = arith.constant 4 : i32
        %parallel_loop3A_512 = vector.broadcast %parallel_loop3A_511 : i32 to vector<16x1xi32>
        %parallel_loop3A_513 = vector.shape_cast %parallel_loop3A_512 : vector<16x1xi32> to vector<16xi32>
        %parallel_loop3A_514 = tpu.dynamic_gather %parallel_loop3A_271[%parallel_loop3A_513] in [0] : vector<16xf32>, vector<16xi32> -> vector<16xf32>
        %parallel_loop3A_515 = arith.addi %mul3A_1, %parallel_loop3A_510 : vector<16xi32>
        tpu.vector_store_idx %arg14[%parallel_loop3A_515], %parallel_loop3A_514 masked %parallel_loop3A_488 {add = true} : memref<110720xf32, #tpu.memory_space<vmem>>[vector<16xi32>], vector<16xf32>, vector<16xi1>
        %parallel_loop3A_516 = arith.constant 7 : i32
        %parallel_loop3A_517 = vector.broadcast %parallel_loop3A_516 : i32 to vector<16x1xi32>
        %parallel_loop3A_518 = vector.shape_cast %parallel_loop3A_517 : vector<16x1xi32> to vector<16xi32>
        %parallel_loop3A_519 = tpu.dynamic_gather %parallel_loop3A_241[%parallel_loop3A_518] in [0] : vector<16xi32>, vector<16xi32> -> vector<16xi32>
        %parallel_loop3A_520 = arith.andi %parallel_loop3A_519, %shift_left3A_6 : vector<16xi32>
        %parallel_loop3A_521 = vector.broadcast %scan3A_41 : i32 to vector<16xi32>
        %parallel_loop3A_522 = arith.cmpi ne, %parallel_loop3A_520, %parallel_loop3A_521 : vector<16xi32>
        %parallel_loop3A_523 = arith.constant 5 : i32
        %parallel_loop3A_524 = vector.broadcast %parallel_loop3A_523 : i32 to vector<16x1xi32>
        %parallel_loop3A_525 = vector.shape_cast %parallel_loop3A_524 : vector<16x1xi32> to vector<16xi32>
        %parallel_loop3A_526 = tpu.dynamic_gather %parallel_loop3A_253[%parallel_loop3A_525] in [0] : vector<16xi32>, vector<16xi32> -> vector<16xi32>
        %parallel_loop3A_527 = arith.constant 5 : i32
        %parallel_loop3A_528 = vector.broadcast %parallel_loop3A_527 : i32 to vector<16x1xi32>
        %parallel_loop3A_529 = vector.shape_cast %parallel_loop3A_528 : vector<16x1xi32> to vector<16xi32>
        %parallel_loop3A_530 = tpu.dynamic_gather %parallel_loop3A_271[%parallel_loop3A_529] in [0] : vector<16xf32>, vector<16xi32> -> vector<16xf32>
        %parallel_loop3A_531 = arith.addi %mul3A_1, %parallel_loop3A_526 : vector<16xi32>
        tpu.vector_store_idx %arg14[%parallel_loop3A_531], %parallel_loop3A_530 masked %parallel_loop3A_522 {add = true} : memref<110720xf32, #tpu.memory_space<vmem>>[vector<16xi32>], vector<16xf32>, vector<16xi1>
        %parallel_loop3A_532 = arith.constant 6 : i32
        %parallel_loop3A_533 = vector.broadcast %parallel_loop3A_532 : i32 to vector<16x1xi32>
        %parallel_loop3A_534 = vector.shape_cast %parallel_loop3A_533 : vector<16x1xi32> to vector<16xi32>
        %parallel_loop3A_535 = tpu.dynamic_gather %parallel_loop3A_253[%parallel_loop3A_534] in [0] : vector<16xi32>, vector<16xi32> -> vector<16xi32>
        %parallel_loop3A_536 = arith.constant 6 : i32
        %parallel_loop3A_537 = vector.broadcast %parallel_loop3A_536 : i32 to vector<16x1xi32>
        %parallel_loop3A_538 = vector.shape_cast %parallel_loop3A_537 : vector<16x1xi32> to vector<16xi32>
        %parallel_loop3A_539 = tpu.dynamic_gather %parallel_loop3A_271[%parallel_loop3A_538] in [0] : vector<16xf32>, vector<16xi32> -> vector<16xf32>
        %parallel_loop3A_540 = arith.addi %mul3A_1, %parallel_loop3A_535 : vector<16xi32>
        tpu.vector_store_idx %arg14[%parallel_loop3A_540], %parallel_loop3A_539 masked %parallel_loop3A_522 {add = true} : memref<110720xf32, #tpu.memory_space<vmem>>[vector<16xi32>], vector<16xf32>, vector<16xi1>
        %parallel_loop3A_541 = arith.constant 7 : i32
        %parallel_loop3A_542 = vector.broadcast %parallel_loop3A_541 : i32 to vector<16x1xi32>
        %parallel_loop3A_543 = vector.shape_cast %parallel_loop3A_542 : vector<16x1xi32> to vector<16xi32>
        %parallel_loop3A_544 = tpu.dynamic_gather %parallel_loop3A_253[%parallel_loop3A_543] in [0] : vector<16xi32>, vector<16xi32> -> vector<16xi32>
        %parallel_loop3A_545 = arith.constant 7 : i32
        %parallel_loop3A_546 = vector.broadcast %parallel_loop3A_545 : i32 to vector<16x1xi32>
        %parallel_loop3A_547 = vector.shape_cast %parallel_loop3A_546 : vector<16x1xi32> to vector<16xi32>
        %parallel_loop3A_548 = tpu.dynamic_gather %parallel_loop3A_271[%parallel_loop3A_547] in [0] : vector<16xf32>, vector<16xi32> -> vector<16xf32>
        %parallel_loop3A_549 = arith.addi %mul3A_1, %parallel_loop3A_544 : vector<16xi32>
        tpu.vector_store_idx %arg14[%parallel_loop3A_549], %parallel_loop3A_548 masked %parallel_loop3A_522 {add = true} : memref<110720xf32, #tpu.memory_space<vmem>>[vector<16xi32>], vector<16xf32>, vector<16xi1>
        %parallel_loop3A_550 = arith.constant 8 : i32
        %parallel_loop3A_551 = vector.broadcast %parallel_loop3A_550 : i32 to vector<16x1xi32>
        %parallel_loop3A_552 = vector.shape_cast %parallel_loop3A_551 : vector<16x1xi32> to vector<16xi32>
        %parallel_loop3A_553 = tpu.dynamic_gather %parallel_loop3A_241[%parallel_loop3A_552] in [0] : vector<16xi32>, vector<16xi32> -> vector<16xi32>
        %parallel_loop3A_554 = arith.andi %parallel_loop3A_553, %shift_left3A_6 : vector<16xi32>
        %parallel_loop3A_555 = vector.broadcast %scan3A_41 : i32 to vector<16xi32>
        %parallel_loop3A_556 = arith.cmpi ne, %parallel_loop3A_554, %parallel_loop3A_555 : vector<16xi32>
        %parallel_loop3A_557 = arith.constant 8 : i32
        %parallel_loop3A_558 = vector.broadcast %parallel_loop3A_557 : i32 to vector<16x1xi32>
        %parallel_loop3A_559 = vector.shape_cast %parallel_loop3A_558 : vector<16x1xi32> to vector<16xi32>
        %parallel_loop3A_560 = tpu.dynamic_gather %parallel_loop3A_253[%parallel_loop3A_559] in [0] : vector<16xi32>, vector<16xi32> -> vector<16xi32>
        %parallel_loop3A_561 = arith.constant 8 : i32
        %parallel_loop3A_562 = vector.broadcast %parallel_loop3A_561 : i32 to vector<16x1xi32>
        %parallel_loop3A_563 = vector.shape_cast %parallel_loop3A_562 : vector<16x1xi32> to vector<16xi32>
        %parallel_loop3A_564 = tpu.dynamic_gather %parallel_loop3A_271[%parallel_loop3A_563] in [0] : vector<16xf32>, vector<16xi32> -> vector<16xf32>
        %parallel_loop3A_565 = arith.addi %mul3A_1, %parallel_loop3A_560 : vector<16xi32>
        tpu.vector_store_idx %arg14[%parallel_loop3A_565], %parallel_loop3A_564 masked %parallel_loop3A_556 {add = true} : memref<110720xf32, #tpu.memory_space<vmem>>[vector<16xi32>], vector<16xf32>, vector<16xi1>
        %parallel_loop3A_566 = arith.constant 9 : i32
        %parallel_loop3A_567 = vector.broadcast %parallel_loop3A_566 : i32 to vector<16x1xi32>
        %parallel_loop3A_568 = vector.shape_cast %parallel_loop3A_567 : vector<16x1xi32> to vector<16xi32>
        %parallel_loop3A_569 = tpu.dynamic_gather %parallel_loop3A_253[%parallel_loop3A_568] in [0] : vector<16xi32>, vector<16xi32> -> vector<16xi32>
        %parallel_loop3A_570 = arith.constant 9 : i32
        %parallel_loop3A_571 = vector.broadcast %parallel_loop3A_570 : i32 to vector<16x1xi32>
        %parallel_loop3A_572 = vector.shape_cast %parallel_loop3A_571 : vector<16x1xi32> to vector<16xi32>
        %parallel_loop3A_573 = tpu.dynamic_gather %parallel_loop3A_271[%parallel_loop3A_572] in [0] : vector<16xf32>, vector<16xi32> -> vector<16xf32>
        %parallel_loop3A_574 = arith.addi %mul3A_1, %parallel_loop3A_569 : vector<16xi32>
        tpu.vector_store_idx %arg14[%parallel_loop3A_574], %parallel_loop3A_573 masked %parallel_loop3A_556 {add = true} : memref<110720xf32, #tpu.memory_space<vmem>>[vector<16xi32>], vector<16xf32>, vector<16xi1>
        %parallel_loop3A_575 = arith.constant 10 : i32
        %parallel_loop3A_576 = vector.broadcast %parallel_loop3A_575 : i32 to vector<16x1xi32>
        %parallel_loop3A_577 = vector.shape_cast %parallel_loop3A_576 : vector<16x1xi32> to vector<16xi32>
        %parallel_loop3A_578 = tpu.dynamic_gather %parallel_loop3A_253[%parallel_loop3A_577] in [0] : vector<16xi32>, vector<16xi32> -> vector<16xi32>
        %parallel_loop3A_579 = arith.constant 10 : i32
        %parallel_loop3A_580 = vector.broadcast %parallel_loop3A_579 : i32 to vector<16x1xi32>
        %parallel_loop3A_581 = vector.shape_cast %parallel_loop3A_580 : vector<16x1xi32> to vector<16xi32>
        %parallel_loop3A_582 = tpu.dynamic_gather %parallel_loop3A_271[%parallel_loop3A_581] in [0] : vector<16xf32>, vector<16xi32> -> vector<16xf32>
        %parallel_loop3A_583 = arith.addi %mul3A_1, %parallel_loop3A_578 : vector<16xi32>
        tpu.vector_store_idx %arg14[%parallel_loop3A_583], %parallel_loop3A_582 masked %parallel_loop3A_556 {add = true} : memref<110720xf32, #tpu.memory_space<vmem>>[vector<16xi32>], vector<16xf32>, vector<16xi1>
        %parallel_loop3A_584 = arith.constant 9 : i32
        %parallel_loop3A_585 = vector.broadcast %parallel_loop3A_584 : i32 to vector<16x1xi32>
        %parallel_loop3A_586 = vector.shape_cast %parallel_loop3A_585 : vector<16x1xi32> to vector<16xi32>
        %parallel_loop3A_587 = tpu.dynamic_gather %parallel_loop3A_241[%parallel_loop3A_586] in [0] : vector<16xi32>, vector<16xi32> -> vector<16xi32>
        %parallel_loop3A_588 = arith.andi %parallel_loop3A_587, %shift_left3A_6 : vector<16xi32>
        %parallel_loop3A_589 = vector.broadcast %scan3A_41 : i32 to vector<16xi32>
        %parallel_loop3A_590 = arith.cmpi ne, %parallel_loop3A_588, %parallel_loop3A_589 : vector<16xi32>
        %parallel_loop3A_591 = arith.constant 11 : i32
        %parallel_loop3A_592 = vector.broadcast %parallel_loop3A_591 : i32 to vector<16x1xi32>
        %parallel_loop3A_593 = vector.shape_cast %parallel_loop3A_592 : vector<16x1xi32> to vector<16xi32>
        %parallel_loop3A_594 = tpu.dynamic_gather %parallel_loop3A_253[%parallel_loop3A_593] in [0] : vector<16xi32>, vector<16xi32> -> vector<16xi32>
        %parallel_loop3A_595 = arith.constant 11 : i32
        %parallel_loop3A_596 = vector.broadcast %parallel_loop3A_595 : i32 to vector<16x1xi32>
        %parallel_loop3A_597 = vector.shape_cast %parallel_loop3A_596 : vector<16x1xi32> to vector<16xi32>
        %parallel_loop3A_598 = tpu.dynamic_gather %parallel_loop3A_271[%parallel_loop3A_597] in [0] : vector<16xf32>, vector<16xi32> -> vector<16xf32>
        %parallel_loop3A_599 = arith.addi %mul3A_1, %parallel_loop3A_594 : vector<16xi32>
        tpu.vector_store_idx %arg14[%parallel_loop3A_599], %parallel_loop3A_598 masked %parallel_loop3A_590 {add = true} : memref<110720xf32, #tpu.memory_space<vmem>>[vector<16xi32>], vector<16xf32>, vector<16xi1>
        %parallel_loop3A_600 = arith.constant 12 : i32
        %parallel_loop3A_601 = vector.broadcast %parallel_loop3A_600 : i32 to vector<16x1xi32>
        %parallel_loop3A_602 = vector.shape_cast %parallel_loop3A_601 : vector<16x1xi32> to vector<16xi32>
        %parallel_loop3A_603 = tpu.dynamic_gather %parallel_loop3A_253[%parallel_loop3A_602] in [0] : vector<16xi32>, vector<16xi32> -> vector<16xi32>
        %parallel_loop3A_604 = arith.constant 12 : i32
        %parallel_loop3A_605 = vector.broadcast %parallel_loop3A_604 : i32 to vector<16x1xi32>
        %parallel_loop3A_606 = vector.shape_cast %parallel_loop3A_605 : vector<16x1xi32> to vector<16xi32>
        %parallel_loop3A_607 = tpu.dynamic_gather %parallel_loop3A_271[%parallel_loop3A_606] in [0] : vector<16xf32>, vector<16xi32> -> vector<16xf32>
        %parallel_loop3A_608 = arith.addi %mul3A_1, %parallel_loop3A_603 : vector<16xi32>
        tpu.vector_store_idx %arg14[%parallel_loop3A_608], %parallel_loop3A_607 masked %parallel_loop3A_590 {add = true} : memref<110720xf32, #tpu.memory_space<vmem>>[vector<16xi32>], vector<16xf32>, vector<16xi1>
        %parallel_loop3A_609 = arith.constant 13 : i32
        %parallel_loop3A_610 = vector.broadcast %parallel_loop3A_609 : i32 to vector<16x1xi32>
        %parallel_loop3A_611 = vector.shape_cast %parallel_loop3A_610 : vector<16x1xi32> to vector<16xi32>
        %parallel_loop3A_612 = tpu.dynamic_gather %parallel_loop3A_253[%parallel_loop3A_611] in [0] : vector<16xi32>, vector<16xi32> -> vector<16xi32>
        %parallel_loop3A_613 = arith.constant 13 : i32
        %parallel_loop3A_614 = vector.broadcast %parallel_loop3A_613 : i32 to vector<16x1xi32>
        %parallel_loop3A_615 = vector.shape_cast %parallel_loop3A_614 : vector<16x1xi32> to vector<16xi32>
        %parallel_loop3A_616 = tpu.dynamic_gather %parallel_loop3A_271[%parallel_loop3A_615] in [0] : vector<16xf32>, vector<16xi32> -> vector<16xf32>
        %parallel_loop3A_617 = arith.addi %mul3A_1, %parallel_loop3A_612 : vector<16xi32>
        tpu.vector_store_idx %arg14[%parallel_loop3A_617], %parallel_loop3A_616 masked %parallel_loop3A_590 {add = true} : memref<110720xf32, #tpu.memory_space<vmem>>[vector<16xi32>], vector<16xf32>, vector<16xi1>
        %parallel_loop3A_618 = arith.constant 10 : i32
        %parallel_loop3A_619 = vector.broadcast %parallel_loop3A_618 : i32 to vector<16x1xi32>
        %parallel_loop3A_620 = vector.shape_cast %parallel_loop3A_619 : vector<16x1xi32> to vector<16xi32>
        %parallel_loop3A_621 = tpu.dynamic_gather %parallel_loop3A_241[%parallel_loop3A_620] in [0] : vector<16xi32>, vector<16xi32> -> vector<16xi32>
        %parallel_loop3A_622 = arith.andi %parallel_loop3A_621, %shift_left3A_6 : vector<16xi32>
        %parallel_loop3A_623 = vector.broadcast %scan3A_41 : i32 to vector<16xi32>
        %parallel_loop3A_624 = arith.cmpi ne, %parallel_loop3A_622, %parallel_loop3A_623 : vector<16xi32>
        %parallel_loop3A_625 = arith.constant 14 : i32
        %parallel_loop3A_626 = vector.broadcast %parallel_loop3A_625 : i32 to vector<16x1xi32>
        %parallel_loop3A_627 = vector.shape_cast %parallel_loop3A_626 : vector<16x1xi32> to vector<16xi32>
        %parallel_loop3A_628 = tpu.dynamic_gather %parallel_loop3A_253[%parallel_loop3A_627] in [0] : vector<16xi32>, vector<16xi32> -> vector<16xi32>
        %parallel_loop3A_629 = arith.constant 14 : i32
        %parallel_loop3A_630 = vector.broadcast %parallel_loop3A_629 : i32 to vector<16x1xi32>
        %parallel_loop3A_631 = vector.shape_cast %parallel_loop3A_630 : vector<16x1xi32> to vector<16xi32>
        %parallel_loop3A_632 = tpu.dynamic_gather %parallel_loop3A_271[%parallel_loop3A_631] in [0] : vector<16xf32>, vector<16xi32> -> vector<16xf32>
        %parallel_loop3A_633 = arith.addi %mul3A_1, %parallel_loop3A_628 : vector<16xi32>
        tpu.vector_store_idx %arg14[%parallel_loop3A_633], %parallel_loop3A_632 masked %parallel_loop3A_624 {add = true} : memref<110720xf32, #tpu.memory_space<vmem>>[vector<16xi32>], vector<16xf32>, vector<16xi1>
        %parallel_loop3A_634 = arith.constant 15 : i32
        %parallel_loop3A_635 = vector.broadcast %parallel_loop3A_634 : i32 to vector<16x1xi32>
        %parallel_loop3A_636 = vector.shape_cast %parallel_loop3A_635 : vector<16x1xi32> to vector<16xi32>
        %parallel_loop3A_637 = tpu.dynamic_gather %parallel_loop3A_253[%parallel_loop3A_636] in [0] : vector<16xi32>, vector<16xi32> -> vector<16xi32>
        %parallel_loop3A_638 = arith.constant 15 : i32
        %parallel_loop3A_639 = vector.broadcast %parallel_loop3A_638 : i32 to vector<16x1xi32>
        %parallel_loop3A_640 = vector.shape_cast %parallel_loop3A_639 : vector<16x1xi32> to vector<16xi32>
        %parallel_loop3A_641 = tpu.dynamic_gather %parallel_loop3A_271[%parallel_loop3A_640] in [0] : vector<16xf32>, vector<16xi32> -> vector<16xf32>
        %parallel_loop3A_642 = arith.addi %mul3A_1, %parallel_loop3A_637 : vector<16xi32>
        tpu.vector_store_idx %arg14[%parallel_loop3A_642], %parallel_loop3A_641 masked %parallel_loop3A_624 {add = true} : memref<110720xf32, #tpu.memory_space<vmem>>[vector<16xi32>], vector<16xf32>, vector<16xi1>
        %parallel_loop3A_643 = arith.constant 0 : i32
        %parallel_loop3A_644 = vector.broadcast %parallel_loop3A_643 : i32 to vector<16x1xi32>
        %parallel_loop3A_645 = vector.shape_cast %parallel_loop3A_644 : vector<16x1xi32> to vector<16xi32>
        %parallel_loop3A_646 = tpu.dynamic_gather %parallel_loop3A_259[%parallel_loop3A_645] in [0] : vector<16xi32>, vector<16xi32> -> vector<16xi32>
        %parallel_loop3A_647 = arith.constant 0 : i32
        %parallel_loop3A_648 = vector.broadcast %parallel_loop3A_647 : i32 to vector<16x1xi32>
        %parallel_loop3A_649 = vector.shape_cast %parallel_loop3A_648 : vector<16x1xi32> to vector<16xi32>
        %parallel_loop3A_650 = tpu.dynamic_gather %parallel_loop3A_277[%parallel_loop3A_649] in [0] : vector<16xf32>, vector<16xi32> -> vector<16xf32>
        %parallel_loop3A_651 = arith.addi %mul3A_1, %parallel_loop3A_646 : vector<16xi32>
        tpu.vector_store_idx %arg14[%parallel_loop3A_651], %parallel_loop3A_650 masked %parallel_loop3A_624 {add = true} : memref<110720xf32, #tpu.memory_space<vmem>>[vector<16xi32>], vector<16xf32>, vector<16xi1>
        %parallel_loop3A_652 = arith.constant 11 : i32
        %parallel_loop3A_653 = vector.broadcast %parallel_loop3A_652 : i32 to vector<16x1xi32>
        %parallel_loop3A_654 = vector.shape_cast %parallel_loop3A_653 : vector<16x1xi32> to vector<16xi32>
        %parallel_loop3A_655 = tpu.dynamic_gather %parallel_loop3A_241[%parallel_loop3A_654] in [0] : vector<16xi32>, vector<16xi32> -> vector<16xi32>
        %parallel_loop3A_656 = arith.andi %parallel_loop3A_655, %shift_left3A_6 : vector<16xi32>
        %parallel_loop3A_657 = vector.broadcast %scan3A_41 : i32 to vector<16xi32>
        %parallel_loop3A_658 = arith.cmpi ne, %parallel_loop3A_656, %parallel_loop3A_657 : vector<16xi32>
        %parallel_loop3A_659 = arith.constant 1 : i32
        %parallel_loop3A_660 = vector.broadcast %parallel_loop3A_659 : i32 to vector<16x1xi32>
        %parallel_loop3A_661 = vector.shape_cast %parallel_loop3A_660 : vector<16x1xi32> to vector<16xi32>
        %parallel_loop3A_662 = tpu.dynamic_gather %parallel_loop3A_259[%parallel_loop3A_661] in [0] : vector<16xi32>, vector<16xi32> -> vector<16xi32>
        %parallel_loop3A_663 = arith.constant 1 : i32
        %parallel_loop3A_664 = vector.broadcast %parallel_loop3A_663 : i32 to vector<16x1xi32>
        %parallel_loop3A_665 = vector.shape_cast %parallel_loop3A_664 : vector<16x1xi32> to vector<16xi32>
        %parallel_loop3A_666 = tpu.dynamic_gather %parallel_loop3A_277[%parallel_loop3A_665] in [0] : vector<16xf32>, vector<16xi32> -> vector<16xf32>
        %parallel_loop3A_667 = arith.addi %mul3A_1, %parallel_loop3A_662 : vector<16xi32>
        tpu.vector_store_idx %arg14[%parallel_loop3A_667], %parallel_loop3A_666 masked %parallel_loop3A_658 {add = true} : memref<110720xf32, #tpu.memory_space<vmem>>[vector<16xi32>], vector<16xf32>, vector<16xi1>
        %parallel_loop3A_668 = arith.constant 2 : i32
        %parallel_loop3A_669 = vector.broadcast %parallel_loop3A_668 : i32 to vector<16x1xi32>
        %parallel_loop3A_670 = vector.shape_cast %parallel_loop3A_669 : vector<16x1xi32> to vector<16xi32>
        %parallel_loop3A_671 = tpu.dynamic_gather %parallel_loop3A_259[%parallel_loop3A_670] in [0] : vector<16xi32>, vector<16xi32> -> vector<16xi32>
        %parallel_loop3A_672 = arith.constant 2 : i32
        %parallel_loop3A_673 = vector.broadcast %parallel_loop3A_672 : i32 to vector<16x1xi32>
        %parallel_loop3A_674 = vector.shape_cast %parallel_loop3A_673 : vector<16x1xi32> to vector<16xi32>
        %parallel_loop3A_675 = tpu.dynamic_gather %parallel_loop3A_277[%parallel_loop3A_674] in [0] : vector<16xf32>, vector<16xi32> -> vector<16xf32>
        %parallel_loop3A_676 = arith.addi %mul3A_1, %parallel_loop3A_671 : vector<16xi32>
        tpu.vector_store_idx %arg14[%parallel_loop3A_676], %parallel_loop3A_675 masked %parallel_loop3A_658 {add = true} : memref<110720xf32, #tpu.memory_space<vmem>>[vector<16xi32>], vector<16xf32>, vector<16xi1>
        %parallel_loop3A_677 = arith.constant 3 : i32
        %parallel_loop3A_678 = vector.broadcast %parallel_loop3A_677 : i32 to vector<16x1xi32>
        %parallel_loop3A_679 = vector.shape_cast %parallel_loop3A_678 : vector<16x1xi32> to vector<16xi32>
        %parallel_loop3A_680 = tpu.dynamic_gather %parallel_loop3A_259[%parallel_loop3A_679] in [0] : vector<16xi32>, vector<16xi32> -> vector<16xi32>
        %parallel_loop3A_681 = arith.constant 3 : i32
        %parallel_loop3A_682 = vector.broadcast %parallel_loop3A_681 : i32 to vector<16x1xi32>
        %parallel_loop3A_683 = vector.shape_cast %parallel_loop3A_682 : vector<16x1xi32> to vector<16xi32>
        %parallel_loop3A_684 = tpu.dynamic_gather %parallel_loop3A_277[%parallel_loop3A_683] in [0] : vector<16xf32>, vector<16xi32> -> vector<16xf32>
        %parallel_loop3A_685 = arith.addi %mul3A_1, %parallel_loop3A_680 : vector<16xi32>
        tpu.vector_store_idx %arg14[%parallel_loop3A_685], %parallel_loop3A_684 masked %parallel_loop3A_658 {add = true} : memref<110720xf32, #tpu.memory_space<vmem>>[vector<16xi32>], vector<16xf32>, vector<16xi1>
        %parallel_loop3A_686 = arith.constant 12 : i32
        %parallel_loop3A_687 = vector.broadcast %parallel_loop3A_686 : i32 to vector<16x1xi32>
        %parallel_loop3A_688 = vector.shape_cast %parallel_loop3A_687 : vector<16x1xi32> to vector<16xi32>
        %parallel_loop3A_689 = tpu.dynamic_gather %parallel_loop3A_241[%parallel_loop3A_688] in [0] : vector<16xi32>, vector<16xi32> -> vector<16xi32>
        %parallel_loop3A_690 = arith.andi %parallel_loop3A_689, %shift_left3A_6 : vector<16xi32>
        %parallel_loop3A_691 = vector.broadcast %scan3A_41 : i32 to vector<16xi32>
        %parallel_loop3A_692 = arith.cmpi ne, %parallel_loop3A_690, %parallel_loop3A_691 : vector<16xi32>
        %parallel_loop3A_693 = arith.constant 4 : i32
        %parallel_loop3A_694 = vector.broadcast %parallel_loop3A_693 : i32 to vector<16x1xi32>
        %parallel_loop3A_695 = vector.shape_cast %parallel_loop3A_694 : vector<16x1xi32> to vector<16xi32>
        %parallel_loop3A_696 = tpu.dynamic_gather %parallel_loop3A_259[%parallel_loop3A_695] in [0] : vector<16xi32>, vector<16xi32> -> vector<16xi32>
        %parallel_loop3A_697 = arith.constant 4 : i32
        %parallel_loop3A_698 = vector.broadcast %parallel_loop3A_697 : i32 to vector<16x1xi32>
        %parallel_loop3A_699 = vector.shape_cast %parallel_loop3A_698 : vector<16x1xi32> to vector<16xi32>
        %parallel_loop3A_700 = tpu.dynamic_gather %parallel_loop3A_277[%parallel_loop3A_699] in [0] : vector<16xf32>, vector<16xi32> -> vector<16xf32>
        %parallel_loop3A_701 = arith.addi %mul3A_1, %parallel_loop3A_696 : vector<16xi32>
        tpu.vector_store_idx %arg14[%parallel_loop3A_701], %parallel_loop3A_700 masked %parallel_loop3A_692 {add = true} : memref<110720xf32, #tpu.memory_space<vmem>>[vector<16xi32>], vector<16xf32>, vector<16xi1>
        %parallel_loop3A_702 = arith.constant 5 : i32
        %parallel_loop3A_703 = vector.broadcast %parallel_loop3A_702 : i32 to vector<16x1xi32>
        %parallel_loop3A_704 = vector.shape_cast %parallel_loop3A_703 : vector<16x1xi32> to vector<16xi32>
        %parallel_loop3A_705 = tpu.dynamic_gather %parallel_loop3A_259[%parallel_loop3A_704] in [0] : vector<16xi32>, vector<16xi32> -> vector<16xi32>
        %parallel_loop3A_706 = arith.constant 5 : i32
        %parallel_loop3A_707 = vector.broadcast %parallel_loop3A_706 : i32 to vector<16x1xi32>
        %parallel_loop3A_708 = vector.shape_cast %parallel_loop3A_707 : vector<16x1xi32> to vector<16xi32>
        %parallel_loop3A_709 = tpu.dynamic_gather %parallel_loop3A_277[%parallel_loop3A_708] in [0] : vector<16xf32>, vector<16xi32> -> vector<16xf32>
        %parallel_loop3A_710 = arith.addi %mul3A_1, %parallel_loop3A_705 : vector<16xi32>
        tpu.vector_store_idx %arg14[%parallel_loop3A_710], %parallel_loop3A_709 masked %parallel_loop3A_692 {add = true} : memref<110720xf32, #tpu.memory_space<vmem>>[vector<16xi32>], vector<16xf32>, vector<16xi1>
        %parallel_loop3A_711 = arith.constant 6 : i32
        %parallel_loop3A_712 = vector.broadcast %parallel_loop3A_711 : i32 to vector<16x1xi32>
        %parallel_loop3A_713 = vector.shape_cast %parallel_loop3A_712 : vector<16x1xi32> to vector<16xi32>
        %parallel_loop3A_714 = tpu.dynamic_gather %parallel_loop3A_259[%parallel_loop3A_713] in [0] : vector<16xi32>, vector<16xi32> -> vector<16xi32>
        %parallel_loop3A_715 = arith.constant 6 : i32
        %parallel_loop3A_716 = vector.broadcast %parallel_loop3A_715 : i32 to vector<16x1xi32>
        %parallel_loop3A_717 = vector.shape_cast %parallel_loop3A_716 : vector<16x1xi32> to vector<16xi32>
        %parallel_loop3A_718 = tpu.dynamic_gather %parallel_loop3A_277[%parallel_loop3A_717] in [0] : vector<16xf32>, vector<16xi32> -> vector<16xf32>
        %parallel_loop3A_719 = arith.addi %mul3A_1, %parallel_loop3A_714 : vector<16xi32>
        tpu.vector_store_idx %arg14[%parallel_loop3A_719], %parallel_loop3A_718 masked %parallel_loop3A_692 {add = true} : memref<110720xf32, #tpu.memory_space<vmem>>[vector<16xi32>], vector<16xf32>, vector<16xi1>
        %parallel_loop3A_720 = arith.constant 13 : i32
        %parallel_loop3A_721 = vector.broadcast %parallel_loop3A_720 : i32 to vector<16x1xi32>
        %parallel_loop3A_722 = vector.shape_cast %parallel_loop3A_721 : vector<16x1xi32> to vector<16xi32>
        %parallel_loop3A_723 = tpu.dynamic_gather %parallel_loop3A_241[%parallel_loop3A_722] in [0] : vector<16xi32>, vector<16xi32> -> vector<16xi32>
        %parallel_loop3A_724 = arith.andi %parallel_loop3A_723, %shift_left3A_6 : vector<16xi32>
        %parallel_loop3A_725 = vector.broadcast %scan3A_41 : i32 to vector<16xi32>
        %parallel_loop3A_726 = arith.cmpi ne, %parallel_loop3A_724, %parallel_loop3A_725 : vector<16xi32>
        %parallel_loop3A_727 = arith.constant 7 : i32
        %parallel_loop3A_728 = vector.broadcast %parallel_loop3A_727 : i32 to vector<16x1xi32>
        %parallel_loop3A_729 = vector.shape_cast %parallel_loop3A_728 : vector<16x1xi32> to vector<16xi32>
        %parallel_loop3A_730 = tpu.dynamic_gather %parallel_loop3A_259[%parallel_loop3A_729] in [0] : vector<16xi32>, vector<16xi32> -> vector<16xi32>
        %parallel_loop3A_731 = arith.constant 7 : i32
        %parallel_loop3A_732 = vector.broadcast %parallel_loop3A_731 : i32 to vector<16x1xi32>
        %parallel_loop3A_733 = vector.shape_cast %parallel_loop3A_732 : vector<16x1xi32> to vector<16xi32>
        %parallel_loop3A_734 = tpu.dynamic_gather %parallel_loop3A_277[%parallel_loop3A_733] in [0] : vector<16xf32>, vector<16xi32> -> vector<16xf32>
        %parallel_loop3A_735 = arith.addi %mul3A_1, %parallel_loop3A_730 : vector<16xi32>
        tpu.vector_store_idx %arg14[%parallel_loop3A_735], %parallel_loop3A_734 masked %parallel_loop3A_726 {add = true} : memref<110720xf32, #tpu.memory_space<vmem>>[vector<16xi32>], vector<16xf32>, vector<16xi1>
        %parallel_loop3A_736 = arith.constant 8 : i32
        %parallel_loop3A_737 = vector.broadcast %parallel_loop3A_736 : i32 to vector<16x1xi32>
        %parallel_loop3A_738 = vector.shape_cast %parallel_loop3A_737 : vector<16x1xi32> to vector<16xi32>
        %parallel_loop3A_739 = tpu.dynamic_gather %parallel_loop3A_259[%parallel_loop3A_738] in [0] : vector<16xi32>, vector<16xi32> -> vector<16xi32>
        %parallel_loop3A_740 = arith.constant 8 : i32
        %parallel_loop3A_741 = vector.broadcast %parallel_loop3A_740 : i32 to vector<16x1xi32>
        %parallel_loop3A_742 = vector.shape_cast %parallel_loop3A_741 : vector<16x1xi32> to vector<16xi32>
        %parallel_loop3A_743 = tpu.dynamic_gather %parallel_loop3A_277[%parallel_loop3A_742] in [0] : vector<16xf32>, vector<16xi32> -> vector<16xf32>
        %parallel_loop3A_744 = arith.addi %mul3A_1, %parallel_loop3A_739 : vector<16xi32>
        tpu.vector_store_idx %arg14[%parallel_loop3A_744], %parallel_loop3A_743 masked %parallel_loop3A_726 {add = true} : memref<110720xf32, #tpu.memory_space<vmem>>[vector<16xi32>], vector<16xf32>, vector<16xi1>
        %parallel_loop3A_745 = arith.constant 9 : i32
        %parallel_loop3A_746 = vector.broadcast %parallel_loop3A_745 : i32 to vector<16x1xi32>
        %parallel_loop3A_747 = vector.shape_cast %parallel_loop3A_746 : vector<16x1xi32> to vector<16xi32>
        %parallel_loop3A_748 = tpu.dynamic_gather %parallel_loop3A_259[%parallel_loop3A_747] in [0] : vector<16xi32>, vector<16xi32> -> vector<16xi32>
        %parallel_loop3A_749 = arith.constant 9 : i32
        %parallel_loop3A_750 = vector.broadcast %parallel_loop3A_749 : i32 to vector<16x1xi32>
        %parallel_loop3A_751 = vector.shape_cast %parallel_loop3A_750 : vector<16x1xi32> to vector<16xi32>
        %parallel_loop3A_752 = tpu.dynamic_gather %parallel_loop3A_277[%parallel_loop3A_751] in [0] : vector<16xf32>, vector<16xi32> -> vector<16xf32>
        %parallel_loop3A_753 = arith.addi %mul3A_1, %parallel_loop3A_748 : vector<16xi32>
        tpu.vector_store_idx %arg14[%parallel_loop3A_753], %parallel_loop3A_752 masked %parallel_loop3A_726 {add = true} : memref<110720xf32, #tpu.memory_space<vmem>>[vector<16xi32>], vector<16xf32>, vector<16xi1>
        %parallel_loop3A_754 = arith.constant 14 : i32
        %parallel_loop3A_755 = vector.broadcast %parallel_loop3A_754 : i32 to vector<16x1xi32>
        %parallel_loop3A_756 = vector.shape_cast %parallel_loop3A_755 : vector<16x1xi32> to vector<16xi32>
        %parallel_loop3A_757 = tpu.dynamic_gather %parallel_loop3A_241[%parallel_loop3A_756] in [0] : vector<16xi32>, vector<16xi32> -> vector<16xi32>
        %parallel_loop3A_758 = arith.andi %parallel_loop3A_757, %shift_left3A_6 : vector<16xi32>
        %parallel_loop3A_759 = vector.broadcast %scan3A_41 : i32 to vector<16xi32>
        %parallel_loop3A_760 = arith.cmpi ne, %parallel_loop3A_758, %parallel_loop3A_759 : vector<16xi32>
        %parallel_loop3A_761 = arith.constant 10 : i32
        %parallel_loop3A_762 = vector.broadcast %parallel_loop3A_761 : i32 to vector<16x1xi32>
        %parallel_loop3A_763 = vector.shape_cast %parallel_loop3A_762 : vector<16x1xi32> to vector<16xi32>
        %parallel_loop3A_764 = tpu.dynamic_gather %parallel_loop3A_259[%parallel_loop3A_763] in [0] : vector<16xi32>, vector<16xi32> -> vector<16xi32>
        %parallel_loop3A_765 = arith.constant 10 : i32
        %parallel_loop3A_766 = vector.broadcast %parallel_loop3A_765 : i32 to vector<16x1xi32>
        %parallel_loop3A_767 = vector.shape_cast %parallel_loop3A_766 : vector<16x1xi32> to vector<16xi32>
        %parallel_loop3A_768 = tpu.dynamic_gather %parallel_loop3A_277[%parallel_loop3A_767] in [0] : vector<16xf32>, vector<16xi32> -> vector<16xf32>
        %parallel_loop3A_769 = arith.addi %mul3A_1, %parallel_loop3A_764 : vector<16xi32>
        tpu.vector_store_idx %arg14[%parallel_loop3A_769], %parallel_loop3A_768 masked %parallel_loop3A_760 {add = true} : memref<110720xf32, #tpu.memory_space<vmem>>[vector<16xi32>], vector<16xf32>, vector<16xi1>
        %parallel_loop3A_770 = arith.constant 11 : i32
        %parallel_loop3A_771 = vector.broadcast %parallel_loop3A_770 : i32 to vector<16x1xi32>
        %parallel_loop3A_772 = vector.shape_cast %parallel_loop3A_771 : vector<16x1xi32> to vector<16xi32>
        %parallel_loop3A_773 = tpu.dynamic_gather %parallel_loop3A_259[%parallel_loop3A_772] in [0] : vector<16xi32>, vector<16xi32> -> vector<16xi32>
        %parallel_loop3A_774 = arith.constant 11 : i32
        %parallel_loop3A_775 = vector.broadcast %parallel_loop3A_774 : i32 to vector<16x1xi32>
        %parallel_loop3A_776 = vector.shape_cast %parallel_loop3A_775 : vector<16x1xi32> to vector<16xi32>
        %parallel_loop3A_777 = tpu.dynamic_gather %parallel_loop3A_277[%parallel_loop3A_776] in [0] : vector<16xf32>, vector<16xi32> -> vector<16xf32>
        %parallel_loop3A_778 = arith.addi %mul3A_1, %parallel_loop3A_773 : vector<16xi32>
        tpu.vector_store_idx %arg14[%parallel_loop3A_778], %parallel_loop3A_777 masked %parallel_loop3A_760 {add = true} : memref<110720xf32, #tpu.memory_space<vmem>>[vector<16xi32>], vector<16xf32>, vector<16xi1>
        %parallel_loop3A_779 = arith.constant 12 : i32
        %parallel_loop3A_780 = vector.broadcast %parallel_loop3A_779 : i32 to vector<16x1xi32>
        %parallel_loop3A_781 = vector.shape_cast %parallel_loop3A_780 : vector<16x1xi32> to vector<16xi32>
        %parallel_loop3A_782 = tpu.dynamic_gather %parallel_loop3A_259[%parallel_loop3A_781] in [0] : vector<16xi32>, vector<16xi32> -> vector<16xi32>
        %parallel_loop3A_783 = arith.constant 12 : i32
        %parallel_loop3A_784 = vector.broadcast %parallel_loop3A_783 : i32 to vector<16x1xi32>
        %parallel_loop3A_785 = vector.shape_cast %parallel_loop3A_784 : vector<16x1xi32> to vector<16xi32>
        %parallel_loop3A_786 = tpu.dynamic_gather %parallel_loop3A_277[%parallel_loop3A_785] in [0] : vector<16xf32>, vector<16xi32> -> vector<16xf32>
        %parallel_loop3A_787 = arith.addi %mul3A_1, %parallel_loop3A_782 : vector<16xi32>
        tpu.vector_store_idx %arg14[%parallel_loop3A_787], %parallel_loop3A_786 masked %parallel_loop3A_760 {add = true} : memref<110720xf32, #tpu.memory_space<vmem>>[vector<16xi32>], vector<16xf32>, vector<16xi1>
        %parallel_loop3A_788 = arith.constant 15 : i32
        %parallel_loop3A_789 = vector.broadcast %parallel_loop3A_788 : i32 to vector<16x1xi32>
        %parallel_loop3A_790 = vector.shape_cast %parallel_loop3A_789 : vector<16x1xi32> to vector<16xi32>
        %parallel_loop3A_791 = tpu.dynamic_gather %parallel_loop3A_241[%parallel_loop3A_790] in [0] : vector<16xi32>, vector<16xi32> -> vector<16xi32>
        %parallel_loop3A_792 = arith.andi %parallel_loop3A_791, %shift_left3A_6 : vector<16xi32>
        %parallel_loop3A_793 = vector.broadcast %scan3A_41 : i32 to vector<16xi32>
        %parallel_loop3A_794 = arith.cmpi ne, %parallel_loop3A_792, %parallel_loop3A_793 : vector<16xi32>
        %parallel_loop3A_795 = arith.constant 13 : i32
        %parallel_loop3A_796 = vector.broadcast %parallel_loop3A_795 : i32 to vector<16x1xi32>
        %parallel_loop3A_797 = vector.shape_cast %parallel_loop3A_796 : vector<16x1xi32> to vector<16xi32>
        %parallel_loop3A_798 = tpu.dynamic_gather %parallel_loop3A_259[%parallel_loop3A_797] in [0] : vector<16xi32>, vector<16xi32> -> vector<16xi32>
        %parallel_loop3A_799 = arith.constant 13 : i32
        %parallel_loop3A_800 = vector.broadcast %parallel_loop3A_799 : i32 to vector<16x1xi32>
        %parallel_loop3A_801 = vector.shape_cast %parallel_loop3A_800 : vector<16x1xi32> to vector<16xi32>
        %parallel_loop3A_802 = tpu.dynamic_gather %parallel_loop3A_277[%parallel_loop3A_801] in [0] : vector<16xf32>, vector<16xi32> -> vector<16xf32>
        %parallel_loop3A_803 = arith.addi %mul3A_1, %parallel_loop3A_798 : vector<16xi32>
        tpu.vector_store_idx %arg14[%parallel_loop3A_803], %parallel_loop3A_802 masked %parallel_loop3A_794 {add = true} : memref<110720xf32, #tpu.memory_space<vmem>>[vector<16xi32>], vector<16xf32>, vector<16xi1>
        %parallel_loop3A_804 = arith.constant 14 : i32
        %parallel_loop3A_805 = vector.broadcast %parallel_loop3A_804 : i32 to vector<16x1xi32>
        %parallel_loop3A_806 = vector.shape_cast %parallel_loop3A_805 : vector<16x1xi32> to vector<16xi32>
        %parallel_loop3A_807 = tpu.dynamic_gather %parallel_loop3A_259[%parallel_loop3A_806] in [0] : vector<16xi32>, vector<16xi32> -> vector<16xi32>
        %parallel_loop3A_808 = arith.constant 14 : i32
        %parallel_loop3A_809 = vector.broadcast %parallel_loop3A_808 : i32 to vector<16x1xi32>
        %parallel_loop3A_810 = vector.shape_cast %parallel_loop3A_809 : vector<16x1xi32> to vector<16xi32>
        %parallel_loop3A_811 = tpu.dynamic_gather %parallel_loop3A_277[%parallel_loop3A_810] in [0] : vector<16xf32>, vector<16xi32> -> vector<16xf32>
        %parallel_loop3A_812 = arith.addi %mul3A_1, %parallel_loop3A_807 : vector<16xi32>
        tpu.vector_store_idx %arg14[%parallel_loop3A_812], %parallel_loop3A_811 masked %parallel_loop3A_794 {add = true} : memref<110720xf32, #tpu.memory_space<vmem>>[vector<16xi32>], vector<16xf32>, vector<16xi1>
        %parallel_loop3A_813 = arith.constant 15 : i32
        %parallel_loop3A_814 = vector.broadcast %parallel_loop3A_813 : i32 to vector<16x1xi32>
        %parallel_loop3A_815 = vector.shape_cast %parallel_loop3A_814 : vector<16x1xi32> to vector<16xi32>
        %parallel_loop3A_816 = tpu.dynamic_gather %parallel_loop3A_259[%parallel_loop3A_815] in [0] : vector<16xi32>, vector<16xi32> -> vector<16xi32>
        %parallel_loop3A_817 = arith.constant 15 : i32
        %parallel_loop3A_818 = vector.broadcast %parallel_loop3A_817 : i32 to vector<16x1xi32>
        %parallel_loop3A_819 = vector.shape_cast %parallel_loop3A_818 : vector<16x1xi32> to vector<16xi32>
        %parallel_loop3A_820 = tpu.dynamic_gather %parallel_loop3A_277[%parallel_loop3A_819] in [0] : vector<16xf32>, vector<16xi32> -> vector<16xf32>
        %parallel_loop3A_821 = arith.addi %mul3A_1, %parallel_loop3A_816 : vector<16xi32>
        tpu.vector_store_idx %arg14[%parallel_loop3A_821], %parallel_loop3A_820 masked %parallel_loop3A_794 {add = true} : memref<110720xf32, #tpu.memory_space<vmem>>[vector<16xi32>], vector<16xf32>, vector<16xi1>
      } {sc.loop_unroll_factor = 2 : i64, sc.parallel_access}
      %add3A_230 = arith.constant 2 : i32
      %add3A_231 = arith.addi %add3A_214, %add3A_230 : i32
      %lt3A_232 = arith.constant 32 : i32
      %lt3A_233 = arith.cmpi slt, %add3A_231, %lt3A_232 : i32
      %convert_element_type3A_234 = arith.extui %lt3A_233 : i1 to i32
      %cond3A_235 = arith.constant 0 : i32
      %cond3A_236 = arith.cmpi ne, %convert_element_type3A_234, %cond3A_235 : i32
      scf.if %cond3A_236 {
        %add3A_237 = arith.constant 2 : i32
        %add3A_238 = arith.addi %add3A_214, %add3A_237 : i32
        %mul3A_239 = arith.constant 512 : i32
        %mul3A_240 = arith.muli %add3A_238, %mul3A_239 : i32
        %add3A_241 = arith.addi %mul3A_16, %mul3A_240 : i32
        %dma_start3A_242 = tpu.memref_slice %arg2[%add3A_241] : memref<262144xi32, #tpu.memory_space<hbm>> -> memref<512xi32, #tpu.memory_space<hbm>>
        %dma_start3A_243 = tpu.memref_slice %arg2[%add3A_241] : memref<262144xi32, #tpu.memory_space<hbm>> -> memref<512xi32, #tpu.memory_space<hbm>>
        tpu.enqueue_dma source(%dma_start3A_243 : memref<512xi32, #tpu.memory_space<hbm>>) target(%arg10 : memref<512xi32, #tpu.memory_space<vmem>>) target_semaphore(%arg13 : memref<!tpu.dma_semaphore, #tpu.memory_space<semaphore_mem>>)
        %mul3A_244 = arith.constant 1536 : i32
        %mul3A_245 = arith.muli %add3A_238, %mul3A_244 : i32
        %add3A_246 = arith.addi %mul3A_14, %mul3A_245 : i32
        %dma_start3A_247 = tpu.memref_slice %arg3[%add3A_246] : memref<786432xi32, #tpu.memory_space<hbm>> -> memref<1536xi32, #tpu.memory_space<hbm>>
        %dma_start3A_248 = tpu.memref_slice %arg3[%add3A_246] : memref<786432xi32, #tpu.memory_space<hbm>> -> memref<1536xi32, #tpu.memory_space<hbm>>
        tpu.enqueue_dma source(%dma_start3A_248 : memref<1536xi32, #tpu.memory_space<hbm>>) target(%arg11 : memref<1536xi32, #tpu.memory_space<vmem>>) target_semaphore(%arg13 : memref<!tpu.dma_semaphore, #tpu.memory_space<semaphore_mem>>)
        %mul3A_249 = arith.constant 1536 : i32
        %mul3A_250 = arith.muli %add3A_238, %mul3A_249 : i32
        %add3A_251 = arith.addi %mul3A_14, %mul3A_250 : i32
        %dma_start3A_252 = tpu.memref_slice %arg4[%add3A_251] : memref<786432xf32, #tpu.memory_space<hbm>> -> memref<1536xf32, #tpu.memory_space<hbm>>
        %dma_start3A_253 = tpu.memref_slice %arg4[%add3A_251] : memref<786432xf32, #tpu.memory_space<hbm>> -> memref<1536xf32, #tpu.memory_space<hbm>>
        tpu.enqueue_dma source(%dma_start3A_253 : memref<1536xf32, #tpu.memory_space<hbm>>) target(%arg12 : memref<1536xf32, #tpu.memory_space<vmem>>) target_semaphore(%arg13 : memref<!tpu.dma_semaphore, #tpu.memory_space<semaphore_mem>>)
      } else {
      }
    }
    %scan3A_46 = arith.constant 16 : i32
    %scan3A_47 = arith.constant 0 : i32
    %scan3A_48 = arith.constant 432 : i32
    %scan3A_49 = arith.addi %scan3A_47, %scan3A_48 : i32
    %scan3A_50 = arith.constant 1 : i32
    scf.for %scan3A_191 = %scan3A_47 to %scan3A_49 step %scan3A_50  : i32 {
      %mul3A_192 = arith.constant 1 : i32
      %mul3A_193 = arith.muli %scan3A_191, %mul3A_192 : i32
      %add3A_194 = arith.constant 0 : i32
      %add3A_195 = arith.addi %add3A_194, %mul3A_193 : i32
      %mul3A_196 = arith.constant 16 : i32
      %mul3A_197 = arith.muli %add3A_195, %mul3A_196 : i32
      %add3A_198 = arith.constant 0 : i32
      %add3A_199 = arith.addi %add3A_198, %mul3A_197 : i32
      %get3A = arith.index_cast %add3A_199 : i32 to index
      %get3A_200 = tpu.vector_load %arg14[%get3A] {strides = array<i32>} : memref<110720xf32, #tpu.memory_space<vmem>>, vector<16xf32>,
      %mul3A_201 = arith.constant 16 : i32
      %mul3A_202 = arith.muli %add3A_195, %mul3A_201 : i32
      %swap3A = arith.index_cast %mul3A_202 : i32 to index
      %swap3A_203 = tpu.vector_load %arg15[%swap3A] {strides = array<i32>} : memref<6912xf32, #tpu.memory_space<vmem>>, vector<16xf32>,
      tpu.vector_store %arg15[%swap3A], %get3A_200 {strides = array<i32>} : memref<6912xf32, #tpu.memory_space<vmem>>, vector<16xf32>,
    }
    %scan3A_51 = arith.constant 432 : i32
    %mul3A_52 = arith.constant 16 : i32
    %mul3A_53 = arith.muli %arg0, %mul3A_52 : i32
    %add3A_54 = arith.constant 0 : i32
    %add3A_55 = arith.addi %mul3A_53, %add3A_54 : i32
    "tpu.region"() ({
      %run_scoped3A = tpu.sem_alloc : memref<!tpu.dma_semaphore, #tpu.memory_space<semaphore_mem>>
      %dma_start3A_191 = arith.constant 0 : i32
      %dma_start3A_192 = tpu.memref_slice %arg5[%arg1, %add3A_55, %dma_start3A_191] : memref<16x32x6912xf32, #tpu.memory_space<hbm>> -> memref<1x1x6912xf32, #tpu.memory_space<hbm>>
      %dma_start3A_193 = tpu.memref_squeeze %dma_start3A_192 : memref<1x1x6912xf32, #tpu.memory_space<hbm>> -> memref<6912xf32, #tpu.memory_space<hbm>>
      %dma_start3A_194 = arith.constant 0 : i32
      %dma_start3A_195 = tpu.memref_slice %arg5[%arg1, %add3A_55, %dma_start3A_194] : memref<16x32x6912xf32, #tpu.memory_space<hbm>> -> memref<1x1x6912xf32, #tpu.memory_space<hbm>>
      %dma_start3A_196 = tpu.memref_squeeze %dma_start3A_195 : memref<1x1x6912xf32, #tpu.memory_space<hbm>> -> memref<6912xf32, #tpu.memory_space<hbm>>
      tpu.enqueue_dma source(%arg15 : memref<6912xf32, #tpu.memory_space<vmem>>) target(%dma_start3A_196 : memref<6912xf32, #tpu.memory_space<hbm>>) target_semaphore(%run_scoped3A : memref<!tpu.dma_semaphore, #tpu.memory_space<semaphore_mem>>)
      %dma_wait3A = arith.constant 0 : i32
      %dma_wait3A_197 = tpu.memref_slice %arg5[%arg1, %add3A_55, %dma_wait3A] : memref<16x32x6912xf32, #tpu.memory_space<hbm>> -> memref<1x1x6912xf32, #tpu.memory_space<hbm>>
      %dma_wait3A_198 = tpu.memref_squeeze %dma_wait3A_197 : memref<1x1x6912xf32, #tpu.memory_space<hbm>> -> memref<6912xf32, #tpu.memory_space<hbm>>
      %dma_wait3A_199 = arith.constant 0 : i32
      %dma_wait3A_200 = tpu.memref_slice %arg5[%arg1, %add3A_55, %dma_wait3A_199] : memref<16x32x6912xf32, #tpu.memory_space<hbm>> -> memref<1x1x6912xf32, #tpu.memory_space<hbm>>
      %dma_wait3A_201 = tpu.memref_squeeze %dma_wait3A_200 : memref<1x1x6912xf32, #tpu.memory_space<hbm>> -> memref<6912xf32, #tpu.memory_space<hbm>>
      tpu.wait_dma2 semaphore(%run_scoped3A : memref<!tpu.dma_semaphore, #tpu.memory_space<semaphore_mem>>) src(%arg15 : memref<6912xf32, #tpu.memory_space<vmem>>) dst(%dma_wait3A_201 : memref<6912xf32, #tpu.memory_space<hbm>>)
      tpu.yield
    }) : () -> ()
    %scan3A_56 = arith.constant 0 : i32
    %scan3A_57 = arith.constant 432 : i32
    %scan3A_58 = arith.addi %scan3A_56, %scan3A_57 : i32
    %scan3A_59 = arith.constant 1 : i32
    scf.for %scan3A_191 = %scan3A_56 to %scan3A_58 step %scan3A_59  : i32 {
      %mul3A_192 = arith.constant 1 : i32
      %mul3A_193 = arith.muli %scan3A_191, %mul3A_192 : i32
      %add3A_194 = arith.constant 0 : i32
      %add3A_195 = arith.addi %add3A_194, %mul3A_193 : i32
      %mul3A_196 = arith.constant 16 : i32
      %mul3A_197 = arith.muli %add3A_195, %mul3A_196 : i32
      %add3A_198 = arith.constant 6913 : i32
      %add3A_199 = arith.addi %add3A_198, %mul3A_197 : i32
      %get3A = arith.index_cast %add3A_199 : i32 to index
      %get3A_200 = tpu.vector_load %arg14[%get3A] {strides = array<i32>} : memref<110720xf32, #tpu.memory_space<vmem>>, vector<16xf32>,
      %mul3A_201 = arith.constant 16 : i32
      %mul3A_202 = arith.muli %add3A_195, %mul3A_201 : i32
      %swap3A = arith.index_cast %mul3A_202 : i32 to index
      %swap3A_203 = tpu.vector_load %arg15[%swap3A] {strides = array<i32>} : memref<6912xf32, #tpu.memory_space<vmem>>, vector<16xf32>,
      tpu.vector_store %arg15[%swap3A], %get3A_200 {strides = array<i32>} : memref<6912xf32, #tpu.memory_space<vmem>>, vector<16xf32>,
    }
    %scan3A_60 = arith.constant 432 : i32
    %mul3A_61 = arith.constant 16 : i32
    %mul3A_62 = arith.muli %arg0, %mul3A_61 : i32
    %add3A_63 = arith.constant 1 : i32
    %add3A_64 = arith.addi %mul3A_62, %add3A_63 : i32
    "tpu.region"() ({
      %run_scoped3A = tpu.sem_alloc : memref<!tpu.dma_semaphore, #tpu.memory_space<semaphore_mem>>
      %dma_start3A_191 = arith.constant 0 : i32
      %dma_start3A_192 = tpu.memref_slice %arg5[%arg1, %add3A_64, %dma_start3A_191] : memref<16x32x6912xf32, #tpu.memory_space<hbm>> -> memref<1x1x6912xf32, #tpu.memory_space<hbm>>
      %dma_start3A_193 = tpu.memref_squeeze %dma_start3A_192 : memref<1x1x6912xf32, #tpu.memory_space<hbm>> -> memref<6912xf32, #tpu.memory_space<hbm>>
      %dma_start3A_194 = arith.constant 0 : i32
      %dma_start3A_195 = tpu.memref_slice %arg5[%arg1, %add3A_64, %dma_start3A_194] : memref<16x32x6912xf32, #tpu.memory_space<hbm>> -> memref<1x1x6912xf32, #tpu.memory_space<hbm>>
      %dma_start3A_196 = tpu.memref_squeeze %dma_start3A_195 : memref<1x1x6912xf32, #tpu.memory_space<hbm>> -> memref<6912xf32, #tpu.memory_space<hbm>>
      tpu.enqueue_dma source(%arg15 : memref<6912xf32, #tpu.memory_space<vmem>>) target(%dma_start3A_196 : memref<6912xf32, #tpu.memory_space<hbm>>) target_semaphore(%run_scoped3A : memref<!tpu.dma_semaphore, #tpu.memory_space<semaphore_mem>>)
      %dma_wait3A = arith.constant 0 : i32
      %dma_wait3A_197 = tpu.memref_slice %arg5[%arg1, %add3A_64, %dma_wait3A] : memref<16x32x6912xf32, #tpu.memory_space<hbm>> -> memref<1x1x6912xf32, #tpu.memory_space<hbm>>
      %dma_wait3A_198 = tpu.memref_squeeze %dma_wait3A_197 : memref<1x1x6912xf32, #tpu.memory_space<hbm>> -> memref<6912xf32, #tpu.memory_space<hbm>>
      %dma_wait3A_199 = arith.constant 0 : i32
      %dma_wait3A_200 = tpu.memref_slice %arg5[%arg1, %add3A_64, %dma_wait3A_199] : memref<16x32x6912xf32, #tpu.memory_space<hbm>> -> memref<1x1x6912xf32, #tpu.memory_space<hbm>>
      %dma_wait3A_201 = tpu.memref_squeeze %dma_wait3A_200 : memref<1x1x6912xf32, #tpu.memory_space<hbm>> -> memref<6912xf32, #tpu.memory_space<hbm>>
      tpu.wait_dma2 semaphore(%run_scoped3A : memref<!tpu.dma_semaphore, #tpu.memory_space<semaphore_mem>>) src(%arg15 : memref<6912xf32, #tpu.memory_space<vmem>>) dst(%dma_wait3A_201 : memref<6912xf32, #tpu.memory_space<hbm>>)
      tpu.yield
    }) : () -> ()
    %scan3A_65 = arith.constant 0 : i32
    %scan3A_66 = arith.constant 432 : i32
    %scan3A_67 = arith.addi %scan3A_65, %scan3A_66 : i32
    %scan3A_68 = arith.constant 1 : i32
    scf.for %scan3A_191 = %scan3A_65 to %scan3A_67 step %scan3A_68  : i32 {
      %mul3A_192 = arith.constant 1 : i32
      %mul3A_193 = arith.muli %scan3A_191, %mul3A_192 : i32
      %add3A_194 = arith.constant 0 : i32
      %add3A_195 = arith.addi %add3A_194, %mul3A_193 : i32
      %mul3A_196 = arith.constant 16 : i32
      %mul3A_197 = arith.muli %add3A_195, %mul3A_196 : i32
      %add3A_198 = arith.constant 13826 : i32
      %add3A_199 = arith.addi %add3A_198, %mul3A_197 : i32
      %get3A = arith.index_cast %add3A_199 : i32 to index
      %get3A_200 = tpu.vector_load %arg14[%get3A] {strides = array<i32>} : memref<110720xf32, #tpu.memory_space<vmem>>, vector<16xf32>,
      %mul3A_201 = arith.constant 16 : i32
      %mul3A_202 = arith.muli %add3A_195, %mul3A_201 : i32
      %swap3A = arith.index_cast %mul3A_202 : i32 to index
      %swap3A_203 = tpu.vector_load %arg15[%swap3A] {strides = array<i32>} : memref<6912xf32, #tpu.memory_space<vmem>>, vector<16xf32>,
      tpu.vector_store %arg15[%swap3A], %get3A_200 {strides = array<i32>} : memref<6912xf32, #tpu.memory_space<vmem>>, vector<16xf32>,
    }
    %scan3A_69 = arith.constant 432 : i32
    %mul3A_70 = arith.constant 16 : i32
    %mul3A_71 = arith.muli %arg0, %mul3A_70 : i32
    %add3A_72 = arith.constant 2 : i32
    %add3A_73 = arith.addi %mul3A_71, %add3A_72 : i32
    "tpu.region"() ({
      %run_scoped3A = tpu.sem_alloc : memref<!tpu.dma_semaphore, #tpu.memory_space<semaphore_mem>>
      %dma_start3A_191 = arith.constant 0 : i32
      %dma_start3A_192 = tpu.memref_slice %arg5[%arg1, %add3A_73, %dma_start3A_191] : memref<16x32x6912xf32, #tpu.memory_space<hbm>> -> memref<1x1x6912xf32, #tpu.memory_space<hbm>>
      %dma_start3A_193 = tpu.memref_squeeze %dma_start3A_192 : memref<1x1x6912xf32, #tpu.memory_space<hbm>> -> memref<6912xf32, #tpu.memory_space<hbm>>
      %dma_start3A_194 = arith.constant 0 : i32
      %dma_start3A_195 = tpu.memref_slice %arg5[%arg1, %add3A_73, %dma_start3A_194] : memref<16x32x6912xf32, #tpu.memory_space<hbm>> -> memref<1x1x6912xf32, #tpu.memory_space<hbm>>
      %dma_start3A_196 = tpu.memref_squeeze %dma_start3A_195 : memref<1x1x6912xf32, #tpu.memory_space<hbm>> -> memref<6912xf32, #tpu.memory_space<hbm>>
      tpu.enqueue_dma source(%arg15 : memref<6912xf32, #tpu.memory_space<vmem>>) target(%dma_start3A_196 : memref<6912xf32, #tpu.memory_space<hbm>>) target_semaphore(%run_scoped3A : memref<!tpu.dma_semaphore, #tpu.memory_space<semaphore_mem>>)
      %dma_wait3A = arith.constant 0 : i32
      %dma_wait3A_197 = tpu.memref_slice %arg5[%arg1, %add3A_73, %dma_wait3A] : memref<16x32x6912xf32, #tpu.memory_space<hbm>> -> memref<1x1x6912xf32, #tpu.memory_space<hbm>>
      %dma_wait3A_198 = tpu.memref_squeeze %dma_wait3A_197 : memref<1x1x6912xf32, #tpu.memory_space<hbm>> -> memref<6912xf32, #tpu.memory_space<hbm>>
      %dma_wait3A_199 = arith.constant 0 : i32
      %dma_wait3A_200 = tpu.memref_slice %arg5[%arg1, %add3A_73, %dma_wait3A_199] : memref<16x32x6912xf32, #tpu.memory_space<hbm>> -> memref<1x1x6912xf32, #tpu.memory_space<hbm>>
      %dma_wait3A_201 = tpu.memref_squeeze %dma_wait3A_200 : memref<1x1x6912xf32, #tpu.memory_space<hbm>> -> memref<6912xf32, #tpu.memory_space<hbm>>
      tpu.wait_dma2 semaphore(%run_scoped3A : memref<!tpu.dma_semaphore, #tpu.memory_space<semaphore_mem>>) src(%arg15 : memref<6912xf32, #tpu.memory_space<vmem>>) dst(%dma_wait3A_201 : memref<6912xf32, #tpu.memory_space<hbm>>)
      tpu.yield
    }) : () -> ()
    %scan3A_74 = arith.constant 0 : i32
    %scan3A_75 = arith.constant 432 : i32
    %scan3A_76 = arith.addi %scan3A_74, %scan3A_75 : i32
    %scan3A_77 = arith.constant 1 : i32
    scf.for %scan3A_191 = %scan3A_74 to %scan3A_76 step %scan3A_77  : i32 {
      %mul3A_192 = arith.constant 1 : i32
      %mul3A_193 = arith.muli %scan3A_191, %mul3A_192 : i32
      %add3A_194 = arith.constant 0 : i32
      %add3A_195 = arith.addi %add3A_194, %mul3A_193 : i32
      %mul3A_196 = arith.constant 16 : i32
      %mul3A_197 = arith.muli %add3A_195, %mul3A_196 : i32
      %add3A_198 = arith.constant 20739 : i32
      %add3A_199 = arith.addi %add3A_198, %mul3A_197 : i32
      %get3A = arith.index_cast %add3A_199 : i32 to index
      %get3A_200 = tpu.vector_load %arg14[%get3A] {strides = array<i32>} : memref<110720xf32, #tpu.memory_space<vmem>>, vector<16xf32>,
      %mul3A_201 = arith.constant 16 : i32
      %mul3A_202 = arith.muli %add3A_195, %mul3A_201 : i32
      %swap3A = arith.index_cast %mul3A_202 : i32 to index
      %swap3A_203 = tpu.vector_load %arg15[%swap3A] {strides = array<i32>} : memref<6912xf32, #tpu.memory_space<vmem>>, vector<16xf32>,
      tpu.vector_store %arg15[%swap3A], %get3A_200 {strides = array<i32>} : memref<6912xf32, #tpu.memory_space<vmem>>, vector<16xf32>,
    }
    %scan3A_78 = arith.constant 432 : i32
    %mul3A_79 = arith.constant 16 : i32
    %mul3A_80 = arith.muli %arg0, %mul3A_79 : i32
    %add3A_81 = arith.constant 3 : i32
    %add3A_82 = arith.addi %mul3A_80, %add3A_81 : i32
    "tpu.region"() ({
      %run_scoped3A = tpu.sem_alloc : memref<!tpu.dma_semaphore, #tpu.memory_space<semaphore_mem>>
      %dma_start3A_191 = arith.constant 0 : i32
      %dma_start3A_192 = tpu.memref_slice %arg5[%arg1, %add3A_82, %dma_start3A_191] : memref<16x32x6912xf32, #tpu.memory_space<hbm>> -> memref<1x1x6912xf32, #tpu.memory_space<hbm>>
      %dma_start3A_193 = tpu.memref_squeeze %dma_start3A_192 : memref<1x1x6912xf32, #tpu.memory_space<hbm>> -> memref<6912xf32, #tpu.memory_space<hbm>>
      %dma_start3A_194 = arith.constant 0 : i32
      %dma_start3A_195 = tpu.memref_slice %arg5[%arg1, %add3A_82, %dma_start3A_194] : memref<16x32x6912xf32, #tpu.memory_space<hbm>> -> memref<1x1x6912xf32, #tpu.memory_space<hbm>>
      %dma_start3A_196 = tpu.memref_squeeze %dma_start3A_195 : memref<1x1x6912xf32, #tpu.memory_space<hbm>> -> memref<6912xf32, #tpu.memory_space<hbm>>
      tpu.enqueue_dma source(%arg15 : memref<6912xf32, #tpu.memory_space<vmem>>) target(%dma_start3A_196 : memref<6912xf32, #tpu.memory_space<hbm>>) target_semaphore(%run_scoped3A : memref<!tpu.dma_semaphore, #tpu.memory_space<semaphore_mem>>)
      %dma_wait3A = arith.constant 0 : i32
      %dma_wait3A_197 = tpu.memref_slice %arg5[%arg1, %add3A_82, %dma_wait3A] : memref<16x32x6912xf32, #tpu.memory_space<hbm>> -> memref<1x1x6912xf32, #tpu.memory_space<hbm>>
      %dma_wait3A_198 = tpu.memref_squeeze %dma_wait3A_197 : memref<1x1x6912xf32, #tpu.memory_space<hbm>> -> memref<6912xf32, #tpu.memory_space<hbm>>
      %dma_wait3A_199 = arith.constant 0 : i32
      %dma_wait3A_200 = tpu.memref_slice %arg5[%arg1, %add3A_82, %dma_wait3A_199] : memref<16x32x6912xf32, #tpu.memory_space<hbm>> -> memref<1x1x6912xf32, #tpu.memory_space<hbm>>
      %dma_wait3A_201 = tpu.memref_squeeze %dma_wait3A_200 : memref<1x1x6912xf32, #tpu.memory_space<hbm>> -> memref<6912xf32, #tpu.memory_space<hbm>>
      tpu.wait_dma2 semaphore(%run_scoped3A : memref<!tpu.dma_semaphore, #tpu.memory_space<semaphore_mem>>) src(%arg15 : memref<6912xf32, #tpu.memory_space<vmem>>) dst(%dma_wait3A_201 : memref<6912xf32, #tpu.memory_space<hbm>>)
      tpu.yield
    }) : () -> ()
    %scan3A_83 = arith.constant 0 : i32
    %scan3A_84 = arith.constant 432 : i32
    %scan3A_85 = arith.addi %scan3A_83, %scan3A_84 : i32
    %scan3A_86 = arith.constant 1 : i32
    scf.for %scan3A_191 = %scan3A_83 to %scan3A_85 step %scan3A_86  : i32 {
      %mul3A_192 = arith.constant 1 : i32
      %mul3A_193 = arith.muli %scan3A_191, %mul3A_192 : i32
      %add3A_194 = arith.constant 0 : i32
      %add3A_195 = arith.addi %add3A_194, %mul3A_193 : i32
      %mul3A_196 = arith.constant 16 : i32
      %mul3A_197 = arith.muli %add3A_195, %mul3A_196 : i32
      %add3A_198 = arith.constant 27652 : i32
      %add3A_199 = arith.addi %add3A_198, %mul3A_197 : i32
      %get3A = arith.index_cast %add3A_199 : i32 to index
      %get3A_200 = tpu.vector_load %arg14[%get3A] {strides = array<i32>} : memref<110720xf32, #tpu.memory_space<vmem>>, vector<16xf32>,
      %mul3A_201 = arith.constant 16 : i32
      %mul3A_202 = arith.muli %add3A_195, %mul3A_201 : i32
      %swap3A = arith.index_cast %mul3A_202 : i32 to index
      %swap3A_203 = tpu.vector_load %arg15[%swap3A] {strides = array<i32>} : memref<6912xf32, #tpu.memory_space<vmem>>, vector<16xf32>,
      tpu.vector_store %arg15[%swap3A], %get3A_200 {strides = array<i32>} : memref<6912xf32, #tpu.memory_space<vmem>>, vector<16xf32>,
    }
    %scan3A_87 = arith.constant 432 : i32
    %mul3A_88 = arith.constant 16 : i32
    %mul3A_89 = arith.muli %arg0, %mul3A_88 : i32
    %add3A_90 = arith.constant 4 : i32
    %add3A_91 = arith.addi %mul3A_89, %add3A_90 : i32
    "tpu.region"() ({
      %run_scoped3A = tpu.sem_alloc : memref<!tpu.dma_semaphore, #tpu.memory_space<semaphore_mem>>
      %dma_start3A_191 = arith.constant 0 : i32
      %dma_start3A_192 = tpu.memref_slice %arg5[%arg1, %add3A_91, %dma_start3A_191] : memref<16x32x6912xf32, #tpu.memory_space<hbm>> -> memref<1x1x6912xf32, #tpu.memory_space<hbm>>
      %dma_start3A_193 = tpu.memref_squeeze %dma_start3A_192 : memref<1x1x6912xf32, #tpu.memory_space<hbm>> -> memref<6912xf32, #tpu.memory_space<hbm>>
      %dma_start3A_194 = arith.constant 0 : i32
      %dma_start3A_195 = tpu.memref_slice %arg5[%arg1, %add3A_91, %dma_start3A_194] : memref<16x32x6912xf32, #tpu.memory_space<hbm>> -> memref<1x1x6912xf32, #tpu.memory_space<hbm>>
      %dma_start3A_196 = tpu.memref_squeeze %dma_start3A_195 : memref<1x1x6912xf32, #tpu.memory_space<hbm>> -> memref<6912xf32, #tpu.memory_space<hbm>>
      tpu.enqueue_dma source(%arg15 : memref<6912xf32, #tpu.memory_space<vmem>>) target(%dma_start3A_196 : memref<6912xf32, #tpu.memory_space<hbm>>) target_semaphore(%run_scoped3A : memref<!tpu.dma_semaphore, #tpu.memory_space<semaphore_mem>>)
      %dma_wait3A = arith.constant 0 : i32
      %dma_wait3A_197 = tpu.memref_slice %arg5[%arg1, %add3A_91, %dma_wait3A] : memref<16x32x6912xf32, #tpu.memory_space<hbm>> -> memref<1x1x6912xf32, #tpu.memory_space<hbm>>
      %dma_wait3A_198 = tpu.memref_squeeze %dma_wait3A_197 : memref<1x1x6912xf32, #tpu.memory_space<hbm>> -> memref<6912xf32, #tpu.memory_space<hbm>>
      %dma_wait3A_199 = arith.constant 0 : i32
      %dma_wait3A_200 = tpu.memref_slice %arg5[%arg1, %add3A_91, %dma_wait3A_199] : memref<16x32x6912xf32, #tpu.memory_space<hbm>> -> memref<1x1x6912xf32, #tpu.memory_space<hbm>>
      %dma_wait3A_201 = tpu.memref_squeeze %dma_wait3A_200 : memref<1x1x6912xf32, #tpu.memory_space<hbm>> -> memref<6912xf32, #tpu.memory_space<hbm>>
      tpu.wait_dma2 semaphore(%run_scoped3A : memref<!tpu.dma_semaphore, #tpu.memory_space<semaphore_mem>>) src(%arg15 : memref<6912xf32, #tpu.memory_space<vmem>>) dst(%dma_wait3A_201 : memref<6912xf32, #tpu.memory_space<hbm>>)
      tpu.yield
    }) : () -> ()
    %scan3A_92 = arith.constant 0 : i32
    %scan3A_93 = arith.constant 432 : i32
    %scan3A_94 = arith.addi %scan3A_92, %scan3A_93 : i32
    %scan3A_95 = arith.constant 1 : i32
    scf.for %scan3A_191 = %scan3A_92 to %scan3A_94 step %scan3A_95  : i32 {
      %mul3A_192 = arith.constant 1 : i32
      %mul3A_193 = arith.muli %scan3A_191, %mul3A_192 : i32
      %add3A_194 = arith.constant 0 : i32
      %add3A_195 = arith.addi %add3A_194, %mul3A_193 : i32
      %mul3A_196 = arith.constant 16 : i32
      %mul3A_197 = arith.muli %add3A_195, %mul3A_196 : i32
      %add3A_198 = arith.constant 34565 : i32
      %add3A_199 = arith.addi %add3A_198, %mul3A_197 : i32
      %get3A = arith.index_cast %add3A_199 : i32 to index
      %get3A_200 = tpu.vector_load %arg14[%get3A] {strides = array<i32>} : memref<110720xf32, #tpu.memory_space<vmem>>, vector<16xf32>,
      %mul3A_201 = arith.constant 16 : i32
      %mul3A_202 = arith.muli %add3A_195, %mul3A_201 : i32
      %swap3A = arith.index_cast %mul3A_202 : i32 to index
      %swap3A_203 = tpu.vector_load %arg15[%swap3A] {strides = array<i32>} : memref<6912xf32, #tpu.memory_space<vmem>>, vector<16xf32>,
      tpu.vector_store %arg15[%swap3A], %get3A_200 {strides = array<i32>} : memref<6912xf32, #tpu.memory_space<vmem>>, vector<16xf32>,
    }
    %scan3A_96 = arith.constant 432 : i32
    %mul3A_97 = arith.constant 16 : i32
    %mul3A_98 = arith.muli %arg0, %mul3A_97 : i32
    %add3A_99 = arith.constant 5 : i32
    %add3A_100 = arith.addi %mul3A_98, %add3A_99 : i32
    "tpu.region"() ({
      %run_scoped3A = tpu.sem_alloc : memref<!tpu.dma_semaphore, #tpu.memory_space<semaphore_mem>>
      %dma_start3A_191 = arith.constant 0 : i32
      %dma_start3A_192 = tpu.memref_slice %arg5[%arg1, %add3A_100, %dma_start3A_191] : memref<16x32x6912xf32, #tpu.memory_space<hbm>> -> memref<1x1x6912xf32, #tpu.memory_space<hbm>>
      %dma_start3A_193 = tpu.memref_squeeze %dma_start3A_192 : memref<1x1x6912xf32, #tpu.memory_space<hbm>> -> memref<6912xf32, #tpu.memory_space<hbm>>
      %dma_start3A_194 = arith.constant 0 : i32
      %dma_start3A_195 = tpu.memref_slice %arg5[%arg1, %add3A_100, %dma_start3A_194] : memref<16x32x6912xf32, #tpu.memory_space<hbm>> -> memref<1x1x6912xf32, #tpu.memory_space<hbm>>
      %dma_start3A_196 = tpu.memref_squeeze %dma_start3A_195 : memref<1x1x6912xf32, #tpu.memory_space<hbm>> -> memref<6912xf32, #tpu.memory_space<hbm>>
      tpu.enqueue_dma source(%arg15 : memref<6912xf32, #tpu.memory_space<vmem>>) target(%dma_start3A_196 : memref<6912xf32, #tpu.memory_space<hbm>>) target_semaphore(%run_scoped3A : memref<!tpu.dma_semaphore, #tpu.memory_space<semaphore_mem>>)
      %dma_wait3A = arith.constant 0 : i32
      %dma_wait3A_197 = tpu.memref_slice %arg5[%arg1, %add3A_100, %dma_wait3A] : memref<16x32x6912xf32, #tpu.memory_space<hbm>> -> memref<1x1x6912xf32, #tpu.memory_space<hbm>>
      %dma_wait3A_198 = tpu.memref_squeeze %dma_wait3A_197 : memref<1x1x6912xf32, #tpu.memory_space<hbm>> -> memref<6912xf32, #tpu.memory_space<hbm>>
      %dma_wait3A_199 = arith.constant 0 : i32
      %dma_wait3A_200 = tpu.memref_slice %arg5[%arg1, %add3A_100, %dma_wait3A_199] : memref<16x32x6912xf32, #tpu.memory_space<hbm>> -> memref<1x1x6912xf32, #tpu.memory_space<hbm>>
      %dma_wait3A_201 = tpu.memref_squeeze %dma_wait3A_200 : memref<1x1x6912xf32, #tpu.memory_space<hbm>> -> memref<6912xf32, #tpu.memory_space<hbm>>
      tpu.wait_dma2 semaphore(%run_scoped3A : memref<!tpu.dma_semaphore, #tpu.memory_space<semaphore_mem>>) src(%arg15 : memref<6912xf32, #tpu.memory_space<vmem>>) dst(%dma_wait3A_201 : memref<6912xf32, #tpu.memory_space<hbm>>)
      tpu.yield
    }) : () -> ()
    %scan3A_101 = arith.constant 0 : i32
    %scan3A_102 = arith.constant 432 : i32
    %scan3A_103 = arith.addi %scan3A_101, %scan3A_102 : i32
    %scan3A_104 = arith.constant 1 : i32
    scf.for %scan3A_191 = %scan3A_101 to %scan3A_103 step %scan3A_104  : i32 {
      %mul3A_192 = arith.constant 1 : i32
      %mul3A_193 = arith.muli %scan3A_191, %mul3A_192 : i32
      %add3A_194 = arith.constant 0 : i32
      %add3A_195 = arith.addi %add3A_194, %mul3A_193 : i32
      %mul3A_196 = arith.constant 16 : i32
      %mul3A_197 = arith.muli %add3A_195, %mul3A_196 : i32
      %add3A_198 = arith.constant 41478 : i32
      %add3A_199 = arith.addi %add3A_198, %mul3A_197 : i32
      %get3A = arith.index_cast %add3A_199 : i32 to index
      %get3A_200 = tpu.vector_load %arg14[%get3A] {strides = array<i32>} : memref<110720xf32, #tpu.memory_space<vmem>>, vector<16xf32>,
      %mul3A_201 = arith.constant 16 : i32
      %mul3A_202 = arith.muli %add3A_195, %mul3A_201 : i32
      %swap3A = arith.index_cast %mul3A_202 : i32 to index
      %swap3A_203 = tpu.vector_load %arg15[%swap3A] {strides = array<i32>} : memref<6912xf32, #tpu.memory_space<vmem>>, vector<16xf32>,
      tpu.vector_store %arg15[%swap3A], %get3A_200 {strides = array<i32>} : memref<6912xf32, #tpu.memory_space<vmem>>, vector<16xf32>,
    }
    %scan3A_105 = arith.constant 432 : i32
    %mul3A_106 = arith.constant 16 : i32
    %mul3A_107 = arith.muli %arg0, %mul3A_106 : i32
    %add3A_108 = arith.constant 6 : i32
    %add3A_109 = arith.addi %mul3A_107, %add3A_108 : i32
    "tpu.region"() ({
      %run_scoped3A = tpu.sem_alloc : memref<!tpu.dma_semaphore, #tpu.memory_space<semaphore_mem>>
      %dma_start3A_191 = arith.constant 0 : i32
      %dma_start3A_192 = tpu.memref_slice %arg5[%arg1, %add3A_109, %dma_start3A_191] : memref<16x32x6912xf32, #tpu.memory_space<hbm>> -> memref<1x1x6912xf32, #tpu.memory_space<hbm>>
      %dma_start3A_193 = tpu.memref_squeeze %dma_start3A_192 : memref<1x1x6912xf32, #tpu.memory_space<hbm>> -> memref<6912xf32, #tpu.memory_space<hbm>>
      %dma_start3A_194 = arith.constant 0 : i32
      %dma_start3A_195 = tpu.memref_slice %arg5[%arg1, %add3A_109, %dma_start3A_194] : memref<16x32x6912xf32, #tpu.memory_space<hbm>> -> memref<1x1x6912xf32, #tpu.memory_space<hbm>>
      %dma_start3A_196 = tpu.memref_squeeze %dma_start3A_195 : memref<1x1x6912xf32, #tpu.memory_space<hbm>> -> memref<6912xf32, #tpu.memory_space<hbm>>
      tpu.enqueue_dma source(%arg15 : memref<6912xf32, #tpu.memory_space<vmem>>) target(%dma_start3A_196 : memref<6912xf32, #tpu.memory_space<hbm>>) target_semaphore(%run_scoped3A : memref<!tpu.dma_semaphore, #tpu.memory_space<semaphore_mem>>)
      %dma_wait3A = arith.constant 0 : i32
      %dma_wait3A_197 = tpu.memref_slice %arg5[%arg1, %add3A_109, %dma_wait3A] : memref<16x32x6912xf32, #tpu.memory_space<hbm>> -> memref<1x1x6912xf32, #tpu.memory_space<hbm>>
      %dma_wait3A_198 = tpu.memref_squeeze %dma_wait3A_197 : memref<1x1x6912xf32, #tpu.memory_space<hbm>> -> memref<6912xf32, #tpu.memory_space<hbm>>
      %dma_wait3A_199 = arith.constant 0 : i32
      %dma_wait3A_200 = tpu.memref_slice %arg5[%arg1, %add3A_109, %dma_wait3A_199] : memref<16x32x6912xf32, #tpu.memory_space<hbm>> -> memref<1x1x6912xf32, #tpu.memory_space<hbm>>
      %dma_wait3A_201 = tpu.memref_squeeze %dma_wait3A_200 : memref<1x1x6912xf32, #tpu.memory_space<hbm>> -> memref<6912xf32, #tpu.memory_space<hbm>>
      tpu.wait_dma2 semaphore(%run_scoped3A : memref<!tpu.dma_semaphore, #tpu.memory_space<semaphore_mem>>) src(%arg15 : memref<6912xf32, #tpu.memory_space<vmem>>) dst(%dma_wait3A_201 : memref<6912xf32, #tpu.memory_space<hbm>>)
      tpu.yield
    }) : () -> ()
    %scan3A_110 = arith.constant 0 : i32
    %scan3A_111 = arith.constant 432 : i32
    %scan3A_112 = arith.addi %scan3A_110, %scan3A_111 : i32
    %scan3A_113 = arith.constant 1 : i32
    scf.for %scan3A_191 = %scan3A_110 to %scan3A_112 step %scan3A_113  : i32 {
      %mul3A_192 = arith.constant 1 : i32
      %mul3A_193 = arith.muli %scan3A_191, %mul3A_192 : i32
      %add3A_194 = arith.constant 0 : i32
      %add3A_195 = arith.addi %add3A_194, %mul3A_193 : i32
      %mul3A_196 = arith.constant 16 : i32
      %mul3A_197 = arith.muli %add3A_195, %mul3A_196 : i32
      %add3A_198 = arith.constant 48391 : i32
      %add3A_199 = arith.addi %add3A_198, %mul3A_197 : i32
      %get3A = arith.index_cast %add3A_199 : i32 to index
      %get3A_200 = tpu.vector_load %arg14[%get3A] {strides = array<i32>} : memref<110720xf32, #tpu.memory_space<vmem>>, vector<16xf32>,
      %mul3A_201 = arith.constant 16 : i32
      %mul3A_202 = arith.muli %add3A_195, %mul3A_201 : i32
      %swap3A = arith.index_cast %mul3A_202 : i32 to index
      %swap3A_203 = tpu.vector_load %arg15[%swap3A] {strides = array<i32>} : memref<6912xf32, #tpu.memory_space<vmem>>, vector<16xf32>,
      tpu.vector_store %arg15[%swap3A], %get3A_200 {strides = array<i32>} : memref<6912xf32, #tpu.memory_space<vmem>>, vector<16xf32>,
    }
    %scan3A_114 = arith.constant 432 : i32
    %mul3A_115 = arith.constant 16 : i32
    %mul3A_116 = arith.muli %arg0, %mul3A_115 : i32
    %add3A_117 = arith.constant 7 : i32
    %add3A_118 = arith.addi %mul3A_116, %add3A_117 : i32
    "tpu.region"() ({
      %run_scoped3A = tpu.sem_alloc : memref<!tpu.dma_semaphore, #tpu.memory_space<semaphore_mem>>
      %dma_start3A_191 = arith.constant 0 : i32
      %dma_start3A_192 = tpu.memref_slice %arg5[%arg1, %add3A_118, %dma_start3A_191] : memref<16x32x6912xf32, #tpu.memory_space<hbm>> -> memref<1x1x6912xf32, #tpu.memory_space<hbm>>
      %dma_start3A_193 = tpu.memref_squeeze %dma_start3A_192 : memref<1x1x6912xf32, #tpu.memory_space<hbm>> -> memref<6912xf32, #tpu.memory_space<hbm>>
      %dma_start3A_194 = arith.constant 0 : i32
      %dma_start3A_195 = tpu.memref_slice %arg5[%arg1, %add3A_118, %dma_start3A_194] : memref<16x32x6912xf32, #tpu.memory_space<hbm>> -> memref<1x1x6912xf32, #tpu.memory_space<hbm>>
      %dma_start3A_196 = tpu.memref_squeeze %dma_start3A_195 : memref<1x1x6912xf32, #tpu.memory_space<hbm>> -> memref<6912xf32, #tpu.memory_space<hbm>>
      tpu.enqueue_dma source(%arg15 : memref<6912xf32, #tpu.memory_space<vmem>>) target(%dma_start3A_196 : memref<6912xf32, #tpu.memory_space<hbm>>) target_semaphore(%run_scoped3A : memref<!tpu.dma_semaphore, #tpu.memory_space<semaphore_mem>>)
      %dma_wait3A = arith.constant 0 : i32
      %dma_wait3A_197 = tpu.memref_slice %arg5[%arg1, %add3A_118, %dma_wait3A] : memref<16x32x6912xf32, #tpu.memory_space<hbm>> -> memref<1x1x6912xf32, #tpu.memory_space<hbm>>
      %dma_wait3A_198 = tpu.memref_squeeze %dma_wait3A_197 : memref<1x1x6912xf32, #tpu.memory_space<hbm>> -> memref<6912xf32, #tpu.memory_space<hbm>>
      %dma_wait3A_199 = arith.constant 0 : i32
      %dma_wait3A_200 = tpu.memref_slice %arg5[%arg1, %add3A_118, %dma_wait3A_199] : memref<16x32x6912xf32, #tpu.memory_space<hbm>> -> memref<1x1x6912xf32, #tpu.memory_space<hbm>>
      %dma_wait3A_201 = tpu.memref_squeeze %dma_wait3A_200 : memref<1x1x6912xf32, #tpu.memory_space<hbm>> -> memref<6912xf32, #tpu.memory_space<hbm>>
      tpu.wait_dma2 semaphore(%run_scoped3A : memref<!tpu.dma_semaphore, #tpu.memory_space<semaphore_mem>>) src(%arg15 : memref<6912xf32, #tpu.memory_space<vmem>>) dst(%dma_wait3A_201 : memref<6912xf32, #tpu.memory_space<hbm>>)
      tpu.yield
    }) : () -> ()
    %scan3A_119 = arith.constant 0 : i32
    %scan3A_120 = arith.constant 432 : i32
    %scan3A_121 = arith.addi %scan3A_119, %scan3A_120 : i32
    %scan3A_122 = arith.constant 1 : i32
    scf.for %scan3A_191 = %scan3A_119 to %scan3A_121 step %scan3A_122  : i32 {
      %mul3A_192 = arith.constant 1 : i32
      %mul3A_193 = arith.muli %scan3A_191, %mul3A_192 : i32
      %add3A_194 = arith.constant 0 : i32
      %add3A_195 = arith.addi %add3A_194, %mul3A_193 : i32
      %mul3A_196 = arith.constant 16 : i32
      %mul3A_197 = arith.muli %add3A_195, %mul3A_196 : i32
      %add3A_198 = arith.constant 55304 : i32
      %add3A_199 = arith.addi %add3A_198, %mul3A_197 : i32
      %get3A = arith.index_cast %add3A_199 : i32 to index
      %get3A_200 = tpu.vector_load %arg14[%get3A] {strides = array<i32>} : memref<110720xf32, #tpu.memory_space<vmem>>, vector<16xf32>,
      %mul3A_201 = arith.constant 16 : i32
      %mul3A_202 = arith.muli %add3A_195, %mul3A_201 : i32
      %swap3A = arith.index_cast %mul3A_202 : i32 to index
      %swap3A_203 = tpu.vector_load %arg15[%swap3A] {strides = array<i32>} : memref<6912xf32, #tpu.memory_space<vmem>>, vector<16xf32>,
      tpu.vector_store %arg15[%swap3A], %get3A_200 {strides = array<i32>} : memref<6912xf32, #tpu.memory_space<vmem>>, vector<16xf32>,
    }
    %scan3A_123 = arith.constant 432 : i32
    %mul3A_124 = arith.constant 16 : i32
    %mul3A_125 = arith.muli %arg0, %mul3A_124 : i32
    %add3A_126 = arith.constant 8 : i32
    %add3A_127 = arith.addi %mul3A_125, %add3A_126 : i32
    "tpu.region"() ({
      %run_scoped3A = tpu.sem_alloc : memref<!tpu.dma_semaphore, #tpu.memory_space<semaphore_mem>>
      %dma_start3A_191 = arith.constant 0 : i32
      %dma_start3A_192 = tpu.memref_slice %arg5[%arg1, %add3A_127, %dma_start3A_191] : memref<16x32x6912xf32, #tpu.memory_space<hbm>> -> memref<1x1x6912xf32, #tpu.memory_space<hbm>>
      %dma_start3A_193 = tpu.memref_squeeze %dma_start3A_192 : memref<1x1x6912xf32, #tpu.memory_space<hbm>> -> memref<6912xf32, #tpu.memory_space<hbm>>
      %dma_start3A_194 = arith.constant 0 : i32
      %dma_start3A_195 = tpu.memref_slice %arg5[%arg1, %add3A_127, %dma_start3A_194] : memref<16x32x6912xf32, #tpu.memory_space<hbm>> -> memref<1x1x6912xf32, #tpu.memory_space<hbm>>
      %dma_start3A_196 = tpu.memref_squeeze %dma_start3A_195 : memref<1x1x6912xf32, #tpu.memory_space<hbm>> -> memref<6912xf32, #tpu.memory_space<hbm>>
      tpu.enqueue_dma source(%arg15 : memref<6912xf32, #tpu.memory_space<vmem>>) target(%dma_start3A_196 : memref<6912xf32, #tpu.memory_space<hbm>>) target_semaphore(%run_scoped3A : memref<!tpu.dma_semaphore, #tpu.memory_space<semaphore_mem>>)
      %dma_wait3A = arith.constant 0 : i32
      %dma_wait3A_197 = tpu.memref_slice %arg5[%arg1, %add3A_127, %dma_wait3A] : memref<16x32x6912xf32, #tpu.memory_space<hbm>> -> memref<1x1x6912xf32, #tpu.memory_space<hbm>>
      %dma_wait3A_198 = tpu.memref_squeeze %dma_wait3A_197 : memref<1x1x6912xf32, #tpu.memory_space<hbm>> -> memref<6912xf32, #tpu.memory_space<hbm>>
      %dma_wait3A_199 = arith.constant 0 : i32
      %dma_wait3A_200 = tpu.memref_slice %arg5[%arg1, %add3A_127, %dma_wait3A_199] : memref<16x32x6912xf32, #tpu.memory_space<hbm>> -> memref<1x1x6912xf32, #tpu.memory_space<hbm>>
      %dma_wait3A_201 = tpu.memref_squeeze %dma_wait3A_200 : memref<1x1x6912xf32, #tpu.memory_space<hbm>> -> memref<6912xf32, #tpu.memory_space<hbm>>
      tpu.wait_dma2 semaphore(%run_scoped3A : memref<!tpu.dma_semaphore, #tpu.memory_space<semaphore_mem>>) src(%arg15 : memref<6912xf32, #tpu.memory_space<vmem>>) dst(%dma_wait3A_201 : memref<6912xf32, #tpu.memory_space<hbm>>)
      tpu.yield
    }) : () -> ()
    %scan3A_128 = arith.constant 0 : i32
    %scan3A_129 = arith.constant 432 : i32
    %scan3A_130 = arith.addi %scan3A_128, %scan3A_129 : i32
    %scan3A_131 = arith.constant 1 : i32
    scf.for %scan3A_191 = %scan3A_128 to %scan3A_130 step %scan3A_131  : i32 {
      %mul3A_192 = arith.constant 1 : i32
      %mul3A_193 = arith.muli %scan3A_191, %mul3A_192 : i32
      %add3A_194 = arith.constant 0 : i32
      %add3A_195 = arith.addi %add3A_194, %mul3A_193 : i32
      %mul3A_196 = arith.constant 16 : i32
      %mul3A_197 = arith.muli %add3A_195, %mul3A_196 : i32
      %add3A_198 = arith.constant 62217 : i32
      %add3A_199 = arith.addi %add3A_198, %mul3A_197 : i32
      %get3A = arith.index_cast %add3A_199 : i32 to index
      %get3A_200 = tpu.vector_load %arg14[%get3A] {strides = array<i32>} : memref<110720xf32, #tpu.memory_space<vmem>>, vector<16xf32>,
      %mul3A_201 = arith.constant 16 : i32
      %mul3A_202 = arith.muli %add3A_195, %mul3A_201 : i32
      %swap3A = arith.index_cast %mul3A_202 : i32 to index
      %swap3A_203 = tpu.vector_load %arg15[%swap3A] {strides = array<i32>} : memref<6912xf32, #tpu.memory_space<vmem>>, vector<16xf32>,
      tpu.vector_store %arg15[%swap3A], %get3A_200 {strides = array<i32>} : memref<6912xf32, #tpu.memory_space<vmem>>, vector<16xf32>,
    }
    %scan3A_132 = arith.constant 432 : i32
    %mul3A_133 = arith.constant 16 : i32
    %mul3A_134 = arith.muli %arg0, %mul3A_133 : i32
    %add3A_135 = arith.constant 9 : i32
    %add3A_136 = arith.addi %mul3A_134, %add3A_135 : i32
    "tpu.region"() ({
      %run_scoped3A = tpu.sem_alloc : memref<!tpu.dma_semaphore, #tpu.memory_space<semaphore_mem>>
      %dma_start3A_191 = arith.constant 0 : i32
      %dma_start3A_192 = tpu.memref_slice %arg5[%arg1, %add3A_136, %dma_start3A_191] : memref<16x32x6912xf32, #tpu.memory_space<hbm>> -> memref<1x1x6912xf32, #tpu.memory_space<hbm>>
      %dma_start3A_193 = tpu.memref_squeeze %dma_start3A_192 : memref<1x1x6912xf32, #tpu.memory_space<hbm>> -> memref<6912xf32, #tpu.memory_space<hbm>>
      %dma_start3A_194 = arith.constant 0 : i32
      %dma_start3A_195 = tpu.memref_slice %arg5[%arg1, %add3A_136, %dma_start3A_194] : memref<16x32x6912xf32, #tpu.memory_space<hbm>> -> memref<1x1x6912xf32, #tpu.memory_space<hbm>>
      %dma_start3A_196 = tpu.memref_squeeze %dma_start3A_195 : memref<1x1x6912xf32, #tpu.memory_space<hbm>> -> memref<6912xf32, #tpu.memory_space<hbm>>
      tpu.enqueue_dma source(%arg15 : memref<6912xf32, #tpu.memory_space<vmem>>) target(%dma_start3A_196 : memref<6912xf32, #tpu.memory_space<hbm>>) target_semaphore(%run_scoped3A : memref<!tpu.dma_semaphore, #tpu.memory_space<semaphore_mem>>)
      %dma_wait3A = arith.constant 0 : i32
      %dma_wait3A_197 = tpu.memref_slice %arg5[%arg1, %add3A_136, %dma_wait3A] : memref<16x32x6912xf32, #tpu.memory_space<hbm>> -> memref<1x1x6912xf32, #tpu.memory_space<hbm>>
      %dma_wait3A_198 = tpu.memref_squeeze %dma_wait3A_197 : memref<1x1x6912xf32, #tpu.memory_space<hbm>> -> memref<6912xf32, #tpu.memory_space<hbm>>
      %dma_wait3A_199 = arith.constant 0 : i32
      %dma_wait3A_200 = tpu.memref_slice %arg5[%arg1, %add3A_136, %dma_wait3A_199] : memref<16x32x6912xf32, #tpu.memory_space<hbm>> -> memref<1x1x6912xf32, #tpu.memory_space<hbm>>
      %dma_wait3A_201 = tpu.memref_squeeze %dma_wait3A_200 : memref<1x1x6912xf32, #tpu.memory_space<hbm>> -> memref<6912xf32, #tpu.memory_space<hbm>>
      tpu.wait_dma2 semaphore(%run_scoped3A : memref<!tpu.dma_semaphore, #tpu.memory_space<semaphore_mem>>) src(%arg15 : memref<6912xf32, #tpu.memory_space<vmem>>) dst(%dma_wait3A_201 : memref<6912xf32, #tpu.memory_space<hbm>>)
      tpu.yield
    }) : () -> ()
    %scan3A_137 = arith.constant 0 : i32
    %scan3A_138 = arith.constant 432 : i32
    %scan3A_139 = arith.addi %scan3A_137, %scan3A_138 : i32
    %scan3A_140 = arith.constant 1 : i32
    scf.for %scan3A_191 = %scan3A_137 to %scan3A_139 step %scan3A_140  : i32 {
      %mul3A_192 = arith.constant 1 : i32
      %mul3A_193 = arith.muli %scan3A_191, %mul3A_192 : i32
      %add3A_194 = arith.constant 0 : i32
      %add3A_195 = arith.addi %add3A_194, %mul3A_193 : i32
      %mul3A_196 = arith.constant 16 : i32
      %mul3A_197 = arith.muli %add3A_195, %mul3A_196 : i32
      %add3A_198 = arith.constant 69130 : i32
      %add3A_199 = arith.addi %add3A_198, %mul3A_197 : i32
      %get3A = arith.index_cast %add3A_199 : i32 to index
      %get3A_200 = tpu.vector_load %arg14[%get3A] {strides = array<i32>} : memref<110720xf32, #tpu.memory_space<vmem>>, vector<16xf32>,
      %mul3A_201 = arith.constant 16 : i32
      %mul3A_202 = arith.muli %add3A_195, %mul3A_201 : i32
      %swap3A = arith.index_cast %mul3A_202 : i32 to index
      %swap3A_203 = tpu.vector_load %arg15[%swap3A] {strides = array<i32>} : memref<6912xf32, #tpu.memory_space<vmem>>, vector<16xf32>,
      tpu.vector_store %arg15[%swap3A], %get3A_200 {strides = array<i32>} : memref<6912xf32, #tpu.memory_space<vmem>>, vector<16xf32>,
    }
    %scan3A_141 = arith.constant 432 : i32
    %mul3A_142 = arith.constant 16 : i32
    %mul3A_143 = arith.muli %arg0, %mul3A_142 : i32
    %add3A_144 = arith.constant 10 : i32
    %add3A_145 = arith.addi %mul3A_143, %add3A_144 : i32
    "tpu.region"() ({
      %run_scoped3A = tpu.sem_alloc : memref<!tpu.dma_semaphore, #tpu.memory_space<semaphore_mem>>
      %dma_start3A_191 = arith.constant 0 : i32
      %dma_start3A_192 = tpu.memref_slice %arg5[%arg1, %add3A_145, %dma_start3A_191] : memref<16x32x6912xf32, #tpu.memory_space<hbm>> -> memref<1x1x6912xf32, #tpu.memory_space<hbm>>
      %dma_start3A_193 = tpu.memref_squeeze %dma_start3A_192 : memref<1x1x6912xf32, #tpu.memory_space<hbm>> -> memref<6912xf32, #tpu.memory_space<hbm>>
      %dma_start3A_194 = arith.constant 0 : i32
      %dma_start3A_195 = tpu.memref_slice %arg5[%arg1, %add3A_145, %dma_start3A_194] : memref<16x32x6912xf32, #tpu.memory_space<hbm>> -> memref<1x1x6912xf32, #tpu.memory_space<hbm>>
      %dma_start3A_196 = tpu.memref_squeeze %dma_start3A_195 : memref<1x1x6912xf32, #tpu.memory_space<hbm>> -> memref<6912xf32, #tpu.memory_space<hbm>>
      tpu.enqueue_dma source(%arg15 : memref<6912xf32, #tpu.memory_space<vmem>>) target(%dma_start3A_196 : memref<6912xf32, #tpu.memory_space<hbm>>) target_semaphore(%run_scoped3A : memref<!tpu.dma_semaphore, #tpu.memory_space<semaphore_mem>>)
      %dma_wait3A = arith.constant 0 : i32
      %dma_wait3A_197 = tpu.memref_slice %arg5[%arg1, %add3A_145, %dma_wait3A] : memref<16x32x6912xf32, #tpu.memory_space<hbm>> -> memref<1x1x6912xf32, #tpu.memory_space<hbm>>
      %dma_wait3A_198 = tpu.memref_squeeze %dma_wait3A_197 : memref<1x1x6912xf32, #tpu.memory_space<hbm>> -> memref<6912xf32, #tpu.memory_space<hbm>>
      %dma_wait3A_199 = arith.constant 0 : i32
      %dma_wait3A_200 = tpu.memref_slice %arg5[%arg1, %add3A_145, %dma_wait3A_199] : memref<16x32x6912xf32, #tpu.memory_space<hbm>> -> memref<1x1x6912xf32, #tpu.memory_space<hbm>>
      %dma_wait3A_201 = tpu.memref_squeeze %dma_wait3A_200 : memref<1x1x6912xf32, #tpu.memory_space<hbm>> -> memref<6912xf32, #tpu.memory_space<hbm>>
      tpu.wait_dma2 semaphore(%run_scoped3A : memref<!tpu.dma_semaphore, #tpu.memory_space<semaphore_mem>>) src(%arg15 : memref<6912xf32, #tpu.memory_space<vmem>>) dst(%dma_wait3A_201 : memref<6912xf32, #tpu.memory_space<hbm>>)
      tpu.yield
    }) : () -> ()
    %scan3A_146 = arith.constant 0 : i32
    %scan3A_147 = arith.constant 432 : i32
    %scan3A_148 = arith.addi %scan3A_146, %scan3A_147 : i32
    %scan3A_149 = arith.constant 1 : i32
    scf.for %scan3A_191 = %scan3A_146 to %scan3A_148 step %scan3A_149  : i32 {
      %mul3A_192 = arith.constant 1 : i32
      %mul3A_193 = arith.muli %scan3A_191, %mul3A_192 : i32
      %add3A_194 = arith.constant 0 : i32
      %add3A_195 = arith.addi %add3A_194, %mul3A_193 : i32
      %mul3A_196 = arith.constant 16 : i32
      %mul3A_197 = arith.muli %add3A_195, %mul3A_196 : i32
      %add3A_198 = arith.constant 76043 : i32
      %add3A_199 = arith.addi %add3A_198, %mul3A_197 : i32
      %get3A = arith.index_cast %add3A_199 : i32 to index
      %get3A_200 = tpu.vector_load %arg14[%get3A] {strides = array<i32>} : memref<110720xf32, #tpu.memory_space<vmem>>, vector<16xf32>,
      %mul3A_201 = arith.constant 16 : i32
      %mul3A_202 = arith.muli %add3A_195, %mul3A_201 : i32
      %swap3A = arith.index_cast %mul3A_202 : i32 to index
      %swap3A_203 = tpu.vector_load %arg15[%swap3A] {strides = array<i32>} : memref<6912xf32, #tpu.memory_space<vmem>>, vector<16xf32>,
      tpu.vector_store %arg15[%swap3A], %get3A_200 {strides = array<i32>} : memref<6912xf32, #tpu.memory_space<vmem>>, vector<16xf32>,
    }
    %scan3A_150 = arith.constant 432 : i32
    %mul3A_151 = arith.constant 16 : i32
    %mul3A_152 = arith.muli %arg0, %mul3A_151 : i32
    %add3A_153 = arith.constant 11 : i32
    %add3A_154 = arith.addi %mul3A_152, %add3A_153 : i32
    "tpu.region"() ({
      %run_scoped3A = tpu.sem_alloc : memref<!tpu.dma_semaphore, #tpu.memory_space<semaphore_mem>>
      %dma_start3A_191 = arith.constant 0 : i32
      %dma_start3A_192 = tpu.memref_slice %arg5[%arg1, %add3A_154, %dma_start3A_191] : memref<16x32x6912xf32, #tpu.memory_space<hbm>> -> memref<1x1x6912xf32, #tpu.memory_space<hbm>>
      %dma_start3A_193 = tpu.memref_squeeze %dma_start3A_192 : memref<1x1x6912xf32, #tpu.memory_space<hbm>> -> memref<6912xf32, #tpu.memory_space<hbm>>
      %dma_start3A_194 = arith.constant 0 : i32
      %dma_start3A_195 = tpu.memref_slice %arg5[%arg1, %add3A_154, %dma_start3A_194] : memref<16x32x6912xf32, #tpu.memory_space<hbm>> -> memref<1x1x6912xf32, #tpu.memory_space<hbm>>
      %dma_start3A_196 = tpu.memref_squeeze %dma_start3A_195 : memref<1x1x6912xf32, #tpu.memory_space<hbm>> -> memref<6912xf32, #tpu.memory_space<hbm>>
      tpu.enqueue_dma source(%arg15 : memref<6912xf32, #tpu.memory_space<vmem>>) target(%dma_start3A_196 : memref<6912xf32, #tpu.memory_space<hbm>>) target_semaphore(%run_scoped3A : memref<!tpu.dma_semaphore, #tpu.memory_space<semaphore_mem>>)
      %dma_wait3A = arith.constant 0 : i32
      %dma_wait3A_197 = tpu.memref_slice %arg5[%arg1, %add3A_154, %dma_wait3A] : memref<16x32x6912xf32, #tpu.memory_space<hbm>> -> memref<1x1x6912xf32, #tpu.memory_space<hbm>>
      %dma_wait3A_198 = tpu.memref_squeeze %dma_wait3A_197 : memref<1x1x6912xf32, #tpu.memory_space<hbm>> -> memref<6912xf32, #tpu.memory_space<hbm>>
      %dma_wait3A_199 = arith.constant 0 : i32
      %dma_wait3A_200 = tpu.memref_slice %arg5[%arg1, %add3A_154, %dma_wait3A_199] : memref<16x32x6912xf32, #tpu.memory_space<hbm>> -> memref<1x1x6912xf32, #tpu.memory_space<hbm>>
      %dma_wait3A_201 = tpu.memref_squeeze %dma_wait3A_200 : memref<1x1x6912xf32, #tpu.memory_space<hbm>> -> memref<6912xf32, #tpu.memory_space<hbm>>
      tpu.wait_dma2 semaphore(%run_scoped3A : memref<!tpu.dma_semaphore, #tpu.memory_space<semaphore_mem>>) src(%arg15 : memref<6912xf32, #tpu.memory_space<vmem>>) dst(%dma_wait3A_201 : memref<6912xf32, #tpu.memory_space<hbm>>)
      tpu.yield
    }) : () -> ()
    %scan3A_155 = arith.constant 0 : i32
    %scan3A_156 = arith.constant 432 : i32
    %scan3A_157 = arith.addi %scan3A_155, %scan3A_156 : i32
    %scan3A_158 = arith.constant 1 : i32
    scf.for %scan3A_191 = %scan3A_155 to %scan3A_157 step %scan3A_158  : i32 {
      %mul3A_192 = arith.constant 1 : i32
      %mul3A_193 = arith.muli %scan3A_191, %mul3A_192 : i32
      %add3A_194 = arith.constant 0 : i32
      %add3A_195 = arith.addi %add3A_194, %mul3A_193 : i32
      %mul3A_196 = arith.constant 16 : i32
      %mul3A_197 = arith.muli %add3A_195, %mul3A_196 : i32
      %add3A_198 = arith.constant 82956 : i32
      %add3A_199 = arith.addi %add3A_198, %mul3A_197 : i32
      %get3A = arith.index_cast %add3A_199 : i32 to index
      %get3A_200 = tpu.vector_load %arg14[%get3A] {strides = array<i32>} : memref<110720xf32, #tpu.memory_space<vmem>>, vector<16xf32>,
      %mul3A_201 = arith.constant 16 : i32
      %mul3A_202 = arith.muli %add3A_195, %mul3A_201 : i32
      %swap3A = arith.index_cast %mul3A_202 : i32 to index
      %swap3A_203 = tpu.vector_load %arg15[%swap3A] {strides = array<i32>} : memref<6912xf32, #tpu.memory_space<vmem>>, vector<16xf32>,
      tpu.vector_store %arg15[%swap3A], %get3A_200 {strides = array<i32>} : memref<6912xf32, #tpu.memory_space<vmem>>, vector<16xf32>,
    }
    %scan3A_159 = arith.constant 432 : i32
    %mul3A_160 = arith.constant 16 : i32
    %mul3A_161 = arith.muli %arg0, %mul3A_160 : i32
    %add3A_162 = arith.constant 12 : i32
    %add3A_163 = arith.addi %mul3A_161, %add3A_162 : i32
    "tpu.region"() ({
      %run_scoped3A = tpu.sem_alloc : memref<!tpu.dma_semaphore, #tpu.memory_space<semaphore_mem>>
      %dma_start3A_191 = arith.constant 0 : i32
      %dma_start3A_192 = tpu.memref_slice %arg5[%arg1, %add3A_163, %dma_start3A_191] : memref<16x32x6912xf32, #tpu.memory_space<hbm>> -> memref<1x1x6912xf32, #tpu.memory_space<hbm>>
      %dma_start3A_193 = tpu.memref_squeeze %dma_start3A_192 : memref<1x1x6912xf32, #tpu.memory_space<hbm>> -> memref<6912xf32, #tpu.memory_space<hbm>>
      %dma_start3A_194 = arith.constant 0 : i32
      %dma_start3A_195 = tpu.memref_slice %arg5[%arg1, %add3A_163, %dma_start3A_194] : memref<16x32x6912xf32, #tpu.memory_space<hbm>> -> memref<1x1x6912xf32, #tpu.memory_space<hbm>>
      %dma_start3A_196 = tpu.memref_squeeze %dma_start3A_195 : memref<1x1x6912xf32, #tpu.memory_space<hbm>> -> memref<6912xf32, #tpu.memory_space<hbm>>
      tpu.enqueue_dma source(%arg15 : memref<6912xf32, #tpu.memory_space<vmem>>) target(%dma_start3A_196 : memref<6912xf32, #tpu.memory_space<hbm>>) target_semaphore(%run_scoped3A : memref<!tpu.dma_semaphore, #tpu.memory_space<semaphore_mem>>)
      %dma_wait3A = arith.constant 0 : i32
      %dma_wait3A_197 = tpu.memref_slice %arg5[%arg1, %add3A_163, %dma_wait3A] : memref<16x32x6912xf32, #tpu.memory_space<hbm>> -> memref<1x1x6912xf32, #tpu.memory_space<hbm>>
      %dma_wait3A_198 = tpu.memref_squeeze %dma_wait3A_197 : memref<1x1x6912xf32, #tpu.memory_space<hbm>> -> memref<6912xf32, #tpu.memory_space<hbm>>
      %dma_wait3A_199 = arith.constant 0 : i32
      %dma_wait3A_200 = tpu.memref_slice %arg5[%arg1, %add3A_163, %dma_wait3A_199] : memref<16x32x6912xf32, #tpu.memory_space<hbm>> -> memref<1x1x6912xf32, #tpu.memory_space<hbm>>
      %dma_wait3A_201 = tpu.memref_squeeze %dma_wait3A_200 : memref<1x1x6912xf32, #tpu.memory_space<hbm>> -> memref<6912xf32, #tpu.memory_space<hbm>>
      tpu.wait_dma2 semaphore(%run_scoped3A : memref<!tpu.dma_semaphore, #tpu.memory_space<semaphore_mem>>) src(%arg15 : memref<6912xf32, #tpu.memory_space<vmem>>) dst(%dma_wait3A_201 : memref<6912xf32, #tpu.memory_space<hbm>>)
      tpu.yield
    }) : () -> ()
    %scan3A_164 = arith.constant 0 : i32
    %scan3A_165 = arith.constant 432 : i32
    %scan3A_166 = arith.addi %scan3A_164, %scan3A_165 : i32
    %scan3A_167 = arith.constant 1 : i32
    scf.for %scan3A_191 = %scan3A_164 to %scan3A_166 step %scan3A_167  : i32 {
      %mul3A_192 = arith.constant 1 : i32
      %mul3A_193 = arith.muli %scan3A_191, %mul3A_192 : i32
      %add3A_194 = arith.constant 0 : i32
      %add3A_195 = arith.addi %add3A_194, %mul3A_193 : i32
      %mul3A_196 = arith.constant 16 : i32
      %mul3A_197 = arith.muli %add3A_195, %mul3A_196 : i32
      %add3A_198 = arith.constant 89869 : i32
      %add3A_199 = arith.addi %add3A_198, %mul3A_197 : i32
      %get3A = arith.index_cast %add3A_199 : i32 to index
      %get3A_200 = tpu.vector_load %arg14[%get3A] {strides = array<i32>} : memref<110720xf32, #tpu.memory_space<vmem>>, vector<16xf32>,
      %mul3A_201 = arith.constant 16 : i32
      %mul3A_202 = arith.muli %add3A_195, %mul3A_201 : i32
      %swap3A = arith.index_cast %mul3A_202 : i32 to index
      %swap3A_203 = tpu.vector_load %arg15[%swap3A] {strides = array<i32>} : memref<6912xf32, #tpu.memory_space<vmem>>, vector<16xf32>,
      tpu.vector_store %arg15[%swap3A], %get3A_200 {strides = array<i32>} : memref<6912xf32, #tpu.memory_space<vmem>>, vector<16xf32>,
    }
    %scan3A_168 = arith.constant 432 : i32
    %mul3A_169 = arith.constant 16 : i32
    %mul3A_170 = arith.muli %arg0, %mul3A_169 : i32
    %add3A_171 = arith.constant 13 : i32
    %add3A_172 = arith.addi %mul3A_170, %add3A_171 : i32
    "tpu.region"() ({
      %run_scoped3A = tpu.sem_alloc : memref<!tpu.dma_semaphore, #tpu.memory_space<semaphore_mem>>
      %dma_start3A_191 = arith.constant 0 : i32
      %dma_start3A_192 = tpu.memref_slice %arg5[%arg1, %add3A_172, %dma_start3A_191] : memref<16x32x6912xf32, #tpu.memory_space<hbm>> -> memref<1x1x6912xf32, #tpu.memory_space<hbm>>
      %dma_start3A_193 = tpu.memref_squeeze %dma_start3A_192 : memref<1x1x6912xf32, #tpu.memory_space<hbm>> -> memref<6912xf32, #tpu.memory_space<hbm>>
      %dma_start3A_194 = arith.constant 0 : i32
      %dma_start3A_195 = tpu.memref_slice %arg5[%arg1, %add3A_172, %dma_start3A_194] : memref<16x32x6912xf32, #tpu.memory_space<hbm>> -> memref<1x1x6912xf32, #tpu.memory_space<hbm>>
      %dma_start3A_196 = tpu.memref_squeeze %dma_start3A_195 : memref<1x1x6912xf32, #tpu.memory_space<hbm>> -> memref<6912xf32, #tpu.memory_space<hbm>>
      tpu.enqueue_dma source(%arg15 : memref<6912xf32, #tpu.memory_space<vmem>>) target(%dma_start3A_196 : memref<6912xf32, #tpu.memory_space<hbm>>) target_semaphore(%run_scoped3A : memref<!tpu.dma_semaphore, #tpu.memory_space<semaphore_mem>>)
      %dma_wait3A = arith.constant 0 : i32
      %dma_wait3A_197 = tpu.memref_slice %arg5[%arg1, %add3A_172, %dma_wait3A] : memref<16x32x6912xf32, #tpu.memory_space<hbm>> -> memref<1x1x6912xf32, #tpu.memory_space<hbm>>
      %dma_wait3A_198 = tpu.memref_squeeze %dma_wait3A_197 : memref<1x1x6912xf32, #tpu.memory_space<hbm>> -> memref<6912xf32, #tpu.memory_space<hbm>>
      %dma_wait3A_199 = arith.constant 0 : i32
      %dma_wait3A_200 = tpu.memref_slice %arg5[%arg1, %add3A_172, %dma_wait3A_199] : memref<16x32x6912xf32, #tpu.memory_space<hbm>> -> memref<1x1x6912xf32, #tpu.memory_space<hbm>>
      %dma_wait3A_201 = tpu.memref_squeeze %dma_wait3A_200 : memref<1x1x6912xf32, #tpu.memory_space<hbm>> -> memref<6912xf32, #tpu.memory_space<hbm>>
      tpu.wait_dma2 semaphore(%run_scoped3A : memref<!tpu.dma_semaphore, #tpu.memory_space<semaphore_mem>>) src(%arg15 : memref<6912xf32, #tpu.memory_space<vmem>>) dst(%dma_wait3A_201 : memref<6912xf32, #tpu.memory_space<hbm>>)
      tpu.yield
    }) : () -> ()
    %scan3A_173 = arith.constant 0 : i32
    %scan3A_174 = arith.constant 432 : i32
    %scan3A_175 = arith.addi %scan3A_173, %scan3A_174 : i32
    %scan3A_176 = arith.constant 1 : i32
    scf.for %scan3A_191 = %scan3A_173 to %scan3A_175 step %scan3A_176  : i32 {
      %mul3A_192 = arith.constant 1 : i32
      %mul3A_193 = arith.muli %scan3A_191, %mul3A_192 : i32
      %add3A_194 = arith.constant 0 : i32
      %add3A_195 = arith.addi %add3A_194, %mul3A_193 : i32
      %mul3A_196 = arith.constant 16 : i32
      %mul3A_197 = arith.muli %add3A_195, %mul3A_196 : i32
      %add3A_198 = arith.constant 96782 : i32
      %add3A_199 = arith.addi %add3A_198, %mul3A_197 : i32
      %get3A = arith.index_cast %add3A_199 : i32 to index
      %get3A_200 = tpu.vector_load %arg14[%get3A] {strides = array<i32>} : memref<110720xf32, #tpu.memory_space<vmem>>, vector<16xf32>,
      %mul3A_201 = arith.constant 16 : i32
      %mul3A_202 = arith.muli %add3A_195, %mul3A_201 : i32
      %swap3A = arith.index_cast %mul3A_202 : i32 to index
      %swap3A_203 = tpu.vector_load %arg15[%swap3A] {strides = array<i32>} : memref<6912xf32, #tpu.memory_space<vmem>>, vector<16xf32>,
      tpu.vector_store %arg15[%swap3A], %get3A_200 {strides = array<i32>} : memref<6912xf32, #tpu.memory_space<vmem>>, vector<16xf32>,
    }
    %scan3A_177 = arith.constant 432 : i32
    %mul3A_178 = arith.constant 16 : i32
    %mul3A_179 = arith.muli %arg0, %mul3A_178 : i32
    %add3A_180 = arith.constant 14 : i32
    %add3A_181 = arith.addi %mul3A_179, %add3A_180 : i32
    "tpu.region"() ({
      %run_scoped3A = tpu.sem_alloc : memref<!tpu.dma_semaphore, #tpu.memory_space<semaphore_mem>>
      %dma_start3A_191 = arith.constant 0 : i32
      %dma_start3A_192 = tpu.memref_slice %arg5[%arg1, %add3A_181, %dma_start3A_191] : memref<16x32x6912xf32, #tpu.memory_space<hbm>> -> memref<1x1x6912xf32, #tpu.memory_space<hbm>>
      %dma_start3A_193 = tpu.memref_squeeze %dma_start3A_192 : memref<1x1x6912xf32, #tpu.memory_space<hbm>> -> memref<6912xf32, #tpu.memory_space<hbm>>
      %dma_start3A_194 = arith.constant 0 : i32
      %dma_start3A_195 = tpu.memref_slice %arg5[%arg1, %add3A_181, %dma_start3A_194] : memref<16x32x6912xf32, #tpu.memory_space<hbm>> -> memref<1x1x6912xf32, #tpu.memory_space<hbm>>
      %dma_start3A_196 = tpu.memref_squeeze %dma_start3A_195 : memref<1x1x6912xf32, #tpu.memory_space<hbm>> -> memref<6912xf32, #tpu.memory_space<hbm>>
      tpu.enqueue_dma source(%arg15 : memref<6912xf32, #tpu.memory_space<vmem>>) target(%dma_start3A_196 : memref<6912xf32, #tpu.memory_space<hbm>>) target_semaphore(%run_scoped3A : memref<!tpu.dma_semaphore, #tpu.memory_space<semaphore_mem>>)
      %dma_wait3A = arith.constant 0 : i32
      %dma_wait3A_197 = tpu.memref_slice %arg5[%arg1, %add3A_181, %dma_wait3A] : memref<16x32x6912xf32, #tpu.memory_space<hbm>> -> memref<1x1x6912xf32, #tpu.memory_space<hbm>>
      %dma_wait3A_198 = tpu.memref_squeeze %dma_wait3A_197 : memref<1x1x6912xf32, #tpu.memory_space<hbm>> -> memref<6912xf32, #tpu.memory_space<hbm>>
      %dma_wait3A_199 = arith.constant 0 : i32
      %dma_wait3A_200 = tpu.memref_slice %arg5[%arg1, %add3A_181, %dma_wait3A_199] : memref<16x32x6912xf32, #tpu.memory_space<hbm>> -> memref<1x1x6912xf32, #tpu.memory_space<hbm>>
      %dma_wait3A_201 = tpu.memref_squeeze %dma_wait3A_200 : memref<1x1x6912xf32, #tpu.memory_space<hbm>> -> memref<6912xf32, #tpu.memory_space<hbm>>
      tpu.wait_dma2 semaphore(%run_scoped3A : memref<!tpu.dma_semaphore, #tpu.memory_space<semaphore_mem>>) src(%arg15 : memref<6912xf32, #tpu.memory_space<vmem>>) dst(%dma_wait3A_201 : memref<6912xf32, #tpu.memory_space<hbm>>)
      tpu.yield
    }) : () -> ()
    %scan3A_182 = arith.constant 0 : i32
    %scan3A_183 = arith.constant 432 : i32
    %scan3A_184 = arith.addi %scan3A_182, %scan3A_183 : i32
    %scan3A_185 = arith.constant 1 : i32
    scf.for %scan3A_191 = %scan3A_182 to %scan3A_184 step %scan3A_185  : i32 {
      %mul3A_192 = arith.constant 1 : i32
      %mul3A_193 = arith.muli %scan3A_191, %mul3A_192 : i32
      %add3A_194 = arith.constant 0 : i32
      %add3A_195 = arith.addi %add3A_194, %mul3A_193 : i32
      %mul3A_196 = arith.constant 16 : i32
      %mul3A_197 = arith.muli %add3A_195, %mul3A_196 : i32
      %add3A_198 = arith.constant 103695 : i32
      %add3A_199 = arith.addi %add3A_198, %mul3A_197 : i32
      %get3A = arith.index_cast %add3A_199 : i32 to index
      %get3A_200 = tpu.vector_load %arg14[%get3A] {strides = array<i32>} : memref<110720xf32, #tpu.memory_space<vmem>>, vector<16xf32>,
      %mul3A_201 = arith.constant 16 : i32
      %mul3A_202 = arith.muli %add3A_195, %mul3A_201 : i32
      %swap3A = arith.index_cast %mul3A_202 : i32 to index
      %swap3A_203 = tpu.vector_load %arg15[%swap3A] {strides = array<i32>} : memref<6912xf32, #tpu.memory_space<vmem>>, vector<16xf32>,
      tpu.vector_store %arg15[%swap3A], %get3A_200 {strides = array<i32>} : memref<6912xf32, #tpu.memory_space<vmem>>, vector<16xf32>,
    }
    %scan3A_186 = arith.constant 432 : i32
    %mul3A_187 = arith.constant 16 : i32
    %mul3A_188 = arith.muli %arg0, %mul3A_187 : i32
    %add3A_189 = arith.constant 15 : i32
    %add3A_190 = arith.addi %mul3A_188, %add3A_189 : i32
    "tpu.region"() ({
      %run_scoped3A = tpu.sem_alloc : memref<!tpu.dma_semaphore, #tpu.memory_space<semaphore_mem>>
      %dma_start3A_191 = arith.constant 0 : i32
      %dma_start3A_192 = tpu.memref_slice %arg5[%arg1, %add3A_190, %dma_start3A_191] : memref<16x32x6912xf32, #tpu.memory_space<hbm>> -> memref<1x1x6912xf32, #tpu.memory_space<hbm>>
      %dma_start3A_193 = tpu.memref_squeeze %dma_start3A_192 : memref<1x1x6912xf32, #tpu.memory_space<hbm>> -> memref<6912xf32, #tpu.memory_space<hbm>>
      %dma_start3A_194 = arith.constant 0 : i32
      %dma_start3A_195 = tpu.memref_slice %arg5[%arg1, %add3A_190, %dma_start3A_194] : memref<16x32x6912xf32, #tpu.memory_space<hbm>> -> memref<1x1x6912xf32, #tpu.memory_space<hbm>>
      %dma_start3A_196 = tpu.memref_squeeze %dma_start3A_195 : memref<1x1x6912xf32, #tpu.memory_space<hbm>> -> memref<6912xf32, #tpu.memory_space<hbm>>
      tpu.enqueue_dma source(%arg15 : memref<6912xf32, #tpu.memory_space<vmem>>) target(%dma_start3A_196 : memref<6912xf32, #tpu.memory_space<hbm>>) target_semaphore(%run_scoped3A : memref<!tpu.dma_semaphore, #tpu.memory_space<semaphore_mem>>)
      %dma_wait3A = arith.constant 0 : i32
      %dma_wait3A_197 = tpu.memref_slice %arg5[%arg1, %add3A_190, %dma_wait3A] : memref<16x32x6912xf32, #tpu.memory_space<hbm>> -> memref<1x1x6912xf32, #tpu.memory_space<hbm>>
      %dma_wait3A_198 = tpu.memref_squeeze %dma_wait3A_197 : memref<1x1x6912xf32, #tpu.memory_space<hbm>> -> memref<6912xf32, #tpu.memory_space<hbm>>
      %dma_wait3A_199 = arith.constant 0 : i32
      %dma_wait3A_200 = tpu.memref_slice %arg5[%arg1, %add3A_190, %dma_wait3A_199] : memref<16x32x6912xf32, #tpu.memory_space<hbm>> -> memref<1x1x6912xf32, #tpu.memory_space<hbm>>
      %dma_wait3A_201 = tpu.memref_squeeze %dma_wait3A_200 : memref<1x1x6912xf32, #tpu.memory_space<hbm>> -> memref<6912xf32, #tpu.memory_space<hbm>>
      tpu.wait_dma2 semaphore(%run_scoped3A : memref<!tpu.dma_semaphore, #tpu.memory_space<semaphore_mem>>) src(%arg15 : memref<6912xf32, #tpu.memory_space<vmem>>) dst(%dma_wait3A_201 : memref<6912xf32, #tpu.memory_space<hbm>>)
      tpu.yield
    }) : () -> ()
    return
  }
}

module attributes {stable_mosaic.version = 14 : i64} {
  func.func @_tc_body(%arg0: i32, %arg1: memref<16x32x1152xf32, #tpu.memory_space<vmem>>, %arg2: memref<32x1152xf32, #tpu.memory_space<vmem>>) attributes {dimension_semantics = [#tpu.dimension_semantics<arbitrary>], iteration_bounds = array<i64: 6>, scalar_prefetch = 0 : i64, scratch_operands = 0 : i64, tpu.core_type = #tpu.core_type<tc>, window_params = [{transform_indices = @transform_0, window_bounds = array<i64: 16, 32, 1152>}, {transform_indices = @transform_1, window_bounds = array<i64: 32, 1152>}]} {
    %get3A = arith.constant 0 : index
    %get3A_0 = arith.constant 0 : index
    %get3A_1 = arith.constant 0 : index
    %get3A_2 = vector.load %arg1[%get3A, %get3A_0, %get3A_1] : memref<16x32x1152xf32, #tpu.memory_space<vmem>>, vector<16x32x1152xf32>
    %reduce_sum3A = arith.constant dense<0.000000e+00> : vector<32x1152xf32>
    %reduce_sum3A_3 = vector.multi_reduction <add>, %get3A_2, %reduce_sum3A [0] : vector<16x32x1152xf32> to vector<32x1152xf32>
    %gt3A = arith.constant 0.000000e+00 : f32
    %gt3A_4 = vector.broadcast %gt3A : f32 to vector<32x1152xf32>
    %gt3A_5 = arith.cmpf ogt, %reduce_sum3A_3, %gt3A_4 : vector<32x1152xf32>
    %convert_element_type3A = arith.extui %gt3A_5 : vector<32x1152xi1> to vector<32x1152xi32>
    %convert_element_type3A_6 = arith.sitofp %convert_element_type3A : vector<32x1152xi32> to vector<32x1152xf32>
    %swap3A = arith.constant 0 : index
    %swap3A_7 = arith.constant 0 : index
    %swap3A_8 = vector.load %arg2[%swap3A, %swap3A_7] : memref<32x1152xf32, #tpu.memory_space<vmem>>, vector<32x1152xf32>
    tpu.vector_store %arg2[%swap3A, %swap3A_7], %convert_element_type3A_6 {strides = array<i32>} : memref<32x1152xf32, #tpu.memory_space<vmem>>, vector<32x1152xf32>,
    return
  }
  func.func @transform_0(%arg0: i32) -> (i32, i32, i32) {
    %c0_i32 = arith.constant 0 : i32
    %c0_i32_0 = arith.constant 0 : i32
    %c0_i32_1 = arith.constant 0 : i32
    return %c0_i32, %c0_i32_0, %arg0 : i32, i32, i32
  }
  func.func @transform_1(%arg0: i32) -> (i32, i32) {
    %c0_i32 = arith.constant 0 : i32
    %c0_i32_0 = arith.constant 0 : i32
    return %c0_i32, %arg0 : i32, i32
  }
}

</mosaic_0001>

<sc_bundles>
// kernel: kernel.4.cloned.1.call-start
scs
__scs_entry_jumppad:
0x0: {  	(pc) =	sbr.rel $0x88, $3  }
0x1: {  	(tag) =	ssettag $0x0;
	lr =	simm.s32 $0x1  }
0x2: {  	[smem:$0x3F9E] =	sst lr;
	_ =	strace $0xD0000000  }
0x3: {  	_ = 	snop  }
0x4: {  	_ = 	snop  }
0x5: {  	_ = 	snop  }
0x6: {  	_ = 	snop  }
0x7: {  	_ = 	snop  }
__scs_overlays_trampoline_lowered:
0x8: {  	[smem:$0x3FAD] =	sst s0  }
0x9: {  	[smem:$0x3FAE] =	sst s1  }
0xa: {  	[smem:$0x3FAF] =	sst s2  }
0xb: {  	[smem:$0x3FB0] =	sst s3  }
0xc: {  	[smem:$0x3FB1] =	sst s4  }
0xd: {  	[smem:$0x3FB2] =	sst s5  }
0xe: {  	[smem:$0x3FB3] =	sst s6  }
0xf: {  	[smem:$0x3FB4] =	sst s7  }
0x10: {  	[smem:$0x3FB5] =	sst s8  }
0x11: {  	[smem:$0x3FB6] =	sst s9;
	s0 =	simm.s32 @!p0 $0x0  }
0x12: {  	s1 =	sld [smem:$0x3F9C];
	s0 =	simm.s32 @p0 $0x1  }
0x13: {  	[smem:$0x3FB7] =	sst s0;
	s0 =	simm.s32 @!p1 $0x0  }
0x14: {  	s2 =	sld [smem:$0x3F9B];
	s0 =	simm.s32 @p1 $0x1  }
0x15: {  	[smem:$0x3FB8] =	sst s0;
	s0 =	simm.s32 @!p2 $0x0  }
0x16: {  	s3 =	sld [smem:$0x3FDB];
	s0 =	simm.s32 @p2 $0x1  }
0x17: {  	s4 =	simm.s32 $0x1BF5;
	[smem:$0x3FBA] =	sst s0  }
0x18: {  	s0 =	sld [smem:$0x3F9D];
	_ =	swait.ge [sflag:s4], $0x0  }
0x19: {  	s7 =	sld [smem:$0x3F9E]  }
0x1a: {  	s8 =	sadd.s32 $0xFFFFE003, lr  }
0x1b: {  	s9 =	sadd.s32 $0xFFFFFEF7, lr;
	s5 =	simm.s32 $0xFFFFFFFF;
	p2 =	slt.u32 s8, $0xFFFFF086  }
0x1c: {  	p1 =	slt.u32 s9, $0xF7A;
	s5 =	simm.s32 @!p2 $0x0  }
0x1d: {  	s5 =	simm.s32 @p1 $0x1;
	p0 =	seq.s32 s7, s2  }
0x1e: {  	s7 =	smul.u32 @!p0 $0xF7A, s2;
	p2 =	seq.s32 @!p0 s5, $0x0  }
0x1f: {  	s9 =	smul.u32 $0xF7A, s1;
	s8 =	simm.s32 @!p0 $0x1BF5;
	p2 =	por !p2, p0  }
0x20: {  	[sflag:s8] =	ssyncset.s32 @!p0 $0xFFFFF086;
	s6 =	sadd.s32 @!p0 s3, s7;
	s7 =	simm.s32 @!p0 $0x108  }
0x21: {  	s3 =	sadd.s32 s3, s9;
	s6 =	sadd.s32 @!p0 $0x88, s6;
	s7 =	simm.s32 @p2 $0x1082  }
0x22: {  	[simem:s7], [sflag:s8] =	dma.local @!p0 [hbm:s6], $0xF7A  }
0x23: {  	s9 =	sor.u32 $0xD0000000, s2;
	s6 =	simm.s32 $0x108;
	_ =	swait.ge @!p0 [sflag:s8], $0x0  }
0x24: {  	s3 =	sadd.s32 $0x88, s3;
	s6 =	simm.s32 @!p1 $0x1082;
	[sflag:s4] =	ssyncset.s32 $0xFFFFF086  }
0x25: {  	[simem:s6], [sflag:s4] =	dma.local [hbm:s3], $0xF7A  }
0x26: {  	[smem:$0x3F9E] =	sst s1;
	(tag) =	ssettag s2;
	_ =	strace s9  }
0x27: {  	s1 =	sld [smem:$0x3FAE]  }
0x28: {  	s2 =	sld [smem:$0x3FAF]  }
0x29: {  	s4 =	sld [smem:$0x3FB1]  }
0x2a: {  	p0 =	seq.s32 s5, $0x0;
	s5 =	sld [smem:$0x3FB2]  }
0x2b: {  	s6 =	sld [smem:$0x3FB3]  }
0x2c: {  	s7 =	sld [smem:$0x3FB4]  }
0x2d: {  	s3 =	simm.s32 $0x108;
	s8 =	sld [smem:$0x3FB5]  }
0x2e: {  	s3 =	simm.s32 @!p0 $0x1082;
	s9 =	sld [smem:$0x3FB6]  }
0x2f: {  	lr =	sadd.s32 s0, s3;
	s0 =	sld [smem:$0x3FAD]  }
0x30: {  	s3 =	sld [smem:$0x3FB0]  }
0x31: {  	[smem:$0x3FB9] =	sst s10  }
0x32: {  	s10 =	sld [smem:$0x3FB7];
	_ =	sdelay $0x3  }
0x33: {  	p0 =	seq.s32 s10, $0x1;
	s10 =	sld [smem:$0x3FB9];
	_ =	sdelay $0x3  }
0x34: {  	[smem:$0x3FB9] =	sst s10  }
0x35: {  	s10 =	sld [smem:$0x3FB8];
	_ =	sdelay $0x3  }
0x36: {  	p1 =	seq.s32 s10, $0x1;
	s10 =	sld [smem:$0x3FB9];
	_ =	sdelay $0x3  }
0x37: {  	[smem:$0x3FB9] =	sst s10  }
0x38: {  	s10 =	sld [smem:$0x3FBA]  }
0x39: {  	_ = 	snop;
	(pc) =	sbr.ind lr, $3  }
0x3a: {  	_ = 	snop  }
0x3b: {  	_ = 	snop  }
0x3c: {  	p2 =	seq.s32 s10, $0x1;
	s10 =	sld [smem:$0x3FB9]  }
0x3d: {  	_ =	shalt  }
0x3e: {  	_ =	shalt  }
0x3f: {  	_ =	shalt  }
0x40: {  	_ =	shalt  }
0x41: {  	_ =	shalt  }
0x42: {  	_ =	shalt  }
0x43: {  	_ =	shalt  }
0x44: {  	_ =	shalt  }
0x45: {  	_ =	shalt  }
0x46: {  	_ =	shalt  }
0x47: {  	_ =	shalt  }
0x48: {  	_ =	shalt  }
0x49: {  	_ =	shalt  }
0x4a: {  	_ =	shalt  }
0x4b: {  	_ =	shalt  }
0x4c: {  	_ =	shalt  }
0x4d: {  	_ =	shalt  }
0x4e: {  	_ =	shalt  }
0x4f: {  	_ =	shalt  }
0x50: {  	_ =	shalt  }
0x51: {  	_ =	shalt  }
0x52: {  	_ =	shalt  }
0x53: {  	_ =	shalt  }
0x54: {  	_ =	shalt  }
0x55: {  	_ =	shalt  }
0x56: {  	_ =	shalt  }
0x57: {  	_ =	shalt  }
0x58: {  	_ =	shalt  }
0x59: {  	_ =	shalt  }
0x5a: {  	_ =	shalt  }
0x5b: {  	_ =	shalt  }
0x5c: {  	_ =	shalt  }
0x5d: {  	_ =	shalt  }
0x5e: {  	_ =	shalt  }
0x5f: {  	_ =	shalt  }
0x60: {  	_ =	shalt  }
0x61: {  	_ =	shalt  }
0x62: {  	_ =	shalt  }
0x63: {  	_ =	shalt  }
0x64: {  	_ =	shalt  }
0x65: {  	_ =	shalt  }
0x66: {  	_ =	shalt  }
0x67: {  	_ =	shalt  }
0x68: {  	_ =	shalt  }
0x69: {  	_ =	shalt  }
0x6a: {  	_ =	shalt  }
0x6b: {  	_ =	shalt  }
0x6c: {  	_ =	shalt  }
0x6d: {  	_ =	shalt  }
0x6e: {  	_ =	shalt  }
0x6f: {  	_ =	shalt  }
0x70: {  	_ =	shalt  }
0x71: {  	_ =	shalt  }
0x72: {  	_ =	shalt  }
0x73: {  	_ =	shalt  }
0x74: {  	_ =	shalt  }
0x75: {  	_ =	shalt  }
0x76: {  	_ =	shalt  }
0x77: {  	_ =	shalt  }
0x78: {  	_ =	shalt  }
0x79: {  	_ =	shalt  }
0x7a: {  	_ =	shalt  }
0x7b: {  	_ =	shalt  }
0x7c: {  	_ =	shalt  }
0x7d: {  	_ =	shalt  }
0x7e: {  	_ =	shalt  }
0x7f: {  	_ =	shalt  }
0x80: {  	_ =	shalt  }
0x81: {  	_ =	shalt  }
0x82: {  	_ =	shalt  }
0x83: {  	_ =	shalt  }
0x84: {  	_ =	shalt  }
0x85: {  	_ =	shalt  }
0x86: {  	_ =	shalt  }
0x87: {  	_ =	shalt  }
.Lfunc_end0:
.L_simem_size_0:
called_computation_lowered:
.L_overlay_start_0:
0x88: {  	s2 =	sld [smem:$0x3FD9]  }
0x89: {  	s3 =	sld [smem:$0x3FFE];
	_ =	sdelay $0x1  }
0x8a: {  	s1 =	srdreg.scid  }
0x8b: {  	s0 =	sand.u32 $0x1, s1  }
0x8c: {  	s16 =	sshll.u32 s0, $0xA;
	s2 =	sadd.s32 s3, s2  }
0x8d: {  	s2 =	sadd.s32 s2, s16  }
0x8e: {  	[smem:$0x3FC5] =	sst s2  }
0x8f: {  	_ = 	snop  }
0x90: {  	(tm) =	ssettm $0x1  }
0x91: {  	s17 =	sld [smem:$0x3FFB];
	_ =	sdelay $0x3  }
0x92: {  	_ =	strace s17  }
0x93: {  	s2 =	sld [smem:$0x3FFC];
	_ =	sdelay $0x3  }
0x94: {  	_ =	strace s2  }
0x95: {  	s2 =	sld [smem:$0x3FFD];
	_ =	sdelay $0x3  }
0x96: {  	_ =	strace s2  }
0x97: {  	_ =	strace $0x8FFFFFFF  }
0x98: {  	s18 =	sld [smem:$0x3FDB];
	_ =	sdelay $0x1  }
0x99: {  	s19 =	simm.s32 $_scs_section_size  }
0x9a: {  	s4 =	simm.s32 $_size__tile_overlayer_lowered;
	s5 =	simm.s32 $_tile_overlayer_lowered  }
0x9b: {  	s22 =	simm.s32 $0x1BFF;
	s21 =	sshll.u32 s5, $0x1;
	s2 =	sadd.s32 s19, s18  }
0x9c: {  	s6 =	simm.s32 $0x0;
	s20 =	sshll.u32 s4, $0x1;
	s4 =	sadd.s32 s21, s2  }
0x9d: {  	[timem:s6], [sflag:s22] =	dma.local [hbm:s4], s20  }
0x9e: {  	_ =	swait.ge [sflag:s22], s20  }
0x9f: {  	s3 =	ssub.s32 $0x0, s20;
	[sflag:s22] =	ssyncset.done $0x0  }
0xa0: {  	[sflag:s22] =	ssyncadd.s32 s3;
	_ =	sdelay $0x1  }
0xa1: {  	s23 =	simm.s32 $0x1B8B  }
0xa2: {  	_ =	swait.ge [sflag:s23], $0x1  }
0xa3: {  	[sflag:s23] =	ssyncset.done $0x0  }
0xa4: {  	s25 =	simm.s32 $0x1B8E;
	s24 =	sld [smem:$0x3FFE];
	[sflag:s23] =	ssyncadd.s32 $0xFFFFFFFF  }
0xa5: {  	s26 =	simm.s32 $execute0_lowered;
	[smem:$0x3FD2] =	sst s25  }
0xa6: {  	s4 =	sshll.u32 s26, $0x1;
	_ =	strace $0x80000046;
	[dreg:$0x1] =	wrdreg $0xFFFFFFFF  }
0xa7: {  	s28 =	simm.s32 $_size_execute0_lowered;
	s2 =	sadd.s32 s2, s4;
	[dreg:$0x0] =	wrdreg $0x0  }
0xa8: {  	s4 =	sshll.u32 s28, $0x1;
	[dreg:$0x2] =	wrdreg s2  }
0xa9: {  	[dreg:$0x3] =	wrdreg s4  }
0xaa: {  	[dreg:$0x4] =	wrdreg $0xC0  }
0xab: {  	_ =	task [dreg:s6], $0x5FFFF  }
0xac: {  	[dreg:$0x1] =	wrdreg $0xFFFFFFFF  }
0xad: {  	[dreg:$0x0] =	wrdreg $0x60  }
0xae: {  	[dreg:$0x2] =	wrdreg s24  }
0xaf: {  	[dreg:$0x3] =	wrdreg $0x9  }
0xb0: {  	_ =	task.clear_ibuf [dreg:s6], $0x4FFFF;
	_ =	strace $0x90000046  }
0xb1: {  	s29 =	simm.s32 $0x9;
	_ =	strace $0x80000048  }
0xb2: {  	_ =	swait.ge [sflag:s29], $0x1  }
0xb3: {  	[sflag:s29] =	ssyncadd.s32 $0xFFFFFFFF  }
0xb4: {  	_ =	strace $0x90000048  }
0xb5: {  	_ =	sfence  }
0xb6: {  	s30 =	sld [smem:$0x0];
	_ =	sdelay $0x2  }
0xb7: {  	s31 =	sshll.u32 s1, $0xD;
	s1 =	sshrl.u32 s1, $0x2  }
0xb8: {  	s3 =	sand.u32 $0x4000, s31;
	s1 =	sadd.s32 s1, s30  }
0xb9: {  	s0 =	sor.u32 s3, s0;
	s1 =	sshll.u32 s1, $0x11  }
0xba: {  	s0 =	sor.u32 s1, s0  }
0xbb: {  	s0 =	sadd.s32 $0x8F2B, s0  }
0xbc: {  	[sflag:s0] =	ssyncadd.remote.s32 $0x1  }
0xbd: {  	_ =	sfence.sel $0xFFFF  }
0xbe: {  	[dreg:$0x0] =	wrdreg $0xFFFFFFFF;
	(pc) =	sbr.abs _section_cstart, $3  }
0xbf: {  	[dreg:$0x1] =	wrdreg $0xFFFFFFFF  }
0xc0: {  	_ =	task.clear_ibuf [dreg:s6], $0x2FFFF;
	_ =	strace $0x9FFFFFFF  }
0xc1: {  	(tm) =	ssettm $0x7FFFFFFF  }
tec
execute0_lowered:
.L_overlay_start_1:
0x0: {  	(tag) =	ssettag $0x1  }
0x1: {  	s0 =	rddreg [dreg:$0x0];
	s2 =	simm.s32 $0x0;
	s1 =	srdreg.scid  }
0x2: {  	s16 =	stileid.u32;
	[smem:$0x7FF] =	sst s2;
	s1 =	sand.u32 $0x1, s1  }
0x3: {  	s6 =	smul.u32 $0x36000, s16;
	s3 =	sadd.s32 $0x418400, s0;
	s4 =	sadd.s32 $0x400, s0  }
0x4: {  	s5 =	sadd.s32 $0x400400, s0;
	s10 =	sadd.s32 $0x8400, s0;
	s8 =	smul.u32 $0x1B000, s1  }
0x5: {  	s21 =	sadd.s32 $0x8410, s0;
	s23 =	sadd.s32 $0x8420, s0;
	s24 =	sadd.s32 $0x8430, s0  }
0x6: {  	s13 =	sadd.s32 $0x8440, s0;
	s26 =	sadd.s32 $0x8450, s0;
	s8 =	sadd.s32 s8, s6  }
0x7: {  	s18 =	sadd.s32 $0x8460, s0;
	s0 =	sadd.s32 $0x8470, s0;
	s8 =	sshrl.u32 s8, $0x3  }
0x8: {  	s30 =	sshll.u32 s16, $0xE;
	_ =	strace $0x80000047;
	s11 =	sadd.s32 s10, s8  }
0x9: {  	s7 =	ssub.s32 $0x2, s1;
	s22 =	sadd.s32 s8, s21;
	[dreg:$0x2] =	wrdreg s11  }
0xa: {  	s1 =	sshll.u32 s1, $0x4;
	s12 =	sadd.s32 s8, s23;
	[dreg:$0x3] =	wrdreg s22  }
0xb: {  	s9 =	sshrl.u32 s7, $0x1;
	s14 =	sadd.s32 s8, s24;
	[dreg:$0x4] =	wrdreg s12  }
0xc: {  	s7 =	ssub.s32 s7, s9;
	s25 =	sadd.s32 s8, s13;
	[dreg:$0x5] =	wrdreg s14  }
0xd: {  	s6 =	smul.u32 $0xC000, s16;
	s15 =	sadd.s32 s8, s26;
	[dreg:$0x6] =	wrdreg s25  }
0xe: {  	s29 =	smax.u32 s7, $0x1;
	s17 =	sadd.s32 s8, s18;
	[dreg:$0x7] =	wrdreg s15  }
0xf: {  	v0 =	vimm.s32 $0x8040201;
	v1 =	vimm.s32 $0x80402010;
	s19 =	sadd.s32 s8, s0;
	s8 =	sadd.s32 $0x1B00, s8;
	[dreg:$0x8] =	wrdreg s17  }
0x10: {  	v0 =	vunpack.c.0.s8.s32 v0;
	v1 =	vunpack.c.0.s8.s32 v1;
	s7 =	simm.s32 $0x1600;
	[dreg:$0x9] =	wrdreg s19;
	s10 =	sadd.s32 s10, s8  }
0x11: {  	vm0 =	vcmask $0xF00;
	s9 =	sadd.s32 s8, s21;
	s20 =	sadd.s32 s8, s23;
	[dreg:$0xa] =	wrdreg s10  }
0x12: {  	vm8 =	vcmask $0x1F10;
	v0 =	vnsel vm0, $0x8000, v0;
	v1 =	vand.u32 $0xFF, v1;
	s21 =	sadd.s32 s8, s24;
	s22 =	sadd.s32 s8, s13;
	[dreg:$0xb] =	wrdreg s9  }
0x13: {  	vm9 =	vcmask $0x2320;
	v0 =	vsel vm8, v1, v0;
	s23 =	sadd.s32 s8, s26;
	s24 =	sadd.s32 s8, s18;
	[dreg:$0xc] =	wrdreg s20  }
0x14: {  	vm10 =	vcmask $0x2724;
	v0 =	vsel vm9, $0x100, v0;
	s25 =	sshll.u32 s16, $0xB;
	s26 =	sshrl.u32 s6, $0x3;
	[dreg:$0xd] =	wrdreg s21  }
0x15: {  	vm11 =	vcmask $0x2B28;
	v0 =	vsel vm10, $0x200, v0;
	s11 =	simm.s32 $0x80;
	s12 =	simm.s32 $0x400;
	[dreg:$0xe] =	wrdreg s22  }
0x16: {  	vm12 =	vcmask $0x2F2C;
	v0 =	vsel vm11, $0x400, v0;
	s13 =	simm.s32 $0x1CC80;
	s14 =	simm.s32 $0x3;
	[dreg:$0xf] =	wrdreg s23  }
0x17: {  	vm13 =	vcmask $0x3330;
	s15 =	simm.s32 $0x0;
	v0 =	vsel vm12, $0x800, v0;
	[dreg:$0x10] =	wrdreg s24;
	s22 =	sadd.s32 s8, s0  }
0x18: {  	vm14 =	vcmask $0x3734;
	s23 =	sadd.s32 s4, s25;
	s24 =	sadd.s32 s3, s26;
	s25 =	sadd.s32 s5, s26;
	v0 =	vsel vm13, $0x1000, v0  }
0x19: {  	vm15 =	vcmask $0x3B38;
	s0 =	sor.u32 $0xC0, s26;
	s8 =	simm.s32 $0x1;
	s9 =	simm.s32 $0x1C00;
	v0 =	vsel vm14, $0x2000, v0  }
0x1a: {  	v2 =	vimm.f32 $0.0e+00;
	v1 =	vlaneseq.u32;
	s10 =	simm.s32 $0x2;
	s26 =	sadd.s32 s3, s0;
	s28 =	sadd.s32 s5, s0;
	v0 =	vsel vm15, $0x4000, v0  }
0x1b: {  	v4 =	vimm.s32 $0x0;
	v3 =	vmul.u32 $0x1B01, v1;
	s31 =	sadd.s32 $0x40, s23;
	s0 =	simm.s32 $0xE00;
	v0 =	vshll.u32 v0, s1;
	s1 =	simm.s32 $0x1000  }
.LBB2_1:
0x1c: {  	s16 =	simm.s32 $0x0;
	s17 =	simm.s32 $0x200  }
.LBB2_2:
0x1d: {  	p0 =	sne.s32 s17, $0x6C000;
	[tilespmem:s16+$0x1C70] =	vst v2  }
0x1e: {  	[tilespmem:s16+$0x1C00] =	vst v2  }
0x1f: {  	[tilespmem:s16+$0x1C10] =	vst v2  }
.Ltmp0:
0x20: {  	[tilespmem:s16+$0x1C20] =	vst v2;
	(pc) =	sbr.rel @p0 .LBB2_2-.Ltmp0, $4  }
0x21: {  	[tilespmem:s16+$0x1C30] =	vst v2  }
0x22: {  	[tilespmem:s16+$0x1C40] =	vst v2  }
0x23: {  	[tilespmem:s16+$0x1C50] =	vst v2  }
0x24: {  	[tilespmem:s16+$0x1C60] =	vst v2;
	s16 =	sshra.s32 s17, $0x2;
	s17 =	sadd.s32 $0x200, s17  }
0x25: {  	[tilespmem:s16+$0x1C70] =	vst v2  }
0x26: {  	[tilespmem:s16+$0x1C00] =	vst v2  }
0x27: {  	[tilespmem:s16+$0x1C10] =	vst v2  }
0x28: {  	[tilespmem:s16+$0x1C20] =	vst v2  }
0x29: {  	[tilespmem:s16+$0x1C30] =	vst v2  }
0x2a: {  	[tilespmem:s16+$0x1C40] =	vst v2  }
0x2b: {  	[tilespmem:s16+$0x1C50] =	vst v2  }
0x2c: {  	[tilespmem:s16+$0x1C60] =	vst v2;
	s16 =	simm.s32 $0x0  }
0x2d: {  	[tilespmem:s16], [sflag:$0x1] =	stream.linear.gather [hbm4b:s23+s16], $0x200, $0x38;
	[tilespmem:$0x1E780] =	vst v63  }
0x2e: {  	s17 =	simm.s32 $0x200  }
0x2f: {  	[tilespmem:s17], [sflag:$0x1] =	stream.linear.gather [hbm4b:s24+s16], $0x600, $0x38;
	[tilespmem:$0x1E780] =	vst v63  }
0x30: {  	s21 =	simm.s32 $0x800  }
0x31: {  	[tilespmem:s21], [sflag:$0x1] =	stream.linear.gather [hbm4b:s25+s16], $0x600, $0x38;
	[tilespmem:$0x1E780] =	vst v63  }
0x32: {  	_ = 	snop  }
0x33: {  	[tilespmem:s0], [sflag:$0x2] =	stream.linear.gather [hbm4b:s31+s16], $0x200, $0x38;
	[tilespmem:$0x1E780] =	vst v63  }
0x34: {  	_ = 	snop  }
0x35: {  	[tilespmem:s1], [sflag:$0x2] =	stream.linear.gather [hbm4b:s26+s16], $0x600, $0x38;
	[tilespmem:$0x1E780] =	vst v63  }
0x36: {  	_ = 	snop  }
0x37: {  	[tilespmem:s7], [sflag:$0x2] =	stream.linear.gather [hbm4b:s28+s16], $0x600, $0x38;
	[tilespmem:$0x1E780] =	vst v63  }
.LBB2_4:
0x38: {  	_ =	swait.ge [sflag:s8], $0x200  }
0x39: {  	[sflag:s8] =	ssyncset.done $0x0  }
0x3a: {  	[sflag:s8] =	ssyncadd.s32 $0xFFFFFE00  }
0x3b: {  	_ =	swait.ge [sflag:s8], $0x600  }
0x3c: {  	[sflag:s8] =	ssyncset.done $0x0  }
0x3d: {  	[sflag:s8] =	ssyncadd.s32 $0xFFFFFA00  }
0x3e: {  	_ =	swait.ge [sflag:s8], $0x600  }
0x3f: {  	[sflag:s8] =	ssyncset.done $0x0  }
0x40: {  	s19 =	simm.s32 $0x830;
	[sflag:s8] =	ssyncadd.s32 $0xFFFFFA00  }
0x41: {  	v1 =	vld [tilespmem:s19+$0x0];
	_ =	sdelay $0x2  }
0x42: {  	v2 =	vimm.s32 $0x1  }
0x43: {  	v15 =	vimm.s32 $0x1;
	v46 =	vimm.s32 $0x2;
	v8 =	vimm.s32 $0x3  }
0x44: {  	v9 =	vimm.s32 $0x4;
	v31 =	vperm.xlane v1, v2;
	v2 =	vimm.s32 $0x3  }
0x45: {  	v17 =	vimm.s32 $0x5;
	v35 =	vperm.xlane v1, v2;
	v2 =	vimm.s32 $0x4  }
0x46: {  	v5 =	vimm.s32 $0x6;
	v36 =	vperm.xlane v1, v2;
	v2 =	vimm.s32 $0x5  }
0x47: {  	v38 =	vperm.xlane v1, v5;
	v5 =	vimm.s32 $0x7;
	v37 =	vperm.xlane v1, v2;
	v2 =	vld [tilespmem:s19+$0x10]  }
0x48: {  	v11 =	vimm.s32 $0x9;
	v39 =	vperm.xlane v1, v5;
	v5 =	vimm.s32 $0x8  }
0x49: {  	v45 =	vimm.s32 $0xA;
	v40 =	vperm.xlane v1, v5;
	v5 =	vimm.s32 $0x9  }
0x4a: {  	v6 =	vimm.s32 $0xE;
	v41 =	vperm.xlane v1, v5;
	v5 =	vimm.s32 $0xA  }
0x4b: {  	v7 =	vperm.xlane v1, v4;
	v42 =	vperm.xlane v1, v5;
	v5 =	vimm.s32 $0xB  }
0x4c: {  	v43 =	vperm.xlane v1, v5;
	v5 =	vimm.s32 $0xC;
	v11 =	vperm.xlane v2, v11  }
0x4d: {  	v23 =	vperm.xlane v1, v6;
	v44 =	vperm.xlane v1, v5;
	v5 =	vimm.s32 $0xD  }
0x4e: {  	v6 =	vld [tilespmem:s19+$0x20];
	v22 =	vperm.xlane v1, v5;
	v5 =	vimm.s32 $0xF;
	[tilespmem:$0x1FA90] =	vst v11;
	v11 =	vperm.xlane v2, v45  }
0x4f: {  	v10 =	vimm.s32 $0xB;
	v34 =	vperm.xlane v1, v46;
	v33 =	vperm.xlane v1, v5  }
0x50: {  	v16 =	vimm.s32 $0x7;
	v32 =	vperm.xlane v2, v4;
	[tilespmem:$0x1FAA0] =	vst v11;
	v11 =	vperm.xlane v2, v10  }
0x51: {  	v13 =	vimm.s32 $0xC;
	v30 =	vperm.xlane v2, v15;
	v1 =	vperm.xlane v2, v16  }
0x52: {  	v19 =	vimm.s32 $0x6;
	v29 =	vperm.xlane v2, v46;
	[tilespmem:$0x1FAB0] =	vst v11;
	v11 =	vperm.xlane v2, v13  }
0x53: {  	v14 =	vimm.s32 $0xD;
	v28 =	vperm.xlane v2, v8;
	v27 =	vperm.xlane v2, v9;
	[tilespmem:$0x1FA70] =	vst v1  }
0x54: {  	v26 =	vperm.xlane v2, v17;
	v1 =	vimm.s32 $0x8;
	[tilespmem:$0x1FAC0] =	vst v11;
	v11 =	vperm.xlane v2, v14  }
0x55: {  	v18 =	vimm.s32 $0xE;
	v24 =	vperm.xlane v2, v19;
	v12 =	vperm.xlane v2, v1  }
0x56: {  	[tilespmem:$0x1FAD0] =	vst v11;
	v11 =	vperm.xlane v2, v18;
	v2 =	vperm.xlane v2, v5  }
0x57: {  	[tilespmem:$0x1FA80] =	vst v12  }
0x58: {  	[tilespmem:$0x1FAF0] =	vst v2;
	v2 =	vperm.xlane v6, v4  }
0x59: {  	s17 =	simm.s32 $0x230;
	v15 =	vimm.s32 $0x1;
	[tilespmem:$0x1FAE0] =	vst v11  }
0x5a: {  	v25 =	vld [tilespmem:s17+$0x0];
	[tilespmem:$0x1FB00] =	vst v2;
	v2 =	vperm.xlane v6, v15;
	_ =	sdelay $0x1  }
0x5b: {  	[tilespmem:$0x1FB10] =	vst v2;
	v2 =	vperm.xlane v6, v46;
	_ =	sdelay $0x1  }
0x5c: {  	[tilespmem:$0x1FB20] =	vst v2;
	v2 =	vperm.xlane v6, v8;
	_ =	sdelay $0x1  }
0x5d: {  	[tilespmem:$0x1FB30] =	vst v2;
	v2 =	vperm.xlane v6, v9;
	_ =	sdelay $0x1  }
0x5e: {  	s18 =	simm.s32 $0x10;
	[tilespmem:$0x1FB40] =	vst v2  }
0x5f: {  	v11 =	vld [tilespmem:s18+$0x0]  }
0x60: {  	v53 =	vimm.s32 $0x5;
	v1 =	vperm.xlane v6, v1;
	v47 =	vperm.xlane v25, v4  }
0x61: {  	v48 =	vperm.xlane v25, v15;
	v2 =	vperm.xlane v6, v53  }
0x62: {  	v54 =	vimm.s32 $0x6;
	v49 =	vperm.xlane v25, v46;
	v50 =	vperm.xlane v25, v8  }
0x63: {  	v57 =	vimm.s32 $0x8;
	v52 =	vperm.xlane v25, v9;
	[tilespmem:$0x1FB50] =	vst v2;
	v2 =	vperm.xlane v6, v54  }
0x64: {  	v61 =	vimm.s32 $0x1;
	v57 =	vperm.xlane v25, v57;
	v51 =	vperm.xlane v11, v4  }
0x65: {  	v59 =	vperm.xlane v25, v10;
	v60 =	vperm.xlane v25, v13;
	[tilespmem:$0x1FB60] =	vst v2;
	v2 =	vimm.s32 $0x7  }
0x66: {  	v62 =	vperm.xlane v25, v14;
	v12 =	vperm.xlane v6, v2;
	v51 =	vand.u32 v0, v51  }
0x67: {  	v63 =	vperm.xlane v25, v18;
	[tilespmem:$0x1FB80] =	vst v1;
	v1 =	vimm.s32 $0x9;
	vm1 =	vne.s32 v51, $0x0  }
0x68: {  	v47 =	vadd.s32 v3, v47;
	v53 =	vperm.xlane v25, v53;
	[tilespmem:$0x1FB70] =	vst v12;
	v12 =	vperm.xlane v6, v1  }
0x69: {  	v54 =	vperm.xlane v25, v54;
	v61 =	vperm.xlane v11, v61  }
0x6a: {  	v48 =	vadd.s32 v3, v48;
	v58 =	vperm.xlane v25, v1;
	v55 =	vperm.xlane v25, v2;
	[tilespmem:$0x1FB90] =	vst v12  }
0x6b: {  	v1 =	vperm.xlane v25, v5;
	v51 =	vperm.xlane v25, v45;
	v25 =	vand.u32 v0, v61;
	v56 =	vld [tilespmem:s17+$0x10]  }
0x6c: {  	v49 =	vadd.s32 v3, v49;
	vm2 =	vne.s32 v25, $0x0;
	v25 =	vld [tilespmem:s17+$0x20]  }
0x6d: {  	[tilespmem:v47+s9+$0x0] =	vst.idx.add.f32.msk vm1, v7;
	v7 =	vperm.xlane v11, v46;
	v47 =	vadd.s32 v3, v50  }
0x6e: {  	v52 =	vadd.s32 v3, v52  }
0x6f: {  	[tilespmem:v48+s9+$0x0] =	vst.idx.add.f32.msk vm1, v31;
	v31 =	vadd.s32 v3, v53;
	v7 =	vand.u32 v0, v7  }
0x70: {  	vm0 =	vne.s32 v7, $0x0  }
0x71: {  	[tilespmem:v49+s9+$0x0] =	vst.idx.add.f32.msk vm1, v34;
	v7 =	vadd.s32 v3, v54  }
0x72: {  	[tilespmem:v47+s9+$0x0] =	vst.idx.add.f32.msk vm2, v35  }
0x73: {  	[tilespmem:v52+s9+$0x0] =	vst.idx.add.f32.msk vm2, v36;
	v52 =	vperm.xlane v11, v8  }
0x74: {  	[tilespmem:v31+s9+$0x0] =	vst.idx.add.f32.msk vm2, v37;
	v31 =	vadd.s32 v3, v55  }
0x75: {  	v17 =	vimm.s32 $0x5;
	v52 =	vand.u32 v0, v52  }
0x76: {  	v55 =	vadd.s32 v3, v57;
	vm1 =	vne.s32 v52, $0x0;
	[tilespmem:v7+s9+$0x0] =	vst.idx.add.f32.msk vm0, v38;
	v7 =	vperm.xlane v11, v9  }
0x77: {  	v60 =	vadd.s32 v3, v60;
	v2 =	vimm.s32 $0x1;
	v57 =	vadd.s32 v3, v58  }
0x78: {  	v51 =	vadd.s32 v3, v51;
	v61 =	vperm.xlane v56, v4;
	v58 =	vand.u32 v0, v7  }
0x79: {  	vm2 =	vne.s32 v58, $0x0;
	v58 =	vadd.s32 v3, v59;
	[tilespmem:v31+s9+$0x0] =	vst.idx.add.f32.msk vm0, v39;
	v39 =	vperm.xlane v11, v17  }
0x7a: {  	v1 =	vadd.s32 v3, v1;
	v2 =	vperm.xlane v56, v2;
	v50 =	vperm.xlane v56, v46  }
0x7b: {  	v19 =	vimm.s32 $0x6;
	[tilespmem:v55+s9+$0x0] =	vst.idx.add.f32.msk vm0, v40;
	v55 =	vadd.s32 v3, v62;
	v39 =	vand.u32 v0, v39  }
0x7c: {  	[tilespmem:v57+s9+$0x0] =	vst.idx.add.f32.msk vm1, v41;
	v41 =	vadd.s32 v3, v63;
	vm0 =	vne.s32 v39, $0x0;
	v63 =	vperm.xlane v11, v19  }
0x7d: {  	v4 =	vperm.xlane v56, v17;
	v48 =	vperm.xlane v56, v8;
	[tilespmem:v51+s9+$0x0] =	vst.idx.add.f32.msk vm1, v42  }
0x7e: {  	v21 =	vimm.s32 $0x7;
	v61 =	vadd.s32 v3, v61;
	[tilespmem:v58+s9+$0x0] =	vst.idx.add.f32.msk vm1, v43;
	v39 =	vand.u32 v0, v63  }
0x7f: {  	v2 =	vadd.s32 v3, v2;
	v62 =	vperm.xlane v11, v21;
	[tilespmem:v60+s9+$0x0] =	vst.idx.add.f32.msk vm2, v44;
	vm1 =	vne.s32 v39, $0x0  }
0x80: {  	v53 =	vperm.xlane v56, v9;
	v50 =	vadd.s32 v3, v50;
	[tilespmem:v55+s9+$0x0] =	vst.idx.add.f32.msk vm2, v22  }
0x81: {  	v51 =	vadd.s32 v3, v48;
	v39 =	vand.u32 v0, v62;
	[tilespmem:v41+s9+$0x0] =	vst.idx.add.f32.msk vm2, v23  }
0x82: {  	v34 =	vperm.xlane v56, v19;
	vm2 =	vne.s32 v39, $0x0;
	[tilespmem:v1+s9+$0x0] =	vst.idx.add.f32.msk vm0, v33;
	v1 =	vadd.s32 v3, v53  }
0x83: {  	v4 =	vadd.s32 v3, v4;
	[tilespmem:v61+s9+$0x0] =	vst.idx.add.f32.msk vm0, v32  }
0x84: {  	[tilespmem:v2+s9+$0x0] =	vst.idx.add.f32.msk vm0, v30;
	v2 =	vadd.s32 v3, v34  }
0x85: {  	[tilespmem:v50+s9+$0x0] =	vst.idx.add.f32.msk vm1, v29  }
0x86: {  	v16 =	vimm.s32 $0x8;
	v49 =	vperm.xlane v56, v21;
	[tilespmem:v51+s9+$0x0] =	vst.idx.add.f32.msk vm1, v28  }
0x87: {  	v15 =	vimm.s32 $0x9;
	v54 =	vperm.xlane v56, v13;
	v35 =	vperm.xlane v56, v16;
	[tilespmem:v1+s9+$0x0] =	vst.idx.add.f32.msk vm1, v27  }
0x88: {  	v47 =	vperm.xlane v56, v15;
	v36 =	vperm.xlane v56, v45;
	[tilespmem:v4+s9+$0x0] =	vst.idx.add.f32.msk vm2, v26  }
0x89: {  	v37 =	vperm.xlane v56, v10;
	v52 =	vperm.xlane v56, v14;
	[tilespmem:v2+s9+$0x0] =	vst.idx.add.f32.msk vm2, v24  }
0x8a: {  	v38 =	vperm.xlane v56, v18;
	v56 =	vperm.xlane v56, v5;
	v29 =	vadd.s32 v3, v49;
	v5 =	vld [tilespmem:$0x1FA70]  }
0x8b: {  	v10 =	vimm.s32 $0x8  }
0x8c: {  	v55 =	vperm.xlane v11, v10;
	_ =	sdelay $0x1  }
0x8d: {  	v30 =	vand.u32 v0, v55  }
0x8e: {  	vm0 =	vne.s32 v30, $0x0;
	[tilespmem:v29+s9+$0x0] =	vst.idx.add.f32.msk vm2, v5  }
0x8f: {  	v28 =	vadd.s32 v3, v35;
	v5 =	vld [tilespmem:$0x1FA80];
	_ =	sdelay $0x4  }
0x90: {  	[tilespmem:v28+s9+$0x0] =	vst.idx.add.f32.msk vm0, v5  }
0x91: {  	v58 =	vperm.xlane v25, v9;
	v1 =	vadd.s32 v3, v47;
	v9 =	vld [tilespmem:$0x1FA90];
	_ =	sdelay $0x4  }
0x92: {  	[tilespmem:v1+s9+$0x0] =	vst.idx.add.f32.msk vm0, v9  }
0x93: {  	v4 =	vadd.s32 v3, v36;
	v9 =	vld [tilespmem:$0x1FAA0]  }
0x94: {  	v63 =	vperm.xlane v25, v8;
	v8 =	vimm.s32 $0x9  }
0x95: {  	v30 =	vperm.xlane v11, v8;
	_ =	sdelay $0x1  }
0x96: {  	v27 =	vand.u32 v0, v30  }
0x97: {  	vm1 =	vne.s32 v27, $0x0;
	[tilespmem:v4+s9+$0x0] =	vst.idx.add.f32.msk vm0, v9  }
0x98: {  	v2 =	vadd.s32 v3, v37;
	v9 =	vld [tilespmem:$0x1FAB0];
	_ =	sdelay $0x4  }
0x99: {  	[tilespmem:v2+s9+$0x0] =	vst.idx.add.f32.msk vm1, v9  }
0x9a: {  	v23 =	vadd.s32 v3, v54;
	v27 =	vperm.xlane v25, v19;
	v19 =	vperm.xlane v25, v8;
	v8 =	vld [tilespmem:$0x1FAC0];
	_ =	sdelay $0x4  }
0x9b: {  	[tilespmem:v23+s9+$0x0] =	vst.idx.add.f32.msk vm1, v8  }
0x9c: {  	v22 =	vadd.s32 v3, v52;
	v8 =	vld [tilespmem:$0x1FAD0];
	_ =	sdelay $0x1  }
0x9d: {  	v26 =	vperm.xlane v11, v45;
	_ =	sdelay $0x1  }
0x9e: {  	v24 =	vand.u32 v0, v26  }
0x9f: {  	vm2 =	vne.s32 v24, $0x0;
	[tilespmem:v22+s9+$0x0] =	vst.idx.add.f32.msk vm1, v8  }
0xa0: {  	v1 =	vadd.s32 v3, v38;
	v8 =	vld [tilespmem:$0x1FAE0];
	_ =	sdelay $0x4  }
0xa1: {  	[tilespmem:v1+s9+$0x0] =	vst.idx.add.f32.msk vm2, v8  }
0xa2: {  	v4 =	vadd.s32 v3, v56;
	v8 =	vld [tilespmem:$0x1FAF0];
	_ =	sdelay $0x2  }
0xa3: {  	v12 =	vimm.s32 $0x0  }
0xa4: {  	v59 =	vperm.xlane v25, v12  }
0xa5: {  	v5 =	vimm.s32 $0xB;
	[tilespmem:v4+s9+$0x0] =	vst.idx.add.f32.msk vm2, v8  }
0xa6: {  	v24 =	vperm.xlane v11, v5;
	v15 =	vperm.xlane v25, v5;
	v2 =	vadd.s32 v3, v59;
	v5 =	vld [tilespmem:$0x1FB00];
	_ =	sdelay $0x2  }
0xa7: {  	v20 =	vimm.s32 $0x1  }
0xa8: {  	v40 =	vperm.xlane v25, v20;
	v20 =	vand.u32 v0, v24  }
0xa9: {  	vm0 =	vne.s32 v20, $0x0;
	[tilespmem:v2+s9+$0x0] =	vst.idx.add.f32.msk vm2, v5  }
0xaa: {  	v18 =	vadd.s32 v3, v40;
	v5 =	vld [tilespmem:$0x1FB10];
	_ =	sdelay $0x3  }
0xab: {  	v57 =	vperm.xlane v25, v46  }
0xac: {  	[tilespmem:v18+s9+$0x0] =	vst.idx.add.f32.msk vm0, v5  }
0xad: {  	v60 =	vperm.xlane v25, v17;
	v17 =	vadd.s32 v3, v57;
	v5 =	vld [tilespmem:$0x1FB20];
	_ =	sdelay $0x4  }
0xae: {  	[tilespmem:v17+s9+$0x0] =	vst.idx.add.f32.msk vm0, v5  }
0xaf: {  	v1 =	vadd.s32 v3, v63;
	v5 =	vld [tilespmem:$0x1FB30]  }
0xb0: {  	v23 =	vimm.s32 $0xC  }
0xb1: {  	v20 =	vperm.xlane v11, v23;
	_ =	sdelay $0x1  }
0xb2: {  	v26 =	vperm.xlane v25, v21;
	v16 =	vand.u32 v0, v20  }
0xb3: {  	v21 =	vperm.xlane v25, v10;
	vm3 =	vne.s32 v16, $0x0;
	[tilespmem:v1+s9+$0x0] =	vst.idx.add.f32.msk vm0, v5;
	v5 =	vimm.s32 $0xF  }
0xb4: {  	v4 =	vadd.s32 v3, v58;
	v10 =	vperm.xlane v11, v5;
	v18 =	vperm.xlane v25, v5;
	v5 =	vld [tilespmem:$0x1FB40];
	_ =	sdelay $0x3  }
0xb5: {  	v31 =	vld [tilespmem:s18+$0xFFFFFFF0]  }
0xb6: {  	v7 =	vperm.xlane v6, v45;
	[tilespmem:v4+s9+$0x0] =	vst.idx.add.f32.msk vm3, v5  }
0xb7: {  	v40 =	vimm.s32 $0xD;
	v42 =	vimm.s32 $0x8;
	v2 =	vadd.s32 v3, v60;
	v5 =	vld [tilespmem:$0x1FB50]  }
0xb8: {  	v62 =	vimm.s32 $0x1;
	v44 =	vimm.s32 $0x4;
	v13 =	vadd.s32 v3, v27;
	v27 =	vld [tilespmem:s17+$0xFFFFFFD0]  }
0xb9: {  	v52 =	vimm.s32 $0x9;
	v41 =	vimm.s32 $0xC;
	v54 =	vimm.s32 $0x7  }
0xba: {  	v53 =	vimm.s32 $0xB;
	v33 =	vimm.s32 $0xF;
	v61 =	vimm.s32 $0x0  }
0xbb: {  	v32 =	vperm.xlane v31, v53;
	v55 =	vimm.s32 $0x6;
	v34 =	vperm.xlane v31, v41  }
0xbc: {  	v49 =	vimm.s32 $0x3;
	v37 =	vperm.xlane v31, v40;
	[tilespmem:v2+s9+$0x0] =	vst.idx.add.f32.msk vm3, v5;
	v5 =	vimm.s32 $0xA  }
0xbd: {  	v35 =	vimm.s32 $0xE;
	v30 =	vperm.xlane v31, v5;
	v5 =	vperm.xlane v27, v5  }
0xbe: {  	v12 =	vadd.s32 v3, v26;
	v26 =	vperm.xlane v31, v44;
	v29 =	vperm.xlane v31, v55  }
0xbf: {  	v51 =	vld [tilespmem:s17+$0xFFFFFFE0];
	v24 =	vperm.xlane v31, v46;
	v9 =	vimm.s32 $0xD;
	[tilespmem:$0x1FC00] =	vst v5;
	v5 =	vperm.xlane v27, v41  }
0xc0: {  	v38 =	vperm.xlane v31, v35;
	v20 =	vperm.xlane v11, v9;
	v8 =	vimm.s32 $0xE  }
0xc1: {  	v50 =	vimm.s32 $0x0;
	v16 =	vperm.xlane v11, v8;
	[tilespmem:$0x1FC50] =	vst v5;
	v5 =	vperm.xlane v27, v40  }
0xc2: {  	v14 =	vand.u32 v0, v20;
	v22 =	vperm.xlane v25, v45;
	v45 =	vimm.s32 $0x5  }
0xc3: {  	v28 =	vperm.xlane v31, v45;
	v16 =	vand.u32 v0, v16;
	[tilespmem:$0x1FC80] =	vst v5;
	v5 =	vperm.xlane v27, v35  }
0xc4: {  	v58 =	vperm.xlane v31, v33;
	vm1 =	vne.s32 v16, $0x0;
	v16 =	vadd.s32 v3, v22  }
0xc5: {  	v22 =	vperm.xlane v31, v62;
	vm2 =	vne.s32 v14, $0x0;
	[tilespmem:$0x1FC90] =	vst v5;
	v5 =	vperm.xlane v51, v50  }
0xc6: {  	v14 =	vperm.xlane v25, v23;
	v60 =	vimm.s32 $0x1;
	v17 =	vperm.xlane v25, v8  }
0xc7: {  	v11 =	vperm.xlane v25, v9;
	v10 =	vand.u32 v0, v10;
	[tilespmem:$0x1FCD0] =	vst v5;
	v5 =	vperm.xlane v51, v60  }
0xc8: {  	v8 =	vperm.xlane v31, v42;
	v25 =	vperm.xlane v31, v49;
	vm0 =	vne.s32 v10, $0x0  }
0xc9: {  	v10 =	vadd.s32 v3, v11;
	v11 =	vperm.xlane v31, v52;
	[tilespmem:$0x1FD00] =	vst v5;
	v5 =	vperm.xlane v51, v46  }
0xca: {  	v4 =	vperm.xlane v31, v61;
	v2 =	vperm.xlane v31, v54;
	v31 =	vimm.s32 $0x3  }
0xcb: {  	v48 =	vand.u32 v0, v24;
	[tilespmem:$0x1FD30] =	vst v5;
	v5 =	vperm.xlane v51, v31  }
0xcc: {  	v24 =	vimm.s32 $0x4;
	v36 =	vadd.s32 v3, v18;
	v18 =	vperm.xlane v27, v42  }
0xcd: {  	[tilespmem:$0x1FD60] =	vst v5;
	v5 =	vperm.xlane v51, v24  }
0xce: {  	v59 =	vimm.s32 $0x5;
	[tilespmem:$0x1FBC0] =	vst v18;
	v18 =	vperm.xlane v27, v52  }
0xcf: {  	[tilespmem:$0x1FD90] =	vst v5;
	v5 =	vperm.xlane v51, v59  }
0xd0: {  	v39 =	vperm.xlane v27, v61;
	v61 =	vimm.s32 $0x6;
	[tilespmem:$0x1FBE0] =	vst v18  }
0xd1: {  	v56 =	vperm.xlane v27, v55;
	v55 =	vld [tilespmem:s17+$0xFFFFFFF0];
	[tilespmem:$0x1FDC0] =	vst v5;
	v5 =	vperm.xlane v51, v61  }
0xd2: {  	v43 =	vperm.xlane v27, v62;
	v62 =	vperm.xlane v27, v44;
	v44 =	vimm.s32 $0x7  }
0xd3: {  	[tilespmem:$0x1FDE0] =	vst v5;
	v5 =	vperm.xlane v51, v44;
	_ =	sdelay $0x1  }
0xd4: {  	[tilespmem:$0x1FDF0] =	vst v5;
	v5 =	vperm.xlane v51, v42;
	_ =	sdelay $0x1  }
0xd5: {  	[tilespmem:$0x1FE00] =	vst v5;
	v5 =	vperm.xlane v51, v52  }
0xd6: {  	v18 =	vimm.s32 $0xA  }
0xd7: {  	[tilespmem:$0x1FE10] =	vst v5;
	v5 =	vperm.xlane v51, v18;
	_ =	sdelay $0x1  }
0xd8: {  	[tilespmem:$0x1FE20] =	vst v5;
	v5 =	vld [tilespmem:$0x1FB60];
	_ =	sdelay $0x4  }
0xd9: {  	[tilespmem:v13+s9+$0x0] =	vst.idx.add.f32.msk vm3, v5;
	v5 =	vperm.xlane v51, v40;
	_ =	sdelay $0x1  }
0xda: {  	[tilespmem:$0x1FE50] =	vst v5;
	v5 =	vperm.xlane v51, v35  }
0xdb: {  	v4 =	vand.u32 v0, v4  }
0xdc: {  	vm15 =	vne.s32 v4, $0x0;
	v4 =	vperm.xlane v51, v53;
	[tilespmem:$0x1FE60] =	vst v5;
	v5 =	vld [tilespmem:$0x1FB70];
	_ =	sdelay $0x1  }
0xdd: {  	[tilespmem:$0x1FE30] =	vst v4;
	v4 =	vperm.xlane v51, v41;
	_ =	sdelay $0x1  }
0xde: {  	[tilespmem:$0x1FE40] =	vst v4  }
0xdf: {  	[tilespmem:v12+s9+$0x0] =	vst.idx.add.f32.msk vm2, v5;
	v5 =	vperm.xlane v51, v33;
	_ =	sdelay $0x1  }
0xe0: {  	[tilespmem:$0x1FE70] =	vst v5;
	v5 =	vperm.xlane v55, v50;
	_ =	sdelay $0x1  }
0xe1: {  	v1 =	vadd.s32 v3, v21;
	[tilespmem:$0x1FE80] =	vst v5;
	v5 =	vld [tilespmem:$0x1FB80];
	_ =	sdelay $0x4  }
0xe2: {  	[tilespmem:v1+s9+$0x0] =	vst.idx.add.f32.msk vm2, v5;
	v1 =	vperm.xlane v55, v60;
	_ =	sdelay $0x1  }
0xe3: {  	[tilespmem:$0x1FEA0] =	vst v1;
	v1 =	vperm.xlane v55, v46;
	_ =	sdelay $0x1  }
0xe4: {  	v19 =	vadd.s32 v3, v19;
	[tilespmem:$0x1FEC0] =	vst v1;
	v1 =	vld [tilespmem:$0x1FB90];
	_ =	sdelay $0x4  }
0xe5: {  	[tilespmem:v19+s9+$0x0] =	vst.idx.add.f32.msk vm2, v1;
	v1 =	vperm.xlane v55, v31;
	_ =	sdelay $0x1  }
0xe6: {  	v13 =	vimm.s32 $0x5;
	[tilespmem:$0x1FEE0] =	vst v1;
	v1 =	vperm.xlane v55, v24  }
0xe7: {  	v25 =	vand.u32 v0, v25;
	v5 =	vperm.xlane v55, v13  }
0xe8: {  	vm12 =	vne.s32 v25, $0x0;
	v25 =	vimm.s32 $0x6;
	[tilespmem:$0x1FF00] =	vst v1  }
0xe9: {  	v1 =	vld [tilespmem:s19+$0xFFFFFFD0];
	[tilespmem:$0x1FF20] =	vst v5;
	v5 =	vperm.xlane v55, v25  }
0xea: {  	v12 =	vimm.s32 $0x7  }
0xeb: {  	v47 =	vperm.xlane v27, v46;
	v15 =	vadd.s32 v3, v15;
	[tilespmem:$0x1FF40] =	vst v5;
	v5 =	vperm.xlane v55, v12  }
0xec: {  	v57 =	vperm.xlane v27, v54;
	v63 =	vand.u32 v0, v29;
	[tilespmem:v16+s9+$0x0] =	vst.idx.add.f32.msk vm1, v7  }
0xed: {  	v20 =	vperm.xlane v6, v53;
	vm9 =	vne.s32 v63, $0x0;
	[tilespmem:$0x1FF60] =	vst v5;
	v5 =	vperm.xlane v55, v42  }
0xee: {  	v22 =	vand.u32 v0, v22;
	v14 =	vadd.s32 v3, v14;
	v21 =	vperm.xlane v6, v23  }
0xef: {  	v17 =	vadd.s32 v3, v17;
	v23 =	vperm.xlane v6, v35;
	[tilespmem:$0x1FF80] =	vst v5;
	v5 =	vperm.xlane v55, v52  }
0xf0: {  	vm14 =	vne.s32 v22, $0x0;
	v9 =	vperm.xlane v6, v9;
	v6 =	vperm.xlane v6, v33;
	[tilespmem:v15+s9+$0x0] =	vst.idx.add.f32.msk vm1, v20  }
0xf1: {  	v8 =	vand.u32 v0, v8;
	v49 =	vperm.xlane v27, v49;
	[tilespmem:$0x1FFA0] =	vst v5;
	v5 =	vperm.xlane v55, v18  }
0xf2: {  	v11 =	vand.u32 v0, v11;
	v61 =	vperm.xlane v55, v53;
	v63 =	vperm.xlane v55, v41  }
0xf3: {  	v2 =	vand.u32 v0, v2;
	v54 =	vperm.xlane v55, v40;
	v59 =	vperm.xlane v55, v35;
	[tilespmem:$0x1FFB0] =	vst v5  }
0xf4: {  	vm8 =	vne.s32 v2, $0x0;
	v44 =	vperm.xlane v55, v33;
	v4 =	vand.u32 v0, v38;
	[tilespmem:v14+s9+$0x0] =	vst.idx.add.f32.msk vm1, v21  }
0xf5: {  	v2 =	vperm.xlane v1, v50;
	v7 =	vperm.xlane v1, v60;
	v5 =	vadd.s32 v3, v39;
	v38 =	vld [tilespmem:s19+$0xFFFFFFE0]  }
0xf6: {  	vm6 =	vne.s32 v8, $0x0;
	v8 =	vperm.xlane v1, v46;
	v22 =	vperm.xlane v1, v31;
	[tilespmem:v10+s9+$0x0] =	vst.idx.add.f32.msk vm0, v9  }
0xf7: {  	v19 =	vperm.xlane v1, v13;
	v16 =	vperm.xlane v1, v42;
	v9 =	vadd.s32 v3, v43;
	v43 =	vld [tilespmem:s19+$0xFFFFFFF0]  }
0xf8: {  	vm7 =	vne.s32 v11, $0x0;
	v13 =	vperm.xlane v1, v53;
	v11 =	vperm.xlane v1, v41;
	[tilespmem:v17+s9+$0x0] =	vst.idx.add.f32.msk vm0, v23  }
0xf9: {  	v15 =	vperm.xlane v1, v25;
	[tilespmem:v36+s9+$0x0] =	vst.idx.add.f32.msk vm0, v6;
	v6 =	vadd.s32 v3, v47  }
0xfa: {  	v55 =	vperm.xlane v1, v33;
	[tilespmem:v5+s9+$0x0] =	vst.idx.add.f32.msk vm15, v2;
	v2 =	vadd.s32 v3, v49  }
0xfb: {  	v14 =	vperm.xlane v1, v52;
	v10 =	vperm.xlane v1, v40  }
0xfc: {  	v25 =	vadd.s32 v3, v62;
	v23 =	vperm.xlane v1, v24;
	v17 =	vperm.xlane v1, v12  }
0xfd: {  	v12 =	vperm.xlane v1, v18;
	[tilespmem:v9+s9+$0x0] =	vst.idx.add.f32.msk vm15, v7;
	v7 =	vand.u32 v0, v58  }
0xfe: {  	v58 =	vperm.xlane v1, v35;
	v1 =	vperm.xlane v38, v24;
	[tilespmem:v6+s9+$0x0] =	vst.idx.add.f32.msk vm15, v8  }
0xff: {  	v51 =	vimm.s32 $0x6;
	[tilespmem:v2+s9+$0x0] =	vst.idx.add.f32.msk vm14, v22  }
0x100: {  	[tilespmem:$0x1FBA0] =	vst v1;
	v1 =	vperm.xlane v38, v51  }
0x101: {  	[tilespmem:v25+s9+$0x0] =	vst.idx.add.f32.msk vm14, v23  }
0x102: {  	[tilespmem:$0x1FBB0] =	vst v1;
	v1 =	vld [tilespmem:$0x1FBC0];
	_ =	sdelay $0x3  }
0x103: {  	v26 =	vand.u32 v0, v26;
	vm13 =	vne.s32 v48, $0x0;
	v48 =	vimm.s32 $0x7  }
0x104: {  	vm11 =	vne.s32 v26, $0x0;
	v26 =	vadd.s32 v3, v1;
	v1 =	vperm.xlane v38, v48;
	_ =	sdelay $0x1  }
0x105: {  	[tilespmem:$0x1FBD0] =	vst v1;
	v1 =	vld [tilespmem:$0x1FBE0];
	_ =	sdelay $0x4  }
0x106: {  	v23 =	vadd.s32 v3, v1;
	v1 =	vperm.xlane v38, v42;
	_ =	sdelay $0x1  }
0x107: {  	[tilespmem:$0x1FBF0] =	vst v1;
	v1 =	vld [tilespmem:$0x1FC00];
	_ =	sdelay $0x4  }
0x108: {  	v25 =	vadd.s32 v3, v1;
	v1 =	vperm.xlane v38, v18;
	_ =	sdelay $0x1  }
0x109: {  	[tilespmem:$0x1FC10] =	vst v1;
	v1 =	vperm.xlane v38, v53;
	_ =	sdelay $0x1  }
0x10a: {  	[tilespmem:$0x1FC20] =	vst v1;
	v1 =	vperm.xlane v38, v41;
	_ =	sdelay $0x1  }
0x10b: {  	[tilespmem:$0x1FC30] =	vst v1;
	v1 =	vperm.xlane v38, v40;
	_ =	sdelay $0x1  }
0x10c: {  	[tilespmem:$0x1FC40] =	vst v1;
	v1 =	vld [tilespmem:$0x1FC50];
	_ =	sdelay $0x3  }
0x10d: {  	v30 =	vand.u32 v0, v30  }
0x10e: {  	vm5 =	vne.s32 v30, $0x0;
	v30 =	vadd.s32 v3, v1;
	v1 =	vperm.xlane v38, v35;
	_ =	sdelay $0x1  }
0x10f: {  	[tilespmem:$0x1FC60] =	vst v1;
	v1 =	vperm.xlane v38, v33;
	_ =	sdelay $0x1  }
0x110: {  	[tilespmem:$0x1FC70] =	vst v1;
	v1 =	vld [tilespmem:$0x1FC80];
	_ =	sdelay $0x3  }
0x111: {  	v34 =	vand.u32 v0, v34  }
0x112: {  	vm3 =	vne.s32 v34, $0x0;
	v34 =	vadd.s32 v3, v1;
	v1 =	vld [tilespmem:$0x1FC90];
	_ =	sdelay $0x4  }
0x113: {  	v36 =	vadd.s32 v3, v1;
	v1 =	vperm.xlane v43, v50;
	_ =	sdelay $0x1  }
0x114: {  	[tilespmem:$0x1FCA0] =	vst v1;
	v1 =	vperm.xlane v43, v60;
	_ =	sdelay $0x1  }
0x115: {  	[tilespmem:$0x1FCB0] =	vst v1;
	v1 =	vperm.xlane v43, v46;
	_ =	sdelay $0x1  }
0x116: {  	[tilespmem:$0x1FCC0] =	vst v1;
	v1 =	vld [tilespmem:$0x1FCD0];
	_ =	sdelay $0x3  }
0x117: {  	v32 =	vand.u32 v0, v32  }
0x118: {  	vm4 =	vne.s32 v32, $0x0;
	v32 =	vadd.s32 v3, v1;
	v1 =	vperm.xlane v43, v31;
	_ =	sdelay $0x1  }
0x119: {  	[tilespmem:$0x1FCE0] =	vst v1;
	v1 =	vperm.xlane v43, v24;
	_ =	sdelay $0x1  }
0x11a: {  	[tilespmem:$0x1FCF0] =	vst v1;
	v1 =	vld [tilespmem:$0x1FD00];
	_ =	sdelay $0x1  }
0x11b: {  	v39 =	vimm.s32 $0x5;
	v62 =	vperm.xlane v38, v50  }
0x11c: {  	v21 =	vadd.s32 v3, v56;
	v56 =	vperm.xlane v38, v31;
	v9 =	vperm.xlane v38, v60  }
0x11d: {  	vm0 =	vne.s32 v7, $0x0;
	v7 =	vperm.xlane v38, v39;
	v8 =	vperm.xlane v38, v46  }
0x11e: {  	v2 =	vperm.xlane v38, v52;
	v38 =	vadd.s32 v3, v1;
	v1 =	vperm.xlane v43, v39;
	_ =	sdelay $0x1  }
0x11f: {  	[tilespmem:$0x1FD10] =	vst v1;
	v1 =	vperm.xlane v43, v51;
	_ =	sdelay $0x1  }
0x120: {  	[tilespmem:$0x1FD20] =	vst v1;
	v1 =	vld [tilespmem:$0x1FD30];
	_ =	sdelay $0x4  }
0x121: {  	v39 =	vadd.s32 v3, v1;
	v1 =	vperm.xlane v43, v48;
	_ =	sdelay $0x1  }
0x122: {  	[tilespmem:$0x1FD40] =	vst v1;
	v1 =	vperm.xlane v43, v42;
	_ =	sdelay $0x1  }
0x123: {  	[tilespmem:$0x1FD50] =	vst v1;
	v1 =	vld [tilespmem:$0x1FD60];
	_ =	sdelay $0x4  }
0x124: {  	v42 =	vadd.s32 v3, v1;
	v1 =	vperm.xlane v43, v52;
	_ =	sdelay $0x1  }
0x125: {  	[tilespmem:$0x1FD70] =	vst v1;
	v1 =	vperm.xlane v43, v18;
	_ =	sdelay $0x1  }
0x126: {  	[tilespmem:$0x1FD80] =	vst v1;
	v1 =	vld [tilespmem:$0x1FD90];
	_ =	sdelay $0x4  }
0x127: {  	v51 =	vadd.s32 v3, v1;
	v1 =	vperm.xlane v43, v53;
	_ =	sdelay $0x1  }
0x128: {  	[tilespmem:$0x1FDA0] =	vst v1;
	v1 =	vperm.xlane v43, v41;
	_ =	sdelay $0x1  }
0x129: {  	[tilespmem:$0x1FDB0] =	vst v1;
	v1 =	vld [tilespmem:$0x1FDC0];
	_ =	sdelay $0x4  }
0x12a: {  	v48 =	vadd.s32 v3, v1;
	v1 =	vperm.xlane v43, v40;
	_ =	sdelay $0x1  }
0x12b: {  	[tilespmem:$0x1FDD0] =	vst v1;
	v1 =	vld [tilespmem:$0x1FDE0];
	_ =	sdelay $0x4  }
0x12c: {  	v29 =	vperm.xlane v27, v53;
	v53 =	vadd.s32 v3, v1;
	v1 =	vld [tilespmem:$0x1FDF0];
	_ =	sdelay $0x4  }
0x12d: {  	v47 =	vadd.s32 v3, v1;
	v1 =	vld [tilespmem:$0x1FE00];
	_ =	sdelay $0x3  }
0x12e: {  	v49 =	vperm.xlane v43, v33  }
0x12f: {  	v22 =	vadd.s32 v3, v57;
	v57 =	vperm.xlane v43, v35;
	v43 =	vadd.s32 v3, v1;
	v1 =	vld [tilespmem:$0x1FE10];
	_ =	sdelay $0x4  }
0x130: {  	v40 =	vadd.s32 v3, v1;
	v1 =	vld [tilespmem:$0x1FE20];
	_ =	sdelay $0x4  }
0x131: {  	v45 =	vperm.xlane v27, v45;
	v27 =	vperm.xlane v27, v33;
	v33 =	vadd.s32 v3, v1;
	v1 =	vld [tilespmem:$0x1FE30];
	_ =	sdelay $0x4  }
0x132: {  	v31 =	vadd.s32 v3, v1;
	v1 =	vld [tilespmem:$0x1FE40];
	_ =	sdelay $0x3  }
0x133: {  	v28 =	vand.u32 v0, v28  }
0x134: {  	vm10 =	vne.s32 v28, $0x0;
	v28 =	vadd.s32 v3, v29;
	v29 =	vadd.s32 v3, v1;
	v1 =	vld [tilespmem:$0x1FE50];
	_ =	sdelay $0x3  }
0x135: {  	v37 =	vand.u32 v0, v37  }
0x136: {  	vm2 =	vne.s32 v37, $0x0;
	v37 =	vadd.s32 v3, v27;
	v27 =	vadd.s32 v3, v1;
	v1 =	vld [tilespmem:$0x1FE60];
	_ =	sdelay $0x4  }
0x137: {  	v24 =	vadd.s32 v3, v1;
	v1 =	vld [tilespmem:$0x1FE70];
	_ =	sdelay $0x4  }
0x138: {  	v18 =	vadd.s32 v3, v1;
	v1 =	vld [tilespmem:$0x1FE80];
	_ =	sdelay $0x4  }
0x139: {  	v1 =	vadd.s32 v3, v1  }
0x13a: {  	[tilespmem:$0x1FE90] =	vst v1;
	v1 =	vld [tilespmem:$0x1FEA0];
	_ =	sdelay $0x4  }
0x13b: {  	v1 =	vadd.s32 v3, v1  }
0x13c: {  	[tilespmem:$0x1FEB0] =	vst v1;
	v1 =	vld [tilespmem:$0x1FEC0];
	_ =	sdelay $0x4  }
0x13d: {  	v1 =	vadd.s32 v3, v1  }
0x13e: {  	[tilespmem:$0x1FED0] =	vst v1;
	v1 =	vld [tilespmem:$0x1FEE0];
	_ =	sdelay $0x4  }
0x13f: {  	v1 =	vadd.s32 v3, v1  }
0x140: {  	[tilespmem:$0x1FEF0] =	vst v1;
	v1 =	vld [tilespmem:$0x1FF00];
	_ =	sdelay $0x4  }
0x141: {  	v1 =	vadd.s32 v3, v1  }
0x142: {  	[tilespmem:$0x1FF10] =	vst v1;
	v1 =	vld [tilespmem:$0x1FF20];
	_ =	sdelay $0x4  }
0x143: {  	v1 =	vadd.s32 v3, v1  }
0x144: {  	[tilespmem:$0x1FF30] =	vst v1;
	v1 =	vld [tilespmem:$0x1FF40];
	_ =	sdelay $0x4  }
0x145: {  	v1 =	vadd.s32 v3, v1  }
0x146: {  	[tilespmem:$0x1FF50] =	vst v1;
	v1 =	vld [tilespmem:$0x1FF60];
	_ =	sdelay $0x4  }
0x147: {  	v1 =	vadd.s32 v3, v1  }
0x148: {  	[tilespmem:$0x1FF70] =	vst v1;
	v1 =	vld [tilespmem:$0x1FF80];
	_ =	sdelay $0x4  }
0x149: {  	v1 =	vadd.s32 v3, v1  }
0x14a: {  	[tilespmem:$0x1FF90] =	vst v1;
	v1 =	vld [tilespmem:$0x1FFA0];
	_ =	sdelay $0x4  }
0x14b: {  	v5 =	vadd.s32 v3, v1;
	v1 =	vld [tilespmem:$0x1FFB0];
	_ =	sdelay $0x4  }
0x14c: {  	v1 =	vadd.s32 v3, v1  }
0x14d: {  	[tilespmem:$0x1FFC0] =	vst v1;
	v1 =	vadd.s32 v3, v61  }
0x14e: {  	[tilespmem:$0x1FFD0] =	vst v1;
	v1 =	vadd.s32 v3, v63  }
0x14f: {  	v20 =	vadd.s32 v3, v45;
	[tilespmem:$0x1FFE0] =	vst v1;
	v1 =	vadd.s32 v3, v54  }
0x150: {  	s20 =	simm.s32 $0x890;
	vm1 =	vne.s32 v4, $0x0;
	s19 =	simm.s32 $0x0;
	v35 =	vadd.s32 v3, v44;
	v41 =	vadd.s32 v3, v59;
	[tilespmem:$0x1FFF0] =	vst v1  }
.LBB2_5:
0x151: {  	v46 =	vld [tilespmem:s20+$0x0];
	_ =	sdelay $0x3  }
0x152: {  	v1 =	vimm.s32 $0x0  }
0x153: {  	v52 =	vperm.xlane v46, v1;
	v1 =	vimm.s32 $0x1  }
0x154: {  	v1 =	vperm.xlane v46, v1;
	_ =	sdelay $0x1  }
0x155: {  	[tilespmem:$0x1F610] =	vst v1;
	v1 =	vimm.s32 $0x2  }
0x156: {  	v1 =	vperm.xlane v46, v1;
	_ =	sdelay $0x1  }
0x157: {  	[tilespmem:$0x1F620] =	vst v1;
	v1 =	vimm.s32 $0x3  }
0x158: {  	v1 =	vperm.xlane v46, v1;
	_ =	sdelay $0x1  }
0x159: {  	[tilespmem:$0x1F630] =	vst v1;
	v1 =	vimm.s32 $0x4  }
0x15a: {  	v1 =	vperm.xlane v46, v1;
	_ =	sdelay $0x1  }
0x15b: {  	[tilespmem:$0x1F640] =	vst v1;
	v1 =	vimm.s32 $0x5  }
0x15c: {  	v1 =	vperm.xlane v46, v1;
	_ =	sdelay $0x1  }
0x15d: {  	[tilespmem:$0x1F650] =	vst v1;
	v1 =	vimm.s32 $0x7  }
0x15e: {  	v1 =	vperm.xlane v46, v1  }
0x15f: {  	[tilespmem:$0x1F840] =	vst v41  }
0x160: {  	[tilespmem:$0x1F660] =	vst v1;
	v1 =	vimm.s32 $0x8  }
0x161: {  	[tilespmem:$0x1F860] =	vst v49;
	v49 =	vld [tilespmem:s20+$0xFFFFFFD0];
	v1 =	vperm.xlane v46, v1  }
0x162: {  	[tilespmem:$0x1F870] =	vst v35;
	v41 =	vld [tilespmem:s20+$0xFFFFFFE0]  }
0x163: {  	v35 =	vld [tilespmem:s20+$0xFFFFFFF0];
	[tilespmem:$0x1F670] =	vst v1;
	v1 =	vimm.s32 $0x9  }
0x164: {  	[tilespmem:v20+s9+$0x0] =	vst.idx.add.f32.msk vm14, v19;
	v1 =	vperm.xlane v46, v1  }
0x165: {  	[tilespmem:v21+s9+$0x0] =	vst.idx.add.f32.msk vm13, v15  }
0x166: {  	[tilespmem:$0x1F680] =	vst v1;
	v1 =	vimm.s32 $0xA  }
0x167: {  	[tilespmem:v22+s9+$0x0] =	vst.idx.add.f32.msk vm13, v17;
	v50 =	vperm.xlane v46, v1;
	v1 =	vimm.s32 $0xB  }
0x168: {  	[tilespmem:v26+s9+$0x0] =	vst.idx.add.f32.msk vm13, v16;
	v1 =	vperm.xlane v46, v1  }
0x169: {  	[tilespmem:v23+s9+$0x0] =	vst.idx.add.f32.msk vm12, v14  }
0x16a: {  	[tilespmem:$0x1F690] =	vst v1;
	v1 =	vimm.s32 $0xC  }
0x16b: {  	[tilespmem:v25+s9+$0x0] =	vst.idx.add.f32.msk vm12, v12;
	v25 =	vperm.xlane v46, v1;
	v1 =	vimm.s32 $0xD  }
0x16c: {  	v1 =	vperm.xlane v46, v1  }
0x16d: {  	v59 =	vld [tilespmem:s20+$0x10]  }
0x16e: {  	[tilespmem:$0x1F6A0] =	vst v1;
	v1 =	vimm.s32 $0xE  }
0x16f: {  	[tilespmem:v28+s9+$0x0] =	vst.idx.add.f32.msk vm12, v13;
	v28 =	vperm.xlane v46, v1;
	v1 =	vimm.s32 $0xF  }
0x170: {  	v1 =	vperm.xlane v46, v1  }
0x171: {  	v6 =	vimm.s32 $0x1  }
0x172: {  	[tilespmem:$0x1F6B0] =	vst v1;
	v1 =	vperm.xlane v59, v6  }
0x173: {  	v15 =	vimm.s32 $0x3  }
0x174: {  	[tilespmem:$0x1F6C0] =	vst v1;
	v1 =	vperm.xlane v59, v15  }
0x175: {  	v17 =	vimm.s32 $0x5  }
0x176: {  	[tilespmem:$0x1F6D0] =	vst v1;
	v1 =	vperm.xlane v59, v17  }
0x177: {  	v44 =	vimm.s32 $0x7  }
0x178: {  	[tilespmem:$0x1F6E0] =	vst v1;
	v1 =	vperm.xlane v59, v44  }
0x179: {  	v45 =	vimm.s32 $0x8  }
0x17a: {  	[tilespmem:$0x1F6F0] =	vst v1;
	v1 =	vperm.xlane v59, v45  }
0x17b: {  	v16 =	vimm.s32 $0x9  }
0x17c: {  	[tilespmem:$0x1F700] =	vst v1;
	v1 =	vperm.xlane v59, v16  }
0x17d: {  	v14 =	vimm.s32 $0xA  }
0x17e: {  	[tilespmem:$0x1F710] =	vst v1;
	v1 =	vperm.xlane v59, v14  }
0x17f: {  	v20 =	vimm.s32 $0xB;
	[tilespmem:v30+s9+$0x0] =	vst.idx.add.f32.msk vm11, v11  }
0x180: {  	[tilespmem:$0x1F720] =	vst v1;
	v1 =	vperm.xlane v59, v20  }
0x181: {  	v19 =	vimm.s32 $0xC;
	[tilespmem:v34+s9+$0x0] =	vst.idx.add.f32.msk vm11, v10  }
0x182: {  	[tilespmem:$0x1F730] =	vst v1;
	v1 =	vperm.xlane v59, v19  }
0x183: {  	v21 =	vimm.s32 $0xD;
	[tilespmem:v36+s9+$0x0] =	vst.idx.add.f32.msk vm11, v58  }
0x184: {  	v58 =	vld [tilespmem:s20+$0x20];
	[tilespmem:$0x1F740] =	vst v1;
	v1 =	vperm.xlane v59, v21  }
0x185: {  	v23 =	vimm.s32 $0xE;
	[tilespmem:v37+s9+$0x0] =	vst.idx.add.f32.msk vm10, v55  }
0x186: {  	[tilespmem:$0x1F750] =	vst v1;
	v1 =	vperm.xlane v59, v23  }
0x187: {  	v22 =	vimm.s32 $0xF;
	[tilespmem:v32+s9+$0x0] =	vst.idx.add.f32.msk vm10, v62  }
0x188: {  	[tilespmem:$0x1F760] =	vst v1;
	v1 =	vperm.xlane v59, v22  }
0x189: {  	[tilespmem:v38+s9+$0x0] =	vst.idx.add.f32.msk vm10, v9;
	v9 =	vimm.s32 $0x0  }
0x18a: {  	[tilespmem:$0x1F770] =	vst v1;
	v1 =	vperm.xlane v58, v9;
	_ =	sdelay $0x1  }
0x18b: {  	[tilespmem:$0x1F780] =	vst v1;
	v1 =	vimm.s32 $0x1  }
0x18c: {  	[tilespmem:$0x1F830] =	vst v5;
	v5 =	vperm.xlane v58, v1  }
0x18d: {  	[tilespmem:v39+s9+$0x0] =	vst.idx.add.f32.msk vm9, v8;
	v8 =	vimm.s32 $0x2  }
0x18e: {  	[tilespmem:$0x1F790] =	vst v5;
	v5 =	vperm.xlane v58, v8  }
0x18f: {  	v6 =	vimm.s32 $0x3  }
0x190: {  	[tilespmem:$0x1F7A0] =	vst v5;
	v5 =	vperm.xlane v58, v6  }
0x191: {  	v4 =	vimm.s32 $0x4  }
0x192: {  	[tilespmem:$0x1F7B0] =	vst v5;
	v5 =	vperm.xlane v58, v4;
	_ =	sdelay $0x1  }
0x193: {  	[tilespmem:$0x1F7C0] =	vst v5;
	v5 =	vperm.xlane v58, v17  }
0x194: {  	[tilespmem:$0x1F850] =	vst v57;
	v57 =	vimm.s32 $0x6  }
0x195: {  	[tilespmem:$0x1F7D0] =	vst v5;
	v5 =	vperm.xlane v58, v57;
	_ =	sdelay $0x1  }
0x196: {  	[tilespmem:$0x1F7E0] =	vst v5;
	v5 =	vperm.xlane v58, v44;
	_ =	sdelay $0x1  }
0x197: {  	[tilespmem:$0x1F7F0] =	vst v5;
	v5 =	vperm.xlane v58, v45;
	_ =	sdelay $0x1  }
0x198: {  	s17 =	sadd.s32 $0x60, s17;
	[tilespmem:$0x1F800] =	vst v5;
	v5 =	vperm.xlane v58, v16  }
0x199: {  	v38 =	vld [tilespmem:s17+$0x0]  }
0x19a: {  	[tilespmem:$0x1F810] =	vst v5;
	v5 =	vld [tilespmem:$0x1FBA0]  }
0x19b: {  	[tilespmem:v42+s9+$0x0] =	vst.idx.add.f32.msk vm9, v56  }
0x19c: {  	v56 =	vld [tilespmem:s17+$0xFFFFFFD0]  }
0x19d: {  	v54 =	vimm.s32 $0x2;
	v55 =	vld [tilespmem:s17+$0xFFFFFFE0]  }
0x19e: {  	v34 =	vperm.xlane v59, v54;
	v54 =	vld [tilespmem:s17+$0xFFFFFFF0]  }
0x19f: {  	[tilespmem:v51+s9+$0x0] =	vst.idx.add.f32.msk vm9, v5  }
0x1a0: {  	[tilespmem:v48+s9+$0x0] =	vst.idx.add.f32.msk vm8, v7  }
0x1a1: {  	v7 =	vperm.xlane v38, v1;
	v1 =	vld [tilespmem:$0x1FBB0];
	_ =	sdelay $0x4  }
0x1a2: {  	[tilespmem:v53+s9+$0x0] =	vst.idx.add.f32.msk vm8, v1  }
0x1a3: {  	v1 =	vld [tilespmem:$0x1FBD0];
	_ =	sdelay $0x4  }
0x1a4: {  	[tilespmem:v47+s9+$0x0] =	vst.idx.add.f32.msk vm8, v1  }
0x1a5: {  	v1 =	vld [tilespmem:$0x1FBF0];
	_ =	sdelay $0x2  }
0x1a6: {  	v12 =	vld [tilespmem:$0x1FC10];
	_ =	sdelay $0x1  }
0x1a7: {  	[tilespmem:v43+s9+$0x0] =	vst.idx.add.f32.msk vm6, v1  }
0x1a8: {  	s18 =	sadd.s32 $0x20, s18;
	[tilespmem:v40+s9+$0x0] =	vst.idx.add.f32.msk vm6, v2  }
0x1a9: {  	v1 =	vld [tilespmem:s18+$0xFFFFFFF0]  }
0x1aa: {  	v5 =	vperm.xlane v58, v14;
	[tilespmem:v33+s9+$0x0] =	vst.idx.add.f32.msk vm6, v12  }
0x1ab: {  	v12 =	vld [tilespmem:$0x1FC20]  }
0x1ac: {  	[tilespmem:$0x1F820] =	vst v5;
	v5 =	vld [tilespmem:s17+$0x10];
	_ =	sdelay $0x1  }
0x1ad: {  	v61 =	vimm.s32 $0x0  }
0x1ae: {  	v30 =	vperm.xlane v59, v61  }
0x1af: {  	v36 =	vperm.xlane v59, v4;
	v37 =	vperm.xlane v59, v57;
	[tilespmem:v31+s9+$0x0] =	vst.idx.add.f32.msk vm7, v12  }
0x1b0: {  	v59 =	vperm.xlane v38, v4;
	v12 =	vperm.xlane v5, v4;
	v4 =	vld [tilespmem:$0x1FC30]  }
0x1b1: {  	v2 =	vld [tilespmem:s18+$0x0];
	_ =	sdelay $0x3  }
0x1b2: {  	v13 =	vimm.s32 $0x0;
	[tilespmem:v29+s9+$0x0] =	vst.idx.add.f32.msk vm7, v4  }
0x1b3: {  	v11 =	vperm.xlane v5, v13;
	v4 =	vperm.xlane v2, v13;
	v13 =	vld [tilespmem:$0x1FC40]  }
0x1b4: {  	v47 =	vperm.xlane v38, v17;
	v29 =	vperm.xlane v5, v17;
	v17 =	vld [tilespmem:$0x1FC60]  }
0x1b5: {  	v26 =	vperm.xlane v46, v57  }
0x1b6: {  	v46 =	vperm.xlane v38, v22;
	v51 =	vperm.xlane v38, v9  }
0x1b7: {  	v9 =	vperm.xlane v38, v21;
	v48 =	vperm.xlane v38, v8  }
0x1b8: {  	v32 =	vimm.s32 $0x1;
	v8 =	vperm.xlane v38, v19;
	v53 =	vperm.xlane v38, v6;
	[tilespmem:v27+s9+$0x0] =	vst.idx.add.f32.msk vm7, v13  }
0x1b9: {  	v42 =	vimm.s32 $0x3;
	v6 =	vperm.xlane v38, v14;
	v40 =	vperm.xlane v38, v20;
	[tilespmem:v24+s9+$0x0] =	vst.idx.add.f32.msk vm5, v17  }
0x1ba: {  	v15 =	vimm.s32 $0x2;
	v17 =	vperm.xlane v5, v20;
	v20 =	vperm.xlane v5, v21;
	v21 =	vld [tilespmem:$0x1FC70]  }
0x1bb: {  	v51 =	vadd.s32 v3, v51;
	v63 =	vperm.xlane v5, v15;
	v39 =	vperm.xlane v5, v45  }
0x1bc: {  	v7 =	vadd.s32 v3, v7;
	v14 =	vperm.xlane v5, v14;
	v19 =	vperm.xlane v5, v19  }
0x1bd: {  	v43 =	vperm.xlane v38, v16;
	v16 =	vperm.xlane v5, v16;
	v24 =	vand.u32 v0, v4  }
0x1be: {  	v33 =	vperm.xlane v5, v32;
	v31 =	vperm.xlane v5, v42;
	vm6 =	vne.s32 v24, $0x0  }
0x1bf: {  	v27 =	vperm.xlane v5, v57;
	v13 =	vperm.xlane v5, v44;
	[tilespmem:v18+s9+$0x0] =	vst.idx.add.f32.msk vm5, v21  }
0x1c0: {  	v18 =	vadd.s32 v3, v53;
	v53 =	vperm.xlane v5, v23;
	v5 =	vperm.xlane v5, v22;
	v22 =	vld [tilespmem:$0x1F610];
	_ =	sdelay $0x2  }
0x1c1: {  	v4 =	vld [tilespmem:s17+$0x20]  }
0x1c2: {  	[tilespmem:v51+s9+$0x0] =	vst.idx.add.f32.msk vm6, v52  }
0x1c3: {  	[tilespmem:v7+s9+$0x0] =	vst.idx.add.f32.msk vm6, v22  }
0x1c4: {  	v48 =	vadd.s32 v3, v48;
	v22 =	vld [tilespmem:$0x1F620];
	_ =	sdelay $0x1  }
0x1c5: {  	v24 =	vperm.xlane v2, v32;
	_ =	sdelay $0x1  }
0x1c6: {  	v24 =	vand.u32 v0, v24  }
0x1c7: {  	vm7 =	vne.s32 v24, $0x0;
	[tilespmem:v48+s9+$0x0] =	vst.idx.add.f32.msk vm6, v22  }
0x1c8: {  	v22 =	vld [tilespmem:$0x1F630];
	_ =	sdelay $0x4  }
0x1c9: {  	[tilespmem:v18+s9+$0x0] =	vst.idx.add.f32.msk vm7, v22  }
0x1ca: {  	v59 =	vadd.s32 v3, v59;
	v22 =	vld [tilespmem:$0x1F640]  }
0x1cb: {  	v24 =	vperm.xlane v2, v15;
	v52 =	vadd.s32 v3, v47;
	v51 =	vperm.xlane v4, v15;
	v15 =	vld [tilespmem:$0x1F650];
	_ =	sdelay $0x2  }
0x1cc: {  	v60 =	vperm.xlane v38, v57;
	v24 =	vand.u32 v0, v24  }
0x1cd: {  	v61 =	vperm.xlane v38, v44;
	vm8 =	vne.s32 v24, $0x0;
	[tilespmem:v59+s9+$0x0] =	vst.idx.add.f32.msk vm7, v22  }
0x1ce: {  	v7 =	vadd.s32 v3, v60;
	[tilespmem:v52+s9+$0x0] =	vst.idx.add.f32.msk vm7, v15  }
0x1cf: {  	v61 =	vadd.s32 v3, v61;
	v15 =	vld [tilespmem:$0x1F660];
	_ =	sdelay $0x3  }
0x1d0: {  	v62 =	vperm.xlane v38, v45;
	[tilespmem:v7+s9+$0x0] =	vst.idx.add.f32.msk vm8, v26  }
0x1d1: {  	[tilespmem:v61+s9+$0x0] =	vst.idx.add.f32.msk vm8, v15  }
0x1d2: {  	v18 =	vadd.s32 v3, v62;
	v15 =	vld [tilespmem:$0x1F670];
	_ =	sdelay $0x1  }
0x1d3: {  	v24 =	vperm.xlane v2, v42;
	_ =	sdelay $0x1  }
0x1d4: {  	v24 =	vand.u32 v0, v24  }
0x1d5: {  	vm6 =	vne.s32 v24, $0x0;
	[tilespmem:v18+s9+$0x0] =	vst.idx.add.f32.msk vm8, v15  }
0x1d6: {  	v22 =	vadd.s32 v3, v43;
	v15 =	vld [tilespmem:$0x1F680];
	_ =	sdelay $0x4  }
0x1d7: {  	v6 =	vadd.s32 v3, v6;
	[tilespmem:v22+s9+$0x0] =	vst.idx.add.f32.msk vm6, v15  }
0x1d8: {  	v48 =	vimm.s32 $0x4;
	v7 =	vadd.s32 v3, v40;
	v15 =	vld [tilespmem:$0x1F690]  }
0x1d9: {  	v24 =	vperm.xlane v2, v48;
	_ =	sdelay $0x1  }
0x1da: {  	v24 =	vand.u32 v0, v24  }
0x1db: {  	vm7 =	vne.s32 v24, $0x0;
	[tilespmem:v6+s9+$0x0] =	vst.idx.add.f32.msk vm6, v50  }
0x1dc: {  	v8 =	vadd.s32 v3, v8;
	[tilespmem:v7+s9+$0x0] =	vst.idx.add.f32.msk vm6, v15  }
0x1dd: {  	v9 =	vadd.s32 v3, v9;
	v15 =	vld [tilespmem:$0x1F6A0]  }
0x1de: {  	v52 =	vimm.s32 $0x5  }
0x1df: {  	v24 =	vperm.xlane v2, v52  }
0x1e0: {  	v10 =	vperm.xlane v38, v23  }
0x1e1: {  	v18 =	vand.u32 v0, v24;
	[tilespmem:v8+s9+$0x0] =	vst.idx.add.f32.msk vm7, v25  }
0x1e2: {  	v10 =	vadd.s32 v3, v10;
	vm8 =	vne.s32 v18, $0x0;
	[tilespmem:v9+s9+$0x0] =	vst.idx.add.f32.msk vm7, v15  }
0x1e3: {  	v6 =	vadd.s32 v3, v46;
	v15 =	vld [tilespmem:$0x1F6B0];
	_ =	sdelay $0x2  }
0x1e4: {  	v18 =	vperm.xlane v2, v57  }
0x1e5: {  	[tilespmem:v10+s9+$0x0] =	vst.idx.add.f32.msk vm7, v28  }
0x1e6: {  	v7 =	vadd.s32 v3, v11;
	v11 =	vand.u32 v0, v18;
	[tilespmem:v6+s9+$0x0] =	vst.idx.add.f32.msk vm8, v15  }
0x1e7: {  	v8 =	vadd.s32 v3, v33;
	vm6 =	vne.s32 v11, $0x0;
	v15 =	vld [tilespmem:$0x1F6C0]  }
0x1e8: {  	v9 =	vadd.s32 v3, v63;
	_ =	sdelay $0x2  }
0x1e9: {  	v24 =	vimm.s32 $0x7;
	[tilespmem:v7+s9+$0x0] =	vst.idx.add.f32.msk vm8, v30  }
0x1ea: {  	v11 =	vperm.xlane v2, v24;
	[tilespmem:v8+s9+$0x0] =	vst.idx.add.f32.msk vm8, v15  }
0x1eb: {  	[tilespmem:v9+s9+$0x0] =	vst.idx.add.f32.msk vm6, v34  }
0x1ec: {  	v11 =	vand.u32 v0, v11;
	v10 =	vadd.s32 v3, v31;
	v9 =	vadd.s32 v3, v13;
	v13 =	vld [tilespmem:$0x1F6D0]  }
0x1ed: {  	vm7 =	vne.s32 v11, $0x0;
	v6 =	vadd.s32 v3, v12  }
0x1ee: {  	v7 =	vadd.s32 v3, v29;
	v15 =	vld [tilespmem:$0x1F6E0];
	_ =	sdelay $0x2  }
0x1ef: {  	[tilespmem:v10+s9+$0x0] =	vst.idx.add.f32.msk vm6, v13  }
0x1f0: {  	[tilespmem:v6+s9+$0x0] =	vst.idx.add.f32.msk vm6, v36  }
0x1f1: {  	v8 =	vadd.s32 v3, v27;
	[tilespmem:v7+s9+$0x0] =	vst.idx.add.f32.msk vm7, v15  }
0x1f2: {  	v15 =	vld [tilespmem:$0x1F6F0]  }
0x1f3: {  	v25 =	vimm.s32 $0x8  }
0x1f4: {  	v11 =	vperm.xlane v2, v25;
	_ =	sdelay $0x1  }
0x1f5: {  	v11 =	vand.u32 v0, v11;
	[tilespmem:v8+s9+$0x0] =	vst.idx.add.f32.msk vm7, v37  }
0x1f6: {  	vm8 =	vne.s32 v11, $0x0;
	[tilespmem:v9+s9+$0x0] =	vst.idx.add.f32.msk vm7, v15  }
0x1f7: {  	v10 =	vadd.s32 v3, v39;
	v15 =	vld [tilespmem:$0x1F700];
	_ =	sdelay $0x2  }
0x1f8: {  	v23 =	vimm.s32 $0x9  }
0x1f9: {  	v11 =	vperm.xlane v2, v23  }
0x1fa: {  	[tilespmem:v10+s9+$0x0] =	vst.idx.add.f32.msk vm8, v15  }
0x1fb: {  	v11 =	vand.u32 v0, v11;
	v13 =	vperm.xlane v4, v24;
	v6 =	vadd.s32 v3, v16;
	v15 =	vld [tilespmem:$0x1F710]  }
0x1fc: {  	v24 =	vimm.s32 $0xA;
	v7 =	vadd.s32 v3, v14;
	v8 =	vadd.s32 v3, v17;
	v17 =	vld [tilespmem:$0x1F720]  }
0x1fd: {  	vm9 =	vne.s32 v11, $0x0;
	v11 =	vperm.xlane v2, v24;
	_ =	sdelay $0x1  }
0x1fe: {  	v16 =	vimm.s32 $0xB;
	v11 =	vand.u32 v0, v11  }
0x1ff: {  	vm10 =	vne.s32 v11, $0x0;
	v11 =	vperm.xlane v2, v16;
	[tilespmem:v6+s9+$0x0] =	vst.idx.add.f32.msk vm8, v15  }
0x200: {  	[tilespmem:v7+s9+$0x0] =	vst.idx.add.f32.msk vm8, v17  }
0x201: {  	v7 =	vand.u32 v0, v11;
	v11 =	vld [tilespmem:$0x1F730];
	_ =	sdelay $0x4  }
0x202: {  	[tilespmem:v8+s9+$0x0] =	vst.idx.add.f32.msk vm9, v11  }
0x203: {  	v9 =	vadd.s32 v3, v19;
	v11 =	vld [tilespmem:$0x1F740]  }
0x204: {  	v10 =	vadd.s32 v3, v20;
	v17 =	vld [tilespmem:$0x1F750];
	_ =	sdelay $0x3  }
0x205: {  	[tilespmem:v9+s9+$0x0] =	vst.idx.add.f32.msk vm9, v11  }
0x206: {  	[tilespmem:v10+s9+$0x0] =	vst.idx.add.f32.msk vm9, v17  }
0x207: {  	v6 =	vadd.s32 v3, v53;
	v17 =	vld [tilespmem:$0x1F760]  }
0x208: {  	v5 =	vadd.s32 v3, v5;
	v20 =	vld [tilespmem:$0x1F770];
	_ =	sdelay $0x2  }
0x209: {  	v38 =	vimm.s32 $0x0  }
0x20a: {  	v21 =	vperm.xlane v4, v38;
	[tilespmem:v6+s9+$0x0] =	vst.idx.add.f32.msk vm10, v17  }
0x20b: {  	[tilespmem:v5+s9+$0x0] =	vst.idx.add.f32.msk vm10, v20  }
0x20c: {  	v8 =	vadd.s32 v3, v21;
	v20 =	vld [tilespmem:$0x1F780];
	_ =	sdelay $0x3  }
0x20d: {  	v60 =	vperm.xlane v4, v32;
	v18 =	vperm.xlane v4, v52  }
0x20e: {  	vm6 =	vne.s32 v7, $0x0;
	[tilespmem:v8+s9+$0x0] =	vst.idx.add.f32.msk vm10, v20  }
0x20f: {  	v9 =	vadd.s32 v3, v60;
	v8 =	vadd.s32 v3, v18;
	v18 =	vld [tilespmem:$0x1F790];
	_ =	sdelay $0x3  }
0x210: {  	v12 =	vperm.xlane v4, v57  }
0x211: {  	[tilespmem:v9+s9+$0x0] =	vst.idx.add.f32.msk vm6, v18  }
0x212: {  	v10 =	vadd.s32 v3, v51;
	v9 =	vadd.s32 v3, v12;
	v12 =	vld [tilespmem:$0x1F7A0];
	_ =	sdelay $0x1  }
0x213: {  	v19 =	vimm.s32 $0xC  }
0x214: {  	v7 =	vperm.xlane v2, v19  }
0x215: {  	v26 =	vperm.xlane v4, v42  }
0x216: {  	v7 =	vand.u32 v0, v7;
	[tilespmem:v10+s9+$0x0] =	vst.idx.add.f32.msk vm6, v12  }
0x217: {  	v6 =	vadd.s32 v3, v26;
	v17 =	vimm.s32 $0xD;
	v10 =	vadd.s32 v3, v13;
	v13 =	vld [tilespmem:$0x1F7B0]  }
0x218: {  	vm7 =	vne.s32 v7, $0x0;
	v7 =	vperm.xlane v2, v17;
	_ =	sdelay $0x1  }
0x219: {  	v7 =	vand.u32 v0, v7;
	v18 =	vimm.s32 $0xE  }
0x21a: {  	v22 =	vperm.xlane v4, v48;
	vm8 =	vne.s32 v7, $0x0;
	v7 =	vperm.xlane v2, v18  }
0x21b: {  	[tilespmem:v6+s9+$0x0] =	vst.idx.add.f32.msk vm6, v13  }
0x21c: {  	v5 =	vadd.s32 v3, v22;
	v7 =	vand.u32 v0, v7;
	v13 =	vld [tilespmem:$0x1F7C0]  }
0x21d: {  	vm6 =	vne.s32 v7, $0x0;
	v7 =	vld [tilespmem:$0x1F7D0];
	_ =	sdelay $0x3  }
0x21e: {  	v11 =	vperm.xlane v4, v24;
	[tilespmem:v5+s9+$0x0] =	vst.idx.add.f32.msk vm7, v13  }
0x21f: {  	[tilespmem:v8+s9+$0x0] =	vst.idx.add.f32.msk vm7, v7  }
0x220: {  	v7 =	vadd.s32 v3, v11;
	v11 =	vld [tilespmem:$0x1F7E0];
	_ =	sdelay $0x4  }
0x221: {  	[tilespmem:v9+s9+$0x0] =	vst.idx.add.f32.msk vm7, v11  }
0x222: {  	v11 =	vld [tilespmem:$0x1F7F0];
	_ =	sdelay $0x3  }
0x223: {  	v14 =	vperm.xlane v4, v25  }
0x224: {  	[tilespmem:v10+s9+$0x0] =	vst.idx.add.f32.msk vm8, v11  }
0x225: {  	v6 =	vadd.s32 v3, v14;
	v11 =	vld [tilespmem:$0x1F800];
	_ =	sdelay $0x3  }
0x226: {  	v15 =	vperm.xlane v4, v23;
	v8 =	vperm.xlane v4, v17  }
0x227: {  	[tilespmem:v6+s9+$0x0] =	vst.idx.add.f32.msk vm8, v11  }
0x228: {  	v5 =	vadd.s32 v3, v15;
	v6 =	vadd.s32 v3, v8;
	v8 =	vld [tilespmem:$0x1F810]  }
0x229: {  	v38 =	vimm.s32 $0x8;
	v40 =	vimm.s32 $0x9;
	v61 =	vimm.s32 $0xC  }
0x22a: {  	v50 =	vimm.s32 $0xE;
	v31 =	vimm.s32 $0xD;
	v29 =	vimm.s32 $0xF  }
0x22b: {  	v16 =	vperm.xlane v4, v16;
	v21 =	vperm.xlane v1, v31;
	v13 =	vimm.s32 $0xF  }
0x22c: {  	v33 =	vimm.s32 $0xB;
	v24 =	vperm.xlane v1, v29;
	v2 =	vperm.xlane v2, v13  }
0x22d: {  	v39 =	vimm.s32 $0xA;
	v22 =	vperm.xlane v1, v50;
	v12 =	vperm.xlane v4, v19;
	[tilespmem:v5+s9+$0x0] =	vst.idx.add.f32.msk vm8, v8  }
0x22e: {  	v19 =	vperm.xlane v1, v61;
	v14 =	vperm.xlane v1, v38;
	v2 =	vand.u32 v0, v2;
	v8 =	vld [tilespmem:$0x1F820]  }
0x22f: {  	v17 =	vperm.xlane v1, v39;
	v9 =	vadd.s32 v3, v16;
	vm7 =	vne.s32 v2, $0x0  }
0x230: {  	v2 =	vperm.xlane v4, v18;
	v4 =	vperm.xlane v4, v13;
	v10 =	vadd.s32 v3, v12  }
0x231: {  	v47 =	vimm.s32 $0x7;
	v16 =	vperm.xlane v1, v40;
	v18 =	vperm.xlane v1, v33  }
0x232: {  	v2 =	vadd.s32 v3, v2;
	v4 =	vadd.s32 v3, v4;
	v5 =	vperm.xlane v58, v33  }
0x233: {  	v28 =	vimm.s32 $0x4;
	v12 =	vperm.xlane v1, v57;
	[tilespmem:v7+s9+$0x0] =	vst.idx.add.f32.msk vm6, v8;
	v7 =	vperm.xlane v58, v61  }
0x234: {  	v23 =	vimm.s32 $0x0;
	v11 =	vperm.xlane v1, v28;
	[tilespmem:v9+s9+$0x0] =	vst.idx.add.f32.msk vm6, v5;
	v5 =	vperm.xlane v58, v31  }
0x235: {  	v27 =	vimm.s32 $0x2;
	v8 =	vperm.xlane v1, v23;
	[tilespmem:v10+s9+$0x0] =	vst.idx.add.f32.msk vm6, v7;
	v7 =	vperm.xlane v58, v50  }
0x236: {  	v25 =	vimm.s32 $0x3;
	v9 =	vperm.xlane v1, v32;
	[tilespmem:v6+s9+$0x0] =	vst.idx.add.f32.msk vm7, v5;
	v5 =	vperm.xlane v58, v29  }
0x237: {  	v30 =	vimm.s32 $0x5;
	v10 =	vperm.xlane v1, v27;
	v6 =	vperm.xlane v1, v25;
	[tilespmem:v2+s9+$0x0] =	vst.idx.add.f32.msk vm7, v7  }
0x238: {  	v2 =	vperm.xlane v1, v30;
	[tilespmem:v4+s9+$0x0] =	vst.idx.add.f32.msk vm7, v5;
	v4 =	vperm.xlane v1, v47;
	v1 =	vimm.s32 $0x1  }
0x239: {  	v26 =	vperm.xlane v56, v1;
	v1 =	vperm.xlane v55, v1  }
0x23a: {  	v5 =	vimm.s32 $0x2  }
0x23b: {  	[tilespmem:$0x1F890] =	vst v1;
	v1 =	vperm.xlane v55, v5  }
0x23c: {  	v13 =	vand.u32 v0, v8;
	v8 =	vimm.s32 $0x3  }
0x23d: {  	[tilespmem:$0x1F8A0] =	vst v1;
	v1 =	vperm.xlane v55, v8  }
0x23e: {  	v44 =	vand.u32 v0, v2;
	v2 =	vimm.s32 $0x4  }
0x23f: {  	[tilespmem:$0x1F8B0] =	vst v1;
	v1 =	vperm.xlane v55, v2  }
0x240: {  	v60 =	vimm.s32 $0x5  }
0x241: {  	[tilespmem:$0x1F8C0] =	vst v1;
	v1 =	vperm.xlane v55, v60;
	_ =	sdelay $0x1  }
0x242: {  	v7 =	vimm.s32 $0x0;
	[tilespmem:$0x1F8D0] =	vst v1;
	v1 =	vperm.xlane v55, v57  }
0x243: {  	v45 =	vand.u32 v0, v4;
	v4 =	vperm.xlane v55, v7  }
0x244: {  	[tilespmem:$0x1F8E0] =	vst v1;
	v1 =	vperm.xlane v55, v47  }
0x245: {  	[tilespmem:$0x1F880] =	vst v4;
	v4 =	vld [tilespmem:$0x1FE90]  }
0x246: {  	[tilespmem:$0x1F8F0] =	vst v1;
	v1 =	vperm.xlane v55, v38;
	_ =	sdelay $0x1  }
0x247: {  	[tilespmem:$0x1F900] =	vst v1;
	v1 =	vld [tilespmem:$0x1FCA0];
	_ =	sdelay $0x4  }
0x248: {  	[tilespmem:v4+s9+$0x0] =	vst.idx.add.f32.msk vm5, v1;
	v1 =	vperm.xlane v55, v40  }
0x249: {  	v4 =	vld [tilespmem:$0x1FEB0]  }
0x24a: {  	[tilespmem:$0x1F910] =	vst v1;
	v1 =	vperm.xlane v55, v39;
	_ =	sdelay $0x1  }
0x24b: {  	[tilespmem:$0x1F920] =	vst v1;
	v1 =	vld [tilespmem:$0x1FCB0];
	_ =	sdelay $0x4  }
0x24c: {  	[tilespmem:v4+s9+$0x0] =	vst.idx.add.f32.msk vm4, v1;
	v1 =	vperm.xlane v55, v33  }
0x24d: {  	v4 =	vld [tilespmem:$0x1FED0]  }
0x24e: {  	[tilespmem:$0x1F930] =	vst v1;
	v1 =	vperm.xlane v55, v61;
	_ =	sdelay $0x1  }
0x24f: {  	[tilespmem:$0x1F940] =	vst v1;
	v1 =	vld [tilespmem:$0x1FCC0];
	_ =	sdelay $0x4  }
0x250: {  	[tilespmem:v4+s9+$0x0] =	vst.idx.add.f32.msk vm4, v1  }
0x251: {  	v4 =	vld [tilespmem:$0x1FEF0]  }
0x252: {  	v1 =	vperm.xlane v55, v50;
	_ =	sdelay $0x1  }
0x253: {  	[tilespmem:$0x1F950] =	vst v1;
	v1 =	vld [tilespmem:$0x1FCE0];
	_ =	sdelay $0x4  }
0x254: {  	[tilespmem:v4+s9+$0x0] =	vst.idx.add.f32.msk vm4, v1;
	v1 =	vperm.xlane v55, v29  }
0x255: {  	v4 =	vld [tilespmem:$0x1FF10]  }
0x256: {  	[tilespmem:$0x1F960] =	vst v1;
	v1 =	vperm.xlane v54, v7;
	_ =	sdelay $0x1  }
0x257: {  	[tilespmem:$0x1F970] =	vst v1;
	v1 =	vld [tilespmem:$0x1FCF0];
	_ =	sdelay $0x3  }
0x258: {  	v59 =	vand.u32 v0, v18;
	v18 =	vimm.s32 $0x1  }
0x259: {  	[tilespmem:v4+s9+$0x0] =	vst.idx.add.f32.msk vm3, v1;
	v1 =	vperm.xlane v54, v18  }
0x25a: {  	v4 =	vld [tilespmem:$0x1FF30]  }
0x25b: {  	[tilespmem:$0x1F980] =	vst v1;
	v1 =	vperm.xlane v54, v5;
	_ =	sdelay $0x1  }
0x25c: {  	[tilespmem:$0x1F990] =	vst v1;
	v1 =	vld [tilespmem:$0x1FD10];
	_ =	sdelay $0x4  }
0x25d: {  	[tilespmem:v4+s9+$0x0] =	vst.idx.add.f32.msk vm3, v1;
	v1 =	vperm.xlane v54, v8  }
0x25e: {  	v4 =	vld [tilespmem:$0x1FF50]  }
0x25f: {  	[tilespmem:$0x1F9A0] =	vst v1;
	v1 =	vperm.xlane v54, v2;
	_ =	sdelay $0x1  }
0x260: {  	[tilespmem:$0x1F9B0] =	vst v1;
	v1 =	vld [tilespmem:$0x1FD20];
	_ =	sdelay $0x4  }
0x261: {  	[tilespmem:v4+s9+$0x0] =	vst.idx.add.f32.msk vm3, v1;
	v1 =	vperm.xlane v54, v60  }
0x262: {  	v4 =	vld [tilespmem:$0x1FF70]  }
0x263: {  	[tilespmem:$0x1F9C0] =	vst v1;
	v1 =	vperm.xlane v54, v57;
	_ =	sdelay $0x1  }
0x264: {  	[tilespmem:$0x1F9D0] =	vst v1;
	v1 =	vld [tilespmem:$0x1FD40];
	_ =	sdelay $0x4  }
0x265: {  	[tilespmem:v4+s9+$0x0] =	vst.idx.add.f32.msk vm2, v1;
	v1 =	vperm.xlane v54, v47  }
0x266: {  	v4 =	vld [tilespmem:$0x1FF90]  }
0x267: {  	[tilespmem:$0x1F9E0] =	vst v1;
	v1 =	vperm.xlane v54, v38;
	_ =	sdelay $0x1  }
0x268: {  	[tilespmem:$0x1F9F0] =	vst v1;
	v1 =	vld [tilespmem:$0x1FD50];
	_ =	sdelay $0x4  }
0x269: {  	[tilespmem:v4+s9+$0x0] =	vst.idx.add.f32.msk vm2, v1;
	v1 =	vperm.xlane v54, v40  }
0x26a: {  	v4 =	vld [tilespmem:$0x1F830]  }
0x26b: {  	[tilespmem:$0x1FA00] =	vst v1;
	v1 =	vperm.xlane v54, v39;
	_ =	sdelay $0x1  }
0x26c: {  	[tilespmem:$0x1FA10] =	vst v1;
	v1 =	vld [tilespmem:$0x1FD70];
	_ =	sdelay $0x4  }
0x26d: {  	[tilespmem:v4+s9+$0x0] =	vst.idx.add.f32.msk vm2, v1;
	v1 =	vperm.xlane v54, v33  }
0x26e: {  	v20 =	vand.u32 v0, v6;
	v6 =	vld [tilespmem:$0x1FFC0]  }
0x26f: {  	[tilespmem:$0x1FA20] =	vst v1;
	v1 =	vperm.xlane v54, v61;
	_ =	sdelay $0x1  }
0x270: {  	[tilespmem:$0x1FA30] =	vst v1;
	v1 =	vld [tilespmem:$0x1FD80];
	_ =	sdelay $0x4  }
0x271: {  	[tilespmem:v6+s9+$0x0] =	vst.idx.add.f32.msk vm1, v1;
	v1 =	vperm.xlane v54, v31  }
0x272: {  	v6 =	vld [tilespmem:$0x1FFD0]  }
0x273: {  	[tilespmem:$0x1FA40] =	vst v1;
	v1 =	vperm.xlane v54, v50;
	_ =	sdelay $0x1  }
0x274: {  	[tilespmem:$0x1FA50] =	vst v1;
	v1 =	vld [tilespmem:$0x1FDA0];
	_ =	sdelay $0x4  }
0x275: {  	[tilespmem:v6+s9+$0x0] =	vst.idx.add.f32.msk vm1, v1  }
0x276: {  	v6 =	vld [tilespmem:$0x1FFE0]  }
0x277: {  	v1 =	vperm.xlane v54, v29;
	_ =	sdelay $0x1  }
0x278: {  	[tilespmem:$0x1FA60] =	vst v1;
	v1 =	vld [tilespmem:$0x1FDB0];
	_ =	sdelay $0x4  }
0x279: {  	[tilespmem:v6+s9+$0x0] =	vst.idx.add.f32.msk vm1, v1  }
0x27a: {  	v6 =	vld [tilespmem:$0x1FFF0];
	_ =	sdelay $0x2  }
0x27b: {  	v1 =	vld [tilespmem:$0x1FDD0];
	_ =	sdelay $0x4  }
0x27c: {  	[tilespmem:v6+s9+$0x0] =	vst.idx.add.f32.msk vm0, v1  }
0x27d: {  	v1 =	vld [tilespmem:$0x1F840];
	_ =	sdelay $0x2  }
0x27e: {  	v6 =	vld [tilespmem:$0x1F850];
	_ =	sdelay $0x4  }
0x27f: {  	[tilespmem:v1+s9+$0x0] =	vst.idx.add.f32.msk vm0, v6  }
0x280: {  	v6 =	vld [tilespmem:$0x1F870];
	_ =	sdelay $0x2  }
0x281: {  	v1 =	vld [tilespmem:$0x1F860];
	_ =	sdelay $0x2  }
0x282: {  	v27 =	vperm.xlane v56, v27;
	_ =	sdelay $0x1  }
0x283: {  	[tilespmem:v6+s9+$0x0] =	vst.idx.add.f32.msk vm0, v1;
	v1 =	vadd.s32 v3, v27;
	v27 =	vperm.xlane v41, v33;
	_ =	sdelay $0x1  }
0x284: {  	[tilespmem:$0x1FC20] =	vst v27;
	v27 =	vperm.xlane v41, v61;
	_ =	sdelay $0x1  }
0x285: {  	[tilespmem:$0x1FC30] =	vst v27;
	v27 =	vperm.xlane v41, v31;
	_ =	sdelay $0x1  }
0x286: {  	[tilespmem:$0x1FC40] =	vst v27;
	v27 =	vperm.xlane v41, v50;
	_ =	sdelay $0x1  }
0x287: {  	[tilespmem:$0x1FC60] =	vst v27;
	v27 =	vperm.xlane v41, v29;
	_ =	sdelay $0x1  }
0x288: {  	[tilespmem:$0x1FC70] =	vst v27;
	v27 =	vperm.xlane v35, v7;
	_ =	sdelay $0x1  }
0x289: {  	[tilespmem:$0x1FCA0] =	vst v27;
	v27 =	vperm.xlane v35, v18;
	_ =	sdelay $0x1  }
0x28a: {  	[tilespmem:$0x1FCB0] =	vst v27;
	v27 =	vperm.xlane v35, v5  }
0x28b: {  	v63 =	vand.u32 v0, v24;
	v22 =	vand.u32 v0, v22;
	v53 =	vperm.xlane v41, v5  }
0x28c: {  	vm4 =	vne.s32 v59, $0x0;
	v59 =	vperm.xlane v49, v5;
	v5 =	vld [tilespmem:$0x1F880];
	[tilespmem:$0x1FCC0] =	vst v27;
	v27 =	vperm.xlane v35, v8  }
0x28d: {  	v23 =	vperm.xlane v56, v23;
	v32 =	vperm.xlane v56, v38;
	vm8 =	vne.s32 v45, $0x0  }
0x28e: {  	v45 =	vperm.xlane v49, v2;
	v52 =	vadd.s32 v3, v26;
	[tilespmem:$0x1FCE0] =	vst v27;
	v27 =	vperm.xlane v35, v2  }
0x28f: {  	v26 =	vadd.s32 v3, v32;
	v32 =	vperm.xlane v41, v40;
	vm1 =	vne.s32 v22, $0x0  }
0x290: {  	v22 =	vperm.xlane v41, v2;
	vm0 =	vne.s32 v63, $0x0;
	[tilespmem:$0x1FCF0] =	vst v27;
	v27 =	vperm.xlane v35, v60  }
0x291: {  	v63 =	vadd.s32 v3, v23;
	v23 =	vperm.xlane v41, v57;
	v2 =	vmovc v32;
	v32 =	vadd.s32 v3, v5;
	v5 =	vld [tilespmem:$0x1F890]  }
0x292: {  	[tilespmem:$0x1FD10] =	vst v27;
	v27 =	vperm.xlane v35, v57  }
0x293: {  	[tilespmem:$0x1FBB0] =	vst v23;
	v23 =	vperm.xlane v41, v47  }
0x294: {  	v16 =	vand.u32 v0, v16;
	[tilespmem:$0x1FD20] =	vst v27;
	v27 =	vperm.xlane v35, v47  }
0x295: {  	vm7 =	vne.s32 v16, $0x0;
	v16 =	vperm.xlane v49, v38;
	[tilespmem:$0x1FBD0] =	vst v23  }
0x296: {  	v23 =	vperm.xlane v41, v38;
	[tilespmem:$0x1FD40] =	vst v27;
	v27 =	vperm.xlane v35, v38;
	v38 =	vadd.s32 v3, v5;
	v5 =	vld [tilespmem:$0x1F8A0];
	_ =	sdelay $0x1  }
0x297: {  	v12 =	vand.u32 v0, v12;
	v58 =	vperm.xlane v56, v25;
	v25 =	vperm.xlane v56, v30  }
0x298: {  	v36 =	vperm.xlane v56, v39;
	vm9 =	vne.s32 v12, $0x0;
	[tilespmem:$0x1FD50] =	vst v27;
	v27 =	vperm.xlane v35, v40  }
0x299: {  	v12 =	vperm.xlane v49, v39;
	vm12 =	vne.s32 v20, $0x0;
	v20 =	vadd.s32 v3, v25  }
0x29a: {  	v25 =	vperm.xlane v41, v39;
	[tilespmem:$0x1FD70] =	vst v27;
	v27 =	vperm.xlane v35, v39;
	v39 =	vadd.s32 v3, v5;
	v5 =	vld [tilespmem:$0x1F8B0];
	_ =	sdelay $0x2  }
0x29b: {  	v42 =	vperm.xlane v56, v61;
	v30 =	vperm.xlane v56, v47;
	_ =	sdelay $0x1  }
0x29c: {  	[tilespmem:$0x1FBA0] =	vst v22;
	v22 =	vadd.s32 v3, v30;
	v30 =	vadd.s32 v3, v42;
	v42 =	vadd.s32 v3, v5;
	v5 =	vld [tilespmem:$0x1F8C0];
	_ =	sdelay $0x1  }
0x29d: {  	v62 =	vperm.xlane v56, v28;
	v28 =	vperm.xlane v56, v57  }
0x29e: {  	v37 =	vperm.xlane v56, v33;
	v21 =	vand.u32 v0, v21;
	v51 =	vperm.xlane v56, v29  }
0x29f: {  	vm2 =	vne.s32 v21, $0x0;
	v21 =	vadd.s32 v3, v28  }
0x2a0: {  	v28 =	vadd.s32 v3, v37;
	v37 =	vadd.s32 v3, v51;
	v51 =	vadd.s32 v3, v5;
	v5 =	vld [tilespmem:$0x1F8D0];
	_ =	sdelay $0x2  }
0x2a1: {  	v48 =	vperm.xlane v56, v50;
	_ =	sdelay $0x1  }
0x2a2: {  	[tilespmem:$0x1FC10] =	vst v25;
	v25 =	vadd.s32 v3, v36;
	v36 =	vadd.s32 v3, v48;
	v48 =	vadd.s32 v3, v5;
	v5 =	vld [tilespmem:$0x1F8E0];
	_ =	sdelay $0x3  }
0x2a3: {  	v43 =	vperm.xlane v56, v31;
	v34 =	vperm.xlane v56, v40  }
0x2a4: {  	v56 =	vperm.xlane v41, v8;
	v4 =	vperm.xlane v49, v8;
	v8 =	vmovc v53;
	v53 =	vadd.s32 v3, v5;
	v5 =	vld [tilespmem:$0x1F8F0];
	_ =	sdelay $0x3  }
0x2a5: {  	v17 =	vand.u32 v0, v17  }
0x2a6: {  	vm5 =	vne.s32 v17, $0x0;
	v17 =	vperm.xlane v49, v47;
	v47 =	vadd.s32 v3, v5;
	v5 =	vld [tilespmem:$0x1F900];
	_ =	sdelay $0x4  }
0x2a7: {  	[tilespmem:$0x1FBF0] =	vst v23;
	v23 =	vadd.s32 v3, v34;
	v34 =	vadd.s32 v3, v43;
	v43 =	vadd.s32 v3, v5;
	v5 =	vld [tilespmem:$0x1F910];
	_ =	sdelay $0x3  }
0x2a8: {  	v14 =	vand.u32 v0, v14  }
0x2a9: {  	vm6 =	vne.s32 v14, $0x0;
	v14 =	vperm.xlane v49, v40;
	v40 =	vadd.s32 v3, v5;
	v5 =	vld [tilespmem:$0x1F920];
	_ =	sdelay $0x3  }
0x2aa: {  	vm15 =	vne.s32 v13, $0x0  }
0x2ab: {  	v13 =	vperm.xlane v49, v33;
	[tilespmem:$0x1FD80] =	vst v27;
	v27 =	vperm.xlane v35, v33;
	v33 =	vadd.s32 v3, v5;
	v5 =	vld [tilespmem:$0x1F930]  }
0x2ac: {  	v24 =	vperm.xlane v55, v31;
	v11 =	vand.u32 v0, v11  }
0x2ad: {  	v19 =	vand.u32 v0, v19;
	vm11 =	vne.s32 v11, $0x0;
	v11 =	vperm.xlane v49, v61  }
0x2ae: {  	v15 =	vand.u32 v0, v9;
	v10 =	vand.u32 v0, v10;
	[tilespmem:$0x1FDA0] =	vst v27;
	v27 =	vperm.xlane v35, v61  }
0x2af: {  	vm14 =	vne.s32 v15, $0x0;
	v15 =	vperm.xlane v49, v57;
	vm13 =	vne.s32 v10, $0x0  }
0x2b0: {  	v10 =	vperm.xlane v49, v31;
	[tilespmem:$0x1FDB0] =	vst v27;
	v27 =	vperm.xlane v35, v31;
	v31 =	vadd.s32 v3, v5;
	v5 =	vld [tilespmem:$0x1F940]  }
0x2b1: {  	v46 =	vperm.xlane v49, v7;
	vm10 =	vne.s32 v44, $0x0;
	v44 =	vperm.xlane v49, v18  }
0x2b2: {  	v55 =	vperm.xlane v49, v29;
	vm3 =	vne.s32 v19, $0x0;
	v19 =	vperm.xlane v49, v60  }
0x2b3: {  	v54 =	vadd.s32 v3, v58;
	v58 =	vperm.xlane v49, v50;
	v49 =	vperm.xlane v41, v60  }
0x2b4: {  	v6 =	vadd.s32 v3, v62  }
0x2b5: {  	v62 =	vperm.xlane v41, v7;
	v7 =	vmovc v49;
	v49 =	vperm.xlane v35, v29;
	v29 =	vadd.s32 v3, v5;
	v5 =	vld [tilespmem:$0x1F950];
	_ =	sdelay $0x4  }
0x2b6: {  	[tilespmem:$0x1FDD0] =	vst v27;
	v27 =	vadd.s32 v3, v24;
	v24 =	vadd.s32 v3, v5;
	v5 =	vld [tilespmem:$0x1F960];
	_ =	sdelay $0x4  }
0x2b7: {  	v9 =	vperm.xlane v41, v18;
	v18 =	vadd.s32 v3, v5;
	v5 =	vld [tilespmem:$0x1F970];
	_ =	sdelay $0x4  }
0x2b8: {  	v60 =	vadd.s32 v3, v5;
	v5 =	vld [tilespmem:$0x1F980];
	_ =	sdelay $0x4  }
0x2b9: {  	v61 =	vadd.s32 v3, v5;
	v5 =	vld [tilespmem:$0x1F990];
	_ =	sdelay $0x4  }
0x2ba: {  	v41 =	vadd.s32 v3, v5;
	v5 =	vld [tilespmem:$0x1F9A0];
	_ =	sdelay $0x4  }
0x2bb: {  	v57 =	vperm.xlane v35, v50;
	v50 =	vadd.s32 v3, v5;
	v5 =	vld [tilespmem:$0x1F9B0];
	_ =	sdelay $0x4  }
0x2bc: {  	[tilespmem:$0x1FE90] =	vst v60;
	v60 =	vadd.s32 v3, v5;
	v5 =	vld [tilespmem:$0x1F9C0];
	_ =	sdelay $0x4  }
0x2bd: {  	[tilespmem:$0x1FEB0] =	vst v61;
	v61 =	vadd.s32 v3, v5;
	v5 =	vld [tilespmem:$0x1F9D0];
	_ =	sdelay $0x4  }
0x2be: {  	[tilespmem:$0x1FED0] =	vst v41;
	v41 =	vadd.s32 v3, v5;
	v5 =	vld [tilespmem:$0x1F9E0]  }
0x2bf: {  	[tilespmem:v63+s9+$0x0] =	vst.idx.add.f32.msk vm15, v46  }
0x2c0: {  	v63 =	vld [tilespmem:$0x1FA60]  }
0x2c1: {  	[tilespmem:v52+s9+$0x0] =	vst.idx.add.f32.msk vm15, v44  }
0x2c2: {  	[tilespmem:$0x1FF30] =	vst v61;
	v61 =	vld [tilespmem:$0x1FA10]  }
0x2c3: {  	[tilespmem:$0x1FEF0] =	vst v50;
	v50 =	vadd.s32 v3, v5;
	v5 =	vld [tilespmem:$0x1F9F0]  }
0x2c4: {  	[tilespmem:v1+s9+$0x0] =	vst.idx.add.f32.msk vm15, v59  }
0x2c5: {  	[tilespmem:v54+s9+$0x0] =	vst.idx.add.f32.msk vm14, v4  }
0x2c6: {  	[tilespmem:$0x1FF50] =	vst v41;
	v41 =	vld [tilespmem:$0x1FA20]  }
0x2c7: {  	[tilespmem:$0x1FF10] =	vst v60;
	v35 =	vadd.s32 v3, v61;
	v61 =	vld [tilespmem:$0x1FA50]  }
0x2c8: {  	[tilespmem:$0x1FF70] =	vst v50;
	v50 =	vld [tilespmem:$0x1FA30];
	v60 =	vadd.s32 v3, v5  }
0x2c9: {  	s19 =	sadd.s32 $0x2, s19;
	[tilespmem:$0x1FF90] =	vst v60;
	v60 =	vld [tilespmem:$0x1FA40]  }
0x2ca: {  	p0 =	slt.u32 s19, $0x1E;
	v5 =	vld [tilespmem:$0x1FA00]  }
.Ltmp1:
0x2cb: {  	[tilespmem:v6+s9+$0x0] =	vst.idx.add.f32.msk vm14, v45;
	(pc) =	sbr.rel @p0 .LBB2_5-.Ltmp1, $4  }
0x2cc: {  	[tilespmem:$0x1FFC0] =	vst v35;
	v35 =	vadd.s32 v3, v41  }
0x2cd: {  	[tilespmem:$0x1FFD0] =	vst v35;
	v35 =	vadd.s32 v3, v50  }
0x2ce: {  	[tilespmem:$0x1FFE0] =	vst v35;
	v35 =	vadd.s32 v3, v60  }
0x2cf: {  	s20 =	sadd.s32 $0x60, s20;
	v41 =	vadd.s32 v3, v61;
	v5 =	vadd.s32 v3, v5;
	[tilespmem:$0x1FFF0] =	vst v35;
	v35 =	vadd.s32 v3, v63  }
0x2d0: {  	_ =	sdelay $0x4  }
0x2d1: {  	[tilespmem:v20+s9+$0x0] =	vst.idx.add.f32.msk vm14, v19  }
0x2d2: {  	[tilespmem:v21+s9+$0x0] =	vst.idx.add.f32.msk vm13, v15  }
0x2d3: {  	[tilespmem:v22+s9+$0x0] =	vst.idx.add.f32.msk vm13, v17  }
0x2d4: {  	[tilespmem:v26+s9+$0x0] =	vst.idx.add.f32.msk vm13, v16  }
0x2d5: {  	[tilespmem:v23+s9+$0x0] =	vst.idx.add.f32.msk vm12, v14  }
0x2d6: {  	[tilespmem:v25+s9+$0x0] =	vst.idx.add.f32.msk vm12, v12  }
0x2d7: {  	[tilespmem:v28+s9+$0x0] =	vst.idx.add.f32.msk vm12, v13  }
0x2d8: {  	[tilespmem:v30+s9+$0x0] =	vst.idx.add.f32.msk vm11, v11  }
0x2d9: {  	[tilespmem:v34+s9+$0x0] =	vst.idx.add.f32.msk vm11, v10  }
0x2da: {  	[tilespmem:v36+s9+$0x0] =	vst.idx.add.f32.msk vm11, v58  }
0x2db: {  	[tilespmem:v37+s9+$0x0] =	vst.idx.add.f32.msk vm10, v55  }
0x2dc: {  	[tilespmem:v32+s9+$0x0] =	vst.idx.add.f32.msk vm10, v62  }
0x2dd: {  	[tilespmem:v38+s9+$0x0] =	vst.idx.add.f32.msk vm10, v9  }
0x2de: {  	[tilespmem:v39+s9+$0x0] =	vst.idx.add.f32.msk vm9, v8  }
0x2df: {  	[tilespmem:v42+s9+$0x0] =	vst.idx.add.f32.msk vm9, v56  }
0x2e0: {  	v1 =	vld [tilespmem:$0x1FBA0];
	_ =	sdelay $0x4  }
0x2e1: {  	[tilespmem:v51+s9+$0x0] =	vst.idx.add.f32.msk vm9, v1  }
0x2e2: {  	[tilespmem:v48+s9+$0x0] =	vst.idx.add.f32.msk vm8, v7  }
0x2e3: {  	v1 =	vld [tilespmem:$0x1FBB0];
	_ =	sdelay $0x4  }
0x2e4: {  	[tilespmem:v53+s9+$0x0] =	vst.idx.add.f32.msk vm8, v1  }
0x2e5: {  	v1 =	vld [tilespmem:$0x1FBD0];
	_ =	sdelay $0x4  }
0x2e6: {  	[tilespmem:v47+s9+$0x0] =	vst.idx.add.f32.msk vm8, v1  }
0x2e7: {  	v1 =	vld [tilespmem:$0x1FBF0];
	_ =	sdelay $0x4  }
0x2e8: {  	[tilespmem:v43+s9+$0x0] =	vst.idx.add.f32.msk vm6, v1  }
0x2e9: {  	[tilespmem:v40+s9+$0x0] =	vst.idx.add.f32.msk vm6, v2  }
0x2ea: {  	v1 =	vld [tilespmem:$0x1FC10];
	_ =	sdelay $0x4  }
0x2eb: {  	[tilespmem:v33+s9+$0x0] =	vst.idx.add.f32.msk vm6, v1  }
0x2ec: {  	v1 =	vld [tilespmem:$0x1FC20];
	_ =	sdelay $0x4  }
0x2ed: {  	[tilespmem:v31+s9+$0x0] =	vst.idx.add.f32.msk vm7, v1  }
0x2ee: {  	v1 =	vld [tilespmem:$0x1FC30];
	_ =	sdelay $0x4  }
0x2ef: {  	[tilespmem:v29+s9+$0x0] =	vst.idx.add.f32.msk vm7, v1  }
0x2f0: {  	v1 =	vld [tilespmem:$0x1FC40];
	_ =	sdelay $0x4  }
0x2f1: {  	[tilespmem:v27+s9+$0x0] =	vst.idx.add.f32.msk vm7, v1  }
0x2f2: {  	v1 =	vld [tilespmem:$0x1FC60];
	_ =	sdelay $0x4  }
0x2f3: {  	[tilespmem:v24+s9+$0x0] =	vst.idx.add.f32.msk vm5, v1  }
0x2f4: {  	v1 =	vld [tilespmem:$0x1FC70];
	_ =	sdelay $0x4  }
0x2f5: {  	[tilespmem:v18+s9+$0x0] =	vst.idx.add.f32.msk vm5, v1  }
0x2f6: {  	v2 =	vld [tilespmem:$0x1FE90];
	_ =	sdelay $0x2  }
0x2f7: {  	v1 =	vld [tilespmem:$0x1FCA0];
	_ =	sdelay $0x4  }
0x2f8: {  	[tilespmem:v2+s9+$0x0] =	vst.idx.add.f32.msk vm5, v1  }
0x2f9: {  	v2 =	vld [tilespmem:$0x1FEB0];
	_ =	sdelay $0x2  }
0x2fa: {  	v1 =	vld [tilespmem:$0x1FCB0];
	_ =	sdelay $0x4  }
0x2fb: {  	[tilespmem:v2+s9+$0x0] =	vst.idx.add.f32.msk vm4, v1  }
0x2fc: {  	v2 =	vld [tilespmem:$0x1FED0];
	_ =	sdelay $0x2  }
0x2fd: {  	v1 =	vld [tilespmem:$0x1FCC0];
	_ =	sdelay $0x4  }
0x2fe: {  	[tilespmem:v2+s9+$0x0] =	vst.idx.add.f32.msk vm4, v1  }
0x2ff: {  	v2 =	vld [tilespmem:$0x1FEF0];
	_ =	sdelay $0x2  }
0x300: {  	v1 =	vld [tilespmem:$0x1FCE0];
	_ =	sdelay $0x4  }
0x301: {  	[tilespmem:v2+s9+$0x0] =	vst.idx.add.f32.msk vm4, v1  }
0x302: {  	v2 =	vld [tilespmem:$0x1FF10];
	_ =	sdelay $0x2  }
0x303: {  	v1 =	vld [tilespmem:$0x1FCF0];
	_ =	sdelay $0x4  }
0x304: {  	[tilespmem:v2+s9+$0x0] =	vst.idx.add.f32.msk vm3, v1  }
0x305: {  	v2 =	vld [tilespmem:$0x1FF30];
	_ =	sdelay $0x2  }
0x306: {  	v1 =	vld [tilespmem:$0x1FD10];
	_ =	sdelay $0x4  }
0x307: {  	[tilespmem:v2+s9+$0x0] =	vst.idx.add.f32.msk vm3, v1  }
0x308: {  	v2 =	vld [tilespmem:$0x1FF50];
	_ =	sdelay $0x2  }
0x309: {  	v1 =	vld [tilespmem:$0x1FD20];
	_ =	sdelay $0x4  }
0x30a: {  	[tilespmem:v2+s9+$0x0] =	vst.idx.add.f32.msk vm3, v1  }
0x30b: {  	v2 =	vld [tilespmem:$0x1FF70];
	_ =	sdelay $0x2  }
0x30c: {  	v1 =	vld [tilespmem:$0x1FD40];
	_ =	sdelay $0x4  }
0x30d: {  	[tilespmem:v2+s9+$0x0] =	vst.idx.add.f32.msk vm2, v1  }
0x30e: {  	v2 =	vld [tilespmem:$0x1FF90];
	_ =	sdelay $0x2  }
0x30f: {  	v1 =	vld [tilespmem:$0x1FD50];
	_ =	sdelay $0x4  }
0x310: {  	[tilespmem:v2+s9+$0x0] =	vst.idx.add.f32.msk vm2, v1  }
0x311: {  	v1 =	vld [tilespmem:$0x1FD70];
	_ =	sdelay $0x4  }
0x312: {  	[tilespmem:v5+s9+$0x0] =	vst.idx.add.f32.msk vm2, v1  }
0x313: {  	v2 =	vld [tilespmem:$0x1FFC0];
	_ =	sdelay $0x2  }
0x314: {  	v1 =	vld [tilespmem:$0x1FD80];
	_ =	sdelay $0x4  }
0x315: {  	[tilespmem:v2+s9+$0x0] =	vst.idx.add.f32.msk vm1, v1  }
0x316: {  	v2 =	vld [tilespmem:$0x1FFD0];
	_ =	sdelay $0x2  }
0x317: {  	v1 =	vld [tilespmem:$0x1FDA0];
	_ =	sdelay $0x4  }
0x318: {  	[tilespmem:v2+s9+$0x0] =	vst.idx.add.f32.msk vm1, v1  }
0x319: {  	v2 =	vld [tilespmem:$0x1FFE0];
	_ =	sdelay $0x2  }
0x31a: {  	v1 =	vld [tilespmem:$0x1FDB0];
	_ =	sdelay $0x4  }
0x31b: {  	[tilespmem:v2+s9+$0x0] =	vst.idx.add.f32.msk vm1, v1  }
0x31c: {  	v2 =	vld [tilespmem:$0x1FFF0];
	_ =	sdelay $0x2  }
0x31d: {  	v1 =	vld [tilespmem:$0x1FDD0];
	_ =	sdelay $0x1  }
0x31e: {  	s17 =	sshll.u32 s16, $0x1;
	p0 =	seq.s32 s16, $0xF  }
0x31f: {  	s18 =	sadd.s32 @!p0 $0x2, s17  }
0x320: {  	s19 =	sshll.u32 @!p0 s18, $0x9;
	s18 =	smul.u32 @!p0 $0x600, s18  }
0x321: {  	s19 =	sadd.s32 @!p0 s30, s19;
	[tilespmem:v2+s9+$0x0] =	vst.idx.add.f32.msk vm0, v1  }
0x322: {  	s19 =	sshrl.u32 @!p0 s19, $0x3;
	s18 =	sadd.s32 @!p0 s6, s18;
	[tilespmem:v41+s9+$0x0] =	vst.idx.add.f32.msk vm0, v57  }
0x323: {  	s20 =	simm.s32 @!p0 $0x0;
	s19 =	sadd.s32 @!p0 s4, s19;
	s18 =	sshrl.u32 @!p0 s18, $0x3;
	[tilespmem:v35+s9+$0x0] =	vst.idx.add.f32.msk vm0, v49  }
0x324: {  	[tilespmem:s20], [sflag:$0x1] =	stream.linear.gather @!p0 [hbm4b:s19+s20], $0x200, $0x38;
	[tilespmem:$0x1E780] =	vst v63  }
0x325: {  	s21 =	simm.s32 @!p0 $0x200;
	s19 =	sadd.s32 @!p0 s3, s18  }
0x326: {  	[tilespmem:s21], [sflag:$0x1] =	stream.linear.gather @!p0 [hbm4b:s19+s20], $0x600, $0x38;
	[tilespmem:$0x1E780] =	vst v63  }
0x327: {  	s18 =	sadd.s32 @!p0 s5, s18;
	s19 =	simm.s32 @!p0 $0x800  }
0x328: {  	[tilespmem:s19], [sflag:$0x1] =	stream.linear.gather @!p0 [hbm4b:s18+s20], $0x600, $0x38;
	[tilespmem:$0x1E780] =	vst v63  }
0x329: {  	_ =	swait.ge [sflag:s10], $0x200  }
0x32a: {  	[sflag:s10] =	ssyncset.done $0x0  }
0x32b: {  	[sflag:s10] =	ssyncadd.s32 $0xFFFFFE00  }
0x32c: {  	_ =	swait.ge [sflag:s10], $0x600  }
0x32d: {  	[sflag:s10] =	ssyncset.done $0x0  }
0x32e: {  	[sflag:s10] =	ssyncadd.s32 $0xFFFFFA00  }
0x32f: {  	_ =	swait.ge [sflag:s10], $0x600  }
0x330: {  	[sflag:s10] =	ssyncset.done $0x0  }
0x331: {  	s21 =	simm.s32 $0x1630;
	[sflag:s10] =	ssyncadd.s32 $0xFFFFFA00  }
0x332: {  	v1 =	vld [tilespmem:s21+$0x0];
	_ =	sdelay $0x3  }
0x333: {  	v46 =	vimm.s32 $0x0;
	v6 =	vimm.s32 $0x1;
	v2 =	vimm.s32 $0x1  }
0x334: {  	v4 =	vimm.s32 $0x6;
	v31 =	vperm.xlane v1, v2;
	v2 =	vimm.s32 $0x2  }
0x335: {  	v45 =	vimm.s32 $0xA;
	v34 =	vperm.xlane v1, v2;
	v2 =	vimm.s32 $0x3  }
0x336: {  	v16 =	vimm.s32 $0x7;
	v35 =	vperm.xlane v1, v2;
	v2 =	vimm.s32 $0x4  }
0x337: {  	v14 =	vimm.s32 $0xD;
	v36 =	vperm.xlane v1, v2;
	v2 =	vimm.s32 $0x5  }
0x338: {  	v38 =	vperm.xlane v1, v4;
	v4 =	vimm.s32 $0x7;
	v37 =	vperm.xlane v1, v2;
	v2 =	vld [tilespmem:s21+$0x10]  }
0x339: {  	v12 =	vimm.s32 $0xB;
	v39 =	vperm.xlane v1, v4;
	v4 =	vimm.s32 $0x8  }
0x33a: {  	v13 =	vimm.s32 $0xC;
	v40 =	vperm.xlane v1, v4;
	v4 =	vimm.s32 $0x9  }
0x33b: {  	v11 =	vimm.s32 $0x9;
	v41 =	vperm.xlane v1, v4;
	v4 =	vimm.s32 $0xA  }
0x33c: {  	v10 =	vimm.s32 $0x4;
	v42 =	vperm.xlane v1, v4;
	v4 =	vimm.s32 $0xB  }
0x33d: {  	v43 =	vperm.xlane v1, v4;
	v4 =	vimm.s32 $0xC;
	v11 =	vperm.xlane v2, v11  }
0x33e: {  	v9 =	vimm.s32 $0xF;
	v7 =	vperm.xlane v1, v46;
	v44 =	vperm.xlane v1, v4  }
0x33f: {  	v4 =	vimm.s32 $0xD;
	v30 =	vperm.xlane v2, v6;
	v6 =	vld [tilespmem:s21+$0x20];
	[tilespmem:$0x1F080] =	vst v11;
	v11 =	vperm.xlane v2, v45  }
0x340: {  	v33 =	vperm.xlane v1, v9;
	v22 =	vperm.xlane v1, v4;
	v4 =	vimm.s32 $0xE  }
0x341: {  	v8 =	vimm.s32 $0x3;
	v23 =	vperm.xlane v1, v4;
	[tilespmem:$0x1F090] =	vst v11;
	v11 =	vperm.xlane v2, v12  }
0x342: {  	v5 =	vimm.s32 $0x2;
	v32 =	vperm.xlane v2, v46;
	v1 =	vperm.xlane v2, v16  }
0x343: {  	v18 =	vimm.s32 $0x6;
	v29 =	vperm.xlane v2, v5;
	[tilespmem:$0x1F0A0] =	vst v11;
	v11 =	vperm.xlane v2, v13  }
0x344: {  	v4 =	vimm.s32 $0x5;
	v28 =	vperm.xlane v2, v8;
	v27 =	vperm.xlane v2, v10;
	[tilespmem:$0x1F060] =	vst v1  }
0x345: {  	v26 =	vperm.xlane v2, v4;
	v1 =	vimm.s32 $0x8;
	[tilespmem:$0x1F0B0] =	vst v11;
	v11 =	vperm.xlane v2, v14  }
0x346: {  	v15 =	vimm.s32 $0xE;
	v24 =	vperm.xlane v2, v18;
	v16 =	vperm.xlane v2, v1  }
0x347: {  	[tilespmem:$0x1F0C0] =	vst v11;
	v11 =	vperm.xlane v2, v15;
	v2 =	vperm.xlane v2, v9  }
0x348: {  	[tilespmem:$0x1F070] =	vst v16  }
0x349: {  	[tilespmem:$0x1F0E0] =	vst v2;
	v2 =	vperm.xlane v6, v46  }
0x34a: {  	v61 =	vimm.s32 $0x1;
	s18 =	simm.s32 $0x1030;
	[tilespmem:$0x1F0D0] =	vst v11  }
0x34b: {  	v25 =	vld [tilespmem:s18+$0x0];
	[tilespmem:$0x1F0F0] =	vst v2;
	v2 =	vperm.xlane v6, v61;
	_ =	sdelay $0x1  }
0x34c: {  	[tilespmem:$0x1F100] =	vst v2;
	v2 =	vperm.xlane v6, v5;
	_ =	sdelay $0x1  }
0x34d: {  	[tilespmem:$0x1F110] =	vst v2;
	v2 =	vperm.xlane v6, v8;
	_ =	sdelay $0x1  }
0x34e: {  	[tilespmem:$0x1F120] =	vst v2;
	v2 =	vperm.xlane v6, v10;
	_ =	sdelay $0x1  }
0x34f: {  	s19 =	simm.s32 $0xE10;
	[tilespmem:$0x1F130] =	vst v2  }
0x350: {  	v11 =	vld [tilespmem:s19+$0x0]  }
0x351: {  	v1 =	vperm.xlane v6, v1;
	v47 =	vperm.xlane v25, v46  }
0x352: {  	v48 =	vperm.xlane v25, v61;
	v2 =	vperm.xlane v6, v4  }
0x353: {  	v54 =	vimm.s32 $0x6;
	v49 =	vperm.xlane v25, v5;
	v50 =	vperm.xlane v25, v8  }
0x354: {  	v57 =	vimm.s32 $0x8;
	v52 =	vperm.xlane v25, v10;
	[tilespmem:$0x1F140] =	vst v2;
	v2 =	vperm.xlane v6, v54  }
0x355: {  	v61 =	vimm.s32 $0x1;
	v53 =	vperm.xlane v25, v4;
	v62 =	vperm.xlane v11, v46  }
0x356: {  	v57 =	vperm.xlane v25, v57;
	v59 =	vperm.xlane v25, v12;
	[tilespmem:$0x1F150] =	vst v2;
	v2 =	vimm.s32 $0x7  }
0x357: {  	v60 =	vperm.xlane v25, v13;
	v16 =	vperm.xlane v6, v2;
	v51 =	vand.u32 v0, v62  }
0x358: {  	v63 =	vperm.xlane v25, v15;
	[tilespmem:$0x1F170] =	vst v1;
	v1 =	vimm.s32 $0x9;
	vm1 =	vne.s32 v51, $0x0  }
0x359: {  	v47 =	vadd.s32 v3, v47;
	v54 =	vperm.xlane v25, v54;
	[tilespmem:$0x1F160] =	vst v16;
	v16 =	vperm.xlane v6, v1  }
0x35a: {  	v58 =	vperm.xlane v25, v1;
	v61 =	vperm.xlane v11, v61  }
0x35b: {  	v48 =	vadd.s32 v3, v48;
	v55 =	vperm.xlane v25, v2;
	v1 =	vperm.xlane v25, v9;
	[tilespmem:$0x1F180] =	vst v16  }
0x35c: {  	v62 =	vperm.xlane v25, v14;
	v51 =	vperm.xlane v25, v45;
	v25 =	vand.u32 v0, v61;
	v56 =	vld [tilespmem:s18+$0x10]  }
0x35d: {  	v49 =	vadd.s32 v3, v49;
	vm2 =	vne.s32 v25, $0x0;
	v25 =	vld [tilespmem:s18+$0x20]  }
0x35e: {  	[tilespmem:v47+s9+$0x0] =	vst.idx.add.f32.msk vm1, v7;
	v7 =	vperm.xlane v11, v5;
	v47 =	vadd.s32 v3, v50  }
0x35f: {  	v52 =	vadd.s32 v3, v52  }
0x360: {  	[tilespmem:v48+s9+$0x0] =	vst.idx.add.f32.msk vm1, v31;
	v31 =	vadd.s32 v3, v53;
	v7 =	vand.u32 v0, v7  }
0x361: {  	vm0 =	vne.s32 v7, $0x0  }
0x362: {  	[tilespmem:v49+s9+$0x0] =	vst.idx.add.f32.msk vm1, v34;
	v7 =	vadd.s32 v3, v54  }
0x363: {  	[tilespmem:v47+s9+$0x0] =	vst.idx.add.f32.msk vm2, v35  }
0x364: {  	[tilespmem:v52+s9+$0x0] =	vst.idx.add.f32.msk vm2, v36;
	v52 =	vperm.xlane v11, v8  }
0x365: {  	[tilespmem:v31+s9+$0x0] =	vst.idx.add.f32.msk vm2, v37;
	v31 =	vadd.s32 v3, v55  }
0x366: {  	v18 =	vimm.s32 $0x5;
	v52 =	vand.u32 v0, v52  }
0x367: {  	v55 =	vadd.s32 v3, v57;
	vm1 =	vne.s32 v52, $0x0;
	[tilespmem:v7+s9+$0x0] =	vst.idx.add.f32.msk vm0, v38;
	v7 =	vperm.xlane v11, v10  }
0x368: {  	v60 =	vadd.s32 v3, v60;
	v2 =	vimm.s32 $0x1;
	v57 =	vadd.s32 v3, v58  }
0x369: {  	v51 =	vadd.s32 v3, v51;
	v61 =	vperm.xlane v56, v46;
	v58 =	vand.u32 v0, v7  }
0x36a: {  	vm2 =	vne.s32 v58, $0x0;
	v58 =	vadd.s32 v3, v59;
	[tilespmem:v31+s9+$0x0] =	vst.idx.add.f32.msk vm0, v39;
	v39 =	vperm.xlane v11, v18  }
0x36b: {  	v1 =	vadd.s32 v3, v1;
	v2 =	vperm.xlane v56, v2;
	v50 =	vperm.xlane v56, v5  }
0x36c: {  	v19 =	vimm.s32 $0x6;
	[tilespmem:v55+s9+$0x0] =	vst.idx.add.f32.msk vm0, v40;
	v55 =	vadd.s32 v3, v62;
	v39 =	vand.u32 v0, v39  }
0x36d: {  	[tilespmem:v57+s9+$0x0] =	vst.idx.add.f32.msk vm1, v41;
	v41 =	vadd.s32 v3, v63;
	vm0 =	vne.s32 v39, $0x0;
	v63 =	vperm.xlane v11, v19  }
0x36e: {  	v4 =	vperm.xlane v56, v18;
	v48 =	vperm.xlane v56, v8;
	[tilespmem:v51+s9+$0x0] =	vst.idx.add.f32.msk vm1, v42  }
0x36f: {  	v21 =	vimm.s32 $0x7;
	v51 =	vadd.s32 v3, v61;
	[tilespmem:v58+s9+$0x0] =	vst.idx.add.f32.msk vm1, v43;
	v39 =	vand.u32 v0, v63  }
0x370: {  	v2 =	vadd.s32 v3, v2;
	v62 =	vperm.xlane v11, v21;
	[tilespmem:v60+s9+$0x0] =	vst.idx.add.f32.msk vm2, v44;
	vm1 =	vne.s32 v39, $0x0  }
0x371: {  	v53 =	vperm.xlane v56, v10;
	[tilespmem:v55+s9+$0x0] =	vst.idx.add.f32.msk vm2, v22;
	v55 =	vadd.s32 v3, v50  }
0x372: {  	v58 =	vadd.s32 v3, v48;
	v39 =	vand.u32 v0, v62;
	[tilespmem:v41+s9+$0x0] =	vst.idx.add.f32.msk vm2, v23  }
0x373: {  	v34 =	vperm.xlane v56, v19;
	vm2 =	vne.s32 v39, $0x0;
	[tilespmem:v1+s9+$0x0] =	vst.idx.add.f32.msk vm0, v33;
	v1 =	vadd.s32 v3, v53  }
0x374: {  	v4 =	vadd.s32 v3, v4;
	[tilespmem:v51+s9+$0x0] =	vst.idx.add.f32.msk vm0, v32  }
0x375: {  	[tilespmem:v2+s9+$0x0] =	vst.idx.add.f32.msk vm0, v30;
	v2 =	vadd.s32 v3, v34  }
0x376: {  	[tilespmem:v55+s9+$0x0] =	vst.idx.add.f32.msk vm1, v29  }
0x377: {  	v17 =	vimm.s32 $0x8;
	[tilespmem:v58+s9+$0x0] =	vst.idx.add.f32.msk vm1, v28  }
0x378: {  	v16 =	vimm.s32 $0x9;
	v49 =	vperm.xlane v56, v21;
	v54 =	vperm.xlane v56, v13;
	[tilespmem:v1+s9+$0x0] =	vst.idx.add.f32.msk vm1, v27  }
0x379: {  	v35 =	vperm.xlane v56, v17;
	v47 =	vperm.xlane v56, v16;
	[tilespmem:v4+s9+$0x0] =	vst.idx.add.f32.msk vm2, v26  }
0x37a: {  	v36 =	vperm.xlane v56, v45;
	v37 =	vperm.xlane v56, v12;
	[tilespmem:v2+s9+$0x0] =	vst.idx.add.f32.msk vm2, v24  }
0x37b: {  	v52 =	vperm.xlane v56, v14;
	v57 =	vperm.xlane v25, v5;
	v29 =	vadd.s32 v3, v49;
	v5 =	vld [tilespmem:$0x1F060]  }
0x37c: {  	v38 =	vperm.xlane v56, v15;
	v56 =	vperm.xlane v56, v9;
	v9 =	vimm.s32 $0x8  }
0x37d: {  	v60 =	vperm.xlane v11, v9;
	_ =	sdelay $0x1  }
0x37e: {  	v30 =	vand.u32 v0, v60  }
0x37f: {  	vm0 =	vne.s32 v30, $0x0;
	[tilespmem:v29+s9+$0x0] =	vst.idx.add.f32.msk vm2, v5  }
0x380: {  	v28 =	vadd.s32 v3, v35;
	v5 =	vld [tilespmem:$0x1F070];
	_ =	sdelay $0x4  }
0x381: {  	[tilespmem:v28+s9+$0x0] =	vst.idx.add.f32.msk vm0, v5  }
0x382: {  	v61 =	vperm.xlane v25, v10;
	v1 =	vadd.s32 v3, v47;
	v10 =	vld [tilespmem:$0x1F080];
	_ =	sdelay $0x4  }
0x383: {  	[tilespmem:v1+s9+$0x0] =	vst.idx.add.f32.msk vm0, v10  }
0x384: {  	v4 =	vadd.s32 v3, v36;
	v10 =	vld [tilespmem:$0x1F090]  }
0x385: {  	v63 =	vperm.xlane v25, v8;
	v8 =	vimm.s32 $0x9  }
0x386: {  	v30 =	vperm.xlane v11, v8;
	_ =	sdelay $0x1  }
0x387: {  	v27 =	vand.u32 v0, v30;
	v26 =	vperm.xlane v11, v45  }
0x388: {  	vm1 =	vne.s32 v27, $0x0;
	v2 =	vadd.s32 v3, v37;
	[tilespmem:v4+s9+$0x0] =	vst.idx.add.f32.msk vm0, v10  }
0x389: {  	v24 =	vand.u32 v0, v26;
	v26 =	vperm.xlane v25, v21;
	v21 =	vperm.xlane v25, v9;
	v9 =	vld [tilespmem:$0x1F0A0];
	_ =	sdelay $0x4  }
0x38a: {  	[tilespmem:v2+s9+$0x0] =	vst.idx.add.f32.msk vm1, v9  }
0x38b: {  	v23 =	vadd.s32 v3, v54;
	v27 =	vperm.xlane v25, v19;
	v19 =	vperm.xlane v25, v8;
	v8 =	vld [tilespmem:$0x1F0B0];
	_ =	sdelay $0x4  }
0x38c: {  	[tilespmem:v23+s9+$0x0] =	vst.idx.add.f32.msk vm1, v8  }
0x38d: {  	v22 =	vadd.s32 v3, v52;
	v8 =	vld [tilespmem:$0x1F0C0];
	_ =	sdelay $0x4  }
0x38e: {  	vm2 =	vne.s32 v24, $0x0;
	[tilespmem:v22+s9+$0x0] =	vst.idx.add.f32.msk vm1, v8  }
0x38f: {  	v1 =	vadd.s32 v3, v38;
	v8 =	vld [tilespmem:$0x1F0D0];
	_ =	sdelay $0x4  }
0x390: {  	[tilespmem:v1+s9+$0x0] =	vst.idx.add.f32.msk vm2, v8  }
0x391: {  	v4 =	vadd.s32 v3, v56;
	v8 =	vld [tilespmem:$0x1F0E0];
	_ =	sdelay $0x3  }
0x392: {  	v59 =	vperm.xlane v25, v46  }
0x393: {  	v5 =	vimm.s32 $0xB;
	[tilespmem:v4+s9+$0x0] =	vst.idx.add.f32.msk vm2, v8  }
0x394: {  	v24 =	vperm.xlane v11, v5;
	v15 =	vperm.xlane v25, v5;
	v2 =	vadd.s32 v3, v59;
	v5 =	vld [tilespmem:$0x1F0F0];
	_ =	sdelay $0x2  }
0x395: {  	v20 =	vimm.s32 $0x1  }
0x396: {  	v40 =	vperm.xlane v25, v20;
	v20 =	vand.u32 v0, v24  }
0x397: {  	vm0 =	vne.s32 v20, $0x0;
	[tilespmem:v2+s9+$0x0] =	vst.idx.add.f32.msk vm2, v5  }
0x398: {  	v62 =	vperm.xlane v25, v18;
	v18 =	vadd.s32 v3, v40;
	v5 =	vld [tilespmem:$0x1F100];
	_ =	sdelay $0x4  }
0x399: {  	[tilespmem:v18+s9+$0x0] =	vst.idx.add.f32.msk vm0, v5  }
0x39a: {  	v17 =	vadd.s32 v3, v57;
	v5 =	vld [tilespmem:$0x1F110];
	_ =	sdelay $0x4  }
0x39b: {  	[tilespmem:v17+s9+$0x0] =	vst.idx.add.f32.msk vm0, v5  }
0x39c: {  	v1 =	vadd.s32 v3, v63;
	v5 =	vld [tilespmem:$0x1F120]  }
0x39d: {  	v23 =	vimm.s32 $0xC  }
0x39e: {  	v20 =	vperm.xlane v11, v23;
	_ =	sdelay $0x1  }
0x39f: {  	v16 =	vand.u32 v0, v20  }
0x3a0: {  	vm3 =	vne.s32 v16, $0x0;
	[tilespmem:v1+s9+$0x0] =	vst.idx.add.f32.msk vm0, v5;
	v5 =	vimm.s32 $0xF  }
0x3a1: {  	v4 =	vadd.s32 v3, v61;
	v10 =	vperm.xlane v11, v5;
	v18 =	vperm.xlane v25, v5;
	v5 =	vld [tilespmem:$0x1F130];
	_ =	sdelay $0x3  }
0x3a2: {  	v31 =	vld [tilespmem:s19+$0xFFFFFFF0]  }
0x3a3: {  	v7 =	vperm.xlane v6, v45;
	v42 =	vimm.s32 $0x2;
	[tilespmem:v4+s9+$0x0] =	vst.idx.add.f32.msk vm3, v5  }
0x3a4: {  	v43 =	vimm.s32 $0x1;
	v40 =	vimm.s32 $0xD;
	v2 =	vadd.s32 v3, v62;
	v5 =	vld [tilespmem:$0x1F140]  }
0x3a5: {  	v44 =	vimm.s32 $0x4;
	v50 =	vimm.s32 $0x8;
	v13 =	vadd.s32 v3, v27;
	v27 =	vld [tilespmem:s18+$0xFFFFFFD0]  }
0x3a6: {  	v52 =	vimm.s32 $0x9;
	v41 =	vimm.s32 $0xC;
	v53 =	vimm.s32 $0xB  }
0x3a7: {  	v33 =	vimm.s32 $0xF;
	v32 =	vperm.xlane v31, v53;
	v34 =	vperm.xlane v31, v41  }
0x3a8: {  	v54 =	vimm.s32 $0x7;
	v60 =	vperm.xlane v31, v33;
	v37 =	vperm.xlane v31, v40  }
0x3a9: {  	v12 =	vadd.s32 v3, v26;
	v26 =	vperm.xlane v31, v44;
	[tilespmem:v2+s9+$0x0] =	vst.idx.add.f32.msk vm3, v5;
	v5 =	vimm.s32 $0xA  }
0x3aa: {  	v55 =	vimm.s32 $0x5;
	v30 =	vperm.xlane v31, v5;
	v5 =	vperm.xlane v27, v5  }
0x3ab: {  	v49 =	vimm.s32 $0x3;
	v47 =	vperm.xlane v27, v42;
	v28 =	vperm.xlane v31, v55  }
0x3ac: {  	v51 =	vld [tilespmem:s18+$0xFFFFFFE0];
	v35 =	vimm.s32 $0xE;
	v24 =	vperm.xlane v31, v42;
	[tilespmem:$0x1F200] =	vst v5;
	v5 =	vperm.xlane v27, v41  }
0x3ad: {  	v38 =	vperm.xlane v31, v35;
	v56 =	vimm.s32 $0x6;
	v8 =	vimm.s32 $0xE  }
0x3ae: {  	v9 =	vimm.s32 $0xD;
	v16 =	vperm.xlane v11, v8;
	[tilespmem:$0x1F250] =	vst v5;
	v5 =	vperm.xlane v27, v40  }
0x3af: {  	v42 =	vimm.s32 $0x2;
	v29 =	vperm.xlane v31, v56;
	v20 =	vperm.xlane v11, v9  }
0x3b0: {  	v22 =	vperm.xlane v25, v45;
	v16 =	vand.u32 v0, v16;
	[tilespmem:$0x1F280] =	vst v5;
	v5 =	vperm.xlane v27, v35  }
0x3b1: {  	v14 =	vand.u32 v0, v20;
	v45 =	vimm.s32 $0x1;
	vm1 =	vne.s32 v16, $0x0  }
0x3b2: {  	v16 =	vadd.s32 v3, v22;
	v22 =	vperm.xlane v31, v43;
	[tilespmem:$0x1F290] =	vst v5;
	v5 =	vperm.xlane v51, v46  }
0x3b3: {  	vm2 =	vne.s32 v14, $0x0;
	v14 =	vperm.xlane v25, v23;
	v17 =	vperm.xlane v25, v8  }
0x3b4: {  	v11 =	vperm.xlane v25, v9;
	v10 =	vand.u32 v0, v10;
	[tilespmem:$0x1F2D0] =	vst v5;
	v5 =	vperm.xlane v51, v45  }
0x3b5: {  	v8 =	vperm.xlane v31, v50;
	v25 =	vperm.xlane v31, v49;
	vm0 =	vne.s32 v10, $0x0  }
0x3b6: {  	v10 =	vadd.s32 v3, v11;
	v11 =	vperm.xlane v31, v52;
	[tilespmem:$0x1F300] =	vst v5;
	v5 =	vperm.xlane v51, v42  }
0x3b7: {  	v4 =	vperm.xlane v31, v46;
	v2 =	vperm.xlane v31, v54;
	v31 =	vimm.s32 $0x3  }
0x3b8: {  	v48 =	vand.u32 v0, v24;
	[tilespmem:$0x1F330] =	vst v5;
	v5 =	vperm.xlane v51, v31  }
0x3b9: {  	v24 =	vimm.s32 $0x4;
	v36 =	vadd.s32 v3, v18;
	v18 =	vperm.xlane v27, v50  }
0x3ba: {  	[tilespmem:$0x1F360] =	vst v5;
	v5 =	vperm.xlane v51, v24  }
0x3bb: {  	v61 =	vimm.s32 $0x5;
	[tilespmem:$0x1F1C0] =	vst v18;
	v18 =	vperm.xlane v27, v52  }
0x3bc: {  	[tilespmem:$0x1F390] =	vst v5;
	v5 =	vperm.xlane v51, v61  }
0x3bd: {  	v58 =	vperm.xlane v27, v44;
	v62 =	vimm.s32 $0x6;
	[tilespmem:$0x1F1E0] =	vst v18  }
0x3be: {  	v44 =	vperm.xlane v27, v55;
	v55 =	vld [tilespmem:s18+$0xFFFFFFF0];
	[tilespmem:$0x1F3C0] =	vst v5;
	v5 =	vperm.xlane v51, v62  }
0x3bf: {  	v59 =	vimm.s32 $0x7  }
0x3c0: {  	[tilespmem:$0x1F3E0] =	vst v5;
	v5 =	vperm.xlane v51, v59;
	_ =	sdelay $0x1  }
0x3c1: {  	[tilespmem:$0x1F3F0] =	vst v5;
	v5 =	vperm.xlane v51, v50;
	_ =	sdelay $0x1  }
0x3c2: {  	[tilespmem:$0x1F400] =	vst v5;
	v5 =	vperm.xlane v51, v52  }
0x3c3: {  	v18 =	vimm.s32 $0xA  }
0x3c4: {  	[tilespmem:$0x1F410] =	vst v5;
	v5 =	vperm.xlane v51, v18;
	_ =	sdelay $0x1  }
0x3c5: {  	[tilespmem:$0x1F420] =	vst v5;
	v5 =	vld [tilespmem:$0x1F150];
	_ =	sdelay $0x4  }
0x3c6: {  	[tilespmem:v13+s9+$0x0] =	vst.idx.add.f32.msk vm3, v5;
	v5 =	vperm.xlane v51, v40;
	_ =	sdelay $0x1  }
0x3c7: {  	[tilespmem:$0x1F450] =	vst v5;
	v5 =	vperm.xlane v51, v35  }
0x3c8: {  	v4 =	vand.u32 v0, v4  }
0x3c9: {  	vm15 =	vne.s32 v4, $0x0;
	v4 =	vperm.xlane v51, v53;
	[tilespmem:$0x1F460] =	vst v5;
	v5 =	vld [tilespmem:$0x1F160];
	_ =	sdelay $0x1  }
0x3ca: {  	[tilespmem:$0x1F430] =	vst v4;
	v4 =	vperm.xlane v51, v41;
	_ =	sdelay $0x1  }
0x3cb: {  	[tilespmem:$0x1F440] =	vst v4  }
0x3cc: {  	[tilespmem:v12+s9+$0x0] =	vst.idx.add.f32.msk vm2, v5;
	v5 =	vperm.xlane v51, v33;
	_ =	sdelay $0x1  }
0x3cd: {  	[tilespmem:$0x1F470] =	vst v5;
	v5 =	vperm.xlane v55, v46;
	_ =	sdelay $0x1  }
0x3ce: {  	v1 =	vadd.s32 v3, v21;
	[tilespmem:$0x1F480] =	vst v5;
	v5 =	vld [tilespmem:$0x1F170];
	_ =	sdelay $0x4  }
0x3cf: {  	[tilespmem:v1+s9+$0x0] =	vst.idx.add.f32.msk vm2, v5;
	v1 =	vperm.xlane v55, v45;
	_ =	sdelay $0x1  }
0x3d0: {  	[tilespmem:$0x1F4A0] =	vst v1;
	v1 =	vperm.xlane v55, v42;
	_ =	sdelay $0x1  }
0x3d1: {  	v19 =	vadd.s32 v3, v19;
	[tilespmem:$0x1F4C0] =	vst v1;
	v1 =	vld [tilespmem:$0x1F180];
	_ =	sdelay $0x4  }
0x3d2: {  	[tilespmem:v19+s9+$0x0] =	vst.idx.add.f32.msk vm2, v1;
	v1 =	vperm.xlane v55, v31;
	_ =	sdelay $0x1  }
0x3d3: {  	v13 =	vimm.s32 $0x5;
	[tilespmem:$0x1F4E0] =	vst v1;
	v1 =	vperm.xlane v55, v24  }
0x3d4: {  	v25 =	vand.u32 v0, v25;
	v5 =	vperm.xlane v55, v13  }
0x3d5: {  	vm12 =	vne.s32 v25, $0x0;
	v25 =	vimm.s32 $0x6;
	[tilespmem:$0x1F500] =	vst v1  }
0x3d6: {  	v1 =	vld [tilespmem:s21+$0xFFFFFFD0];
	[tilespmem:$0x1F520] =	vst v5;
	v5 =	vperm.xlane v55, v25  }
0x3d7: {  	v39 =	vperm.xlane v27, v46;
	v57 =	vperm.xlane v27, v54;
	v12 =	vimm.s32 $0x7  }
0x3d8: {  	v15 =	vadd.s32 v3, v15;
	v63 =	vand.u32 v0, v29;
	[tilespmem:$0x1F540] =	vst v5;
	v5 =	vperm.xlane v55, v12  }
0x3d9: {  	v20 =	vperm.xlane v6, v53;
	vm9 =	vne.s32 v63, $0x0;
	v43 =	vperm.xlane v27, v43;
	[tilespmem:v16+s9+$0x0] =	vst.idx.add.f32.msk vm1, v7  }
0x3da: {  	v22 =	vand.u32 v0, v22;
	v21 =	vperm.xlane v6, v23;
	[tilespmem:$0x1F560] =	vst v5;
	v5 =	vperm.xlane v55, v50  }
0x3db: {  	v14 =	vadd.s32 v3, v14;
	v23 =	vperm.xlane v6, v35;
	v9 =	vperm.xlane v6, v9  }
0x3dc: {  	v6 =	vperm.xlane v6, v33;
	v2 =	vand.u32 v0, v2;
	[tilespmem:$0x1F580] =	vst v5;
	v5 =	vperm.xlane v55, v52  }
0x3dd: {  	v49 =	vperm.xlane v27, v49;
	vm8 =	vne.s32 v2, $0x0;
	v2 =	vperm.xlane v55, v53;
	[tilespmem:v15+s9+$0x0] =	vst.idx.add.f32.msk vm1, v20  }
0x3de: {  	vm14 =	vne.s32 v22, $0x0;
	v63 =	vperm.xlane v55, v41;
	[tilespmem:$0x1F5A0] =	vst v5;
	v5 =	vperm.xlane v55, v18  }
0x3df: {  	v17 =	vadd.s32 v3, v17;
	v61 =	vperm.xlane v55, v40;
	v59 =	vperm.xlane v55, v35  }
0x3e0: {  	v8 =	vand.u32 v0, v8;
	v54 =	vperm.xlane v55, v33;
	v7 =	vperm.xlane v1, v45;
	[tilespmem:$0x1F5B0] =	vst v5  }
0x3e1: {  	vm6 =	vne.s32 v8, $0x0;
	v8 =	vperm.xlane v1, v42;
	v22 =	vperm.xlane v1, v31;
	[tilespmem:v14+s9+$0x0] =	vst.idx.add.f32.msk vm1, v21  }
0x3e2: {  	v11 =	vand.u32 v0, v11;
	v19 =	vperm.xlane v1, v13;
	v16 =	vperm.xlane v1, v50;
	[tilespmem:$0x1F5D0] =	vst v2  }
0x3e3: {  	vm7 =	vne.s32 v11, $0x0;
	v13 =	vperm.xlane v1, v53;
	v5 =	vadd.s32 v3, v39;
	[tilespmem:v10+s9+$0x0] =	vst.idx.add.f32.msk vm0, v9  }
0x3e4: {  	v4 =	vand.u32 v0, v38;
	v11 =	vperm.xlane v1, v41;
	v62 =	vperm.xlane v1, v35;
	v38 =	vld [tilespmem:s21+$0xFFFFFFE0]  }
0x3e5: {  	v15 =	vperm.xlane v1, v25;
	v9 =	vadd.s32 v3, v43;
	[tilespmem:v17+s9+$0x0] =	vst.idx.add.f32.msk vm0, v23  }
0x3e6: {  	v2 =	vperm.xlane v1, v46;
	[tilespmem:v36+s9+$0x0] =	vst.idx.add.f32.msk vm0, v6;
	v6 =	vadd.s32 v3, v47  }
0x3e7: {  	v55 =	vperm.xlane v1, v33;
	v14 =	vperm.xlane v1, v52;
	v43 =	vld [tilespmem:s21+$0xFFFFFFF0]  }
0x3e8: {  	v10 =	vperm.xlane v1, v40;
	[tilespmem:v5+s9+$0x0] =	vst.idx.add.f32.msk vm15, v2;
	v2 =	vadd.s32 v3, v49  }
0x3e9: {  	v25 =	vadd.s32 v3, v58;
	v23 =	vperm.xlane v1, v24;
	v17 =	vperm.xlane v1, v12  }
0x3ea: {  	v12 =	vperm.xlane v1, v18;
	[tilespmem:v9+s9+$0x0] =	vst.idx.add.f32.msk vm15, v7;
	v1 =	vperm.xlane v38, v45  }
0x3eb: {  	[tilespmem:v6+s9+$0x0] =	vst.idx.add.f32.msk vm15, v8  }
0x3ec: {  	[tilespmem:$0x1F190] =	vst v1;
	v1 =	vperm.xlane v38, v24  }
0x3ed: {  	v51 =	vimm.s32 $0x6;
	[tilespmem:v2+s9+$0x0] =	vst.idx.add.f32.msk vm14, v22  }
0x3ee: {  	[tilespmem:$0x1F1A0] =	vst v1;
	v1 =	vperm.xlane v38, v51  }
0x3ef: {  	[tilespmem:v25+s9+$0x0] =	vst.idx.add.f32.msk vm14, v23  }
0x3f0: {  	[tilespmem:$0x1F1B0] =	vst v1;
	v1 =	vld [tilespmem:$0x1F1C0];
	_ =	sdelay $0x3  }
0x3f1: {  	v26 =	vand.u32 v0, v26;
	vm13 =	vne.s32 v48, $0x0;
	v48 =	vimm.s32 $0x7  }
0x3f2: {  	vm11 =	vne.s32 v26, $0x0;
	v26 =	vadd.s32 v3, v1;
	v1 =	vperm.xlane v38, v48;
	_ =	sdelay $0x1  }
0x3f3: {  	[tilespmem:$0x1F1D0] =	vst v1;
	v1 =	vld [tilespmem:$0x1F1E0];
	_ =	sdelay $0x4  }
0x3f4: {  	v23 =	vadd.s32 v3, v1;
	v1 =	vperm.xlane v38, v50;
	_ =	sdelay $0x1  }
0x3f5: {  	[tilespmem:$0x1F1F0] =	vst v1;
	v1 =	vld [tilespmem:$0x1F200];
	_ =	sdelay $0x4  }
0x3f6: {  	v25 =	vadd.s32 v3, v1;
	v1 =	vperm.xlane v38, v18;
	_ =	sdelay $0x1  }
0x3f7: {  	[tilespmem:$0x1F210] =	vst v1;
	v1 =	vperm.xlane v38, v53;
	_ =	sdelay $0x1  }
0x3f8: {  	[tilespmem:$0x1F220] =	vst v1;
	v1 =	vperm.xlane v38, v41;
	_ =	sdelay $0x1  }
0x3f9: {  	[tilespmem:$0x1F230] =	vst v1;
	v1 =	vperm.xlane v38, v40;
	_ =	sdelay $0x1  }
0x3fa: {  	[tilespmem:$0x1F240] =	vst v1;
	v1 =	vld [tilespmem:$0x1F250];
	_ =	sdelay $0x3  }
0x3fb: {  	v30 =	vand.u32 v0, v30  }
0x3fc: {  	vm5 =	vne.s32 v30, $0x0;
	v30 =	vadd.s32 v3, v1;
	v1 =	vperm.xlane v38, v35;
	_ =	sdelay $0x1  }
0x3fd: {  	[tilespmem:$0x1F260] =	vst v1;
	v1 =	vperm.xlane v38, v33;
	_ =	sdelay $0x1  }
0x3fe: {  	[tilespmem:$0x1F270] =	vst v1;
	v1 =	vld [tilespmem:$0x1F280];
	_ =	sdelay $0x3  }
0x3ff: {  	v34 =	vand.u32 v0, v34  }
0x400: {  	vm3 =	vne.s32 v34, $0x0;
	v34 =	vadd.s32 v3, v1;
	v1 =	vld [tilespmem:$0x1F290];
	_ =	sdelay $0x4  }
0x401: {  	v36 =	vadd.s32 v3, v1;
	v1 =	vperm.xlane v43, v46;
	_ =	sdelay $0x1  }
0x402: {  	[tilespmem:$0x1F2A0] =	vst v1;
	v1 =	vperm.xlane v43, v45;
	_ =	sdelay $0x1  }
0x403: {  	[tilespmem:$0x1F2B0] =	vst v1;
	v1 =	vperm.xlane v43, v42;
	_ =	sdelay $0x1  }
0x404: {  	[tilespmem:$0x1F2C0] =	vst v1;
	v1 =	vld [tilespmem:$0x1F2D0];
	_ =	sdelay $0x3  }
0x405: {  	v32 =	vand.u32 v0, v32  }
0x406: {  	vm4 =	vne.s32 v32, $0x0;
	v32 =	vadd.s32 v3, v1;
	v1 =	vperm.xlane v43, v31;
	_ =	sdelay $0x1  }
0x407: {  	[tilespmem:$0x1F2E0] =	vst v1;
	v1 =	vperm.xlane v43, v24;
	_ =	sdelay $0x1  }
0x408: {  	[tilespmem:$0x1F2F0] =	vst v1;
	v1 =	vld [tilespmem:$0x1F300];
	_ =	sdelay $0x1  }
0x409: {  	v39 =	vimm.s32 $0x5  }
0x40a: {  	v7 =	vand.u32 v0, v60;
	v60 =	vperm.xlane v38, v46;
	v9 =	vperm.xlane v38, v31  }
0x40b: {  	vm0 =	vne.s32 v7, $0x0;
	v7 =	vperm.xlane v38, v39;
	v8 =	vperm.xlane v38, v42  }
0x40c: {  	v2 =	vperm.xlane v38, v52;
	v38 =	vadd.s32 v3, v1;
	v1 =	vperm.xlane v43, v39;
	_ =	sdelay $0x1  }
0x40d: {  	[tilespmem:$0x1F310] =	vst v1;
	v1 =	vperm.xlane v43, v51;
	_ =	sdelay $0x1  }
0x40e: {  	[tilespmem:$0x1F320] =	vst v1;
	v1 =	vld [tilespmem:$0x1F330];
	_ =	sdelay $0x4  }
0x40f: {  	v39 =	vadd.s32 v3, v1;
	v1 =	vperm.xlane v43, v48;
	_ =	sdelay $0x1  }
0x410: {  	[tilespmem:$0x1F340] =	vst v1;
	v1 =	vperm.xlane v43, v50;
	_ =	sdelay $0x1  }
0x411: {  	[tilespmem:$0x1F350] =	vst v1;
	v1 =	vld [tilespmem:$0x1F360];
	_ =	sdelay $0x4  }
0x412: {  	v42 =	vadd.s32 v3, v1;
	v1 =	vperm.xlane v43, v52;
	_ =	sdelay $0x1  }
0x413: {  	[tilespmem:$0x1F370] =	vst v1;
	v1 =	vperm.xlane v43, v18;
	_ =	sdelay $0x1  }
0x414: {  	[tilespmem:$0x1F380] =	vst v1;
	v1 =	vld [tilespmem:$0x1F390];
	_ =	sdelay $0x4  }
0x415: {  	v51 =	vadd.s32 v3, v1;
	v1 =	vperm.xlane v43, v53;
	_ =	sdelay $0x1  }
0x416: {  	[tilespmem:$0x1F3A0] =	vst v1;
	v1 =	vperm.xlane v43, v41;
	_ =	sdelay $0x1  }
0x417: {  	[tilespmem:$0x1F3B0] =	vst v1;
	v1 =	vld [tilespmem:$0x1F3C0];
	_ =	sdelay $0x4  }
0x418: {  	v48 =	vadd.s32 v3, v1;
	v1 =	vperm.xlane v43, v40;
	_ =	sdelay $0x1  }
0x419: {  	[tilespmem:$0x1F3D0] =	vst v1;
	v1 =	vld [tilespmem:$0x1F3E0];
	_ =	sdelay $0x4  }
0x41a: {  	v29 =	vperm.xlane v27, v53;
	v53 =	vadd.s32 v3, v1;
	v1 =	vld [tilespmem:$0x1F3F0];
	_ =	sdelay $0x4  }
0x41b: {  	v47 =	vadd.s32 v3, v1;
	v1 =	vld [tilespmem:$0x1F400];
	_ =	sdelay $0x3  }
0x41c: {  	v49 =	vperm.xlane v43, v35  }
0x41d: {  	v22 =	vadd.s32 v3, v57;
	v57 =	vperm.xlane v43, v33;
	v43 =	vadd.s32 v3, v1;
	v1 =	vld [tilespmem:$0x1F410];
	_ =	sdelay $0x4  }
0x41e: {  	v41 =	vadd.s32 v3, v1;
	v1 =	vld [tilespmem:$0x1F420];
	_ =	sdelay $0x4  }
0x41f: {  	v56 =	vperm.xlane v27, v56;
	v27 =	vperm.xlane v27, v33;
	v33 =	vadd.s32 v3, v1;
	v1 =	vld [tilespmem:$0x1F430];
	_ =	sdelay $0x4  }
0x420: {  	v31 =	vadd.s32 v3, v1;
	v1 =	vld [tilespmem:$0x1F440];
	_ =	sdelay $0x3  }
0x421: {  	v28 =	vand.u32 v0, v28  }
0x422: {  	vm10 =	vne.s32 v28, $0x0;
	v28 =	vadd.s32 v3, v29;
	v29 =	vadd.s32 v3, v1;
	v1 =	vld [tilespmem:$0x1F450];
	_ =	sdelay $0x3  }
0x423: {  	v37 =	vand.u32 v0, v37  }
0x424: {  	vm2 =	vne.s32 v37, $0x0;
	v37 =	vadd.s32 v3, v27;
	v27 =	vadd.s32 v3, v1;
	v1 =	vld [tilespmem:$0x1F460];
	_ =	sdelay $0x4  }
0x425: {  	v24 =	vadd.s32 v3, v1;
	v1 =	vld [tilespmem:$0x1F470];
	_ =	sdelay $0x4  }
0x426: {  	v18 =	vadd.s32 v3, v1;
	v1 =	vld [tilespmem:$0x1F480];
	_ =	sdelay $0x4  }
0x427: {  	v1 =	vadd.s32 v3, v1  }
0x428: {  	[tilespmem:$0x1F490] =	vst v1;
	v1 =	vld [tilespmem:$0x1F4A0];
	_ =	sdelay $0x4  }
0x429: {  	v1 =	vadd.s32 v3, v1  }
0x42a: {  	[tilespmem:$0x1F4B0] =	vst v1;
	v1 =	vld [tilespmem:$0x1F4C0];
	_ =	sdelay $0x4  }
0x42b: {  	v1 =	vadd.s32 v3, v1  }
0x42c: {  	[tilespmem:$0x1F4D0] =	vst v1;
	v1 =	vld [tilespmem:$0x1F4E0];
	_ =	sdelay $0x4  }
0x42d: {  	v1 =	vadd.s32 v3, v1  }
0x42e: {  	[tilespmem:$0x1F4F0] =	vst v1;
	v1 =	vld [tilespmem:$0x1F500];
	_ =	sdelay $0x4  }
0x42f: {  	v1 =	vadd.s32 v3, v1  }
0x430: {  	[tilespmem:$0x1F510] =	vst v1;
	v1 =	vld [tilespmem:$0x1F520];
	_ =	sdelay $0x4  }
0x431: {  	v1 =	vadd.s32 v3, v1  }
0x432: {  	[tilespmem:$0x1F530] =	vst v1;
	v1 =	vld [tilespmem:$0x1F540];
	_ =	sdelay $0x4  }
0x433: {  	v1 =	vadd.s32 v3, v1  }
0x434: {  	[tilespmem:$0x1F550] =	vst v1;
	v1 =	vld [tilespmem:$0x1F560];
	_ =	sdelay $0x4  }
0x435: {  	v1 =	vadd.s32 v3, v1  }
0x436: {  	[tilespmem:$0x1F570] =	vst v1;
	v1 =	vld [tilespmem:$0x1F580];
	_ =	sdelay $0x4  }
0x437: {  	v1 =	vadd.s32 v3, v1  }
0x438: {  	[tilespmem:$0x1F590] =	vst v1;
	v1 =	vld [tilespmem:$0x1F5A0];
	_ =	sdelay $0x4  }
0x439: {  	v5 =	vadd.s32 v3, v1;
	v1 =	vld [tilespmem:$0x1F5B0];
	_ =	sdelay $0x4  }
0x43a: {  	v1 =	vadd.s32 v3, v1  }
0x43b: {  	[tilespmem:$0x1F5C0] =	vst v1;
	v1 =	vld [tilespmem:$0x1F5D0];
	_ =	sdelay $0x4  }
0x43c: {  	v1 =	vadd.s32 v3, v1  }
0x43d: {  	[tilespmem:$0x1F5E0] =	vst v1;
	v1 =	vadd.s32 v3, v63  }
0x43e: {  	v20 =	vadd.s32 v3, v44;
	v21 =	vadd.s32 v3, v56;
	[tilespmem:$0x1F5F0] =	vst v1;
	v1 =	vadd.s32 v3, v61  }
0x43f: {  	s20 =	simm.s32 $0x0;
	vm1 =	vne.s32 v4, $0x0;
	s21 =	simm.s32 $0x1690;
	v35 =	vadd.s32 v3, v54;
	v40 =	vadd.s32 v3, v59;
	[tilespmem:$0x1F600] =	vst v1  }
.LBB2_7:
0x440: {  	v46 =	vld [tilespmem:s21+$0x0];
	_ =	sdelay $0x3  }
0x441: {  	v1 =	vimm.s32 $0x0  }
0x442: {  	v52 =	vperm.xlane v46, v1;
	v1 =	vimm.s32 $0x1  }
0x443: {  	v1 =	vperm.xlane v46, v1;
	_ =	sdelay $0x1  }
0x444: {  	[tilespmem:$0x1EC10] =	vst v1;
	v1 =	vimm.s32 $0x2  }
0x445: {  	v1 =	vperm.xlane v46, v1;
	_ =	sdelay $0x1  }
0x446: {  	[tilespmem:$0x1EC20] =	vst v1;
	v1 =	vimm.s32 $0x3  }
0x447: {  	v1 =	vperm.xlane v46, v1;
	_ =	sdelay $0x1  }
0x448: {  	[tilespmem:$0x1EC30] =	vst v1;
	v1 =	vimm.s32 $0x4  }
0x449: {  	v1 =	vperm.xlane v46, v1;
	_ =	sdelay $0x1  }
0x44a: {  	[tilespmem:$0x1EC40] =	vst v1;
	v1 =	vimm.s32 $0x5  }
0x44b: {  	v1 =	vperm.xlane v46, v1;
	_ =	sdelay $0x1  }
0x44c: {  	[tilespmem:$0x1EC50] =	vst v1;
	v1 =	vimm.s32 $0x7  }
0x44d: {  	v1 =	vperm.xlane v46, v1  }
0x44e: {  	[tilespmem:$0x1EE50] =	vst v40  }
0x44f: {  	[tilespmem:$0x1EC60] =	vst v1;
	v1 =	vimm.s32 $0x8  }
0x450: {  	[tilespmem:$0x1EE40] =	vst v49;
	v49 =	vld [tilespmem:s21+$0xFFFFFFD0];
	v1 =	vperm.xlane v46, v1  }
0x451: {  	[tilespmem:$0x1EE60] =	vst v35;
	v40 =	vld [tilespmem:s21+$0xFFFFFFE0]  }
0x452: {  	v35 =	vld [tilespmem:s21+$0xFFFFFFF0];
	[tilespmem:$0x1EC70] =	vst v1;
	v1 =	vimm.s32 $0x9  }
0x453: {  	[tilespmem:v20+s9+$0x0] =	vst.idx.add.f32.msk vm14, v19;
	v1 =	vperm.xlane v46, v1  }
0x454: {  	[tilespmem:v21+s9+$0x0] =	vst.idx.add.f32.msk vm13, v15  }
0x455: {  	[tilespmem:$0x1EC80] =	vst v1;
	v1 =	vimm.s32 $0xA  }
0x456: {  	[tilespmem:v22+s9+$0x0] =	vst.idx.add.f32.msk vm13, v17;
	v50 =	vperm.xlane v46, v1;
	v1 =	vimm.s32 $0xB  }
0x457: {  	[tilespmem:v26+s9+$0x0] =	vst.idx.add.f32.msk vm13, v16;
	v1 =	vperm.xlane v46, v1  }
0x458: {  	[tilespmem:v23+s9+$0x0] =	vst.idx.add.f32.msk vm12, v14  }
0x459: {  	[tilespmem:$0x1EC90] =	vst v1;
	v1 =	vimm.s32 $0xC  }
0x45a: {  	[tilespmem:v25+s9+$0x0] =	vst.idx.add.f32.msk vm12, v12;
	v25 =	vperm.xlane v46, v1;
	v1 =	vimm.s32 $0xD  }
0x45b: {  	v1 =	vperm.xlane v46, v1  }
0x45c: {  	v59 =	vld [tilespmem:s21+$0x10]  }
0x45d: {  	[tilespmem:$0x1ECA0] =	vst v1;
	v1 =	vimm.s32 $0xE  }
0x45e: {  	[tilespmem:v28+s9+$0x0] =	vst.idx.add.f32.msk vm12, v13;
	v28 =	vperm.xlane v46, v1;
	v1 =	vimm.s32 $0xF  }
0x45f: {  	v1 =	vperm.xlane v46, v1  }
0x460: {  	v6 =	vimm.s32 $0x1  }
0x461: {  	[tilespmem:$0x1ECB0] =	vst v1;
	v1 =	vperm.xlane v59, v6  }
0x462: {  	v15 =	vimm.s32 $0x3  }
0x463: {  	[tilespmem:$0x1ECC0] =	vst v1;
	v1 =	vperm.xlane v59, v15  }
0x464: {  	v17 =	vimm.s32 $0x5  }
0x465: {  	[tilespmem:$0x1ECD0] =	vst v1;
	v1 =	vperm.xlane v59, v17  }
0x466: {  	v44 =	vimm.s32 $0x7  }
0x467: {  	[tilespmem:$0x1ECE0] =	vst v1;
	v1 =	vperm.xlane v59, v44  }
0x468: {  	v45 =	vimm.s32 $0x8  }
0x469: {  	[tilespmem:$0x1ECF0] =	vst v1;
	v1 =	vperm.xlane v59, v45  }
0x46a: {  	v16 =	vimm.s32 $0x9  }
0x46b: {  	[tilespmem:$0x1ED00] =	vst v1;
	v1 =	vperm.xlane v59, v16  }
0x46c: {  	v14 =	vimm.s32 $0xA  }
0x46d: {  	[tilespmem:$0x1ED10] =	vst v1;
	v1 =	vperm.xlane v59, v14  }
0x46e: {  	v20 =	vimm.s32 $0xB  }
0x46f: {  	[tilespmem:$0x1ED20] =	vst v1;
	v1 =	vperm.xlane v59, v20  }
0x470: {  	[tilespmem:v30+s9+$0x0] =	vst.idx.add.f32.msk vm11, v11  }
0x471: {  	[tilespmem:$0x1ED30] =	vst v1;
	v1 =	vld [tilespmem:$0x1F190]  }
0x472: {  	[tilespmem:v34+s9+$0x0] =	vst.idx.add.f32.msk vm11, v10  }
0x473: {  	[tilespmem:v36+s9+$0x0] =	vst.idx.add.f32.msk vm11, v62  }
0x474: {  	[tilespmem:v37+s9+$0x0] =	vst.idx.add.f32.msk vm10, v55  }
0x475: {  	v19 =	vimm.s32 $0xC;
	[tilespmem:v32+s9+$0x0] =	vst.idx.add.f32.msk vm10, v60  }
0x476: {  	[tilespmem:v38+s9+$0x0] =	vst.idx.add.f32.msk vm10, v1;
	v1 =	vperm.xlane v59, v19  }
0x477: {  	v21 =	vimm.s32 $0xD  }
0x478: {  	[tilespmem:$0x1ED40] =	vst v1;
	v1 =	vperm.xlane v59, v21  }
0x479: {  	v58 =	vld [tilespmem:s21+$0x20];
	v23 =	vimm.s32 $0xE  }
0x47a: {  	[tilespmem:$0x1ED50] =	vst v1;
	v1 =	vperm.xlane v59, v23  }
0x47b: {  	v22 =	vimm.s32 $0xF;
	[tilespmem:v39+s9+$0x0] =	vst.idx.add.f32.msk vm9, v8  }
0x47c: {  	[tilespmem:$0x1ED60] =	vst v1;
	v1 =	vperm.xlane v59, v22  }
0x47d: {  	[tilespmem:v42+s9+$0x0] =	vst.idx.add.f32.msk vm9, v9;
	v9 =	vimm.s32 $0x0  }
0x47e: {  	[tilespmem:$0x1ED70] =	vst v1;
	v1 =	vperm.xlane v58, v9;
	_ =	sdelay $0x1  }
0x47f: {  	[tilespmem:$0x1ED80] =	vst v1;
	v1 =	vimm.s32 $0x1  }
0x480: {  	[tilespmem:$0x1EE30] =	vst v5;
	v5 =	vperm.xlane v58, v1  }
0x481: {  	v8 =	vimm.s32 $0x2  }
0x482: {  	[tilespmem:$0x1ED90] =	vst v5;
	v5 =	vperm.xlane v58, v8  }
0x483: {  	v6 =	vimm.s32 $0x3  }
0x484: {  	[tilespmem:$0x1EDA0] =	vst v5;
	v5 =	vperm.xlane v58, v6  }
0x485: {  	v4 =	vimm.s32 $0x4  }
0x486: {  	[tilespmem:$0x1EDB0] =	vst v5;
	v5 =	vperm.xlane v58, v4;
	_ =	sdelay $0x1  }
0x487: {  	[tilespmem:$0x1EDC0] =	vst v5;
	v5 =	vperm.xlane v58, v17  }
0x488: {  	[tilespmem:$0x1EE70] =	vst v57;
	v57 =	vimm.s32 $0x6  }
0x489: {  	[tilespmem:$0x1EDD0] =	vst v5;
	v5 =	vperm.xlane v58, v57;
	_ =	sdelay $0x1  }
0x48a: {  	[tilespmem:$0x1EDE0] =	vst v5;
	v5 =	vperm.xlane v58, v44;
	_ =	sdelay $0x1  }
0x48b: {  	[tilespmem:$0x1EDF0] =	vst v5;
	v5 =	vperm.xlane v58, v45;
	_ =	sdelay $0x1  }
0x48c: {  	[tilespmem:$0x1EE00] =	vst v5;
	v5 =	vperm.xlane v58, v16;
	_ =	sdelay $0x1  }
0x48d: {  	s18 =	sadd.s32 $0x60, s18;
	[tilespmem:$0x1EE10] =	vst v5;
	v5 =	vld [tilespmem:$0x1F1A0]  }
0x48e: {  	v38 =	vld [tilespmem:s18+$0x0]  }
0x48f: {  	v56 =	vld [tilespmem:s18+$0xFFFFFFD0]  }
0x490: {  	v54 =	vimm.s32 $0x2;
	v55 =	vld [tilespmem:s18+$0xFFFFFFE0]  }
0x491: {  	v34 =	vperm.xlane v59, v54;
	v54 =	vld [tilespmem:s18+$0xFFFFFFF0]  }
0x492: {  	[tilespmem:v51+s9+$0x0] =	vst.idx.add.f32.msk vm9, v5  }
0x493: {  	[tilespmem:v48+s9+$0x0] =	vst.idx.add.f32.msk vm8, v7  }
0x494: {  	v7 =	vperm.xlane v38, v1;
	v1 =	vld [tilespmem:$0x1F1B0];
	_ =	sdelay $0x4  }
0x495: {  	[tilespmem:v53+s9+$0x0] =	vst.idx.add.f32.msk vm8, v1  }
0x496: {  	v1 =	vld [tilespmem:$0x1F1D0];
	_ =	sdelay $0x4  }
0x497: {  	[tilespmem:v47+s9+$0x0] =	vst.idx.add.f32.msk vm8, v1  }
0x498: {  	v1 =	vld [tilespmem:$0x1F1F0];
	_ =	sdelay $0x2  }
0x499: {  	v12 =	vld [tilespmem:$0x1F210];
	_ =	sdelay $0x1  }
0x49a: {  	[tilespmem:v43+s9+$0x0] =	vst.idx.add.f32.msk vm6, v1  }
0x49b: {  	s19 =	sadd.s32 $0x20, s19;
	[tilespmem:v41+s9+$0x0] =	vst.idx.add.f32.msk vm6, v2  }
0x49c: {  	v1 =	vld [tilespmem:s19+$0xFFFFFFF0]  }
0x49d: {  	v5 =	vperm.xlane v58, v14;
	[tilespmem:v33+s9+$0x0] =	vst.idx.add.f32.msk vm6, v12  }
0x49e: {  	v12 =	vld [tilespmem:$0x1F220]  }
0x49f: {  	[tilespmem:$0x1EE20] =	vst v5;
	v5 =	vld [tilespmem:s18+$0x10];
	_ =	sdelay $0x1  }
0x4a0: {  	v61 =	vimm.s32 $0x0  }
0x4a1: {  	v30 =	vperm.xlane v59, v61  }
0x4a2: {  	v36 =	vperm.xlane v59, v4;
	v37 =	vperm.xlane v59, v57;
	[tilespmem:v31+s9+$0x0] =	vst.idx.add.f32.msk vm7, v12  }
0x4a3: {  	v59 =	vperm.xlane v38, v4;
	v12 =	vperm.xlane v5, v4;
	v4 =	vld [tilespmem:$0x1F230]  }
0x4a4: {  	v2 =	vld [tilespmem:s19+$0x0];
	_ =	sdelay $0x3  }
0x4a5: {  	v13 =	vimm.s32 $0x0;
	[tilespmem:v29+s9+$0x0] =	vst.idx.add.f32.msk vm7, v4  }
0x4a6: {  	v11 =	vperm.xlane v5, v13;
	v4 =	vperm.xlane v2, v13;
	v13 =	vld [tilespmem:$0x1F240]  }
0x4a7: {  	v47 =	vperm.xlane v38, v17;
	v29 =	vperm.xlane v5, v17;
	v17 =	vld [tilespmem:$0x1F260]  }
0x4a8: {  	v26 =	vperm.xlane v46, v57  }
0x4a9: {  	v46 =	vperm.xlane v38, v22;
	v51 =	vperm.xlane v38, v9  }
0x4aa: {  	v9 =	vperm.xlane v38, v21;
	v48 =	vperm.xlane v38, v8  }
0x4ab: {  	v32 =	vimm.s32 $0x1;
	v8 =	vperm.xlane v38, v19;
	v53 =	vperm.xlane v38, v6;
	[tilespmem:v27+s9+$0x0] =	vst.idx.add.f32.msk vm7, v13  }
0x4ac: {  	v15 =	vimm.s32 $0x2;
	v6 =	vperm.xlane v38, v14;
	v41 =	vperm.xlane v38, v20;
	[tilespmem:v24+s9+$0x0] =	vst.idx.add.f32.msk vm5, v17  }
0x4ad: {  	v42 =	vimm.s32 $0x3;
	v17 =	vperm.xlane v5, v20;
	v20 =	vperm.xlane v5, v21;
	v21 =	vld [tilespmem:$0x1F270]  }
0x4ae: {  	v51 =	vadd.s32 v3, v51;
	v63 =	vperm.xlane v5, v15;
	v39 =	vperm.xlane v5, v45  }
0x4af: {  	v7 =	vadd.s32 v3, v7;
	v14 =	vperm.xlane v5, v14;
	v19 =	vperm.xlane v5, v19  }
0x4b0: {  	v43 =	vperm.xlane v38, v16;
	v16 =	vperm.xlane v5, v16;
	v24 =	vand.u32 v0, v4  }
0x4b1: {  	v33 =	vperm.xlane v5, v32;
	v31 =	vperm.xlane v5, v42;
	vm6 =	vne.s32 v24, $0x0  }
0x4b2: {  	v27 =	vperm.xlane v5, v57;
	v13 =	vperm.xlane v5, v44;
	[tilespmem:v18+s9+$0x0] =	vst.idx.add.f32.msk vm5, v21  }
0x4b3: {  	v18 =	vadd.s32 v3, v53;
	v53 =	vperm.xlane v5, v23;
	v5 =	vperm.xlane v5, v22;
	v22 =	vld [tilespmem:$0x1EC10];
	_ =	sdelay $0x2  }
0x4b4: {  	v4 =	vld [tilespmem:s18+$0x20]  }
0x4b5: {  	[tilespmem:v51+s9+$0x0] =	vst.idx.add.f32.msk vm6, v52  }
0x4b6: {  	[tilespmem:v7+s9+$0x0] =	vst.idx.add.f32.msk vm6, v22  }
0x4b7: {  	v48 =	vadd.s32 v3, v48;
	v22 =	vld [tilespmem:$0x1EC20];
	_ =	sdelay $0x1  }
0x4b8: {  	v24 =	vperm.xlane v2, v32;
	_ =	sdelay $0x1  }
0x4b9: {  	v24 =	vand.u32 v0, v24  }
0x4ba: {  	vm7 =	vne.s32 v24, $0x0;
	[tilespmem:v48+s9+$0x0] =	vst.idx.add.f32.msk vm6, v22  }
0x4bb: {  	v22 =	vld [tilespmem:$0x1EC30];
	_ =	sdelay $0x4  }
0x4bc: {  	v60 =	vperm.xlane v38, v57;
	[tilespmem:v18+s9+$0x0] =	vst.idx.add.f32.msk vm7, v22  }
0x4bd: {  	v61 =	vperm.xlane v38, v44;
	v59 =	vadd.s32 v3, v59;
	v44 =	vadd.s32 v3, v47;
	v22 =	vld [tilespmem:$0x1EC40]  }
0x4be: {  	v24 =	vperm.xlane v2, v15;
	v7 =	vadd.s32 v3, v60;
	v60 =	vperm.xlane v4, v15;
	v15 =	vld [tilespmem:$0x1EC50];
	_ =	sdelay $0x2  }
0x4bf: {  	v24 =	vand.u32 v0, v24  }
0x4c0: {  	vm8 =	vne.s32 v24, $0x0;
	[tilespmem:v59+s9+$0x0] =	vst.idx.add.f32.msk vm7, v22  }
0x4c1: {  	[tilespmem:v44+s9+$0x0] =	vst.idx.add.f32.msk vm7, v15  }
0x4c2: {  	v51 =	vadd.s32 v3, v61;
	v15 =	vld [tilespmem:$0x1EC60];
	_ =	sdelay $0x3  }
0x4c3: {  	v62 =	vperm.xlane v38, v45;
	[tilespmem:v7+s9+$0x0] =	vst.idx.add.f32.msk vm8, v26  }
0x4c4: {  	[tilespmem:v51+s9+$0x0] =	vst.idx.add.f32.msk vm8, v15  }
0x4c5: {  	v18 =	vadd.s32 v3, v62;
	v15 =	vld [tilespmem:$0x1EC70];
	_ =	sdelay $0x1  }
0x4c6: {  	v24 =	vperm.xlane v2, v42;
	_ =	sdelay $0x1  }
0x4c7: {  	v24 =	vand.u32 v0, v24  }
0x4c8: {  	vm6 =	vne.s32 v24, $0x0;
	[tilespmem:v18+s9+$0x0] =	vst.idx.add.f32.msk vm8, v15  }
0x4c9: {  	v22 =	vadd.s32 v3, v43;
	v15 =	vld [tilespmem:$0x1EC80];
	_ =	sdelay $0x4  }
0x4ca: {  	v6 =	vadd.s32 v3, v6;
	[tilespmem:v22+s9+$0x0] =	vst.idx.add.f32.msk vm6, v15  }
0x4cb: {  	v52 =	vimm.s32 $0x4;
	v7 =	vadd.s32 v3, v41;
	v15 =	vld [tilespmem:$0x1EC90]  }
0x4cc: {  	v24 =	vperm.xlane v2, v52;
	_ =	sdelay $0x1  }
0x4cd: {  	v24 =	vand.u32 v0, v24  }
0x4ce: {  	vm7 =	vne.s32 v24, $0x0;
	[tilespmem:v6+s9+$0x0] =	vst.idx.add.f32.msk vm6, v50  }
0x4cf: {  	v8 =	vadd.s32 v3, v8;
	[tilespmem:v7+s9+$0x0] =	vst.idx.add.f32.msk vm6, v15  }
0x4d0: {  	v9 =	vadd.s32 v3, v9;
	v15 =	vld [tilespmem:$0x1ECA0]  }
0x4d1: {  	v61 =	vimm.s32 $0x5  }
0x4d2: {  	v24 =	vperm.xlane v2, v61  }
0x4d3: {  	v10 =	vperm.xlane v38, v23  }
0x4d4: {  	v18 =	vand.u32 v0, v24;
	[tilespmem:v8+s9+$0x0] =	vst.idx.add.f32.msk vm7, v25  }
0x4d5: {  	v10 =	vadd.s32 v3, v10;
	vm8 =	vne.s32 v18, $0x0;
	[tilespmem:v9+s9+$0x0] =	vst.idx.add.f32.msk vm7, v15  }
0x4d6: {  	v6 =	vadd.s32 v3, v46;
	v15 =	vld [tilespmem:$0x1ECB0];
	_ =	sdelay $0x2  }
0x4d7: {  	v18 =	vperm.xlane v2, v57  }
0x4d8: {  	[tilespmem:v10+s9+$0x0] =	vst.idx.add.f32.msk vm7, v28  }
0x4d9: {  	v7 =	vadd.s32 v3, v11;
	v11 =	vand.u32 v0, v18;
	[tilespmem:v6+s9+$0x0] =	vst.idx.add.f32.msk vm8, v15  }
0x4da: {  	v8 =	vadd.s32 v3, v33;
	vm6 =	vne.s32 v11, $0x0;
	v15 =	vld [tilespmem:$0x1ECC0]  }
0x4db: {  	v9 =	vadd.s32 v3, v63;
	_ =	sdelay $0x2  }
0x4dc: {  	v24 =	vimm.s32 $0x7;
	[tilespmem:v7+s9+$0x0] =	vst.idx.add.f32.msk vm8, v30  }
0x4dd: {  	v11 =	vperm.xlane v2, v24;
	[tilespmem:v8+s9+$0x0] =	vst.idx.add.f32.msk vm8, v15  }
0x4de: {  	[tilespmem:v9+s9+$0x0] =	vst.idx.add.f32.msk vm6, v34  }
0x4df: {  	v11 =	vand.u32 v0, v11;
	v10 =	vadd.s32 v3, v31;
	v9 =	vadd.s32 v3, v13;
	v13 =	vld [tilespmem:$0x1ECD0]  }
0x4e0: {  	vm7 =	vne.s32 v11, $0x0;
	v6 =	vadd.s32 v3, v12  }
0x4e1: {  	v7 =	vadd.s32 v3, v29;
	v15 =	vld [tilespmem:$0x1ECE0];
	_ =	sdelay $0x2  }
0x4e2: {  	[tilespmem:v10+s9+$0x0] =	vst.idx.add.f32.msk vm6, v13  }
0x4e3: {  	[tilespmem:v6+s9+$0x0] =	vst.idx.add.f32.msk vm6, v36  }
0x4e4: {  	v8 =	vadd.s32 v3, v27;
	[tilespmem:v7+s9+$0x0] =	vst.idx.add.f32.msk vm7, v15  }
0x4e5: {  	v15 =	vld [tilespmem:$0x1ECF0]  }
0x4e6: {  	v25 =	vimm.s32 $0x8  }
0x4e7: {  	v11 =	vperm.xlane v2, v25;
	_ =	sdelay $0x1  }
0x4e8: {  	v11 =	vand.u32 v0, v11;
	[tilespmem:v8+s9+$0x0] =	vst.idx.add.f32.msk vm7, v37  }
0x4e9: {  	vm8 =	vne.s32 v11, $0x0;
	[tilespmem:v9+s9+$0x0] =	vst.idx.add.f32.msk vm7, v15  }
0x4ea: {  	v10 =	vadd.s32 v3, v39;
	v15 =	vld [tilespmem:$0x1ED00];
	_ =	sdelay $0x2  }
0x4eb: {  	v23 =	vimm.s32 $0x9  }
0x4ec: {  	v11 =	vperm.xlane v2, v23  }
0x4ed: {  	[tilespmem:v10+s9+$0x0] =	vst.idx.add.f32.msk vm8, v15  }
0x4ee: {  	v11 =	vand.u32 v0, v11;
	v13 =	vperm.xlane v4, v24;
	v6 =	vadd.s32 v3, v16;
	v15 =	vld [tilespmem:$0x1ED10]  }
0x4ef: {  	v24 =	vimm.s32 $0xA;
	v7 =	vadd.s32 v3, v14;
	v8 =	vadd.s32 v3, v17;
	v17 =	vld [tilespmem:$0x1ED20]  }
0x4f0: {  	vm9 =	vne.s32 v11, $0x0;
	v11 =	vperm.xlane v2, v24;
	_ =	sdelay $0x1  }
0x4f1: {  	v16 =	vimm.s32 $0xB;
	v11 =	vand.u32 v0, v11  }
0x4f2: {  	vm10 =	vne.s32 v11, $0x0;
	v11 =	vperm.xlane v2, v16;
	[tilespmem:v6+s9+$0x0] =	vst.idx.add.f32.msk vm8, v15  }
0x4f3: {  	[tilespmem:v7+s9+$0x0] =	vst.idx.add.f32.msk vm8, v17  }
0x4f4: {  	v7 =	vand.u32 v0, v11;
	v11 =	vld [tilespmem:$0x1ED30];
	_ =	sdelay $0x4  }
0x4f5: {  	[tilespmem:v8+s9+$0x0] =	vst.idx.add.f32.msk vm9, v11  }
0x4f6: {  	v9 =	vadd.s32 v3, v19;
	v11 =	vld [tilespmem:$0x1ED40]  }
0x4f7: {  	v10 =	vadd.s32 v3, v20;
	v17 =	vld [tilespmem:$0x1ED50];
	_ =	sdelay $0x3  }
0x4f8: {  	[tilespmem:v9+s9+$0x0] =	vst.idx.add.f32.msk vm9, v11  }
0x4f9: {  	[tilespmem:v10+s9+$0x0] =	vst.idx.add.f32.msk vm9, v17  }
0x4fa: {  	v6 =	vadd.s32 v3, v53;
	v17 =	vld [tilespmem:$0x1ED60]  }
0x4fb: {  	v5 =	vadd.s32 v3, v5;
	v20 =	vld [tilespmem:$0x1ED70];
	_ =	sdelay $0x2  }
0x4fc: {  	v38 =	vimm.s32 $0x0  }
0x4fd: {  	v21 =	vperm.xlane v4, v38;
	[tilespmem:v6+s9+$0x0] =	vst.idx.add.f32.msk vm10, v17  }
0x4fe: {  	[tilespmem:v5+s9+$0x0] =	vst.idx.add.f32.msk vm10, v20  }
0x4ff: {  	v8 =	vadd.s32 v3, v21;
	v20 =	vld [tilespmem:$0x1ED80];
	_ =	sdelay $0x3  }
0x500: {  	v45 =	vperm.xlane v4, v32;
	v18 =	vperm.xlane v4, v61  }
0x501: {  	vm6 =	vne.s32 v7, $0x0;
	[tilespmem:v8+s9+$0x0] =	vst.idx.add.f32.msk vm10, v20  }
0x502: {  	v9 =	vadd.s32 v3, v45;
	v8 =	vadd.s32 v3, v18;
	v18 =	vld [tilespmem:$0x1ED90];
	_ =	sdelay $0x3  }
0x503: {  	v12 =	vperm.xlane v4, v57  }
0x504: {  	[tilespmem:v9+s9+$0x0] =	vst.idx.add.f32.msk vm6, v18  }
0x505: {  	v10 =	vadd.s32 v3, v60;
	v9 =	vadd.s32 v3, v12;
	v12 =	vld [tilespmem:$0x1EDA0];
	_ =	sdelay $0x1  }
0x506: {  	v19 =	vimm.s32 $0xC  }
0x507: {  	v7 =	vperm.xlane v2, v19  }
0x508: {  	v26 =	vperm.xlane v4, v42  }
0x509: {  	v7 =	vand.u32 v0, v7;
	[tilespmem:v10+s9+$0x0] =	vst.idx.add.f32.msk vm6, v12  }
0x50a: {  	v6 =	vadd.s32 v3, v26;
	v17 =	vimm.s32 $0xD;
	v10 =	vadd.s32 v3, v13;
	v13 =	vld [tilespmem:$0x1EDB0]  }
0x50b: {  	vm7 =	vne.s32 v7, $0x0;
	v7 =	vperm.xlane v2, v17;
	_ =	sdelay $0x1  }
0x50c: {  	v7 =	vand.u32 v0, v7;
	v18 =	vimm.s32 $0xE  }
0x50d: {  	v22 =	vperm.xlane v4, v52;
	vm8 =	vne.s32 v7, $0x0;
	v7 =	vperm.xlane v2, v18  }
0x50e: {  	[tilespmem:v6+s9+$0x0] =	vst.idx.add.f32.msk vm6, v13  }
0x50f: {  	v5 =	vadd.s32 v3, v22;
	v7 =	vand.u32 v0, v7;
	v13 =	vld [tilespmem:$0x1EDC0]  }
0x510: {  	vm6 =	vne.s32 v7, $0x0;
	v7 =	vld [tilespmem:$0x1EDD0];
	_ =	sdelay $0x3  }
0x511: {  	v11 =	vperm.xlane v4, v24;
	[tilespmem:v5+s9+$0x0] =	vst.idx.add.f32.msk vm7, v13  }
0x512: {  	[tilespmem:v8+s9+$0x0] =	vst.idx.add.f32.msk vm7, v7  }
0x513: {  	v7 =	vadd.s32 v3, v11;
	v11 =	vld [tilespmem:$0x1EDE0];
	_ =	sdelay $0x4  }
0x514: {  	[tilespmem:v9+s9+$0x0] =	vst.idx.add.f32.msk vm7, v11  }
0x515: {  	v11 =	vld [tilespmem:$0x1EDF0];
	_ =	sdelay $0x3  }
0x516: {  	v14 =	vperm.xlane v4, v25  }
0x517: {  	[tilespmem:v10+s9+$0x0] =	vst.idx.add.f32.msk vm8, v11  }
0x518: {  	v6 =	vadd.s32 v3, v14;
	v11 =	vld [tilespmem:$0x1EE00];
	_ =	sdelay $0x3  }
0x519: {  	v15 =	vperm.xlane v4, v23;
	v8 =	vperm.xlane v4, v17  }
0x51a: {  	[tilespmem:v6+s9+$0x0] =	vst.idx.add.f32.msk vm8, v11  }
0x51b: {  	v5 =	vadd.s32 v3, v15;
	v6 =	vadd.s32 v3, v8;
	v8 =	vld [tilespmem:$0x1EE10]  }
0x51c: {  	v38 =	vimm.s32 $0x8;
	v41 =	vimm.s32 $0x9;
	v50 =	vimm.s32 $0xE  }
0x51d: {  	v61 =	vimm.s32 $0xC;
	v31 =	vimm.s32 $0xD;
	v29 =	vimm.s32 $0xF  }
0x51e: {  	v16 =	vperm.xlane v4, v16;
	v21 =	vperm.xlane v1, v31;
	v13 =	vimm.s32 $0xF  }
0x51f: {  	v33 =	vimm.s32 $0xB;
	v24 =	vperm.xlane v1, v29;
	v2 =	vperm.xlane v2, v13  }
0x520: {  	v39 =	vimm.s32 $0xA;
	v22 =	vperm.xlane v1, v50;
	v12 =	vperm.xlane v4, v19;
	[tilespmem:v5+s9+$0x0] =	vst.idx.add.f32.msk vm8, v8  }
0x521: {  	v19 =	vperm.xlane v1, v61;
	v14 =	vperm.xlane v1, v38;
	v2 =	vand.u32 v0, v2;
	v8 =	vld [tilespmem:$0x1EE20]  }
0x522: {  	v17 =	vperm.xlane v1, v39;
	v9 =	vadd.s32 v3, v16;
	vm7 =	vne.s32 v2, $0x0  }
0x523: {  	v2 =	vperm.xlane v4, v18;
	v4 =	vperm.xlane v4, v13;
	v10 =	vadd.s32 v3, v12  }
0x524: {  	v47 =	vimm.s32 $0x7;
	v16 =	vperm.xlane v1, v41;
	v18 =	vperm.xlane v1, v33  }
0x525: {  	v2 =	vadd.s32 v3, v2;
	v4 =	vadd.s32 v3, v4;
	v5 =	vperm.xlane v58, v33  }
0x526: {  	v28 =	vimm.s32 $0x4;
	v12 =	vperm.xlane v1, v57;
	[tilespmem:v7+s9+$0x0] =	vst.idx.add.f32.msk vm6, v8;
	v7 =	vperm.xlane v58, v61  }
0x527: {  	v23 =	vimm.s32 $0x0;
	v11 =	vperm.xlane v1, v28;
	[tilespmem:v9+s9+$0x0] =	vst.idx.add.f32.msk vm6, v5;
	v5 =	vperm.xlane v58, v31  }
0x528: {  	v27 =	vimm.s32 $0x2;
	v8 =	vperm.xlane v1, v23;
	[tilespmem:v10+s9+$0x0] =	vst.idx.add.f32.msk vm6, v7;
	v7 =	vperm.xlane v58, v50  }
0x529: {  	v25 =	vimm.s32 $0x3;
	v9 =	vperm.xlane v1, v32;
	[tilespmem:v6+s9+$0x0] =	vst.idx.add.f32.msk vm7, v5;
	v5 =	vperm.xlane v58, v29  }
0x52a: {  	v10 =	vperm.xlane v1, v27;
	v6 =	vperm.xlane v1, v25;
	[tilespmem:v2+s9+$0x0] =	vst.idx.add.f32.msk vm7, v7;
	v7 =	vimm.s32 $0x5  }
0x52b: {  	v2 =	vperm.xlane v1, v7;
	[tilespmem:v4+s9+$0x0] =	vst.idx.add.f32.msk vm7, v5;
	v4 =	vperm.xlane v1, v47;
	v1 =	vimm.s32 $0x1  }
0x52c: {  	v26 =	vperm.xlane v56, v1;
	v1 =	vperm.xlane v55, v1  }
0x52d: {  	v5 =	vimm.s32 $0x2  }
0x52e: {  	[tilespmem:$0x1EE90] =	vst v1;
	v1 =	vperm.xlane v55, v5  }
0x52f: {  	v13 =	vand.u32 v0, v8;
	v8 =	vimm.s32 $0x3  }
0x530: {  	[tilespmem:$0x1EEA0] =	vst v1;
	v1 =	vperm.xlane v55, v8  }
0x531: {  	v44 =	vand.u32 v0, v2;
	v2 =	vimm.s32 $0x4  }
0x532: {  	[tilespmem:$0x1EEB0] =	vst v1;
	v1 =	vperm.xlane v55, v2  }
0x533: {  	v60 =	vperm.xlane v56, v25;
	v25 =	vperm.xlane v56, v7;
	v7 =	vimm.s32 $0x5  }
0x534: {  	[tilespmem:$0x1EEC0] =	vst v1;
	v1 =	vperm.xlane v55, v7;
	_ =	sdelay $0x1  }
0x535: {  	v58 =	vimm.s32 $0x0;
	[tilespmem:$0x1EED0] =	vst v1;
	v1 =	vperm.xlane v55, v57  }
0x536: {  	v45 =	vand.u32 v0, v4;
	v4 =	vperm.xlane v55, v58  }
0x537: {  	[tilespmem:$0x1EEE0] =	vst v1;
	v1 =	vperm.xlane v55, v47  }
0x538: {  	[tilespmem:$0x1EE80] =	vst v4;
	v4 =	vld [tilespmem:$0x1F490]  }
0x539: {  	[tilespmem:$0x1EEF0] =	vst v1;
	v1 =	vperm.xlane v55, v38;
	_ =	sdelay $0x1  }
0x53a: {  	[tilespmem:$0x1EF00] =	vst v1;
	v1 =	vld [tilespmem:$0x1F2A0];
	_ =	sdelay $0x4  }
0x53b: {  	[tilespmem:v4+s9+$0x0] =	vst.idx.add.f32.msk vm5, v1;
	v1 =	vperm.xlane v55, v41  }
0x53c: {  	v4 =	vld [tilespmem:$0x1F4B0]  }
0x53d: {  	[tilespmem:$0x1EF10] =	vst v1;
	v1 =	vperm.xlane v55, v39;
	_ =	sdelay $0x1  }
0x53e: {  	[tilespmem:$0x1EF20] =	vst v1;
	v1 =	vld [tilespmem:$0x1F2B0];
	_ =	sdelay $0x4  }
0x53f: {  	[tilespmem:v4+s9+$0x0] =	vst.idx.add.f32.msk vm4, v1;
	v1 =	vperm.xlane v55, v33  }
0x540: {  	v4 =	vld [tilespmem:$0x1F4D0]  }
0x541: {  	[tilespmem:$0x1EF30] =	vst v1;
	v1 =	vperm.xlane v55, v61;
	_ =	sdelay $0x1  }
0x542: {  	[tilespmem:$0x1EF40] =	vst v1;
	v1 =	vld [tilespmem:$0x1F2C0];
	_ =	sdelay $0x4  }
0x543: {  	[tilespmem:v4+s9+$0x0] =	vst.idx.add.f32.msk vm4, v1  }
0x544: {  	v4 =	vld [tilespmem:$0x1F4F0]  }
0x545: {  	v1 =	vperm.xlane v55, v50;
	_ =	sdelay $0x1  }
0x546: {  	[tilespmem:$0x1EF50] =	vst v1;
	v1 =	vld [tilespmem:$0x1F2E0];
	_ =	sdelay $0x4  }
0x547: {  	[tilespmem:v4+s9+$0x0] =	vst.idx.add.f32.msk vm4, v1  }
0x548: {  	v4 =	vld [tilespmem:$0x1F510]  }
0x549: {  	v48 =	vperm.xlane v56, v50;
	v1 =	vperm.xlane v54, v58  }
0x54a: {  	v42 =	vperm.xlane v56, v61;
	v43 =	vperm.xlane v56, v31  }
0x54b: {  	v30 =	vperm.xlane v56, v47;
	v51 =	vperm.xlane v56, v29;
	[tilespmem:$0x1EF60] =	vst v1;
	v1 =	vld [tilespmem:$0x1F2F0]  }
0x54c: {  	v34 =	vperm.xlane v56, v41;
	v36 =	vperm.xlane v56, v39  }
0x54d: {  	v37 =	vperm.xlane v56, v33;
	v23 =	vperm.xlane v56, v23  }
0x54e: {  	v32 =	vperm.xlane v56, v38;
	v27 =	vperm.xlane v56, v27;
	v15 =	vand.u32 v0, v9  }
0x54f: {  	v9 =	vperm.xlane v56, v28;
	v28 =	vperm.xlane v56, v57;
	v56 =	vimm.s32 $0x1  }
0x550: {  	[tilespmem:v4+s9+$0x0] =	vst.idx.add.f32.msk vm3, v1;
	v1 =	vperm.xlane v54, v56  }
0x551: {  	v4 =	vld [tilespmem:$0x1F530]  }
0x552: {  	[tilespmem:$0x1EF70] =	vst v1;
	v1 =	vperm.xlane v54, v5;
	_ =	sdelay $0x1  }
0x553: {  	[tilespmem:$0x1EF80] =	vst v1;
	v1 =	vld [tilespmem:$0x1F310];
	_ =	sdelay $0x4  }
0x554: {  	[tilespmem:v4+s9+$0x0] =	vst.idx.add.f32.msk vm3, v1;
	v1 =	vperm.xlane v54, v8  }
0x555: {  	v4 =	vld [tilespmem:$0x1F550]  }
0x556: {  	[tilespmem:$0x1EF90] =	vst v1;
	v1 =	vperm.xlane v54, v2;
	_ =	sdelay $0x1  }
0x557: {  	[tilespmem:$0x1EFA0] =	vst v1;
	v1 =	vld [tilespmem:$0x1F320];
	_ =	sdelay $0x4  }
0x558: {  	[tilespmem:v4+s9+$0x0] =	vst.idx.add.f32.msk vm3, v1;
	v1 =	vperm.xlane v54, v7  }
0x559: {  	v4 =	vld [tilespmem:$0x1F570]  }
0x55a: {  	[tilespmem:$0x1EFB0] =	vst v1;
	v1 =	vperm.xlane v54, v57;
	_ =	sdelay $0x1  }
0x55b: {  	[tilespmem:$0x1EFC0] =	vst v1;
	v1 =	vld [tilespmem:$0x1F340];
	_ =	sdelay $0x4  }
0x55c: {  	[tilespmem:v4+s9+$0x0] =	vst.idx.add.f32.msk vm2, v1;
	v1 =	vperm.xlane v54, v47  }
0x55d: {  	v4 =	vld [tilespmem:$0x1F590]  }
0x55e: {  	[tilespmem:$0x1EFD0] =	vst v1;
	v1 =	vperm.xlane v54, v38;
	_ =	sdelay $0x1  }
0x55f: {  	[tilespmem:$0x1EFE0] =	vst v1;
	v1 =	vld [tilespmem:$0x1F350];
	_ =	sdelay $0x4  }
0x560: {  	[tilespmem:v4+s9+$0x0] =	vst.idx.add.f32.msk vm2, v1;
	v1 =	vperm.xlane v54, v41  }
0x561: {  	v4 =	vld [tilespmem:$0x1EE30]  }
0x562: {  	[tilespmem:$0x1EFF0] =	vst v1;
	v1 =	vperm.xlane v54, v39;
	_ =	sdelay $0x1  }
0x563: {  	[tilespmem:$0x1F000] =	vst v1;
	v1 =	vld [tilespmem:$0x1F370];
	_ =	sdelay $0x4  }
0x564: {  	[tilespmem:v4+s9+$0x0] =	vst.idx.add.f32.msk vm2, v1;
	v1 =	vperm.xlane v54, v33  }
0x565: {  	v20 =	vand.u32 v0, v6;
	v6 =	vld [tilespmem:$0x1F5C0]  }
0x566: {  	[tilespmem:$0x1F010] =	vst v1;
	v1 =	vperm.xlane v54, v61;
	_ =	sdelay $0x1  }
0x567: {  	[tilespmem:$0x1F020] =	vst v1;
	v1 =	vld [tilespmem:$0x1F380];
	_ =	sdelay $0x4  }
0x568: {  	[tilespmem:v6+s9+$0x0] =	vst.idx.add.f32.msk vm1, v1;
	v1 =	vperm.xlane v54, v31  }
0x569: {  	v6 =	vld [tilespmem:$0x1F5E0]  }
0x56a: {  	[tilespmem:$0x1F030] =	vst v1;
	v1 =	vperm.xlane v54, v50;
	_ =	sdelay $0x1  }
0x56b: {  	[tilespmem:$0x1F040] =	vst v1;
	v1 =	vld [tilespmem:$0x1F3A0];
	_ =	sdelay $0x4  }
0x56c: {  	[tilespmem:v6+s9+$0x0] =	vst.idx.add.f32.msk vm1, v1  }
0x56d: {  	v6 =	vld [tilespmem:$0x1F5F0]  }
0x56e: {  	v1 =	vperm.xlane v54, v29;
	_ =	sdelay $0x1  }
0x56f: {  	[tilespmem:$0x1F050] =	vst v1;
	v1 =	vld [tilespmem:$0x1F3B0];
	_ =	sdelay $0x4  }
0x570: {  	[tilespmem:v6+s9+$0x0] =	vst.idx.add.f32.msk vm1, v1  }
0x571: {  	v6 =	vld [tilespmem:$0x1F600];
	_ =	sdelay $0x2  }
0x572: {  	v1 =	vld [tilespmem:$0x1F3D0];
	_ =	sdelay $0x4  }
0x573: {  	[tilespmem:v6+s9+$0x0] =	vst.idx.add.f32.msk vm0, v1  }
0x574: {  	v6 =	vld [tilespmem:$0x1EE50];
	_ =	sdelay $0x2  }
0x575: {  	v1 =	vld [tilespmem:$0x1EE40];
	_ =	sdelay $0x4  }
0x576: {  	[tilespmem:v6+s9+$0x0] =	vst.idx.add.f32.msk vm0, v1  }
0x577: {  	v1 =	vld [tilespmem:$0x1EE60];
	_ =	sdelay $0x2  }
0x578: {  	v6 =	vld [tilespmem:$0x1EE70];
	_ =	sdelay $0x4  }
0x579: {  	[tilespmem:v1+s9+$0x0] =	vst.idx.add.f32.msk vm0, v6;
	v1 =	vadd.s32 v3, v27;
	v27 =	vperm.xlane v40, v33;
	_ =	sdelay $0x1  }
0x57a: {  	[tilespmem:$0x1F220] =	vst v27;
	v27 =	vperm.xlane v40, v61;
	_ =	sdelay $0x1  }
0x57b: {  	[tilespmem:$0x1F230] =	vst v27;
	v27 =	vperm.xlane v40, v31;
	_ =	sdelay $0x1  }
0x57c: {  	[tilespmem:$0x1F240] =	vst v27;
	v27 =	vperm.xlane v40, v50;
	_ =	sdelay $0x1  }
0x57d: {  	[tilespmem:$0x1F260] =	vst v27;
	v27 =	vperm.xlane v40, v29;
	_ =	sdelay $0x1  }
0x57e: {  	[tilespmem:$0x1F270] =	vst v27;
	v27 =	vperm.xlane v35, v58;
	_ =	sdelay $0x1  }
0x57f: {  	[tilespmem:$0x1F2A0] =	vst v27;
	v27 =	vperm.xlane v35, v56;
	_ =	sdelay $0x1  }
0x580: {  	[tilespmem:$0x1F2B0] =	vst v27;
	v27 =	vperm.xlane v35, v5  }
0x581: {  	v59 =	vperm.xlane v49, v5  }
0x582: {  	v53 =	vperm.xlane v40, v5;
	v5 =	vld [tilespmem:$0x1EE80];
	[tilespmem:$0x1F2C0] =	vst v27;
	v27 =	vperm.xlane v35, v8  }
0x583: {  	v63 =	vand.u32 v0, v24;
	v22 =	vand.u32 v0, v22;
	vm8 =	vne.s32 v45, $0x0  }
0x584: {  	v45 =	vperm.xlane v49, v2;
	v52 =	vadd.s32 v3, v26;
	[tilespmem:$0x1F2E0] =	vst v27;
	v27 =	vperm.xlane v35, v2  }
0x585: {  	v26 =	vadd.s32 v3, v32;
	v32 =	vperm.xlane v40, v41;
	vm1 =	vne.s32 v22, $0x0  }
0x586: {  	v22 =	vperm.xlane v40, v2;
	vm0 =	vne.s32 v63, $0x0;
	[tilespmem:$0x1F2F0] =	vst v27;
	v27 =	vperm.xlane v35, v7  }
0x587: {  	v63 =	vadd.s32 v3, v23;
	v23 =	vperm.xlane v40, v57;
	v2 =	vmovc v32;
	v32 =	vadd.s32 v3, v5;
	v5 =	vld [tilespmem:$0x1EE90]  }
0x588: {  	[tilespmem:$0x1F310] =	vst v27;
	v27 =	vperm.xlane v35, v57  }
0x589: {  	[tilespmem:$0x1F1B0] =	vst v23;
	v23 =	vperm.xlane v40, v47  }
0x58a: {  	v16 =	vand.u32 v0, v16;
	[tilespmem:$0x1F320] =	vst v27;
	v27 =	vperm.xlane v35, v47  }
0x58b: {  	vm7 =	vne.s32 v16, $0x0;
	v16 =	vperm.xlane v49, v38;
	[tilespmem:$0x1F1D0] =	vst v23  }
0x58c: {  	v23 =	vperm.xlane v40, v38;
	[tilespmem:$0x1F340] =	vst v27;
	v27 =	vperm.xlane v35, v38;
	v38 =	vadd.s32 v3, v5;
	v5 =	vld [tilespmem:$0x1EEA0];
	_ =	sdelay $0x1  }
0x58d: {  	v12 =	vand.u32 v0, v12  }
0x58e: {  	vm9 =	vne.s32 v12, $0x0;
	[tilespmem:$0x1F350] =	vst v27;
	v27 =	vperm.xlane v35, v41  }
0x58f: {  	v12 =	vperm.xlane v49, v39;
	vm12 =	vne.s32 v20, $0x0;
	v20 =	vadd.s32 v3, v25  }
0x590: {  	v25 =	vperm.xlane v40, v39;
	[tilespmem:$0x1F370] =	vst v27;
	v27 =	vperm.xlane v35, v39;
	v39 =	vadd.s32 v3, v5;
	v5 =	vld [tilespmem:$0x1EEB0];
	_ =	sdelay $0x4  }
0x591: {  	[tilespmem:$0x1F1A0] =	vst v22;
	v22 =	vadd.s32 v3, v30;
	v30 =	vadd.s32 v3, v42;
	v42 =	vadd.s32 v3, v5;
	v5 =	vld [tilespmem:$0x1EEC0];
	_ =	sdelay $0x2  }
0x592: {  	v21 =	vand.u32 v0, v21  }
0x593: {  	vm2 =	vne.s32 v21, $0x0;
	v21 =	vadd.s32 v3, v28  }
0x594: {  	v28 =	vadd.s32 v3, v37;
	v37 =	vadd.s32 v3, v51;
	v51 =	vadd.s32 v3, v5;
	v5 =	vld [tilespmem:$0x1EED0];
	_ =	sdelay $0x4  }
0x595: {  	[tilespmem:$0x1F210] =	vst v25;
	v25 =	vadd.s32 v3, v36;
	v36 =	vadd.s32 v3, v48;
	v48 =	vadd.s32 v3, v5;
	v5 =	vld [tilespmem:$0x1EEE0];
	_ =	sdelay $0x2  }
0x596: {  	v6 =	vadd.s32 v3, v9;
	v9 =	vperm.xlane v40, v56  }
0x597: {  	v4 =	vperm.xlane v49, v8  }
0x598: {  	[tilespmem:$0x1F190] =	vst v9;
	v9 =	vperm.xlane v40, v8;
	v8 =	vmov v53;
	v53 =	vadd.s32 v3, v5;
	v5 =	vld [tilespmem:$0x1EEF0];
	_ =	sdelay $0x3  }
0x599: {  	v17 =	vand.u32 v0, v17  }
0x59a: {  	vm5 =	vne.s32 v17, $0x0;
	v17 =	vperm.xlane v49, v47;
	v47 =	vadd.s32 v3, v5;
	v5 =	vld [tilespmem:$0x1EF00];
	_ =	sdelay $0x4  }
0x59b: {  	[tilespmem:$0x1F1F0] =	vst v23;
	v23 =	vadd.s32 v3, v34;
	v34 =	vadd.s32 v3, v43;
	v43 =	vadd.s32 v3, v5;
	v5 =	vld [tilespmem:$0x1EF10];
	_ =	sdelay $0x3  }
0x59c: {  	v14 =	vand.u32 v0, v14  }
0x59d: {  	vm6 =	vne.s32 v14, $0x0;
	v14 =	vperm.xlane v49, v41;
	v41 =	vadd.s32 v3, v5;
	v5 =	vld [tilespmem:$0x1EF20];
	_ =	sdelay $0x3  }
0x59e: {  	vm15 =	vne.s32 v13, $0x0  }
0x59f: {  	v13 =	vperm.xlane v49, v33;
	[tilespmem:$0x1F380] =	vst v27;
	v27 =	vperm.xlane v35, v33;
	v33 =	vadd.s32 v3, v5;
	v5 =	vld [tilespmem:$0x1EF30];
	_ =	sdelay $0x2  }
0x5a0: {  	v10 =	vand.u32 v0, v10;
	[tilespmem:$0x1F3A0] =	vst v27;
	v27 =	vperm.xlane v35, v61  }
0x5a1: {  	v24 =	vperm.xlane v55, v31;
	vm13 =	vne.s32 v10, $0x0  }
0x5a2: {  	v10 =	vperm.xlane v49, v31;
	[tilespmem:$0x1F3B0] =	vst v27;
	v27 =	vperm.xlane v35, v31;
	v31 =	vadd.s32 v3, v5;
	v5 =	vld [tilespmem:$0x1EF40];
	_ =	sdelay $0x2  }
0x5a3: {  	v62 =	vand.u32 v0, v18  }
0x5a4: {  	v18 =	vperm.xlane v55, v29;
	vm14 =	vne.s32 v15, $0x0;
	v15 =	vperm.xlane v49, v57  }
0x5a5: {  	v55 =	vperm.xlane v49, v29;
	v57 =	vperm.xlane v35, v29;
	v29 =	vadd.s32 v3, v5;
	v5 =	vld [tilespmem:$0x1EF50];
	_ =	sdelay $0x3  }
0x5a6: {  	v19 =	vand.u32 v0, v19;
	v11 =	vand.u32 v0, v11  }
0x5a7: {  	vm11 =	vne.s32 v11, $0x0;
	[tilespmem:$0x1F3D0] =	vst v27;
	v27 =	vadd.s32 v3, v24;
	v24 =	vadd.s32 v3, v5;
	v5 =	vld [tilespmem:$0x1EF60]  }
0x5a8: {  	v11 =	vperm.xlane v49, v61;
	v46 =	vperm.xlane v49, v58;
	vm10 =	vne.s32 v44, $0x0  }
0x5a9: {  	v44 =	vperm.xlane v49, v56;
	vm4 =	vne.s32 v62, $0x0;
	v62 =	vperm.xlane v49, v50  }
0x5aa: {  	vm3 =	vne.s32 v19, $0x0;
	v19 =	vperm.xlane v49, v7;
	v49 =	vperm.xlane v40, v7;
	_ =	sdelay $0x1  }
0x5ab: {  	v7 =	vmov v49;
	v49 =	vperm.xlane v35, v50;
	v50 =	vadd.s32 v3, v5;
	v5 =	vld [tilespmem:$0x1EF70];
	_ =	sdelay $0x4  }
0x5ac: {  	v56 =	vadd.s32 v3, v5;
	v5 =	vld [tilespmem:$0x1EF80];
	_ =	sdelay $0x4  }
0x5ad: {  	v54 =	vadd.s32 v3, v60;
	v60 =	vperm.xlane v40, v58;
	v58 =	vadd.s32 v3, v5;
	v5 =	vld [tilespmem:$0x1EF90];
	_ =	sdelay $0x4  }
0x5ae: {  	v61 =	vadd.s32 v3, v5;
	v5 =	vld [tilespmem:$0x1EFA0];
	_ =	sdelay $0x4  }
0x5af: {  	v40 =	vadd.s32 v3, v5;
	v5 =	vld [tilespmem:$0x1EFB0];
	_ =	sdelay $0x4  }
0x5b0: {  	[tilespmem:$0x1F490] =	vst v50;
	v50 =	vadd.s32 v3, v5;
	v5 =	vld [tilespmem:$0x1EFC0];
	_ =	sdelay $0x3  }
0x5b1: {  	[tilespmem:v63+s9+$0x0] =	vst.idx.add.f32.msk vm15, v46  }
0x5b2: {  	[tilespmem:$0x1F4B0] =	vst v56;
	v56 =	vadd.s32 v3, v5;
	v5 =	vld [tilespmem:$0x1EFD0]  }
0x5b3: {  	v63 =	vld [tilespmem:$0x1F050]  }
0x5b4: {  	[tilespmem:v52+s9+$0x0] =	vst.idx.add.f32.msk vm15, v44  }
0x5b5: {  	[tilespmem:v1+s9+$0x0] =	vst.idx.add.f32.msk vm15, v59  }
0x5b6: {  	[tilespmem:v54+s9+$0x0] =	vst.idx.add.f32.msk vm14, v4  }
0x5b7: {  	[tilespmem:$0x1F4D0] =	vst v58;
	v58 =	vadd.s32 v3, v5;
	v5 =	vld [tilespmem:$0x1EFE0]  }
0x5b8: {  	[tilespmem:$0x1F510] =	vst v40;
	v40 =	vld [tilespmem:$0x1F000]  }
0x5b9: {  	[tilespmem:$0x1F530] =	vst v50;
	v50 =	vld [tilespmem:$0x1F010]  }
0x5ba: {  	[tilespmem:$0x1F550] =	vst v56;
	v56 =	vld [tilespmem:$0x1F020]  }
0x5bb: {  	[tilespmem:$0x1F570] =	vst v58;
	v58 =	vld [tilespmem:$0x1F030]  }
0x5bc: {  	s20 =	sadd.s32 $0x2, s20;
	[tilespmem:$0x1F4F0] =	vst v61;
	v61 =	vadd.s32 v3, v5;
	v5 =	vld [tilespmem:$0x1EFF0]  }
0x5bd: {  	p1 =	slt.u32 s20, $0x1E;
	[tilespmem:$0x1F590] =	vst v61;
	v61 =	vld [tilespmem:$0x1F040]  }
.Ltmp2:
0x5be: {  	[tilespmem:v6+s9+$0x0] =	vst.idx.add.f32.msk vm14, v45;
	v35 =	vadd.s32 v3, v40;
	(pc) =	sbr.rel @p1 .LBB2_7-.Ltmp2, $4  }
0x5bf: {  	[tilespmem:$0x1F5C0] =	vst v35;
	v35 =	vadd.s32 v3, v50  }
0x5c0: {  	[tilespmem:$0x1F5E0] =	vst v35;
	v35 =	vadd.s32 v3, v56  }
0x5c1: {  	v18 =	vadd.s32 v3, v18;
	[tilespmem:$0x1F5F0] =	vst v35;
	v35 =	vadd.s32 v3, v58  }
0x5c2: {  	s21 =	sadd.s32 $0x60, s21;
	[tilespmem:$0x1F600] =	vst v35;
	v35 =	vadd.s32 v3, v63;
	v5 =	vadd.s32 v3, v5;
	v40 =	vadd.s32 v3, v61  }
0x5c3: {  	_ =	sdelay $0x4  }
0x5c4: {  	[tilespmem:v20+s9+$0x0] =	vst.idx.add.f32.msk vm14, v19  }
0x5c5: {  	[tilespmem:v21+s9+$0x0] =	vst.idx.add.f32.msk vm13, v15  }
0x5c6: {  	[tilespmem:v22+s9+$0x0] =	vst.idx.add.f32.msk vm13, v17  }
0x5c7: {  	[tilespmem:v26+s9+$0x0] =	vst.idx.add.f32.msk vm13, v16  }
0x5c8: {  	[tilespmem:v23+s9+$0x0] =	vst.idx.add.f32.msk vm12, v14  }
0x5c9: {  	[tilespmem:v25+s9+$0x0] =	vst.idx.add.f32.msk vm12, v12  }
0x5ca: {  	[tilespmem:v28+s9+$0x0] =	vst.idx.add.f32.msk vm12, v13  }
0x5cb: {  	[tilespmem:v30+s9+$0x0] =	vst.idx.add.f32.msk vm11, v11  }
0x5cc: {  	[tilespmem:v34+s9+$0x0] =	vst.idx.add.f32.msk vm11, v10  }
0x5cd: {  	[tilespmem:v36+s9+$0x0] =	vst.idx.add.f32.msk vm11, v62  }
0x5ce: {  	[tilespmem:v37+s9+$0x0] =	vst.idx.add.f32.msk vm10, v55  }
0x5cf: {  	[tilespmem:v32+s9+$0x0] =	vst.idx.add.f32.msk vm10, v60  }
0x5d0: {  	v1 =	vld [tilespmem:$0x1F190];
	_ =	sdelay $0x4  }
0x5d1: {  	[tilespmem:v38+s9+$0x0] =	vst.idx.add.f32.msk vm10, v1  }
0x5d2: {  	[tilespmem:v39+s9+$0x0] =	vst.idx.add.f32.msk vm9, v8  }
0x5d3: {  	[tilespmem:v42+s9+$0x0] =	vst.idx.add.f32.msk vm9, v9  }
0x5d4: {  	v1 =	vld [tilespmem:$0x1F1A0];
	_ =	sdelay $0x4  }
0x5d5: {  	[tilespmem:v51+s9+$0x0] =	vst.idx.add.f32.msk vm9, v1  }
0x5d6: {  	[tilespmem:v48+s9+$0x0] =	vst.idx.add.f32.msk vm8, v7  }
0x5d7: {  	v1 =	vld [tilespmem:$0x1F1B0];
	_ =	sdelay $0x4  }
0x5d8: {  	[tilespmem:v53+s9+$0x0] =	vst.idx.add.f32.msk vm8, v1  }
0x5d9: {  	v1 =	vld [tilespmem:$0x1F1D0];
	_ =	sdelay $0x4  }
0x5da: {  	[tilespmem:v47+s9+$0x0] =	vst.idx.add.f32.msk vm8, v1  }
0x5db: {  	v1 =	vld [tilespmem:$0x1F1F0];
	_ =	sdelay $0x4  }
0x5dc: {  	[tilespmem:v43+s9+$0x0] =	vst.idx.add.f32.msk vm6, v1  }
0x5dd: {  	[tilespmem:v41+s9+$0x0] =	vst.idx.add.f32.msk vm6, v2  }
0x5de: {  	v1 =	vld [tilespmem:$0x1F210];
	_ =	sdelay $0x4  }
0x5df: {  	[tilespmem:v33+s9+$0x0] =	vst.idx.add.f32.msk vm6, v1  }
0x5e0: {  	v1 =	vld [tilespmem:$0x1F220];
	_ =	sdelay $0x4  }
0x5e1: {  	[tilespmem:v31+s9+$0x0] =	vst.idx.add.f32.msk vm7, v1  }
0x5e2: {  	v1 =	vld [tilespmem:$0x1F230];
	_ =	sdelay $0x4  }
0x5e3: {  	[tilespmem:v29+s9+$0x0] =	vst.idx.add.f32.msk vm7, v1  }
0x5e4: {  	v1 =	vld [tilespmem:$0x1F240];
	_ =	sdelay $0x4  }
0x5e5: {  	[tilespmem:v27+s9+$0x0] =	vst.idx.add.f32.msk vm7, v1  }
0x5e6: {  	v1 =	vld [tilespmem:$0x1F260];
	_ =	sdelay $0x4  }
0x5e7: {  	[tilespmem:v24+s9+$0x0] =	vst.idx.add.f32.msk vm5, v1  }
0x5e8: {  	v1 =	vld [tilespmem:$0x1F270];
	_ =	sdelay $0x4  }
0x5e9: {  	[tilespmem:v18+s9+$0x0] =	vst.idx.add.f32.msk vm5, v1  }
0x5ea: {  	v2 =	vld [tilespmem:$0x1F490];
	_ =	sdelay $0x2  }
0x5eb: {  	v1 =	vld [tilespmem:$0x1F2A0];
	_ =	sdelay $0x4  }
0x5ec: {  	[tilespmem:v2+s9+$0x0] =	vst.idx.add.f32.msk vm5, v1  }
0x5ed: {  	v2 =	vld [tilespmem:$0x1F4B0];
	_ =	sdelay $0x2  }
0x5ee: {  	v1 =	vld [tilespmem:$0x1F2B0];
	_ =	sdelay $0x4  }
0x5ef: {  	[tilespmem:v2+s9+$0x0] =	vst.idx.add.f32.msk vm4, v1  }
0x5f0: {  	v2 =	vld [tilespmem:$0x1F4D0];
	_ =	sdelay $0x2  }
0x5f1: {  	v1 =	vld [tilespmem:$0x1F2C0];
	_ =	sdelay $0x4  }
0x5f2: {  	[tilespmem:v2+s9+$0x0] =	vst.idx.add.f32.msk vm4, v1  }
0x5f3: {  	v2 =	vld [tilespmem:$0x1F4F0];
	_ =	sdelay $0x2  }
0x5f4: {  	v1 =	vld [tilespmem:$0x1F2E0];
	_ =	sdelay $0x4  }
0x5f5: {  	[tilespmem:v2+s9+$0x0] =	vst.idx.add.f32.msk vm4, v1  }
0x5f6: {  	v2 =	vld [tilespmem:$0x1F510];
	_ =	sdelay $0x2  }
0x5f7: {  	v1 =	vld [tilespmem:$0x1F2F0];
	_ =	sdelay $0x4  }
0x5f8: {  	[tilespmem:v2+s9+$0x0] =	vst.idx.add.f32.msk vm3, v1  }
0x5f9: {  	v2 =	vld [tilespmem:$0x1F530];
	_ =	sdelay $0x2  }
0x5fa: {  	v1 =	vld [tilespmem:$0x1F310];
	_ =	sdelay $0x4  }
0x5fb: {  	[tilespmem:v2+s9+$0x0] =	vst.idx.add.f32.msk vm3, v1  }
0x5fc: {  	v2 =	vld [tilespmem:$0x1F550];
	_ =	sdelay $0x2  }
0x5fd: {  	v1 =	vld [tilespmem:$0x1F320];
	_ =	sdelay $0x4  }
0x5fe: {  	[tilespmem:v2+s9+$0x0] =	vst.idx.add.f32.msk vm3, v1  }
0x5ff: {  	v2 =	vld [tilespmem:$0x1F570];
	_ =	sdelay $0x2  }
0x600: {  	v1 =	vld [tilespmem:$0x1F340];
	_ =	sdelay $0x4  }
0x601: {  	[tilespmem:v2+s9+$0x0] =	vst.idx.add.f32.msk vm2, v1  }
0x602: {  	v2 =	vld [tilespmem:$0x1F590];
	_ =	sdelay $0x2  }
0x603: {  	v1 =	vld [tilespmem:$0x1F350];
	_ =	sdelay $0x4  }
0x604: {  	[tilespmem:v2+s9+$0x0] =	vst.idx.add.f32.msk vm2, v1  }
0x605: {  	v1 =	vld [tilespmem:$0x1F370];
	_ =	sdelay $0x4  }
0x606: {  	[tilespmem:v5+s9+$0x0] =	vst.idx.add.f32.msk vm2, v1  }
0x607: {  	v2 =	vld [tilespmem:$0x1F5C0];
	_ =	sdelay $0x2  }
0x608: {  	v1 =	vld [tilespmem:$0x1F380];
	_ =	sdelay $0x4  }
0x609: {  	[tilespmem:v2+s9+$0x0] =	vst.idx.add.f32.msk vm1, v1  }
0x60a: {  	v2 =	vld [tilespmem:$0x1F5E0];
	_ =	sdelay $0x2  }
0x60b: {  	v1 =	vld [tilespmem:$0x1F3A0];
	_ =	sdelay $0x4  }
0x60c: {  	[tilespmem:v2+s9+$0x0] =	vst.idx.add.f32.msk vm1, v1  }
0x60d: {  	v2 =	vld [tilespmem:$0x1F5F0];
	_ =	sdelay $0x2  }
0x60e: {  	v1 =	vld [tilespmem:$0x1F3B0];
	_ =	sdelay $0x4  }
0x60f: {  	[tilespmem:v2+s9+$0x0] =	vst.idx.add.f32.msk vm1, v1  }
0x610: {  	v2 =	vld [tilespmem:$0x1F600];
	_ =	sdelay $0x2  }
0x611: {  	v1 =	vld [tilespmem:$0x1F3D0];
	_ =	sdelay $0x2  }
.Ltmp3:
0x612: {  	_ = 	snop;
	(pc) =	sbr.rel @p0 .LBB2_9-.Ltmp3, $4  }
0x613: {  	_ = 	snop  }
0x614: {  	[tilespmem:v2+s9+$0x0] =	vst.idx.add.f32.msk vm0, v1  }
0x615: {  	[tilespmem:v40+s9+$0x0] =	vst.idx.add.f32.msk vm0, v49  }
0x616: {  	[tilespmem:v35+s9+$0x0] =	vst.idx.add.f32.msk vm0, v57  }
0x617: {  	s17 =	sadd.s32 $0x3, s17  }
0x618: {  	s18 =	sshll.u32 s17, $0x9  }
0x619: {  	s17 =	smul.u32 $0x600, s17;
	s18 =	sadd.s32 s30, s18  }
0x61a: {  	s18 =	sshrl.u32 s18, $0x3  }
0x61b: {  	s17 =	sadd.s32 s6, s17;
	s18 =	sadd.s32 s4, s18  }
0x61c: {  	[tilespmem:s0], [sflag:$0x2] =	stream.linear.gather [hbm4b:s18+s2], $0x200, $0x38;
	[tilespmem:$0x1E780] =	vst v63  }
.Ltmp4:
0x61d: {  	s17 =	sshrl.u32 s17, $0x3;
	(pc) =	sbr.rel .LBB2_4-.Ltmp4, $4  }
0x61e: {  	s21 =	sadd.s32 s3, s17  }
0x61f: {  	[tilespmem:s1], [sflag:$0x2] =	stream.linear.gather [hbm4b:s21+s2], $0x600, $0x38;
	[tilespmem:$0x1E780] =	vst v63  }
0x620: {  	s16 =	sadd.s32 $0x1, s16;
	s17 =	sadd.s32 s5, s17  }
0x621: {  	v4 =	vimm.s32 $0x0;
	[tilespmem:s7], [sflag:$0x2] =	stream.linear.gather [hbm4b:s17+s2], $0x600, $0x38;
	[tilespmem:$0x1E780] =	vst v63  }
.LBB2_9:
0x622: {  	s16 =	simm.s32 $0x0  }
0x623: {  	v4 =	vimm.s32 $0x0;
	s17 =	simm.s32 $0x40;
	v2 =	vimm.f32 $0.0e+00;
	v1 =	vld [tilespmem:s16+$0x1C00]  }
.LBB2_10:
0x624: {  	p0 =	sne.s32 s17, $0x6BC0  }
.Ltmp5:
0x625: {  	_ = 	snop;
	(pc) =	sbr.rel @p0 .LBB2_10-.Ltmp5, $3  }
0x626: {  	_ =	sdelay $0x1  }
0x627: {  	[tilespmem:s16+$0x1CC80] =	vst v1;
	s16 =	sshra.s32 s17, $0x2;
	s17 =	sadd.s32 $0x40, s17  }
0x628: {  	v1 =	vld [tilespmem:s16+$0x1C00]  }
0x629: {  	_ =	sdelay $0x3  }
0x62a: {  	s21 =	rddreg [dreg:$0x2];
	[tilespmem:s16+$0x1CC80] =	vst v1  }
0x62b: {  	[hbm4b:s21+s11] =	stream.strided.scatter [tilespmem:s13], [sflag:$0x3], $0x1B00, s12, s11, $0x38;
	[tilespmem:$0x1E780] =	vst v63  }
0x62c: {  	_ =	swait.ge [sflag:s14], $0x1B00  }
0x62d: {  	[sflag:s14] =	ssyncset.done $0x0  }
0x62e: {  	s16 =	simm.s32 $0x0;
	[sflag:s14] =	ssyncadd.s32 $0xFFFFE500  }
0x62f: {  	s17 =	simm.s32 $0x40;
	v1 =	vld [tilespmem:s16+$0x3701]  }
.LBB2_12:
0x630: {  	p0 =	sne.s32 s17, $0x6BC0  }
.Ltmp6:
0x631: {  	_ = 	snop;
	(pc) =	sbr.rel @p0 .LBB2_12-.Ltmp6, $3  }
0x632: {  	_ =	sdelay $0x1  }
0x633: {  	[tilespmem:s16+$0x1CC80] =	vst v1;
	s16 =	sshra.s32 s17, $0x2;
	s17 =	sadd.s32 $0x40, s17  }
0x634: {  	v1 =	vld [tilespmem:s16+$0x3701]  }
0x635: {  	_ =	sdelay $0x3  }
0x636: {  	s21 =	rddreg [dreg:$0x3];
	[tilespmem:s16+$0x1CC80] =	vst v1  }
0x637: {  	[hbm4b:s21+s11] =	stream.strided.scatter [tilespmem:s13], [sflag:$0x3], $0x1B00, s12, s11, $0x38;
	[tilespmem:$0x1E780] =	vst v63  }
0x638: {  	_ =	swait.ge [sflag:s14], $0x1B00  }
0x639: {  	[sflag:s14] =	ssyncset.done $0x0  }
0x63a: {  	s16 =	simm.s32 $0x0;
	[sflag:s14] =	ssyncadd.s32 $0xFFFFE500  }
0x63b: {  	s17 =	simm.s32 $0x40;
	v1 =	vld [tilespmem:s16+$0x5202]  }
.LBB2_14:
0x63c: {  	p0 =	sne.s32 s17, $0x6BC0  }
.Ltmp7:
0x63d: {  	_ = 	snop;
	(pc) =	sbr.rel @p0 .LBB2_14-.Ltmp7, $3  }
0x63e: {  	_ =	sdelay $0x1  }
0x63f: {  	[tilespmem:s16+$0x1CC80] =	vst v1;
	s16 =	sshra.s32 s17, $0x2;
	s17 =	sadd.s32 $0x40, s17  }
0x640: {  	v1 =	vld [tilespmem:s16+$0x5202]  }
0x641: {  	_ =	sdelay $0x3  }
0x642: {  	s21 =	rddreg [dreg:$0x4];
	[tilespmem:s16+$0x1CC80] =	vst v1  }
0x643: {  	[hbm4b:s21+s11] =	stream.strided.scatter [tilespmem:s13], [sflag:$0x3], $0x1B00, s12, s11, $0x38;
	[tilespmem:$0x1E780] =	vst v63  }
0x644: {  	_ =	swait.ge [sflag:s14], $0x1B00  }
0x645: {  	[sflag:s14] =	ssyncset.done $0x0  }
0x646: {  	s16 =	simm.s32 $0x0;
	[sflag:s14] =	ssyncadd.s32 $0xFFFFE500  }
0x647: {  	s17 =	simm.s32 $0x40;
	v1 =	vld [tilespmem:s16+$0x6D03]  }
.LBB2_16:
0x648: {  	p0 =	sne.s32 s17, $0x6BC0  }
.Ltmp8:
0x649: {  	_ = 	snop;
	(pc) =	sbr.rel @p0 .LBB2_16-.Ltmp8, $3  }
0x64a: {  	_ =	sdelay $0x1  }
0x64b: {  	[tilespmem:s16+$0x1CC80] =	vst v1;
	s16 =	sshra.s32 s17, $0x2;
	s17 =	sadd.s32 $0x40, s17  }
0x64c: {  	v1 =	vld [tilespmem:s16+$0x6D03]  }
0x64d: {  	_ =	sdelay $0x3  }
0x64e: {  	s21 =	rddreg [dreg:$0x5];
	[tilespmem:s16+$0x1CC80] =	vst v1  }
0x64f: {  	[hbm4b:s21+s11] =	stream.strided.scatter [tilespmem:s13], [sflag:$0x3], $0x1B00, s12, s11, $0x38;
	[tilespmem:$0x1E780] =	vst v63  }
0x650: {  	_ =	swait.ge [sflag:s14], $0x1B00  }
0x651: {  	[sflag:s14] =	ssyncset.done $0x0  }
0x652: {  	s16 =	simm.s32 $0x0;
	[sflag:s14] =	ssyncadd.s32 $0xFFFFE500  }
0x653: {  	s17 =	simm.s32 $0x40;
	v1 =	vld [tilespmem:s16+$0x8804]  }
.LBB2_18:
0x654: {  	p0 =	sne.s32 s17, $0x6BC0  }
.Ltmp9:
0x655: {  	_ = 	snop;
	(pc) =	sbr.rel @p0 .LBB2_18-.Ltmp9, $3  }
0x656: {  	_ =	sdelay $0x1  }
0x657: {  	[tilespmem:s16+$0x1CC80] =	vst v1;
	s16 =	sshra.s32 s17, $0x2;
	s17 =	sadd.s32 $0x40, s17  }
0x658: {  	v1 =	vld [tilespmem:s16+$0x8804]  }
0x659: {  	_ =	sdelay $0x3  }
0x65a: {  	s21 =	rddreg [dreg:$0x6];
	[tilespmem:s16+$0x1CC80] =	vst v1  }
0x65b: {  	[hbm4b:s21+s11] =	stream.strided.scatter [tilespmem:s13], [sflag:$0x3], $0x1B00, s12, s11, $0x38;
	[tilespmem:$0x1E780] =	vst v63  }
0x65c: {  	_ =	swait.ge [sflag:s14], $0x1B00  }
0x65d: {  	[sflag:s14] =	ssyncset.done $0x0  }
0x65e: {  	s16 =	simm.s32 $0x0;
	[sflag:s14] =	ssyncadd.s32 $0xFFFFE500  }
0x65f: {  	s17 =	simm.s32 $0x40;
	v1 =	vld [tilespmem:s16+$0xA305]  }
.LBB2_20:
0x660: {  	p0 =	sne.s32 s17, $0x6BC0  }
.Ltmp10:
0x661: {  	_ = 	snop;
	(pc) =	sbr.rel @p0 .LBB2_20-.Ltmp10, $3  }
0x662: {  	_ =	sdelay $0x1  }
0x663: {  	[tilespmem:s16+$0x1CC80] =	vst v1;
	s16 =	sshra.s32 s17, $0x2;
	s17 =	sadd.s32 $0x40, s17  }
0x664: {  	v1 =	vld [tilespmem:s16+$0xA305]  }
0x665: {  	_ =	sdelay $0x3  }
0x666: {  	s21 =	rddreg [dreg:$0x7];
	[tilespmem:s16+$0x1CC80] =	vst v1  }
0x667: {  	[hbm4b:s21+s11] =	stream.strided.scatter [tilespmem:s13], [sflag:$0x3], $0x1B00, s12, s11, $0x38;
	[tilespmem:$0x1E780] =	vst v63  }
0x668: {  	_ =	swait.ge [sflag:s14], $0x1B00  }
0x669: {  	[sflag:s14] =	ssyncset.done $0x0  }
0x66a: {  	s16 =	simm.s32 $0x0;
	[sflag:s14] =	ssyncadd.s32 $0xFFFFE500  }
0x66b: {  	s17 =	simm.s32 $0x40;
	v1 =	vld [tilespmem:s16+$0xBE06]  }
.LBB2_22:
0x66c: {  	p0 =	sne.s32 s17, $0x6BC0  }
.Ltmp11:
0x66d: {  	_ = 	snop;
	(pc) =	sbr.rel @p0 .LBB2_22-.Ltmp11, $3  }
0x66e: {  	_ =	sdelay $0x1  }
0x66f: {  	[tilespmem:s16+$0x1CC80] =	vst v1;
	s16 =	sshra.s32 s17, $0x2;
	s17 =	sadd.s32 $0x40, s17  }
0x670: {  	v1 =	vld [tilespmem:s16+$0xBE06]  }
0x671: {  	_ =	sdelay $0x3  }
0x672: {  	s21 =	rddreg [dreg:$0x8];
	[tilespmem:s16+$0x1CC80] =	vst v1  }
0x673: {  	[hbm4b:s21+s11] =	stream.strided.scatter [tilespmem:s13], [sflag:$0x3], $0x1B00, s12, s11, $0x38;
	[tilespmem:$0x1E780] =	vst v63  }
0x674: {  	_ =	swait.ge [sflag:s14], $0x1B00  }
0x675: {  	[sflag:s14] =	ssyncset.done $0x0  }
0x676: {  	s16 =	simm.s32 $0x0;
	[sflag:s14] =	ssyncadd.s32 $0xFFFFE500  }
0x677: {  	s17 =	simm.s32 $0x40;
	v1 =	vld [tilespmem:s16+$0xD907]  }
.LBB2_24:
0x678: {  	p0 =	sne.s32 s17, $0x6BC0  }
.Ltmp12:
0x679: {  	_ = 	snop;
	(pc) =	sbr.rel @p0 .LBB2_24-.Ltmp12, $3  }
0x67a: {  	_ =	sdelay $0x1  }
0x67b: {  	[tilespmem:s16+$0x1CC80] =	vst v1;
	s16 =	sshra.s32 s17, $0x2;
	s17 =	sadd.s32 $0x40, s17  }
0x67c: {  	v1 =	vld [tilespmem:s16+$0xD907]  }
0x67d: {  	_ =	sdelay $0x3  }
0x67e: {  	s21 =	rddreg [dreg:$0x9];
	[tilespmem:s16+$0x1CC80] =	vst v1  }
0x67f: {  	[hbm4b:s21+s11] =	stream.strided.scatter [tilespmem:s13], [sflag:$0x3], $0x1B00, s12, s11, $0x38;
	[tilespmem:$0x1E780] =	vst v63  }
0x680: {  	_ =	swait.ge [sflag:s14], $0x1B00  }
0x681: {  	[sflag:s14] =	ssyncset.done $0x0  }
0x682: {  	s16 =	simm.s32 $0x0;
	[sflag:s14] =	ssyncadd.s32 $0xFFFFE500  }
0x683: {  	s17 =	simm.s32 $0x40;
	v1 =	vld [tilespmem:s16+$0xF408]  }
.LBB2_26:
0x684: {  	p0 =	sne.s32 s17, $0x6BC0  }
.Ltmp13:
0x685: {  	_ = 	snop;
	(pc) =	sbr.rel @p0 .LBB2_26-.Ltmp13, $3  }
0x686: {  	_ =	sdelay $0x1  }
0x687: {  	[tilespmem:s16+$0x1CC80] =	vst v1;
	s16 =	sshra.s32 s17, $0x2;
	s17 =	sadd.s32 $0x40, s17  }
0x688: {  	v1 =	vld [tilespmem:s16+$0xF408]  }
0x689: {  	_ =	sdelay $0x3  }
0x68a: {  	s21 =	rddreg [dreg:$0xa];
	[tilespmem:s16+$0x1CC80] =	vst v1  }
0x68b: {  	[hbm4b:s21+s11] =	stream.strided.scatter [tilespmem:s13], [sflag:$0x3], $0x1B00, s12, s11, $0x38;
	[tilespmem:$0x1E780] =	vst v63  }
0x68c: {  	_ =	swait.ge [sflag:s14], $0x1B00  }
0x68d: {  	[sflag:s14] =	ssyncset.done $0x0  }
0x68e: {  	s16 =	simm.s32 $0x0;
	[sflag:s14] =	ssyncadd.s32 $0xFFFFE500  }
0x68f: {  	s17 =	simm.s32 $0x40;
	v1 =	vld [tilespmem:s16+$0x10F09]  }
.LBB2_28:
0x690: {  	p0 =	sne.s32 s17, $0x6BC0  }
.Ltmp14:
0x691: {  	_ = 	snop;
	(pc) =	sbr.rel @p0 .LBB2_28-.Ltmp14, $3  }
0x692: {  	_ =	sdelay $0x1  }
0x693: {  	[tilespmem:s16+$0x1CC80] =	vst v1;
	s16 =	sshra.s32 s17, $0x2;
	s17 =	sadd.s32 $0x40, s17  }
0x694: {  	v1 =	vld [tilespmem:s16+$0x10F09]  }
0x695: {  	_ =	sdelay $0x3  }
0x696: {  	s21 =	rddreg [dreg:$0xb];
	[tilespmem:s16+$0x1CC80] =	vst v1  }
0x697: {  	[hbm4b:s21+s11] =	stream.strided.scatter [tilespmem:s13], [sflag:$0x3], $0x1B00, s12, s11, $0x38;
	[tilespmem:$0x1E780] =	vst v63  }
0x698: {  	_ =	swait.ge [sflag:s14], $0x1B00  }
0x699: {  	[sflag:s14] =	ssyncset.done $0x0  }
0x69a: {  	s16 =	simm.s32 $0x0;
	[sflag:s14] =	ssyncadd.s32 $0xFFFFE500  }
0x69b: {  	s17 =	simm.s32 $0x40;
	v1 =	vld [tilespmem:s16+$0x12A0A]  }
.LBB2_30:
0x69c: {  	p0 =	sne.s32 s17, $0x6BC0  }
.Ltmp15:
0x69d: {  	_ = 	snop;
	(pc) =	sbr.rel @p0 .LBB2_30-.Ltmp15, $3  }
0x69e: {  	_ =	sdelay $0x1  }
0x69f: {  	[tilespmem:s16+$0x1CC80] =	vst v1;
	s16 =	sshra.s32 s17, $0x2;
	s17 =	sadd.s32 $0x40, s17  }
0x6a0: {  	v1 =	vld [tilespmem:s16+$0x12A0A]  }
0x6a1: {  	_ =	sdelay $0x3  }
0x6a2: {  	s21 =	rddreg [dreg:$0xc];
	[tilespmem:s16+$0x1CC80] =	vst v1  }
0x6a3: {  	[hbm4b:s21+s11] =	stream.strided.scatter [tilespmem:s13], [sflag:$0x3], $0x1B00, s12, s11, $0x38;
	[tilespmem:$0x1E780] =	vst v63  }
0x6a4: {  	_ =	swait.ge [sflag:s14], $0x1B00  }
0x6a5: {  	[sflag:s14] =	ssyncset.done $0x0  }
0x6a6: {  	s16 =	simm.s32 $0x0;
	[sflag:s14] =	ssyncadd.s32 $0xFFFFE500  }
0x6a7: {  	s17 =	simm.s32 $0x40;
	v1 =	vld [tilespmem:s16+$0x1450B]  }
.LBB2_32:
0x6a8: {  	p0 =	sne.s32 s17, $0x6BC0  }
.Ltmp16:
0x6a9: {  	_ = 	snop;
	(pc) =	sbr.rel @p0 .LBB2_32-.Ltmp16, $3  }
0x6aa: {  	_ =	sdelay $0x1  }
0x6ab: {  	[tilespmem:s16+$0x1CC80] =	vst v1;
	s16 =	sshra.s32 s17, $0x2;
	s17 =	sadd.s32 $0x40, s17  }
0x6ac: {  	v1 =	vld [tilespmem:s16+$0x1450B]  }
0x6ad: {  	_ =	sdelay $0x3  }
0x6ae: {  	s21 =	rddreg [dreg:$0xd];
	[tilespmem:s16+$0x1CC80] =	vst v1  }
0x6af: {  	[hbm4b:s21+s11] =	stream.strided.scatter [tilespmem:s13], [sflag:$0x3], $0x1B00, s12, s11, $0x38;
	[tilespmem:$0x1E780] =	vst v63  }
0x6b0: {  	_ =	swait.ge [sflag:s14], $0x1B00  }
0x6b1: {  	[sflag:s14] =	ssyncset.done $0x0  }
0x6b2: {  	s16 =	simm.s32 $0x0;
	[sflag:s14] =	ssyncadd.s32 $0xFFFFE500  }
0x6b3: {  	s17 =	simm.s32 $0x40;
	v1 =	vld [tilespmem:s16+$0x1600C]  }
.LBB2_34:
0x6b4: {  	p0 =	sne.s32 s17, $0x6BC0  }
.Ltmp17:
0x6b5: {  	_ = 	snop;
	(pc) =	sbr.rel @p0 .LBB2_34-.Ltmp17, $3  }
0x6b6: {  	_ =	sdelay $0x1  }
0x6b7: {  	[tilespmem:s16+$0x1CC80] =	vst v1;
	s16 =	sshra.s32 s17, $0x2;
	s17 =	sadd.s32 $0x40, s17  }
0x6b8: {  	v1 =	vld [tilespmem:s16+$0x1600C]  }
0x6b9: {  	_ =	sdelay $0x3  }
0x6ba: {  	s21 =	rddreg [dreg:$0xe];
	[tilespmem:s16+$0x1CC80] =	vst v1  }
0x6bb: {  	[hbm4b:s21+s11] =	stream.strided.scatter [tilespmem:s13], [sflag:$0x3], $0x1B00, s12, s11, $0x38;
	[tilespmem:$0x1E780] =	vst v63  }
0x6bc: {  	_ =	swait.ge [sflag:s14], $0x1B00  }
0x6bd: {  	[sflag:s14] =	ssyncset.done $0x0  }
0x6be: {  	s16 =	simm.s32 $0x0;
	[sflag:s14] =	ssyncadd.s32 $0xFFFFE500  }
0x6bf: {  	s17 =	simm.s32 $0x40;
	v1 =	vld [tilespmem:s16+$0x17B0D]  }
.LBB2_36:
0x6c0: {  	p0 =	sne.s32 s17, $0x6BC0  }
.Ltmp18:
0x6c1: {  	_ = 	snop;
	(pc) =	sbr.rel @p0 .LBB2_36-.Ltmp18, $3  }
0x6c2: {  	_ =	sdelay $0x1  }
0x6c3: {  	[tilespmem:s16+$0x1CC80] =	vst v1;
	s16 =	sshra.s32 s17, $0x2;
	s17 =	sadd.s32 $0x40, s17  }
0x6c4: {  	v1 =	vld [tilespmem:s16+$0x17B0D]  }
0x6c5: {  	_ =	sdelay $0x3  }
0x6c6: {  	s21 =	rddreg [dreg:$0xf];
	[tilespmem:s16+$0x1CC80] =	vst v1  }
0x6c7: {  	[hbm4b:s21+s11] =	stream.strided.scatter [tilespmem:s13], [sflag:$0x3], $0x1B00, s12, s11, $0x38;
	[tilespmem:$0x1E780] =	vst v63  }
0x6c8: {  	_ =	swait.ge [sflag:s14], $0x1B00  }
0x6c9: {  	[sflag:s14] =	ssyncset.done $0x0  }
0x6ca: {  	s16 =	simm.s32 $0x0;
	[sflag:s14] =	ssyncadd.s32 $0xFFFFE500  }
0x6cb: {  	s17 =	simm.s32 $0x40;
	v1 =	vld [tilespmem:s16+$0x1960E]  }
.LBB2_38:
0x6cc: {  	p0 =	sne.s32 s17, $0x6BC0  }
.Ltmp19:
0x6cd: {  	_ = 	snop;
	(pc) =	sbr.rel @p0 .LBB2_38-.Ltmp19, $3  }
0x6ce: {  	_ =	sdelay $0x1  }
0x6cf: {  	[tilespmem:s16+$0x1CC80] =	vst v1;
	s16 =	sshra.s32 s17, $0x2;
	s17 =	sadd.s32 $0x40, s17  }
0x6d0: {  	v1 =	vld [tilespmem:s16+$0x1960E]  }
0x6d1: {  	_ =	sdelay $0x3  }
0x6d2: {  	s21 =	rddreg [dreg:$0x10];
	[tilespmem:s16+$0x1CC80] =	vst v1  }
0x6d3: {  	[hbm4b:s21+s11] =	stream.strided.scatter [tilespmem:s13], [sflag:$0x3], $0x1B00, s12, s11, $0x38;
	[tilespmem:$0x1E780] =	vst v63  }
0x6d4: {  	_ =	swait.ge [sflag:s14], $0x1B00  }
0x6d5: {  	[sflag:s14] =	ssyncset.done $0x0  }
0x6d6: {  	s16 =	simm.s32 $0x0;
	[sflag:s14] =	ssyncadd.s32 $0xFFFFE500  }
0x6d7: {  	s17 =	simm.s32 $0x40;
	v1 =	vld [tilespmem:s16+$0x1B10F]  }
.LBB2_40:
0x6d8: {  	p0 =	sne.s32 s17, $0x6BC0  }
.Ltmp20:
0x6d9: {  	_ = 	snop;
	(pc) =	sbr.rel @p0 .LBB2_40-.Ltmp20, $3  }
0x6da: {  	_ =	sdelay $0x1  }
0x6db: {  	[tilespmem:s16+$0x1CC80] =	vst v1;
	s16 =	sshra.s32 s17, $0x2;
	s17 =	sadd.s32 $0x40, s17  }
0x6dc: {  	v1 =	vld [tilespmem:s16+$0x1B10F]  }
0x6dd: {  	_ =	sdelay $0x1  }
0x6de: {  	s15 =	sadd.s32 $0x1, s15  }
0x6df: {  	p0 =	sne.s32 s15, s29  }
.Ltmp21:
0x6e0: {  	[tilespmem:s16+$0x1CC80] =	vst v1;
	(pc) =	sbr.rel @p0 .LBB2_1-.Ltmp21, $4  }
0x6e1: {  	[hbm4b:s22+s11] =	stream.strided.scatter [tilespmem:s13], [sflag:$0x3], $0x1B00, s12, s11, $0x38;
	[tilespmem:$0x1E780] =	vst v63  }
0x6e2: {  	_ =	swait.ge [sflag:s14], $0x1B00  }
0x6e3: {  	[sflag:s14] =	ssyncset.done $0x0  }
0x6e4: {  	[sflag:s14] =	ssyncadd.s32 $0xFFFFE500  }
0x6e5: {  	_ =	sfence.sel $0x180000  }
0x6e6: {  	[bflag:$0x0] =	sbarrier.arrive $0xFFFF  }
0x6e7: {  	_ =	strace $0x90000047  }
0x6e8: {  	s0 =	stileid.u32;
	[bflag:$0x2] =	sbarrier.arrive $0xFFFF  }
0x6e9: {  	p0 =	sne.s32 s0, $0x0;
	s0 =	rddreg [dreg:$0x1]  }
0x6ea: {  	s0 =	sadd.s32 @!p0 $0x100000, s0  }
0x6eb: {  	[sflag:s0] =	ssyncadd.tile.s32 @!p0 $0x1;
	_ =	shalt  }
.Lfunc_end2:
_tile_overlayer_lowered:
.L_overlay_start_2:
0x6ec: {  	(tag) =	ssettag $0x2  }
0x6ed: {  	s0 =	rddreg [dreg:$0x0];
	s2 =	stileid.u32  }
0x6ee: {  	s1 =	rddreg [dreg:$0x1];
	p0 =	sne.s32 s2, $0x0  }
0x6ef: {  	s3 =	rddreg [dreg:$0x2];
	[bflag:$0x3] =	sbarrier.arrive $0xFFFF;
	s2 =	simm.s32 @!p0 $0x1C03  }
0x6f0: {  	[timem:s3], [sflag:s2] =	dma.local @!p0 [hbm:s0], s1  }
0x6f1: {  	s0 =	simm.s32 @!p0 $0x3  }
0x6f2: {  	_ =	swait.ge @!p0 [sflag:s0], s1  }
0x6f3: {  	s1 =	ssub.s32 @!p0 $0x0, s1;
	[sflag:s0] =	ssyncset.done @!p0 $0x0  }
0x6f4: {  	[sflag:s0] =	ssyncadd.s32 @!p0 s1  }
0x6f5: {  	[bflag:$0x3] =	sbarrier.arrive $0xFFFF  }
0x6f6: {  	_ =	shalt  }

</sc_bundles>
